<compile_context>
chip_gen: v7x
topology: tpu7x:2x2x1
jax: 0.10.2.dev20260603
libtpu: 0.0.44.dev20260713+nightly
codegen_flags: <defaults>
</compile_context>

<pallas_src>
import functools

import jax
import jax.numpy as jnp
import numpy as np
from jax import lax
from jax.experimental import pallas as pl
from jax.experimental.pallas import tpu as pltpu
from jax.experimental.pallas import tpu_sc as plsc

_BUDGET = 1024
_S = 4096
_D = 4096
_GRID = 8


def _tf2x32(k0, k1, x0, x1):
    c = np.uint32(0x1BD11BDA)
    ks2 = k0 ^ k1 ^ c
    x0 = x0 + k0
    x1 = x1 + k1
    rotations = ((13, 15, 26, 6), (17, 29, 16, 24))
    keys = ((k1, ks2), (ks2, k0), (k0, k1), (k1, ks2), (ks2, k0))
    for i in range(5):
        for r in rotations[i % 2]:
            x0 = x0 + x1
            x1 = (x1 << np.uint32(r)) | (x1 >> np.uint32(32 - r))
            x1 = x1 ^ x0
        ka, kb = keys[i]
        x0 = x0 + ka
        x1 = x1 + kb + np.uint32(i + 1)
    return x0, x1


def _tc_select_body(hash_ref, k_ref, sel_ref, pos_ref, scal_ref, valid_scr):
    g = pl.program_id(0)
    blk = k_ref[...]
    val = jnp.any(blk != 0.0, axis=(1, 2))
    valid_scr[g] = val.reshape(4, 128).astype(jnp.int32)

    @pl.when(g == pl.num_programs(0) - 1)
    def _selection():
        valid = valid_scr[...].reshape(32, 128)
        actual_len = jnp.sum(valid)
        compress = (actual_len > _BUDGET).astype(jnp.int32)

        h_u = hash_ref[0].astype(jnp.uint32)
        fk0, fk1 = _tf2x32(jnp.uint32(0), jnp.uint32(0), jnp.uint32(0), h_u)
        idx2d = (lax.broadcasted_iota(jnp.int32, (32, 128), 0) * 128
                 + lax.broadcasted_iota(jnp.int32, (32, 128), 1))
        b1, b2 = _tf2x32(fk0, fk1,
                         jnp.zeros((32, 128), jnp.uint32),
                         idx2d.astype(jnp.uint32))
        bits = b1 ^ b2
        fbits = (bits >> np.uint32(9)) | np.uint32(0x3F800000)
        noise = lax.bitcast_convert_type(fbits, jnp.float32) - 1.0
        noise = jnp.where(valid == 0, -jnp.inf, noise)
        noise = jnp.where(idx2d == 0, jnp.inf, noise)

        def bs_step(_, lohi):
            lo, hi = lohi
            mid = (lo + hi) // 2
            t = lax.bitcast_convert_type(
                jnp.full((32, 128), mid, jnp.int32), jnp.float32)
            cnt = jnp.sum((noise > t).astype(jnp.int32))
            pred = cnt < _BUDGET
            return (jnp.where(pred, lo, mid + 1), jnp.where(pred, mid, hi))

        lo, _hi = lax.fori_loop(0, 30, bs_step,
                                (jnp.int32(0), jnp.int32(0x3F800000)))
        tvec = lax.bitcast_convert_type(
            jnp.full((32, 128), lo, jnp.int32), jnp.float32)
        gt = noise > tvec
        eq = noise == tvec
        n_gt = jnp.sum(gt.astype(jnp.int32))
        r = (_BUDGET - n_gt).astype(jnp.float32)

        up128 = (lax.broadcasted_iota(jnp.int32, (128, 128), 0)
                 < lax.broadcasted_iota(jnp.int32, (128, 128), 1)
                 ).astype(jnp.float32)
        lo32 = (lax.broadcasted_iota(jnp.int32, (32, 32), 1)
                < lax.broadcasted_iota(jnp.int32, (32, 32), 0)
                ).astype(jnp.float32)

        def excl_prefix(mask_f32):
            within = jax.lax.dot_general(
                mask_f32, up128, (((1,), (0,)), ((), ())),
                preferred_element_type=jnp.float32)
            row_tot = jnp.sum(mask_f32, axis=1, keepdims=True)
            row_off = jax.lax.dot_general(
                lo32, row_tot, (((1,), (0,)), ((), ())),
                preferred_element_type=jnp.float32)
            return within + row_off

        eq_pre = excl_prefix(eq.astype(jnp.float32))
        sel_c = jnp.logical_or(gt, jnp.logical_and(eq, eq_pre < r))
        sel = jnp.where(compress == 1, sel_c.astype(jnp.int32),
                        (idx2d < _BUDGET).astype(jnp.int32))
        pos_f = excl_prefix(sel.astype(jnp.float32))
        pos = jnp.where(compress == 1, pos_f.astype(jnp.int32), idx2d)

        sel_ref[...] = sel
        pos_ref[...] = pos
        out3 = jnp.where(compress == 1, jnp.int32(_BUDGET), actual_len)
        scal_ref[...] = jnp.concatenate(
            [jnp.full((1, 128), compress, jnp.int32),
             jnp.full((1, 128), out3, jnp.int32),
             jnp.full((1, 128), actual_len, jnp.int32),
             jnp.zeros((5, 128), jnp.int32)], axis=0)


def _tc_select(k3d, hash_arr):
    return pl.pallas_call(
        _tc_select_body,
        grid=(_GRID,),
        in_specs=[
            pl.BlockSpec(memory_space=pltpu.SMEM),
            pl.BlockSpec((512, 32, 128), lambda g: (g, 0, 0)),
        ],
        out_specs=[
            pl.BlockSpec((32, 128), lambda g: (0, 0)),
            pl.BlockSpec((32, 128), lambda g: (0, 0)),
            pl.BlockSpec((8, 128), lambda g: (0, 0)),
        ],
        out_shape=[
            jax.ShapeDtypeStruct((32, 128), jnp.int32),
            jax.ShapeDtypeStruct((32, 128), jnp.int32),
            jax.ShapeDtypeStruct((8, 128), jnp.int32),
        ],
        scratch_shapes=[pltpu.VMEM((_GRID, 4, 128), jnp.int32)],
    )(hash_arr, k3d)


_NW = 32
_HEAD_PW = _BUDGET // _NW
_TAIL_PW = (_S - _BUDGET) // _NW
_CH = 4
_NCH = _HEAD_PW // _CH
_ZCH = 4


def _sc_gather_body(k_hbm, v_hbm, sel_hbm, pos_hbm, scal_hbm,
                    outk_hbm, outv_hbm,
                    sel_v, pos_v, map_v, scal_v,
                    bufk0, bufk1, bufv0, bufv1, zbuf,
                    gsem, wsem, zsem):
    wid = lax.axis_index("s") * 2 + lax.axis_index("c")
    tbase = _BUDGET + wid * _TAIL_PW

    pltpu.sync_copy(scal_hbm, scal_v)
    flag = scal_v[...][0]

    @pl.when(flag > 0)
    def _fire_zeros():
        zeros16 = jnp.zeros((16,), jnp.float32)

        def zrow(j, _):
            for i in range(_ZCH):
                for t in range(128 // 16):
                    zbuf[i, j, pl.ds(t * 16, 16)] = zeros16
            return 0

        lax.fori_loop(0, 32, zrow, 0)
        for t in range(_TAIL_PW // _ZCH):
            off = tbase + t * _ZCH
            pltpu.make_async_copy(zbuf, outk_hbm.at[pl.ds(off, _ZCH)], zsem).start()
            pltpu.make_async_copy(zbuf, outv_hbm.at[pl.ds(off, _ZCH)], zsem).start()

    pltpu.sync_copy(sel_hbm, sel_v)
    pltpu.sync_copy(pos_hbm, pos_v)

    lane = lax.iota(jnp.int32, 16)

    def compact(b, _):
        s16 = sel_v[pl.ds(b * 16, 16)]
        p16 = pos_v[pl.ds(b * 16, 16)]
        g16 = lane + b * 16
        plsc.store_scatter(map_v, [p16 // _CH, p16 % _CH], g16, mask=s16 > 0)
        return 0

    lax.fori_loop(0, _S // 16, compact, 0, unroll=8)

    base = wid * _HEAD_PW
    crow0 = base // _CH
    bufks = (bufk0, bufk1)
    bufvs = (bufv0, bufv1)

    def start_gather(c):
        idx = map_v.at[crow0 + c]
        gk = pltpu.make_async_copy(k_hbm.at[idx], bufks[c % 2], gsem)
        gv = pltpu.make_async_copy(v_hbm.at[idx], bufvs[c % 2], gsem)
        gk.start()
        gv.start()
        return gk, gv

    g_cur = start_gather(0)
    w_prev = None
    for c in range(_NCH):
        if c + 1 < _NCH:
            if w_prev is not None:
                w_prev[0].wait()
                w_prev[1].wait()
            g_next = start_gather(c + 1)
        else:
            g_next = None
        g_cur[0].wait()
        g_cur[1].wait()
        off = base + c * _CH
        wk = pltpu.make_async_copy(bufks[c % 2], outk_hbm.at[pl.ds(off, _CH)], wsem)
        wv = pltpu.make_async_copy(bufvs[c % 2], outv_hbm.at[pl.ds(off, _CH)], wsem)
        wk.start()
        wv.start()
        w_prev = (wk, wv)
        g_cur = g_next
    w_prev[0].wait()
    w_prev[1].wait()

    @pl.when(flag > 0)
    def _drain_zeros():
        for t in range(_TAIL_PW // _ZCH):
            off = tbase + t * _ZCH
            pltpu.make_async_copy(zbuf, outk_hbm.at[pl.ds(off, _ZCH)], zsem).wait()
            pltpu.make_async_copy(zbuf, outv_hbm.at[pl.ds(off, _ZCH)], zsem).wait()

    @pl.when(flag == 0)
    def _copy_tail():
        for t in range(_TAIL_PW // _CH):
            off = tbase + t * _CH
            pltpu.sync_copy(k_hbm.at[pl.ds(off, _CH)], bufk0)
            pltpu.sync_copy(bufk0, outk_hbm.at[pl.ds(off, _CH)])
            pltpu.sync_copy(v_hbm.at[pl.ds(off, _CH)], bufv0)
            pltpu.sync_copy(bufv0, outv_hbm.at[pl.ds(off, _CH)])


def _sc_gather(k2, v2, sel, pos, scal16):
    mesh = plsc.VectorSubcoreMesh(core_axis_name="c", subcore_axis_name="s")
    fn = functools.partial(
        pl.kernel,
        out_type=[jax.ShapeDtypeStruct((_S, 32, 128), jnp.float32),
                  jax.ShapeDtypeStruct((_S, 32, 128), jnp.float32)],
        mesh=mesh,
        scratch_types=[
            pltpu.VMEM((_S,), jnp.int32),
            pltpu.VMEM((_S,), jnp.int32),
            pltpu.VMEM((_BUDGET // _CH, _CH), jnp.int32),
            pltpu.VMEM((16,), jnp.int32),
            pltpu.VMEM((_CH, 32, 128), jnp.float32),
            pltpu.VMEM((_CH, 32, 128), jnp.float32),
            pltpu.VMEM((_CH, 32, 128), jnp.float32),
            pltpu.VMEM((_CH, 32, 128), jnp.float32),
            pltpu.VMEM((_ZCH, 32, 128), jnp.float32),
            pltpu.SemaphoreType.DMA,
            pltpu.SemaphoreType.DMA,
            pltpu.SemaphoreType.DMA,
        ],
        compiler_params=pltpu.CompilerParams(needs_layout_passes=False),
    )(_sc_gather_body)
    return fn(k2, v2, sel, pos, scal16)


def kernel(q, k, v):
    del q
    data_hash = jnp.sum(k).astype(jnp.int32)
    sel, pos, scal = _tc_select(k, data_hash.reshape(1))
    scal16 = scal.reshape(-1)[:16]
    outk, outv = _sc_gather(k, v, sel.reshape(_S), pos.reshape(_S), scal16)
    return (outk, outv, scal[1, 0], scal[2, 0])

# --- scband reference (transcript-rebuilt; emitter-appended) ---
"""Pipeline reference for scband-random-compressor-35115652612332 (READ-ONLY COPY).

The authoritative reference and input builder live on the scoring server;
editing this copy changes nothing except your own understanding.
"""

import jax, jax.numpy as jnp
import numpy as np

BUDGET = 1024
PROTECT_SOR = False


def setup_inputs(seed: int = 0) -> dict:
    key = jax.random.key(seed)
    k1, k2, k3 = jax.random.split(key, 3)
    q = jax.random.normal(k1, (4096, 32, 128), dtype=jnp.float32)
    k = jax.random.normal(k2, (4096, 32, 128), dtype=jnp.float32)
    v = jax.random.normal(k3, (4096, 32, 128), dtype=jnp.float32)
    return {"q": q, "k": k, "v": v}


def reference(q, k, v):
    base_key = jax.random.key(0)
    seq_len = k.shape[0]
    is_valid = jnp.any(k != 0, axis=(1, 2))
    actual_len = jnp.sum(is_valid)

    def do_compress():
        data_hash = jnp.sum(k).astype(jnp.int32)
        rkey = jax.random.fold_in(base_key, data_hash)
        noise = jax.random.uniform(rkey, shape=(seq_len,))
        is_pad = jnp.logical_not(is_valid)
        noise = jnp.where(is_pad, -jnp.inf, noise)
        noise = noise.at[0].set(jnp.inf)
        sor_idx = actual_len - 1
        noise = jnp.where(PROTECT_SOR, noise.at[sor_idx].set(jnp.inf), noise)
        _, top_indices = jax.lax.top_k(noise, BUDGET)
        final_indices = jnp.sort(top_indices)
        comp_k = k[final_indices]
        comp_v = v[final_indices]
        k_padded = jnp.zeros_like(k).at[:BUDGET].set(comp_k)
        v_padded = jnp.zeros_like(v).at[:BUDGET].set(comp_v)
        return (k_padded, v_padded, jnp.array(BUDGET, dtype=jnp.int32), actual_len.astype(jnp.int32))

    def do_nothing():
        return (k, v, actual_len.astype(jnp.int32), actual_len.astype(jnp.int32))

    return jax.lax.cond(actual_len > BUDGET, do_compress, do_nothing)

if __name__ == "__main__":
    import jax
    _d = setup_inputs()
    print(jax.jit(kernel)(*tuple(_d.values())))

</pallas_src>

<mosaic_0001>
#map = affine_map<(d0, d1) -> (0, 0, 0)>
#map1 = affine_map<(d0, d1) -> (0)>
module attributes {stable_mosaic.version = 14 : i64} {
  func.func @_sc_gather_body(%arg0: i32, %arg1: i32, %arg2: memref<4096x32x128xf32, #tpu.memory_space<hbm>>, %arg3: memref<4096x32x128xf32, #tpu.memory_space<hbm>>, %arg4: memref<4096xi32, #tpu.memory_space<hbm>>, %arg5: memref<4096xi32, #tpu.memory_space<hbm>>, %arg6: memref<16xi32, #tpu.memory_space<hbm>>, %arg7: memref<4096x32x128xf32, #tpu.memory_space<hbm>>, %arg8: memref<4096x32x128xf32, #tpu.memory_space<hbm>>, %arg9: memref<4096xi32, #tpu.memory_space<vmem>>, %arg10: memref<4096xi32, #tpu.memory_space<vmem>>, %arg11: memref<256x4xi32, #tpu.memory_space<vmem>>, %arg12: memref<16xi32, #tpu.memory_space<vmem>>, %arg13: memref<4x32x128xf32, #tpu.memory_space<vmem>>, %arg14: memref<4x32x128xf32, #tpu.memory_space<vmem>>, %arg15: memref<4x32x128xf32, #tpu.memory_space<vmem>>, %arg16: memref<4x32x128xf32, #tpu.memory_space<vmem>>, %arg17: memref<4x32x128xf32, #tpu.memory_space<vmem>>, %arg18: memref<!tpu.dma_semaphore, #tpu.memory_space<semaphore_mem>>, %arg19: memref<!tpu.dma_semaphore, #tpu.memory_space<semaphore_mem>>, %arg20: memref<!tpu.dma_semaphore, #tpu.memory_space<semaphore_mem>>) attributes {dimension_semantics = [#tpu.dimension_semantics<core_parallel>, #tpu.dimension_semantics<subcore_parallel>], iteration_bounds = array<i64: 2, 16>, scalar_prefetch = 0 : i64, scratch_operands = 12 : i64, tpu.core_type = #tpu.core_type<sc_vector_subcore>, window_params = [{transform_indices = #map}, {transform_indices = #map}, {transform_indices = #map1}, {transform_indices = #map1}, {transform_indices = #map1}, {transform_indices = #map}, {transform_indices = #map}]} {
    %mul3A = arith.constant 2 : i32
    %mul3A_0 = arith.muli %arg1, %mul3A : i32
    %add3A = arith.addi %mul3A_0, %arg0 : i32
    %mul3A_1 = arith.constant 96 : i32
    %mul3A_2 = arith.muli %add3A, %mul3A_1 : i32
    %add3A_3 = arith.constant 1024 : i32
    %add3A_4 = arith.addi %add3A_3, %mul3A_2 : i32
    "tpu.region"() ({
      %run_scoped3A = tpu.sem_alloc : memref<!tpu.dma_semaphore, #tpu.memory_space<semaphore_mem>>
      tpu.enqueue_dma source(%arg6 : memref<16xi32, #tpu.memory_space<hbm>>) target(%arg12 : memref<16xi32, #tpu.memory_space<vmem>>) target_semaphore(%run_scoped3A : memref<!tpu.dma_semaphore, #tpu.memory_space<semaphore_mem>>)
      tpu.wait_dma2 semaphore(%run_scoped3A : memref<!tpu.dma_semaphore, #tpu.memory_space<semaphore_mem>>) src(%arg6 : memref<16xi32, #tpu.memory_space<hbm>>) dst(%arg12 : memref<16xi32, #tpu.memory_space<vmem>>)
      tpu.yield
    }) : () -> ()
    %get3A = arith.constant 0 : index
    %get3A_5 = tpu.vector_load %arg12[%get3A] {strides = array<i32>} : memref<16xi32, #tpu.memory_space<vmem>>, vector<16xi32>,
    %slice3A = vector.extract_strided_slice %get3A_5 {offsets = [0], sizes = [1], strides = [1]} : vector<16xi32> to vector<1xi32>
    %squeeze3A = vector.extract %slice3A[0] : i32 from vector<1xi32>
    %gt3A = arith.constant 0 : i32
    %gt3A_6 = arith.cmpi sgt, %squeeze3A, %gt3A : i32
    %convert_element_type3A = arith.extui %gt3A_6 : i1 to i32
    %cond3A = arith.constant 0 : i32
    %cond3A_7 = arith.cmpi ne, %convert_element_type3A, %cond3A : i32
    scf.if %cond3A_7 {
      %broadcast_in_dim3A = arith.constant 0.000000e+00 : f32
      %broadcast_in_dim3A_475 = vector.broadcast %broadcast_in_dim3A : f32 to vector<16xf32>
      %scan3A_476 = arith.constant 0 : i32
      %scan3A_477 = arith.constant 0 : i32
      %scan3A_478 = arith.constant 32 : i32
      %scan3A_479 = arith.addi %scan3A_477, %scan3A_478 : i32
      %scan3A_480 = arith.constant 1 : i32
      %scan3A_481 = scf.for %scan3A_819 = %scan3A_477 to %scan3A_479 step %scan3A_480 iter_args(%scan3A_820 = %scan3A_476) -> (i32)  : i32 {
        %swap3A = arith.constant 0 : i32
        %swap3A_821 = arith.index_cast %swap3A : i32 to index
        %swap3A_822 = arith.index_cast %scan3A_819 : i32 to index
        %swap3A_823 = arith.constant 0 : index
        %swap3A_824 = tpu.vector_load %arg17[%swap3A_821, %swap3A_822, %swap3A_823] {strides = array<i32>} : memref<4x32x128xf32, #tpu.memory_space<vmem>>, vector<16xf32>,
        tpu.vector_store %arg17[%swap3A_821, %swap3A_822, %swap3A_823], %broadcast_in_dim3A_475 {strides = array<i32>} : memref<4x32x128xf32, #tpu.memory_space<vmem>>, vector<16xf32>,
        %swap3A_825 = arith.constant 0 : i32
        %swap3A_826 = arith.index_cast %swap3A_825 : i32 to index
        %swap3A_827 = arith.index_cast %scan3A_819 : i32 to index
        %swap3A_828 = arith.constant 16 : index
        %swap3A_829 = tpu.vector_load %arg17[%swap3A_826, %swap3A_827, %swap3A_828] {strides = array<i32>} : memref<4x32x128xf32, #tpu.memory_space<vmem>>, vector<16xf32>,
        tpu.vector_store %arg17[%swap3A_826, %swap3A_827, %swap3A_828], %broadcast_in_dim3A_475 {strides = array<i32>} : memref<4x32x128xf32, #tpu.memory_space<vmem>>, vector<16xf32>,
        %swap3A_830 = arith.constant 0 : i32
        %swap3A_831 = arith.index_cast %swap3A_830 : i32 to index
        %swap3A_832 = arith.index_cast %scan3A_819 : i32 to index
        %swap3A_833 = arith.constant 32 : index
        %swap3A_834 = tpu.vector_load %arg17[%swap3A_831, %swap3A_832, %swap3A_833] {strides = array<i32>} : memref<4x32x128xf32, #tpu.memory_space<vmem>>, vector<16xf32>,
        tpu.vector_store %arg17[%swap3A_831, %swap3A_832, %swap3A_833], %broadcast_in_dim3A_475 {strides = array<i32>} : memref<4x32x128xf32, #tpu.memory_space<vmem>>, vector<16xf32>,
        %swap3A_835 = arith.constant 0 : i32
        %swap3A_836 = arith.index_cast %swap3A_835 : i32 to index
        %swap3A_837 = arith.index_cast %scan3A_819 : i32 to index
        %swap3A_838 = arith.constant 48 : index
        %swap3A_839 = tpu.vector_load %arg17[%swap3A_836, %swap3A_837, %swap3A_838] {strides = array<i32>} : memref<4x32x128xf32, #tpu.memory_space<vmem>>, vector<16xf32>,
        tpu.vector_store %arg17[%swap3A_836, %swap3A_837, %swap3A_838], %broadcast_in_dim3A_475 {strides = array<i32>} : memref<4x32x128xf32, #tpu.memory_space<vmem>>, vector<16xf32>,
        %swap3A_840 = arith.constant 0 : i32
        %swap3A_841 = arith.index_cast %swap3A_840 : i32 to index
        %swap3A_842 = arith.index_cast %scan3A_819 : i32 to index
        %swap3A_843 = arith.constant 64 : index
        %swap3A_844 = tpu.vector_load %arg17[%swap3A_841, %swap3A_842, %swap3A_843] {strides = array<i32>} : memref<4x32x128xf32, #tpu.memory_space<vmem>>, vector<16xf32>,
        tpu.vector_store %arg17[%swap3A_841, %swap3A_842, %swap3A_843], %broadcast_in_dim3A_475 {strides = array<i32>} : memref<4x32x128xf32, #tpu.memory_space<vmem>>, vector<16xf32>,
        %swap3A_845 = arith.constant 0 : i32
        %swap3A_846 = arith.index_cast %swap3A_845 : i32 to index
        %swap3A_847 = arith.index_cast %scan3A_819 : i32 to index
        %swap3A_848 = arith.constant 80 : index
        %swap3A_849 = tpu.vector_load %arg17[%swap3A_846, %swap3A_847, %swap3A_848] {strides = array<i32>} : memref<4x32x128xf32, #tpu.memory_space<vmem>>, vector<16xf32>,
        tpu.vector_store %arg17[%swap3A_846, %swap3A_847, %swap3A_848], %broadcast_in_dim3A_475 {strides = array<i32>} : memref<4x32x128xf32, #tpu.memory_space<vmem>>, vector<16xf32>,
        %swap3A_850 = arith.constant 0 : i32
        %swap3A_851 = arith.index_cast %swap3A_850 : i32 to index
        %swap3A_852 = arith.index_cast %scan3A_819 : i32 to index
        %swap3A_853 = arith.constant 96 : index
        %swap3A_854 = tpu.vector_load %arg17[%swap3A_851, %swap3A_852, %swap3A_853] {strides = array<i32>} : memref<4x32x128xf32, #tpu.memory_space<vmem>>, vector<16xf32>,
        tpu.vector_store %arg17[%swap3A_851, %swap3A_852, %swap3A_853], %broadcast_in_dim3A_475 {strides = array<i32>} : memref<4x32x128xf32, #tpu.memory_space<vmem>>, vector<16xf32>,
        %swap3A_855 = arith.constant 0 : i32
        %swap3A_856 = arith.index_cast %swap3A_855 : i32 to index
        %swap3A_857 = arith.index_cast %scan3A_819 : i32 to index
        %swap3A_858 = arith.constant 112 : index
        %swap3A_859 = tpu.vector_load %arg17[%swap3A_856, %swap3A_857, %swap3A_858] {strides = array<i32>} : memref<4x32x128xf32, #tpu.memory_space<vmem>>, vector<16xf32>,
        tpu.vector_store %arg17[%swap3A_856, %swap3A_857, %swap3A_858], %broadcast_in_dim3A_475 {strides = array<i32>} : memref<4x32x128xf32, #tpu.memory_space<vmem>>, vector<16xf32>,
        %swap3A_860 = arith.constant 1 : i32
        %swap3A_861 = arith.index_cast %swap3A_860 : i32 to index
        %swap3A_862 = arith.index_cast %scan3A_819 : i32 to index
        %swap3A_863 = arith.constant 0 : index
        %swap3A_864 = tpu.vector_load %arg17[%swap3A_861, %swap3A_862, %swap3A_863] {strides = array<i32>} : memref<4x32x128xf32, #tpu.memory_space<vmem>>, vector<16xf32>,
        tpu.vector_store %arg17[%swap3A_861, %swap3A_862, %swap3A_863], %broadcast_in_dim3A_475 {strides = array<i32>} : memref<4x32x128xf32, #tpu.memory_space<vmem>>, vector<16xf32>,
        %swap3A_865 = arith.constant 1 : i32
        %swap3A_866 = arith.index_cast %swap3A_865 : i32 to index
        %swap3A_867 = arith.index_cast %scan3A_819 : i32 to index
        %swap3A_868 = arith.constant 16 : index
        %swap3A_869 = tpu.vector_load %arg17[%swap3A_866, %swap3A_867, %swap3A_868] {strides = array<i32>} : memref<4x32x128xf32, #tpu.memory_space<vmem>>, vector<16xf32>,
        tpu.vector_store %arg17[%swap3A_866, %swap3A_867, %swap3A_868], %broadcast_in_dim3A_475 {strides = array<i32>} : memref<4x32x128xf32, #tpu.memory_space<vmem>>, vector<16xf32>,
        %swap3A_870 = arith.constant 1 : i32
        %swap3A_871 = arith.index_cast %swap3A_870 : i32 to index
        %swap3A_872 = arith.index_cast %scan3A_819 : i32 to index
        %swap3A_873 = arith.constant 32 : index
        %swap3A_874 = tpu.vector_load %arg17[%swap3A_871, %swap3A_872, %swap3A_873] {strides = array<i32>} : memref<4x32x128xf32, #tpu.memory_space<vmem>>, vector<16xf32>,
        tpu.vector_store %arg17[%swap3A_871, %swap3A_872, %swap3A_873], %broadcast_in_dim3A_475 {strides = array<i32>} : memref<4x32x128xf32, #tpu.memory_space<vmem>>, vector<16xf32>,
        %swap3A_875 = arith.constant 1 : i32
        %swap3A_876 = arith.index_cast %swap3A_875 : i32 to index
        %swap3A_877 = arith.index_cast %scan3A_819 : i32 to index
        %swap3A_878 = arith.constant 48 : index
        %swap3A_879 = tpu.vector_load %arg17[%swap3A_876, %swap3A_877, %swap3A_878] {strides = array<i32>} : memref<4x32x128xf32, #tpu.memory_space<vmem>>, vector<16xf32>,
        tpu.vector_store %arg17[%swap3A_876, %swap3A_877, %swap3A_878], %broadcast_in_dim3A_475 {strides = array<i32>} : memref<4x32x128xf32, #tpu.memory_space<vmem>>, vector<16xf32>,
        %swap3A_880 = arith.constant 1 : i32
        %swap3A_881 = arith.index_cast %swap3A_880 : i32 to index
        %swap3A_882 = arith.index_cast %scan3A_819 : i32 to index
        %swap3A_883 = arith.constant 64 : index
        %swap3A_884 = tpu.vector_load %arg17[%swap3A_881, %swap3A_882, %swap3A_883] {strides = array<i32>} : memref<4x32x128xf32, #tpu.memory_space<vmem>>, vector<16xf32>,
        tpu.vector_store %arg17[%swap3A_881, %swap3A_882, %swap3A_883], %broadcast_in_dim3A_475 {strides = array<i32>} : memref<4x32x128xf32, #tpu.memory_space<vmem>>, vector<16xf32>,
        %swap3A_885 = arith.constant 1 : i32
        %swap3A_886 = arith.index_cast %swap3A_885 : i32 to index
        %swap3A_887 = arith.index_cast %scan3A_819 : i32 to index
        %swap3A_888 = arith.constant 80 : index
        %swap3A_889 = tpu.vector_load %arg17[%swap3A_886, %swap3A_887, %swap3A_888] {strides = array<i32>} : memref<4x32x128xf32, #tpu.memory_space<vmem>>, vector<16xf32>,
        tpu.vector_store %arg17[%swap3A_886, %swap3A_887, %swap3A_888], %broadcast_in_dim3A_475 {strides = array<i32>} : memref<4x32x128xf32, #tpu.memory_space<vmem>>, vector<16xf32>,
        %swap3A_890 = arith.constant 1 : i32
        %swap3A_891 = arith.index_cast %swap3A_890 : i32 to index
        %swap3A_892 = arith.index_cast %scan3A_819 : i32 to index
        %swap3A_893 = arith.constant 96 : index
        %swap3A_894 = tpu.vector_load %arg17[%swap3A_891, %swap3A_892, %swap3A_893] {strides = array<i32>} : memref<4x32x128xf32, #tpu.memory_space<vmem>>, vector<16xf32>,
        tpu.vector_store %arg17[%swap3A_891, %swap3A_892, %swap3A_893], %broadcast_in_dim3A_475 {strides = array<i32>} : memref<4x32x128xf32, #tpu.memory_space<vmem>>, vector<16xf32>,
        %swap3A_895 = arith.constant 1 : i32
        %swap3A_896 = arith.index_cast %swap3A_895 : i32 to index
        %swap3A_897 = arith.index_cast %scan3A_819 : i32 to index
        %swap3A_898 = arith.constant 112 : index
        %swap3A_899 = tpu.vector_load %arg17[%swap3A_896, %swap3A_897, %swap3A_898] {strides = array<i32>} : memref<4x32x128xf32, #tpu.memory_space<vmem>>, vector<16xf32>,
        tpu.vector_store %arg17[%swap3A_896, %swap3A_897, %swap3A_898], %broadcast_in_dim3A_475 {strides = array<i32>} : memref<4x32x128xf32, #tpu.memory_space<vmem>>, vector<16xf32>,
        %swap3A_900 = arith.constant 2 : i32
        %swap3A_901 = arith.index_cast %swap3A_900 : i32 to index
        %swap3A_902 = arith.index_cast %scan3A_819 : i32 to index
        %swap3A_903 = arith.constant 0 : index
        %swap3A_904 = tpu.vector_load %arg17[%swap3A_901, %swap3A_902, %swap3A_903] {strides = array<i32>} : memref<4x32x128xf32, #tpu.memory_space<vmem>>, vector<16xf32>,
        tpu.vector_store %arg17[%swap3A_901, %swap3A_902, %swap3A_903], %broadcast_in_dim3A_475 {strides = array<i32>} : memref<4x32x128xf32, #tpu.memory_space<vmem>>, vector<16xf32>,
        %swap3A_905 = arith.constant 2 : i32
        %swap3A_906 = arith.index_cast %swap3A_905 : i32 to index
        %swap3A_907 = arith.index_cast %scan3A_819 : i32 to index
        %swap3A_908 = arith.constant 16 : index
        %swap3A_909 = tpu.vector_load %arg17[%swap3A_906, %swap3A_907, %swap3A_908] {strides = array<i32>} : memref<4x32x128xf32, #tpu.memory_space<vmem>>, vector<16xf32>,
        tpu.vector_store %arg17[%swap3A_906, %swap3A_907, %swap3A_908], %broadcast_in_dim3A_475 {strides = array<i32>} : memref<4x32x128xf32, #tpu.memory_space<vmem>>, vector<16xf32>,
        %swap3A_910 = arith.constant 2 : i32
        %swap3A_911 = arith.index_cast %swap3A_910 : i32 to index
        %swap3A_912 = arith.index_cast %scan3A_819 : i32 to index
        %swap3A_913 = arith.constant 32 : index
        %swap3A_914 = tpu.vector_load %arg17[%swap3A_911, %swap3A_912, %swap3A_913] {strides = array<i32>} : memref<4x32x128xf32, #tpu.memory_space<vmem>>, vector<16xf32>,
        tpu.vector_store %arg17[%swap3A_911, %swap3A_912, %swap3A_913], %broadcast_in_dim3A_475 {strides = array<i32>} : memref<4x32x128xf32, #tpu.memory_space<vmem>>, vector<16xf32>,
        %swap3A_915 = arith.constant 2 : i32
        %swap3A_916 = arith.index_cast %swap3A_915 : i32 to index
        %swap3A_917 = arith.index_cast %scan3A_819 : i32 to index
        %swap3A_918 = arith.constant 48 : index
        %swap3A_919 = tpu.vector_load %arg17[%swap3A_916, %swap3A_917, %swap3A_918] {strides = array<i32>} : memref<4x32x128xf32, #tpu.memory_space<vmem>>, vector<16xf32>,
        tpu.vector_store %arg17[%swap3A_916, %swap3A_917, %swap3A_918], %broadcast_in_dim3A_475 {strides = array<i32>} : memref<4x32x128xf32, #tpu.memory_space<vmem>>, vector<16xf32>,
        %swap3A_920 = arith.constant 2 : i32
        %swap3A_921 = arith.index_cast %swap3A_920 : i32 to index
        %swap3A_922 = arith.index_cast %scan3A_819 : i32 to index
        %swap3A_923 = arith.constant 64 : index
        %swap3A_924 = tpu.vector_load %arg17[%swap3A_921, %swap3A_922, %swap3A_923] {strides = array<i32>} : memref<4x32x128xf32, #tpu.memory_space<vmem>>, vector<16xf32>,
        tpu.vector_store %arg17[%swap3A_921, %swap3A_922, %swap3A_923], %broadcast_in_dim3A_475 {strides = array<i32>} : memref<4x32x128xf32, #tpu.memory_space<vmem>>, vector<16xf32>,
        %swap3A_925 = arith.constant 2 : i32
        %swap3A_926 = arith.index_cast %swap3A_925 : i32 to index
        %swap3A_927 = arith.index_cast %scan3A_819 : i32 to index
        %swap3A_928 = arith.constant 80 : index
        %swap3A_929 = tpu.vector_load %arg17[%swap3A_926, %swap3A_927, %swap3A_928] {strides = array<i32>} : memref<4x32x128xf32, #tpu.memory_space<vmem>>, vector<16xf32>,
        tpu.vector_store %arg17[%swap3A_926, %swap3A_927, %swap3A_928], %broadcast_in_dim3A_475 {strides = array<i32>} : memref<4x32x128xf32, #tpu.memory_space<vmem>>, vector<16xf32>,
        %swap3A_930 = arith.constant 2 : i32
        %swap3A_931 = arith.index_cast %swap3A_930 : i32 to index
        %swap3A_932 = arith.index_cast %scan3A_819 : i32 to index
        %swap3A_933 = arith.constant 96 : index
        %swap3A_934 = tpu.vector_load %arg17[%swap3A_931, %swap3A_932, %swap3A_933] {strides = array<i32>} : memref<4x32x128xf32, #tpu.memory_space<vmem>>, vector<16xf32>,
        tpu.vector_store %arg17[%swap3A_931, %swap3A_932, %swap3A_933], %broadcast_in_dim3A_475 {strides = array<i32>} : memref<4x32x128xf32, #tpu.memory_space<vmem>>, vector<16xf32>,
        %swap3A_935 = arith.constant 2 : i32
        %swap3A_936 = arith.index_cast %swap3A_935 : i32 to index
        %swap3A_937 = arith.index_cast %scan3A_819 : i32 to index
        %swap3A_938 = arith.constant 112 : index
        %swap3A_939 = tpu.vector_load %arg17[%swap3A_936, %swap3A_937, %swap3A_938] {strides = array<i32>} : memref<4x32x128xf32, #tpu.memory_space<vmem>>, vector<16xf32>,
        tpu.vector_store %arg17[%swap3A_936, %swap3A_937, %swap3A_938], %broadcast_in_dim3A_475 {strides = array<i32>} : memref<4x32x128xf32, #tpu.memory_space<vmem>>, vector<16xf32>,
        %swap3A_940 = arith.constant 3 : i32
        %swap3A_941 = arith.index_cast %swap3A_940 : i32 to index
        %swap3A_942 = arith.index_cast %scan3A_819 : i32 to index
        %swap3A_943 = arith.constant 0 : index
        %swap3A_944 = tpu.vector_load %arg17[%swap3A_941, %swap3A_942, %swap3A_943] {strides = array<i32>} : memref<4x32x128xf32, #tpu.memory_space<vmem>>, vector<16xf32>,
        tpu.vector_store %arg17[%swap3A_941, %swap3A_942, %swap3A_943], %broadcast_in_dim3A_475 {strides = array<i32>} : memref<4x32x128xf32, #tpu.memory_space<vmem>>, vector<16xf32>,
        %swap3A_945 = arith.constant 3 : i32
        %swap3A_946 = arith.index_cast %swap3A_945 : i32 to index
        %swap3A_947 = arith.index_cast %scan3A_819 : i32 to index
        %swap3A_948 = arith.constant 16 : index
        %swap3A_949 = tpu.vector_load %arg17[%swap3A_946, %swap3A_947, %swap3A_948] {strides = array<i32>} : memref<4x32x128xf32, #tpu.memory_space<vmem>>, vector<16xf32>,
        tpu.vector_store %arg17[%swap3A_946, %swap3A_947, %swap3A_948], %broadcast_in_dim3A_475 {strides = array<i32>} : memref<4x32x128xf32, #tpu.memory_space<vmem>>, vector<16xf32>,
        %swap3A_950 = arith.constant 3 : i32
        %swap3A_951 = arith.index_cast %swap3A_950 : i32 to index
        %swap3A_952 = arith.index_cast %scan3A_819 : i32 to index
        %swap3A_953 = arith.constant 32 : index
        %swap3A_954 = tpu.vector_load %arg17[%swap3A_951, %swap3A_952, %swap3A_953] {strides = array<i32>} : memref<4x32x128xf32, #tpu.memory_space<vmem>>, vector<16xf32>,
        tpu.vector_store %arg17[%swap3A_951, %swap3A_952, %swap3A_953], %broadcast_in_dim3A_475 {strides = array<i32>} : memref<4x32x128xf32, #tpu.memory_space<vmem>>, vector<16xf32>,
        %swap3A_955 = arith.constant 3 : i32
        %swap3A_956 = arith.index_cast %swap3A_955 : i32 to index
        %swap3A_957 = arith.index_cast %scan3A_819 : i32 to index
        %swap3A_958 = arith.constant 48 : index
        %swap3A_959 = tpu.vector_load %arg17[%swap3A_956, %swap3A_957, %swap3A_958] {strides = array<i32>} : memref<4x32x128xf32, #tpu.memory_space<vmem>>, vector<16xf32>,
        tpu.vector_store %arg17[%swap3A_956, %swap3A_957, %swap3A_958], %broadcast_in_dim3A_475 {strides = array<i32>} : memref<4x32x128xf32, #tpu.memory_space<vmem>>, vector<16xf32>,
        %swap3A_960 = arith.constant 3 : i32
        %swap3A_961 = arith.index_cast %swap3A_960 : i32 to index
        %swap3A_962 = arith.index_cast %scan3A_819 : i32 to index
        %swap3A_963 = arith.constant 64 : index
        %swap3A_964 = tpu.vector_load %arg17[%swap3A_961, %swap3A_962, %swap3A_963] {strides = array<i32>} : memref<4x32x128xf32, #tpu.memory_space<vmem>>, vector<16xf32>,
        tpu.vector_store %arg17[%swap3A_961, %swap3A_962, %swap3A_963], %broadcast_in_dim3A_475 {strides = array<i32>} : memref<4x32x128xf32, #tpu.memory_space<vmem>>, vector<16xf32>,
        %swap3A_965 = arith.constant 3 : i32
        %swap3A_966 = arith.index_cast %swap3A_965 : i32 to index
        %swap3A_967 = arith.index_cast %scan3A_819 : i32 to index
        %swap3A_968 = arith.constant 80 : index
        %swap3A_969 = tpu.vector_load %arg17[%swap3A_966, %swap3A_967, %swap3A_968] {strides = array<i32>} : memref<4x32x128xf32, #tpu.memory_space<vmem>>, vector<16xf32>,
        tpu.vector_store %arg17[%swap3A_966, %swap3A_967, %swap3A_968], %broadcast_in_dim3A_475 {strides = array<i32>} : memref<4x32x128xf32, #tpu.memory_space<vmem>>, vector<16xf32>,
        %swap3A_970 = arith.constant 3 : i32
        %swap3A_971 = arith.index_cast %swap3A_970 : i32 to index
        %swap3A_972 = arith.index_cast %scan3A_819 : i32 to index
        %swap3A_973 = arith.constant 96 : index
        %swap3A_974 = tpu.vector_load %arg17[%swap3A_971, %swap3A_972, %swap3A_973] {strides = array<i32>} : memref<4x32x128xf32, #tpu.memory_space<vmem>>, vector<16xf32>,
        tpu.vector_store %arg17[%swap3A_971, %swap3A_972, %swap3A_973], %broadcast_in_dim3A_475 {strides = array<i32>} : memref<4x32x128xf32, #tpu.memory_space<vmem>>, vector<16xf32>,
        %swap3A_975 = arith.constant 3 : i32
        %swap3A_976 = arith.index_cast %swap3A_975 : i32 to index
        %swap3A_977 = arith.index_cast %scan3A_819 : i32 to index
        %swap3A_978 = arith.constant 112 : index
        %swap3A_979 = tpu.vector_load %arg17[%swap3A_976, %swap3A_977, %swap3A_978] {strides = array<i32>} : memref<4x32x128xf32, #tpu.memory_space<vmem>>, vector<16xf32>,
        tpu.vector_store %arg17[%swap3A_976, %swap3A_977, %swap3A_978], %broadcast_in_dim3A_475 {strides = array<i32>} : memref<4x32x128xf32, #tpu.memory_space<vmem>>, vector<16xf32>,
        %scan3A_980 = arith.constant 0 : i32
        scf.yield %scan3A_980 : i32
      }
      %scan3A_482 = arith.constant 32 : i32
      %add3A_483 = arith.constant 0 : i32
      %add3A_484 = arith.addi %add3A_4, %add3A_483 : i32
      %dma_start3A_485 = arith.constant 0 : i32
      %dma_start3A_486 = arith.constant 0 : i32
      %dma_start3A_487 = tpu.memref_slice %arg7[%add3A_484, %dma_start3A_485, %dma_start3A_486] : memref<4096x32x128xf32, #tpu.memory_space<hbm>> -> memref<4x32x128xf32, #tpu.memory_space<hbm>>
      %dma_start3A_488 = arith.constant 0 : i32
      %dma_start3A_489 = arith.constant 0 : i32
      %dma_start3A_490 = tpu.memref_slice %arg7[%add3A_484, %dma_start3A_488, %dma_start3A_489] : memref<4096x32x128xf32, #tpu.memory_space<hbm>> -> memref<4x32x128xf32, #tpu.memory_space<hbm>>
      tpu.enqueue_dma source(%arg17 : memref<4x32x128xf32, #tpu.memory_space<vmem>>) target(%dma_start3A_490 : memref<4x32x128xf32, #tpu.memory_space<hbm>>) target_semaphore(%arg20 : memref<!tpu.dma_semaphore, #tpu.memory_space<semaphore_mem>>)
      %dma_start3A_491 = arith.constant 0 : i32
      %dma_start3A_492 = arith.constant 0 : i32
      %dma_start3A_493 = tpu.memref_slice %arg8[%add3A_484, %dma_start3A_491, %dma_start3A_492] : memref<4096x32x128xf32, #tpu.memory_space<hbm>> -> memref<4x32x128xf32, #tpu.memory_space<hbm>>
      %dma_start3A_494 = arith.constant 0 : i32
      %dma_start3A_495 = arith.constant 0 : i32
      %dma_start3A_496 = tpu.memref_slice %arg8[%add3A_484, %dma_start3A_494, %dma_start3A_495] : memref<4096x32x128xf32, #tpu.memory_space<hbm>> -> memref<4x32x128xf32, #tpu.memory_space<hbm>>
      tpu.enqueue_dma source(%arg17 : memref<4x32x128xf32, #tpu.memory_space<vmem>>) target(%dma_start3A_496 : memref<4x32x128xf32, #tpu.memory_space<hbm>>) target_semaphore(%arg20 : memref<!tpu.dma_semaphore, #tpu.memory_space<semaphore_mem>>)
      %add3A_497 = arith.constant 4 : i32
      %add3A_498 = arith.addi %add3A_4, %add3A_497 : i32
      %dma_start3A_499 = arith.constant 0 : i32
      %dma_start3A_500 = arith.constant 0 : i32
      %dma_start3A_501 = tpu.memref_slice %arg7[%add3A_498, %dma_start3A_499, %dma_start3A_500] : memref<4096x32x128xf32, #tpu.memory_space<hbm>> -> memref<4x32x128xf32, #tpu.memory_space<hbm>>
      %dma_start3A_502 = arith.constant 0 : i32
      %dma_start3A_503 = arith.constant 0 : i32
      %dma_start3A_504 = tpu.memref_slice %arg7[%add3A_498, %dma_start3A_502, %dma_start3A_503] : memref<4096x32x128xf32, #tpu.memory_space<hbm>> -> memref<4x32x128xf32, #tpu.memory_space<hbm>>
      tpu.enqueue_dma source(%arg17 : memref<4x32x128xf32, #tpu.memory_space<vmem>>) target(%dma_start3A_504 : memref<4x32x128xf32, #tpu.memory_space<hbm>>) target_semaphore(%arg20 : memref<!tpu.dma_semaphore, #tpu.memory_space<semaphore_mem>>)
      %dma_start3A_505 = arith.constant 0 : i32
      %dma_start3A_506 = arith.constant 0 : i32
      %dma_start3A_507 = tpu.memref_slice %arg8[%add3A_498, %dma_start3A_505, %dma_start3A_506] : memref<4096x32x128xf32, #tpu.memory_space<hbm>> -> memref<4x32x128xf32, #tpu.memory_space<hbm>>
      %dma_start3A_508 = arith.constant 0 : i32
      %dma_start3A_509 = arith.constant 0 : i32
      %dma_start3A_510 = tpu.memref_slice %arg8[%add3A_498, %dma_start3A_508, %dma_start3A_509] : memref<4096x32x128xf32, #tpu.memory_space<hbm>> -> memref<4x32x128xf32, #tpu.memory_space<hbm>>
      tpu.enqueue_dma source(%arg17 : memref<4x32x128xf32, #tpu.memory_space<vmem>>) target(%dma_start3A_510 : memref<4x32x128xf32, #tpu.memory_space<hbm>>) target_semaphore(%arg20 : memref<!tpu.dma_semaphore, #tpu.memory_space<semaphore_mem>>)
      %add3A_511 = arith.constant 8 : i32
      %add3A_512 = arith.addi %add3A_4, %add3A_511 : i32
      %dma_start3A_513 = arith.constant 0 : i32
      %dma_start3A_514 = arith.constant 0 : i32
      %dma_start3A_515 = tpu.memref_slice %arg7[%add3A_512, %dma_start3A_513, %dma_start3A_514] : memref<4096x32x128xf32, #tpu.memory_space<hbm>> -> memref<4x32x128xf32, #tpu.memory_space<hbm>>
      %dma_start3A_516 = arith.constant 0 : i32
      %dma_start3A_517 = arith.constant 0 : i32
      %dma_start3A_518 = tpu.memref_slice %arg7[%add3A_512, %dma_start3A_516, %dma_start3A_517] : memref<4096x32x128xf32, #tpu.memory_space<hbm>> -> memref<4x32x128xf32, #tpu.memory_space<hbm>>
      tpu.enqueue_dma source(%arg17 : memref<4x32x128xf32, #tpu.memory_space<vmem>>) target(%dma_start3A_518 : memref<4x32x128xf32, #tpu.memory_space<hbm>>) target_semaphore(%arg20 : memref<!tpu.dma_semaphore, #tpu.memory_space<semaphore_mem>>)
      %dma_start3A_519 = arith.constant 0 : i32
      %dma_start3A_520 = arith.constant 0 : i32
      %dma_start3A_521 = tpu.memref_slice %arg8[%add3A_512, %dma_start3A_519, %dma_start3A_520] : memref<4096x32x128xf32, #tpu.memory_space<hbm>> -> memref<4x32x128xf32, #tpu.memory_space<hbm>>
      %dma_start3A_522 = arith.constant 0 : i32
      %dma_start3A_523 = arith.constant 0 : i32
      %dma_start3A_524 = tpu.memref_slice %arg8[%add3A_512, %dma_start3A_522, %dma_start3A_523] : memref<4096x32x128xf32, #tpu.memory_space<hbm>> -> memref<4x32x128xf32, #tpu.memory_space<hbm>>
      tpu.enqueue_dma source(%arg17 : memref<4x32x128xf32, #tpu.memory_space<vmem>>) target(%dma_start3A_524 : memref<4x32x128xf32, #tpu.memory_space<hbm>>) target_semaphore(%arg20 : memref<!tpu.dma_semaphore, #tpu.memory_space<semaphore_mem>>)
      %add3A_525 = arith.constant 12 : i32
      %add3A_526 = arith.addi %add3A_4, %add3A_525 : i32
      %dma_start3A_527 = arith.constant 0 : i32
      %dma_start3A_528 = arith.constant 0 : i32
      %dma_start3A_529 = tpu.memref_slice %arg7[%add3A_526, %dma_start3A_527, %dma_start3A_528] : memref<4096x32x128xf32, #tpu.memory_space<hbm>> -> memref<4x32x128xf32, #tpu.memory_space<hbm>>
      %dma_start3A_530 = arith.constant 0 : i32
      %dma_start3A_531 = arith.constant 0 : i32
      %dma_start3A_532 = tpu.memref_slice %arg7[%add3A_526, %dma_start3A_530, %dma_start3A_531] : memref<4096x32x128xf32, #tpu.memory_space<hbm>> -> memref<4x32x128xf32, #tpu.memory_space<hbm>>
      tpu.enqueue_dma source(%arg17 : memref<4x32x128xf32, #tpu.memory_space<vmem>>) target(%dma_start3A_532 : memref<4x32x128xf32, #tpu.memory_space<hbm>>) target_semaphore(%arg20 : memref<!tpu.dma_semaphore, #tpu.memory_space<semaphore_mem>>)
      %dma_start3A_533 = arith.constant 0 : i32
      %dma_start3A_534 = arith.constant 0 : i32
      %dma_start3A_535 = tpu.memref_slice %arg8[%add3A_526, %dma_start3A_533, %dma_start3A_534] : memref<4096x32x128xf32, #tpu.memory_space<hbm>> -> memref<4x32x128xf32, #tpu.memory_space<hbm>>
      %dma_start3A_536 = arith.constant 0 : i32
      %dma_start3A_537 = arith.constant 0 : i32
      %dma_start3A_538 = tpu.memref_slice %arg8[%add3A_526, %dma_start3A_536, %dma_start3A_537] : memref<4096x32x128xf32, #tpu.memory_space<hbm>> -> memref<4x32x128xf32, #tpu.memory_space<hbm>>
      tpu.enqueue_dma source(%arg17 : memref<4x32x128xf32, #tpu.memory_space<vmem>>) target(%dma_start3A_538 : memref<4x32x128xf32, #tpu.memory_space<hbm>>) target_semaphore(%arg20 : memref<!tpu.dma_semaphore, #tpu.memory_space<semaphore_mem>>)
      %add3A_539 = arith.constant 16 : i32
      %add3A_540 = arith.addi %add3A_4, %add3A_539 : i32
      %dma_start3A_541 = arith.constant 0 : i32
      %dma_start3A_542 = arith.constant 0 : i32
      %dma_start3A_543 = tpu.memref_slice %arg7[%add3A_540, %dma_start3A_541, %dma_start3A_542] : memref<4096x32x128xf32, #tpu.memory_space<hbm>> -> memref<4x32x128xf32, #tpu.memory_space<hbm>>
      %dma_start3A_544 = arith.constant 0 : i32
      %dma_start3A_545 = arith.constant 0 : i32
      %dma_start3A_546 = tpu.memref_slice %arg7[%add3A_540, %dma_start3A_544, %dma_start3A_545] : memref<4096x32x128xf32, #tpu.memory_space<hbm>> -> memref<4x32x128xf32, #tpu.memory_space<hbm>>
      tpu.enqueue_dma source(%arg17 : memref<4x32x128xf32, #tpu.memory_space<vmem>>) target(%dma_start3A_546 : memref<4x32x128xf32, #tpu.memory_space<hbm>>) target_semaphore(%arg20 : memref<!tpu.dma_semaphore, #tpu.memory_space<semaphore_mem>>)
      %dma_start3A_547 = arith.constant 0 : i32
      %dma_start3A_548 = arith.constant 0 : i32
      %dma_start3A_549 = tpu.memref_slice %arg8[%add3A_540, %dma_start3A_547, %dma_start3A_548] : memref<4096x32x128xf32, #tpu.memory_space<hbm>> -> memref<4x32x128xf32, #tpu.memory_space<hbm>>
      %dma_start3A_550 = arith.constant 0 : i32
      %dma_start3A_551 = arith.constant 0 : i32
      %dma_start3A_552 = tpu.memref_slice %arg8[%add3A_540, %dma_start3A_550, %dma_start3A_551] : memref<4096x32x128xf32, #tpu.memory_space<hbm>> -> memref<4x32x128xf32, #tpu.memory_space<hbm>>
      tpu.enqueue_dma source(%arg17 : memref<4x32x128xf32, #tpu.memory_space<vmem>>) target(%dma_start3A_552 : memref<4x32x128xf32, #tpu.memory_space<hbm>>) target_semaphore(%arg20 : memref<!tpu.dma_semaphore, #tpu.memory_space<semaphore_mem>>)
      %add3A_553 = arith.constant 20 : i32
      %add3A_554 = arith.addi %add3A_4, %add3A_553 : i32
      %dma_start3A_555 = arith.constant 0 : i32
      %dma_start3A_556 = arith.constant 0 : i32
      %dma_start3A_557 = tpu.memref_slice %arg7[%add3A_554, %dma_start3A_555, %dma_start3A_556] : memref<4096x32x128xf32, #tpu.memory_space<hbm>> -> memref<4x32x128xf32, #tpu.memory_space<hbm>>
      %dma_start3A_558 = arith.constant 0 : i32
      %dma_start3A_559 = arith.constant 0 : i32
      %dma_start3A_560 = tpu.memref_slice %arg7[%add3A_554, %dma_start3A_558, %dma_start3A_559] : memref<4096x32x128xf32, #tpu.memory_space<hbm>> -> memref<4x32x128xf32, #tpu.memory_space<hbm>>
      tpu.enqueue_dma source(%arg17 : memref<4x32x128xf32, #tpu.memory_space<vmem>>) target(%dma_start3A_560 : memref<4x32x128xf32, #tpu.memory_space<hbm>>) target_semaphore(%arg20 : memref<!tpu.dma_semaphore, #tpu.memory_space<semaphore_mem>>)
      %dma_start3A_561 = arith.constant 0 : i32
      %dma_start3A_562 = arith.constant 0 : i32
      %dma_start3A_563 = tpu.memref_slice %arg8[%add3A_554, %dma_start3A_561, %dma_start3A_562] : memref<4096x32x128xf32, #tpu.memory_space<hbm>> -> memref<4x32x128xf32, #tpu.memory_space<hbm>>
      %dma_start3A_564 = arith.constant 0 : i32
      %dma_start3A_565 = arith.constant 0 : i32
      %dma_start3A_566 = tpu.memref_slice %arg8[%add3A_554, %dma_start3A_564, %dma_start3A_565] : memref<4096x32x128xf32, #tpu.memory_space<hbm>> -> memref<4x32x128xf32, #tpu.memory_space<hbm>>
      tpu.enqueue_dma source(%arg17 : memref<4x32x128xf32, #tpu.memory_space<vmem>>) target(%dma_start3A_566 : memref<4x32x128xf32, #tpu.memory_space<hbm>>) target_semaphore(%arg20 : memref<!tpu.dma_semaphore, #tpu.memory_space<semaphore_mem>>)
      %add3A_567 = arith.constant 24 : i32
      %add3A_568 = arith.addi %add3A_4, %add3A_567 : i32
      %dma_start3A_569 = arith.constant 0 : i32
      %dma_start3A_570 = arith.constant 0 : i32
      %dma_start3A_571 = tpu.memref_slice %arg7[%add3A_568, %dma_start3A_569, %dma_start3A_570] : memref<4096x32x128xf32, #tpu.memory_space<hbm>> -> memref<4x32x128xf32, #tpu.memory_space<hbm>>
      %dma_start3A_572 = arith.constant 0 : i32
      %dma_start3A_573 = arith.constant 0 : i32
      %dma_start3A_574 = tpu.memref_slice %arg7[%add3A_568, %dma_start3A_572, %dma_start3A_573] : memref<4096x32x128xf32, #tpu.memory_space<hbm>> -> memref<4x32x128xf32, #tpu.memory_space<hbm>>
      tpu.enqueue_dma source(%arg17 : memref<4x32x128xf32, #tpu.memory_space<vmem>>) target(%dma_start3A_574 : memref<4x32x128xf32, #tpu.memory_space<hbm>>) target_semaphore(%arg20 : memref<!tpu.dma_semaphore, #tpu.memory_space<semaphore_mem>>)
      %dma_start3A_575 = arith.constant 0 : i32
      %dma_start3A_576 = arith.constant 0 : i32
      %dma_start3A_577 = tpu.memref_slice %arg8[%add3A_568, %dma_start3A_575, %dma_start3A_576] : memref<4096x32x128xf32, #tpu.memory_space<hbm>> -> memref<4x32x128xf32, #tpu.memory_space<hbm>>
      %dma_start3A_578 = arith.constant 0 : i32
      %dma_start3A_579 = arith.constant 0 : i32
      %dma_start3A_580 = tpu.memref_slice %arg8[%add3A_568, %dma_start3A_578, %dma_start3A_579] : memref<4096x32x128xf32, #tpu.memory_space<hbm>> -> memref<4x32x128xf32, #tpu.memory_space<hbm>>
      tpu.enqueue_dma source(%arg17 : memref<4x32x128xf32, #tpu.memory_space<vmem>>) target(%dma_start3A_580 : memref<4x32x128xf32, #tpu.memory_space<hbm>>) target_semaphore(%arg20 : memref<!tpu.dma_semaphore, #tpu.memory_space<semaphore_mem>>)
      %add3A_581 = arith.constant 28 : i32
      %add3A_582 = arith.addi %add3A_4, %add3A_581 : i32
      %dma_start3A_583 = arith.constant 0 : i32
      %dma_start3A_584 = arith.constant 0 : i32
      %dma_start3A_585 = tpu.memref_slice %arg7[%add3A_582, %dma_start3A_583, %dma_start3A_584] : memref<4096x32x128xf32, #tpu.memory_space<hbm>> -> memref<4x32x128xf32, #tpu.memory_space<hbm>>
      %dma_start3A_586 = arith.constant 0 : i32
      %dma_start3A_587 = arith.constant 0 : i32
      %dma_start3A_588 = tpu.memref_slice %arg7[%add3A_582, %dma_start3A_586, %dma_start3A_587] : memref<4096x32x128xf32, #tpu.memory_space<hbm>> -> memref<4x32x128xf32, #tpu.memory_space<hbm>>
      tpu.enqueue_dma source(%arg17 : memref<4x32x128xf32, #tpu.memory_space<vmem>>) target(%dma_start3A_588 : memref<4x32x128xf32, #tpu.memory_space<hbm>>) target_semaphore(%arg20 : memref<!tpu.dma_semaphore, #tpu.memory_space<semaphore_mem>>)
      %dma_start3A_589 = arith.constant 0 : i32
      %dma_start3A_590 = arith.constant 0 : i32
      %dma_start3A_591 = tpu.memref_slice %arg8[%add3A_582, %dma_start3A_589, %dma_start3A_590] : memref<4096x32x128xf32, #tpu.memory_space<hbm>> -> memref<4x32x128xf32, #tpu.memory_space<hbm>>
      %dma_start3A_592 = arith.constant 0 : i32
      %dma_start3A_593 = arith.constant 0 : i32
      %dma_start3A_594 = tpu.memref_slice %arg8[%add3A_582, %dma_start3A_592, %dma_start3A_593] : memref<4096x32x128xf32, #tpu.memory_space<hbm>> -> memref<4x32x128xf32, #tpu.memory_space<hbm>>
      tpu.enqueue_dma source(%arg17 : memref<4x32x128xf32, #tpu.memory_space<vmem>>) target(%dma_start3A_594 : memref<4x32x128xf32, #tpu.memory_space<hbm>>) target_semaphore(%arg20 : memref<!tpu.dma_semaphore, #tpu.memory_space<semaphore_mem>>)
      %add3A_595 = arith.constant 32 : i32
      %add3A_596 = arith.addi %add3A_4, %add3A_595 : i32
      %dma_start3A_597 = arith.constant 0 : i32
      %dma_start3A_598 = arith.constant 0 : i32
      %dma_start3A_599 = tpu.memref_slice %arg7[%add3A_596, %dma_start3A_597, %dma_start3A_598] : memref<4096x32x128xf32, #tpu.memory_space<hbm>> -> memref<4x32x128xf32, #tpu.memory_space<hbm>>
      %dma_start3A_600 = arith.constant 0 : i32
      %dma_start3A_601 = arith.constant 0 : i32
      %dma_start3A_602 = tpu.memref_slice %arg7[%add3A_596, %dma_start3A_600, %dma_start3A_601] : memref<4096x32x128xf32, #tpu.memory_space<hbm>> -> memref<4x32x128xf32, #tpu.memory_space<hbm>>
      tpu.enqueue_dma source(%arg17 : memref<4x32x128xf32, #tpu.memory_space<vmem>>) target(%dma_start3A_602 : memref<4x32x128xf32, #tpu.memory_space<hbm>>) target_semaphore(%arg20 : memref<!tpu.dma_semaphore, #tpu.memory_space<semaphore_mem>>)
      %dma_start3A_603 = arith.constant 0 : i32
      %dma_start3A_604 = arith.constant 0 : i32
      %dma_start3A_605 = tpu.memref_slice %arg8[%add3A_596, %dma_start3A_603, %dma_start3A_604] : memref<4096x32x128xf32, #tpu.memory_space<hbm>> -> memref<4x32x128xf32, #tpu.memory_space<hbm>>
      %dma_start3A_606 = arith.constant 0 : i32
      %dma_start3A_607 = arith.constant 0 : i32
      %dma_start3A_608 = tpu.memref_slice %arg8[%add3A_596, %dma_start3A_606, %dma_start3A_607] : memref<4096x32x128xf32, #tpu.memory_space<hbm>> -> memref<4x32x128xf32, #tpu.memory_space<hbm>>
      tpu.enqueue_dma source(%arg17 : memref<4x32x128xf32, #tpu.memory_space<vmem>>) target(%dma_start3A_608 : memref<4x32x128xf32, #tpu.memory_space<hbm>>) target_semaphore(%arg20 : memref<!tpu.dma_semaphore, #tpu.memory_space<semaphore_mem>>)
      %add3A_609 = arith.constant 36 : i32
      %add3A_610 = arith.addi %add3A_4, %add3A_609 : i32
      %dma_start3A_611 = arith.constant 0 : i32
      %dma_start3A_612 = arith.constant 0 : i32
      %dma_start3A_613 = tpu.memref_slice %arg7[%add3A_610, %dma_start3A_611, %dma_start3A_612] : memref<4096x32x128xf32, #tpu.memory_space<hbm>> -> memref<4x32x128xf32, #tpu.memory_space<hbm>>
      %dma_start3A_614 = arith.constant 0 : i32
      %dma_start3A_615 = arith.constant 0 : i32
      %dma_start3A_616 = tpu.memref_slice %arg7[%add3A_610, %dma_start3A_614, %dma_start3A_615] : memref<4096x32x128xf32, #tpu.memory_space<hbm>> -> memref<4x32x128xf32, #tpu.memory_space<hbm>>
      tpu.enqueue_dma source(%arg17 : memref<4x32x128xf32, #tpu.memory_space<vmem>>) target(%dma_start3A_616 : memref<4x32x128xf32, #tpu.memory_space<hbm>>) target_semaphore(%arg20 : memref<!tpu.dma_semaphore, #tpu.memory_space<semaphore_mem>>)
      %dma_start3A_617 = arith.constant 0 : i32
      %dma_start3A_618 = arith.constant 0 : i32
      %dma_start3A_619 = tpu.memref_slice %arg8[%add3A_610, %dma_start3A_617, %dma_start3A_618] : memref<4096x32x128xf32, #tpu.memory_space<hbm>> -> memref<4x32x128xf32, #tpu.memory_space<hbm>>
      %dma_start3A_620 = arith.constant 0 : i32
      %dma_start3A_621 = arith.constant 0 : i32
      %dma_start3A_622 = tpu.memref_slice %arg8[%add3A_610, %dma_start3A_620, %dma_start3A_621] : memref<4096x32x128xf32, #tpu.memory_space<hbm>> -> memref<4x32x128xf32, #tpu.memory_space<hbm>>
      tpu.enqueue_dma source(%arg17 : memref<4x32x128xf32, #tpu.memory_space<vmem>>) target(%dma_start3A_622 : memref<4x32x128xf32, #tpu.memory_space<hbm>>) target_semaphore(%arg20 : memref<!tpu.dma_semaphore, #tpu.memory_space<semaphore_mem>>)
      %add3A_623 = arith.constant 40 : i32
      %add3A_624 = arith.addi %add3A_4, %add3A_623 : i32
      %dma_start3A_625 = arith.constant 0 : i32
      %dma_start3A_626 = arith.constant 0 : i32
      %dma_start3A_627 = tpu.memref_slice %arg7[%add3A_624, %dma_start3A_625, %dma_start3A_626] : memref<4096x32x128xf32, #tpu.memory_space<hbm>> -> memref<4x32x128xf32, #tpu.memory_space<hbm>>
      %dma_start3A_628 = arith.constant 0 : i32
      %dma_start3A_629 = arith.constant 0 : i32
      %dma_start3A_630 = tpu.memref_slice %arg7[%add3A_624, %dma_start3A_628, %dma_start3A_629] : memref<4096x32x128xf32, #tpu.memory_space<hbm>> -> memref<4x32x128xf32, #tpu.memory_space<hbm>>
      tpu.enqueue_dma source(%arg17 : memref<4x32x128xf32, #tpu.memory_space<vmem>>) target(%dma_start3A_630 : memref<4x32x128xf32, #tpu.memory_space<hbm>>) target_semaphore(%arg20 : memref<!tpu.dma_semaphore, #tpu.memory_space<semaphore_mem>>)
      %dma_start3A_631 = arith.constant 0 : i32
      %dma_start3A_632 = arith.constant 0 : i32
      %dma_start3A_633 = tpu.memref_slice %arg8[%add3A_624, %dma_start3A_631, %dma_start3A_632] : memref<4096x32x128xf32, #tpu.memory_space<hbm>> -> memref<4x32x128xf32, #tpu.memory_space<hbm>>
      %dma_start3A_634 = arith.constant 0 : i32
      %dma_start3A_635 = arith.constant 0 : i32
      %dma_start3A_636 = tpu.memref_slice %arg8[%add3A_624, %dma_start3A_634, %dma_start3A_635] : memref<4096x32x128xf32, #tpu.memory_space<hbm>> -> memref<4x32x128xf32, #tpu.memory_space<hbm>>
      tpu.enqueue_dma source(%arg17 : memref<4x32x128xf32, #tpu.memory_space<vmem>>) target(%dma_start3A_636 : memref<4x32x128xf32, #tpu.memory_space<hbm>>) target_semaphore(%arg20 : memref<!tpu.dma_semaphore, #tpu.memory_space<semaphore_mem>>)
      %add3A_637 = arith.constant 44 : i32
      %add3A_638 = arith.addi %add3A_4, %add3A_637 : i32
      %dma_start3A_639 = arith.constant 0 : i32
      %dma_start3A_640 = arith.constant 0 : i32
      %dma_start3A_641 = tpu.memref_slice %arg7[%add3A_638, %dma_start3A_639, %dma_start3A_640] : memref<4096x32x128xf32, #tpu.memory_space<hbm>> -> memref<4x32x128xf32, #tpu.memory_space<hbm>>
      %dma_start3A_642 = arith.constant 0 : i32
      %dma_start3A_643 = arith.constant 0 : i32
      %dma_start3A_644 = tpu.memref_slice %arg7[%add3A_638, %dma_start3A_642, %dma_start3A_643] : memref<4096x32x128xf32, #tpu.memory_space<hbm>> -> memref<4x32x128xf32, #tpu.memory_space<hbm>>
      tpu.enqueue_dma source(%arg17 : memref<4x32x128xf32, #tpu.memory_space<vmem>>) target(%dma_start3A_644 : memref<4x32x128xf32, #tpu.memory_space<hbm>>) target_semaphore(%arg20 : memref<!tpu.dma_semaphore, #tpu.memory_space<semaphore_mem>>)
      %dma_start3A_645 = arith.constant 0 : i32
      %dma_start3A_646 = arith.constant 0 : i32
      %dma_start3A_647 = tpu.memref_slice %arg8[%add3A_638, %dma_start3A_645, %dma_start3A_646] : memref<4096x32x128xf32, #tpu.memory_space<hbm>> -> memref<4x32x128xf32, #tpu.memory_space<hbm>>
      %dma_start3A_648 = arith.constant 0 : i32
      %dma_start3A_649 = arith.constant 0 : i32
      %dma_start3A_650 = tpu.memref_slice %arg8[%add3A_638, %dma_start3A_648, %dma_start3A_649] : memref<4096x32x128xf32, #tpu.memory_space<hbm>> -> memref<4x32x128xf32, #tpu.memory_space<hbm>>
      tpu.enqueue_dma source(%arg17 : memref<4x32x128xf32, #tpu.memory_space<vmem>>) target(%dma_start3A_650 : memref<4x32x128xf32, #tpu.memory_space<hbm>>) target_semaphore(%arg20 : memref<!tpu.dma_semaphore, #tpu.memory_space<semaphore_mem>>)
      %add3A_651 = arith.constant 48 : i32
      %add3A_652 = arith.addi %add3A_4, %add3A_651 : i32
      %dma_start3A_653 = arith.constant 0 : i32
      %dma_start3A_654 = arith.constant 0 : i32
      %dma_start3A_655 = tpu.memref_slice %arg7[%add3A_652, %dma_start3A_653, %dma_start3A_654] : memref<4096x32x128xf32, #tpu.memory_space<hbm>> -> memref<4x32x128xf32, #tpu.memory_space<hbm>>
      %dma_start3A_656 = arith.constant 0 : i32
      %dma_start3A_657 = arith.constant 0 : i32
      %dma_start3A_658 = tpu.memref_slice %arg7[%add3A_652, %dma_start3A_656, %dma_start3A_657] : memref<4096x32x128xf32, #tpu.memory_space<hbm>> -> memref<4x32x128xf32, #tpu.memory_space<hbm>>
      tpu.enqueue_dma source(%arg17 : memref<4x32x128xf32, #tpu.memory_space<vmem>>) target(%dma_start3A_658 : memref<4x32x128xf32, #tpu.memory_space<hbm>>) target_semaphore(%arg20 : memref<!tpu.dma_semaphore, #tpu.memory_space<semaphore_mem>>)
      %dma_start3A_659 = arith.constant 0 : i32
      %dma_start3A_660 = arith.constant 0 : i32
      %dma_start3A_661 = tpu.memref_slice %arg8[%add3A_652, %dma_start3A_659, %dma_start3A_660] : memref<4096x32x128xf32, #tpu.memory_space<hbm>> -> memref<4x32x128xf32, #tpu.memory_space<hbm>>
      %dma_start3A_662 = arith.constant 0 : i32
      %dma_start3A_663 = arith.constant 0 : i32
      %dma_start3A_664 = tpu.memref_slice %arg8[%add3A_652, %dma_start3A_662, %dma_start3A_663] : memref<4096x32x128xf32, #tpu.memory_space<hbm>> -> memref<4x32x128xf32, #tpu.memory_space<hbm>>
      tpu.enqueue_dma source(%arg17 : memref<4x32x128xf32, #tpu.memory_space<vmem>>) target(%dma_start3A_664 : memref<4x32x128xf32, #tpu.memory_space<hbm>>) target_semaphore(%arg20 : memref<!tpu.dma_semaphore, #tpu.memory_space<semaphore_mem>>)
      %add3A_665 = arith.constant 52 : i32
      %add3A_666 = arith.addi %add3A_4, %add3A_665 : i32
      %dma_start3A_667 = arith.constant 0 : i32
      %dma_start3A_668 = arith.constant 0 : i32
      %dma_start3A_669 = tpu.memref_slice %arg7[%add3A_666, %dma_start3A_667, %dma_start3A_668] : memref<4096x32x128xf32, #tpu.memory_space<hbm>> -> memref<4x32x128xf32, #tpu.memory_space<hbm>>
      %dma_start3A_670 = arith.constant 0 : i32
      %dma_start3A_671 = arith.constant 0 : i32
      %dma_start3A_672 = tpu.memref_slice %arg7[%add3A_666, %dma_start3A_670, %dma_start3A_671] : memref<4096x32x128xf32, #tpu.memory_space<hbm>> -> memref<4x32x128xf32, #tpu.memory_space<hbm>>
      tpu.enqueue_dma source(%arg17 : memref<4x32x128xf32, #tpu.memory_space<vmem>>) target(%dma_start3A_672 : memref<4x32x128xf32, #tpu.memory_space<hbm>>) target_semaphore(%arg20 : memref<!tpu.dma_semaphore, #tpu.memory_space<semaphore_mem>>)
      %dma_start3A_673 = arith.constant 0 : i32
      %dma_start3A_674 = arith.constant 0 : i32
      %dma_start3A_675 = tpu.memref_slice %arg8[%add3A_666, %dma_start3A_673, %dma_start3A_674] : memref<4096x32x128xf32, #tpu.memory_space<hbm>> -> memref<4x32x128xf32, #tpu.memory_space<hbm>>
      %dma_start3A_676 = arith.constant 0 : i32
      %dma_start3A_677 = arith.constant 0 : i32
      %dma_start3A_678 = tpu.memref_slice %arg8[%add3A_666, %dma_start3A_676, %dma_start3A_677] : memref<4096x32x128xf32, #tpu.memory_space<hbm>> -> memref<4x32x128xf32, #tpu.memory_space<hbm>>
      tpu.enqueue_dma source(%arg17 : memref<4x32x128xf32, #tpu.memory_space<vmem>>) target(%dma_start3A_678 : memref<4x32x128xf32, #tpu.memory_space<hbm>>) target_semaphore(%arg20 : memref<!tpu.dma_semaphore, #tpu.memory_space<semaphore_mem>>)
      %add3A_679 = arith.constant 56 : i32
      %add3A_680 = arith.addi %add3A_4, %add3A_679 : i32
      %dma_start3A_681 = arith.constant 0 : i32
      %dma_start3A_682 = arith.constant 0 : i32
      %dma_start3A_683 = tpu.memref_slice %arg7[%add3A_680, %dma_start3A_681, %dma_start3A_682] : memref<4096x32x128xf32, #tpu.memory_space<hbm>> -> memref<4x32x128xf32, #tpu.memory_space<hbm>>
      %dma_start3A_684 = arith.constant 0 : i32
      %dma_start3A_685 = arith.constant 0 : i32
      %dma_start3A_686 = tpu.memref_slice %arg7[%add3A_680, %dma_start3A_684, %dma_start3A_685] : memref<4096x32x128xf32, #tpu.memory_space<hbm>> -> memref<4x32x128xf32, #tpu.memory_space<hbm>>
      tpu.enqueue_dma source(%arg17 : memref<4x32x128xf32, #tpu.memory_space<vmem>>) target(%dma_start3A_686 : memref<4x32x128xf32, #tpu.memory_space<hbm>>) target_semaphore(%arg20 : memref<!tpu.dma_semaphore, #tpu.memory_space<semaphore_mem>>)
      %dma_start3A_687 = arith.constant 0 : i32
      %dma_start3A_688 = arith.constant 0 : i32
      %dma_start3A_689 = tpu.memref_slice %arg8[%add3A_680, %dma_start3A_687, %dma_start3A_688] : memref<4096x32x128xf32, #tpu.memory_space<hbm>> -> memref<4x32x128xf32, #tpu.memory_space<hbm>>
      %dma_start3A_690 = arith.constant 0 : i32
      %dma_start3A_691 = arith.constant 0 : i32
      %dma_start3A_692 = tpu.memref_slice %arg8[%add3A_680, %dma_start3A_690, %dma_start3A_691] : memref<4096x32x128xf32, #tpu.memory_space<hbm>> -> memref<4x32x128xf32, #tpu.memory_space<hbm>>
      tpu.enqueue_dma source(%arg17 : memref<4x32x128xf32, #tpu.memory_space<vmem>>) target(%dma_start3A_692 : memref<4x32x128xf32, #tpu.memory_space<hbm>>) target_semaphore(%arg20 : memref<!tpu.dma_semaphore, #tpu.memory_space<semaphore_mem>>)
      %add3A_693 = arith.constant 60 : i32
      %add3A_694 = arith.addi %add3A_4, %add3A_693 : i32
      %dma_start3A_695 = arith.constant 0 : i32
      %dma_start3A_696 = arith.constant 0 : i32
      %dma_start3A_697 = tpu.memref_slice %arg7[%add3A_694, %dma_start3A_695, %dma_start3A_696] : memref<4096x32x128xf32, #tpu.memory_space<hbm>> -> memref<4x32x128xf32, #tpu.memory_space<hbm>>
      %dma_start3A_698 = arith.constant 0 : i32
      %dma_start3A_699 = arith.constant 0 : i32
      %dma_start3A_700 = tpu.memref_slice %arg7[%add3A_694, %dma_start3A_698, %dma_start3A_699] : memref<4096x32x128xf32, #tpu.memory_space<hbm>> -> memref<4x32x128xf32, #tpu.memory_space<hbm>>
      tpu.enqueue_dma source(%arg17 : memref<4x32x128xf32, #tpu.memory_space<vmem>>) target(%dma_start3A_700 : memref<4x32x128xf32, #tpu.memory_space<hbm>>) target_semaphore(%arg20 : memref<!tpu.dma_semaphore, #tpu.memory_space<semaphore_mem>>)
      %dma_start3A_701 = arith.constant 0 : i32
      %dma_start3A_702 = arith.constant 0 : i32
      %dma_start3A_703 = tpu.memref_slice %arg8[%add3A_694, %dma_start3A_701, %dma_start3A_702] : memref<4096x32x128xf32, #tpu.memory_space<hbm>> -> memref<4x32x128xf32, #tpu.memory_space<hbm>>
      %dma_start3A_704 = arith.constant 0 : i32
      %dma_start3A_705 = arith.constant 0 : i32
      %dma_start3A_706 = tpu.memref_slice %arg8[%add3A_694, %dma_start3A_704, %dma_start3A_705] : memref<4096x32x128xf32, #tpu.memory_space<hbm>> -> memref<4x32x128xf32, #tpu.memory_space<hbm>>
      tpu.enqueue_dma source(%arg17 : memref<4x32x128xf32, #tpu.memory_space<vmem>>) target(%dma_start3A_706 : memref<4x32x128xf32, #tpu.memory_space<hbm>>) target_semaphore(%arg20 : memref<!tpu.dma_semaphore, #tpu.memory_space<semaphore_mem>>)
      %add3A_707 = arith.constant 64 : i32
      %add3A_708 = arith.addi %add3A_4, %add3A_707 : i32
      %dma_start3A_709 = arith.constant 0 : i32
      %dma_start3A_710 = arith.constant 0 : i32
      %dma_start3A_711 = tpu.memref_slice %arg7[%add3A_708, %dma_start3A_709, %dma_start3A_710] : memref<4096x32x128xf32, #tpu.memory_space<hbm>> -> memref<4x32x128xf32, #tpu.memory_space<hbm>>
      %dma_start3A_712 = arith.constant 0 : i32
      %dma_start3A_713 = arith.constant 0 : i32
      %dma_start3A_714 = tpu.memref_slice %arg7[%add3A_708, %dma_start3A_712, %dma_start3A_713] : memref<4096x32x128xf32, #tpu.memory_space<hbm>> -> memref<4x32x128xf32, #tpu.memory_space<hbm>>
      tpu.enqueue_dma source(%arg17 : memref<4x32x128xf32, #tpu.memory_space<vmem>>) target(%dma_start3A_714 : memref<4x32x128xf32, #tpu.memory_space<hbm>>) target_semaphore(%arg20 : memref<!tpu.dma_semaphore, #tpu.memory_space<semaphore_mem>>)
      %dma_start3A_715 = arith.constant 0 : i32
      %dma_start3A_716 = arith.constant 0 : i32
      %dma_start3A_717 = tpu.memref_slice %arg8[%add3A_708, %dma_start3A_715, %dma_start3A_716] : memref<4096x32x128xf32, #tpu.memory_space<hbm>> -> memref<4x32x128xf32, #tpu.memory_space<hbm>>
      %dma_start3A_718 = arith.constant 0 : i32
      %dma_start3A_719 = arith.constant 0 : i32
      %dma_start3A_720 = tpu.memref_slice %arg8[%add3A_708, %dma_start3A_718, %dma_start3A_719] : memref<4096x32x128xf32, #tpu.memory_space<hbm>> -> memref<4x32x128xf32, #tpu.memory_space<hbm>>
      tpu.enqueue_dma source(%arg17 : memref<4x32x128xf32, #tpu.memory_space<vmem>>) target(%dma_start3A_720 : memref<4x32x128xf32, #tpu.memory_space<hbm>>) target_semaphore(%arg20 : memref<!tpu.dma_semaphore, #tpu.memory_space<semaphore_mem>>)
      %add3A_721 = arith.constant 68 : i32
      %add3A_722 = arith.addi %add3A_4, %add3A_721 : i32
      %dma_start3A_723 = arith.constant 0 : i32
      %dma_start3A_724 = arith.constant 0 : i32
      %dma_start3A_725 = tpu.memref_slice %arg7[%add3A_722, %dma_start3A_723, %dma_start3A_724] : memref<4096x32x128xf32, #tpu.memory_space<hbm>> -> memref<4x32x128xf32, #tpu.memory_space<hbm>>
      %dma_start3A_726 = arith.constant 0 : i32
      %dma_start3A_727 = arith.constant 0 : i32
      %dma_start3A_728 = tpu.memref_slice %arg7[%add3A_722, %dma_start3A_726, %dma_start3A_727] : memref<4096x32x128xf32, #tpu.memory_space<hbm>> -> memref<4x32x128xf32, #tpu.memory_space<hbm>>
      tpu.enqueue_dma source(%arg17 : memref<4x32x128xf32, #tpu.memory_space<vmem>>) target(%dma_start3A_728 : memref<4x32x128xf32, #tpu.memory_space<hbm>>) target_semaphore(%arg20 : memref<!tpu.dma_semaphore, #tpu.memory_space<semaphore_mem>>)
      %dma_start3A_729 = arith.constant 0 : i32
      %dma_start3A_730 = arith.constant 0 : i32
      %dma_start3A_731 = tpu.memref_slice %arg8[%add3A_722, %dma_start3A_729, %dma_start3A_730] : memref<4096x32x128xf32, #tpu.memory_space<hbm>> -> memref<4x32x128xf32, #tpu.memory_space<hbm>>
      %dma_start3A_732 = arith.constant 0 : i32
      %dma_start3A_733 = arith.constant 0 : i32
      %dma_start3A_734 = tpu.memref_slice %arg8[%add3A_722, %dma_start3A_732, %dma_start3A_733] : memref<4096x32x128xf32, #tpu.memory_space<hbm>> -> memref<4x32x128xf32, #tpu.memory_space<hbm>>
      tpu.enqueue_dma source(%arg17 : memref<4x32x128xf32, #tpu.memory_space<vmem>>) target(%dma_start3A_734 : memref<4x32x128xf32, #tpu.memory_space<hbm>>) target_semaphore(%arg20 : memref<!tpu.dma_semaphore, #tpu.memory_space<semaphore_mem>>)
      %add3A_735 = arith.constant 72 : i32
      %add3A_736 = arith.addi %add3A_4, %add3A_735 : i32
      %dma_start3A_737 = arith.constant 0 : i32
      %dma_start3A_738 = arith.constant 0 : i32
      %dma_start3A_739 = tpu.memref_slice %arg7[%add3A_736, %dma_start3A_737, %dma_start3A_738] : memref<4096x32x128xf32, #tpu.memory_space<hbm>> -> memref<4x32x128xf32, #tpu.memory_space<hbm>>
      %dma_start3A_740 = arith.constant 0 : i32
      %dma_start3A_741 = arith.constant 0 : i32
      %dma_start3A_742 = tpu.memref_slice %arg7[%add3A_736, %dma_start3A_740, %dma_start3A_741] : memref<4096x32x128xf32, #tpu.memory_space<hbm>> -> memref<4x32x128xf32, #tpu.memory_space<hbm>>
      tpu.enqueue_dma source(%arg17 : memref<4x32x128xf32, #tpu.memory_space<vmem>>) target(%dma_start3A_742 : memref<4x32x128xf32, #tpu.memory_space<hbm>>) target_semaphore(%arg20 : memref<!tpu.dma_semaphore, #tpu.memory_space<semaphore_mem>>)
      %dma_start3A_743 = arith.constant 0 : i32
      %dma_start3A_744 = arith.constant 0 : i32
      %dma_start3A_745 = tpu.memref_slice %arg8[%add3A_736, %dma_start3A_743, %dma_start3A_744] : memref<4096x32x128xf32, #tpu.memory_space<hbm>> -> memref<4x32x128xf32, #tpu.memory_space<hbm>>
      %dma_start3A_746 = arith.constant 0 : i32
      %dma_start3A_747 = arith.constant 0 : i32
      %dma_start3A_748 = tpu.memref_slice %arg8[%add3A_736, %dma_start3A_746, %dma_start3A_747] : memref<4096x32x128xf32, #tpu.memory_space<hbm>> -> memref<4x32x128xf32, #tpu.memory_space<hbm>>
      tpu.enqueue_dma source(%arg17 : memref<4x32x128xf32, #tpu.memory_space<vmem>>) target(%dma_start3A_748 : memref<4x32x128xf32, #tpu.memory_space<hbm>>) target_semaphore(%arg20 : memref<!tpu.dma_semaphore, #tpu.memory_space<semaphore_mem>>)
      %add3A_749 = arith.constant 76 : i32
      %add3A_750 = arith.addi %add3A_4, %add3A_749 : i32
      %dma_start3A_751 = arith.constant 0 : i32
      %dma_start3A_752 = arith.constant 0 : i32
      %dma_start3A_753 = tpu.memref_slice %arg7[%add3A_750, %dma_start3A_751, %dma_start3A_752] : memref<4096x32x128xf32, #tpu.memory_space<hbm>> -> memref<4x32x128xf32, #tpu.memory_space<hbm>>
      %dma_start3A_754 = arith.constant 0 : i32
      %dma_start3A_755 = arith.constant 0 : i32
      %dma_start3A_756 = tpu.memref_slice %arg7[%add3A_750, %dma_start3A_754, %dma_start3A_755] : memref<4096x32x128xf32, #tpu.memory_space<hbm>> -> memref<4x32x128xf32, #tpu.memory_space<hbm>>
      tpu.enqueue_dma source(%arg17 : memref<4x32x128xf32, #tpu.memory_space<vmem>>) target(%dma_start3A_756 : memref<4x32x128xf32, #tpu.memory_space<hbm>>) target_semaphore(%arg20 : memref<!tpu.dma_semaphore, #tpu.memory_space<semaphore_mem>>)
      %dma_start3A_757 = arith.constant 0 : i32
      %dma_start3A_758 = arith.constant 0 : i32
      %dma_start3A_759 = tpu.memref_slice %arg8[%add3A_750, %dma_start3A_757, %dma_start3A_758] : memref<4096x32x128xf32, #tpu.memory_space<hbm>> -> memref<4x32x128xf32, #tpu.memory_space<hbm>>
      %dma_start3A_760 = arith.constant 0 : i32
      %dma_start3A_761 = arith.constant 0 : i32
      %dma_start3A_762 = tpu.memref_slice %arg8[%add3A_750, %dma_start3A_760, %dma_start3A_761] : memref<4096x32x128xf32, #tpu.memory_space<hbm>> -> memref<4x32x128xf32, #tpu.memory_space<hbm>>
      tpu.enqueue_dma source(%arg17 : memref<4x32x128xf32, #tpu.memory_space<vmem>>) target(%dma_start3A_762 : memref<4x32x128xf32, #tpu.memory_space<hbm>>) target_semaphore(%arg20 : memref<!tpu.dma_semaphore, #tpu.memory_space<semaphore_mem>>)
      %add3A_763 = arith.constant 80 : i32
      %add3A_764 = arith.addi %add3A_4, %add3A_763 : i32
      %dma_start3A_765 = arith.constant 0 : i32
      %dma_start3A_766 = arith.constant 0 : i32
      %dma_start3A_767 = tpu.memref_slice %arg7[%add3A_764, %dma_start3A_765, %dma_start3A_766] : memref<4096x32x128xf32, #tpu.memory_space<hbm>> -> memref<4x32x128xf32, #tpu.memory_space<hbm>>
      %dma_start3A_768 = arith.constant 0 : i32
      %dma_start3A_769 = arith.constant 0 : i32
      %dma_start3A_770 = tpu.memref_slice %arg7[%add3A_764, %dma_start3A_768, %dma_start3A_769] : memref<4096x32x128xf32, #tpu.memory_space<hbm>> -> memref<4x32x128xf32, #tpu.memory_space<hbm>>
      tpu.enqueue_dma source(%arg17 : memref<4x32x128xf32, #tpu.memory_space<vmem>>) target(%dma_start3A_770 : memref<4x32x128xf32, #tpu.memory_space<hbm>>) target_semaphore(%arg20 : memref<!tpu.dma_semaphore, #tpu.memory_space<semaphore_mem>>)
      %dma_start3A_771 = arith.constant 0 : i32
      %dma_start3A_772 = arith.constant 0 : i32
      %dma_start3A_773 = tpu.memref_slice %arg8[%add3A_764, %dma_start3A_771, %dma_start3A_772] : memref<4096x32x128xf32, #tpu.memory_space<hbm>> -> memref<4x32x128xf32, #tpu.memory_space<hbm>>
      %dma_start3A_774 = arith.constant 0 : i32
      %dma_start3A_775 = arith.constant 0 : i32
      %dma_start3A_776 = tpu.memref_slice %arg8[%add3A_764, %dma_start3A_774, %dma_start3A_775] : memref<4096x32x128xf32, #tpu.memory_space<hbm>> -> memref<4x32x128xf32, #tpu.memory_space<hbm>>
      tpu.enqueue_dma source(%arg17 : memref<4x32x128xf32, #tpu.memory_space<vmem>>) target(%dma_start3A_776 : memref<4x32x128xf32, #tpu.memory_space<hbm>>) target_semaphore(%arg20 : memref<!tpu.dma_semaphore, #tpu.memory_space<semaphore_mem>>)
      %add3A_777 = arith.constant 84 : i32
      %add3A_778 = arith.addi %add3A_4, %add3A_777 : i32
      %dma_start3A_779 = arith.constant 0 : i32
      %dma_start3A_780 = arith.constant 0 : i32
      %dma_start3A_781 = tpu.memref_slice %arg7[%add3A_778, %dma_start3A_779, %dma_start3A_780] : memref<4096x32x128xf32, #tpu.memory_space<hbm>> -> memref<4x32x128xf32, #tpu.memory_space<hbm>>
      %dma_start3A_782 = arith.constant 0 : i32
      %dma_start3A_783 = arith.constant 0 : i32
      %dma_start3A_784 = tpu.memref_slice %arg7[%add3A_778, %dma_start3A_782, %dma_start3A_783] : memref<4096x32x128xf32, #tpu.memory_space<hbm>> -> memref<4x32x128xf32, #tpu.memory_space<hbm>>
      tpu.enqueue_dma source(%arg17 : memref<4x32x128xf32, #tpu.memory_space<vmem>>) target(%dma_start3A_784 : memref<4x32x128xf32, #tpu.memory_space<hbm>>) target_semaphore(%arg20 : memref<!tpu.dma_semaphore, #tpu.memory_space<semaphore_mem>>)
      %dma_start3A_785 = arith.constant 0 : i32
      %dma_start3A_786 = arith.constant 0 : i32
      %dma_start3A_787 = tpu.memref_slice %arg8[%add3A_778, %dma_start3A_785, %dma_start3A_786] : memref<4096x32x128xf32, #tpu.memory_space<hbm>> -> memref<4x32x128xf32, #tpu.memory_space<hbm>>
      %dma_start3A_788 = arith.constant 0 : i32
      %dma_start3A_789 = arith.constant 0 : i32
      %dma_start3A_790 = tpu.memref_slice %arg8[%add3A_778, %dma_start3A_788, %dma_start3A_789] : memref<4096x32x128xf32, #tpu.memory_space<hbm>> -> memref<4x32x128xf32, #tpu.memory_space<hbm>>
      tpu.enqueue_dma source(%arg17 : memref<4x32x128xf32, #tpu.memory_space<vmem>>) target(%dma_start3A_790 : memref<4x32x128xf32, #tpu.memory_space<hbm>>) target_semaphore(%arg20 : memref<!tpu.dma_semaphore, #tpu.memory_space<semaphore_mem>>)
      %add3A_791 = arith.constant 88 : i32
      %add3A_792 = arith.addi %add3A_4, %add3A_791 : i32
      %dma_start3A_793 = arith.constant 0 : i32
      %dma_start3A_794 = arith.constant 0 : i32
      %dma_start3A_795 = tpu.memref_slice %arg7[%add3A_792, %dma_start3A_793, %dma_start3A_794] : memref<4096x32x128xf32, #tpu.memory_space<hbm>> -> memref<4x32x128xf32, #tpu.memory_space<hbm>>
      %dma_start3A_796 = arith.constant 0 : i32
      %dma_start3A_797 = arith.constant 0 : i32
      %dma_start3A_798 = tpu.memref_slice %arg7[%add3A_792, %dma_start3A_796, %dma_start3A_797] : memref<4096x32x128xf32, #tpu.memory_space<hbm>> -> memref<4x32x128xf32, #tpu.memory_space<hbm>>
      tpu.enqueue_dma source(%arg17 : memref<4x32x128xf32, #tpu.memory_space<vmem>>) target(%dma_start3A_798 : memref<4x32x128xf32, #tpu.memory_space<hbm>>) target_semaphore(%arg20 : memref<!tpu.dma_semaphore, #tpu.memory_space<semaphore_mem>>)
      %dma_start3A_799 = arith.constant 0 : i32
      %dma_start3A_800 = arith.constant 0 : i32
      %dma_start3A_801 = tpu.memref_slice %arg8[%add3A_792, %dma_start3A_799, %dma_start3A_800] : memref<4096x32x128xf32, #tpu.memory_space<hbm>> -> memref<4x32x128xf32, #tpu.memory_space<hbm>>
      %dma_start3A_802 = arith.constant 0 : i32
      %dma_start3A_803 = arith.constant 0 : i32
      %dma_start3A_804 = tpu.memref_slice %arg8[%add3A_792, %dma_start3A_802, %dma_start3A_803] : memref<4096x32x128xf32, #tpu.memory_space<hbm>> -> memref<4x32x128xf32, #tpu.memory_space<hbm>>
      tpu.enqueue_dma source(%arg17 : memref<4x32x128xf32, #tpu.memory_space<vmem>>) target(%dma_start3A_804 : memref<4x32x128xf32, #tpu.memory_space<hbm>>) target_semaphore(%arg20 : memref<!tpu.dma_semaphore, #tpu.memory_space<semaphore_mem>>)
      %add3A_805 = arith.constant 92 : i32
      %add3A_806 = arith.addi %add3A_4, %add3A_805 : i32
      %dma_start3A_807 = arith.constant 0 : i32
      %dma_start3A_808 = arith.constant 0 : i32
      %dma_start3A_809 = tpu.memref_slice %arg7[%add3A_806, %dma_start3A_807, %dma_start3A_808] : memref<4096x32x128xf32, #tpu.memory_space<hbm>> -> memref<4x32x128xf32, #tpu.memory_space<hbm>>
      %dma_start3A_810 = arith.constant 0 : i32
      %dma_start3A_811 = arith.constant 0 : i32
      %dma_start3A_812 = tpu.memref_slice %arg7[%add3A_806, %dma_start3A_810, %dma_start3A_811] : memref<4096x32x128xf32, #tpu.memory_space<hbm>> -> memref<4x32x128xf32, #tpu.memory_space<hbm>>
      tpu.enqueue_dma source(%arg17 : memref<4x32x128xf32, #tpu.memory_space<vmem>>) target(%dma_start3A_812 : memref<4x32x128xf32, #tpu.memory_space<hbm>>) target_semaphore(%arg20 : memref<!tpu.dma_semaphore, #tpu.memory_space<semaphore_mem>>)
      %dma_start3A_813 = arith.constant 0 : i32
      %dma_start3A_814 = arith.constant 0 : i32
      %dma_start3A_815 = tpu.memref_slice %arg8[%add3A_806, %dma_start3A_813, %dma_start3A_814] : memref<4096x32x128xf32, #tpu.memory_space<hbm>> -> memref<4x32x128xf32, #tpu.memory_space<hbm>>
      %dma_start3A_816 = arith.constant 0 : i32
      %dma_start3A_817 = arith.constant 0 : i32
      %dma_start3A_818 = tpu.memref_slice %arg8[%add3A_806, %dma_start3A_816, %dma_start3A_817] : memref<4096x32x128xf32, #tpu.memory_space<hbm>> -> memref<4x32x128xf32, #tpu.memory_space<hbm>>
      tpu.enqueue_dma source(%arg17 : memref<4x32x128xf32, #tpu.memory_space<vmem>>) target(%dma_start3A_818 : memref<4x32x128xf32, #tpu.memory_space<hbm>>) target_semaphore(%arg20 : memref<!tpu.dma_semaphore, #tpu.memory_space<semaphore_mem>>)
    } else {
    }
    "tpu.region"() ({
      %run_scoped3A = tpu.sem_alloc : memref<!tpu.dma_semaphore, #tpu.memory_space<semaphore_mem>>
      tpu.enqueue_dma source(%arg4 : memref<4096xi32, #tpu.memory_space<hbm>>) target(%arg9 : memref<4096xi32, #tpu.memory_space<vmem>>) target_semaphore(%run_scoped3A : memref<!tpu.dma_semaphore, #tpu.memory_space<semaphore_mem>>)
      tpu.wait_dma2 semaphore(%run_scoped3A : memref<!tpu.dma_semaphore, #tpu.memory_space<semaphore_mem>>) src(%arg4 : memref<4096xi32, #tpu.memory_space<hbm>>) dst(%arg9 : memref<4096xi32, #tpu.memory_space<vmem>>)
      tpu.yield
    }) : () -> ()
    "tpu.region"() ({
      %run_scoped3A = tpu.sem_alloc : memref<!tpu.dma_semaphore, #tpu.memory_space<semaphore_mem>>
      tpu.enqueue_dma source(%arg5 : memref<4096xi32, #tpu.memory_space<hbm>>) target(%arg10 : memref<4096xi32, #tpu.memory_space<vmem>>) target_semaphore(%run_scoped3A : memref<!tpu.dma_semaphore, #tpu.memory_space<semaphore_mem>>)
      tpu.wait_dma2 semaphore(%run_scoped3A : memref<!tpu.dma_semaphore, #tpu.memory_space<semaphore_mem>>) src(%arg5 : memref<4096xi32, #tpu.memory_space<hbm>>) dst(%arg10 : memref<4096xi32, #tpu.memory_space<vmem>>)
      tpu.yield
    }) : () -> ()
    %iota3A = tpu.iota {dimensions = array<i32: 0>} : vector<16xi32>
    %scan3A = arith.constant 0 : i32
    %scan3A_8 = arith.constant 0 : i32
    %scan3A_9 = arith.constant 256 : i32
    %scan3A_10 = arith.addi %scan3A_8, %scan3A_9 : i32
    %scan3A_11 = arith.constant 8 : i32
    %scan3A_12 = scf.for %scan3A_475 = %scan3A_8 to %scan3A_10 step %scan3A_11 iter_args(%scan3A_476 = %scan3A) -> (i32)  : i32 {
      %mul3A_477 = arith.constant 16 : i32
      %mul3A_478 = arith.muli %scan3A_475, %mul3A_477 : i32
      %get3A_479 = arith.index_cast %mul3A_478 : i32 to index
      %get3A_480 = tpu.vector_load %arg9[%get3A_479] {strides = array<i32>} : memref<4096xi32, #tpu.memory_space<vmem>>, vector<16xi32>,
      %mul3A_481 = arith.constant 16 : i32
      %mul3A_482 = arith.muli %scan3A_475, %mul3A_481 : i32
      %get3A_483 = arith.index_cast %mul3A_482 : i32 to index
      %get3A_484 = tpu.vector_load %arg10[%get3A_483] {strides = array<i32>} : memref<4096xi32, #tpu.memory_space<vmem>>, vector<16xi32>,
      %mul3A_485 = arith.constant 16 : i32
      %mul3A_486 = arith.muli %scan3A_475, %mul3A_485 : i32
      %add3A_487 = vector.broadcast %mul3A_486 : i32 to vector<16xi32>
      %add3A_488 = arith.addi %iota3A, %add3A_487 : vector<16xi32>
      %jit3A_489 = arith.constant 4 : i32
      %div3A_490 = vector.broadcast %jit3A_489 : i32 to vector<16xi32>
      %div3A_491 = arith.divsi %get3A_484, %div3A_490 : vector<16xi32>
      %sign3A_492 = arith.constant 0 : i32
      %sign3A_493 = vector.broadcast %sign3A_492 : i32 to vector<16xi32>
      %sign3A_494 = arith.cmpi sgt, %get3A_484, %sign3A_493 : vector<16xi32>
      %sign3A_495 = arith.extui %sign3A_494 : vector<16xi1> to vector<16xi32>
      %sign3A_496 = arith.constant 0 : i32
      %sign3A_497 = vector.broadcast %sign3A_496 : i32 to vector<16xi32>
      %sign3A_498 = arith.cmpi slt, %get3A_484, %sign3A_497 : vector<16xi32>
      %sign3A_499 = arith.extui %sign3A_498 : vector<16xi1> to vector<16xi32>
      %sign3A_500 = arith.subi %sign3A_495, %sign3A_499 : vector<16xi32>
      %sign3A_501 = arith.constant 0 : i32
      %sign3A_502 = arith.cmpi sgt, %jit3A_489, %sign3A_501 : i32
      %sign3A_503 = arith.extui %sign3A_502 : i1 to i32
      %sign3A_504 = arith.constant 0 : i32
      %sign3A_505 = arith.cmpi slt, %jit3A_489, %sign3A_504 : i32
      %sign3A_506 = arith.extui %sign3A_505 : i1 to i32
      %sign3A_507 = arith.subi %sign3A_503, %sign3A_506 : i32
      %ne3A_508 = vector.broadcast %sign3A_507 : i32 to vector<16xi32>
      %ne3A_509 = arith.cmpi ne, %sign3A_500, %ne3A_508 : vector<16xi32>
      %rem3A_510 = vector.broadcast %jit3A_489 : i32 to vector<16xi32>
      %rem3A_511 = arith.remsi %get3A_484, %rem3A_510 : vector<16xi32>
      %ne3A_512 = arith.constant 0 : i32
      %ne3A_513 = vector.broadcast %ne3A_512 : i32 to vector<16xi32>
      %ne3A_514 = arith.cmpi ne, %rem3A_511, %ne3A_513 : vector<16xi32>
      %and3A_515 = arith.andi %ne3A_509, %ne3A_514 : vector<16xi1>
      %sub3A_516 = arith.constant 1 : i32
      %sub3A_517 = vector.broadcast %sub3A_516 : i32 to vector<16xi32>
      %sub3A_518 = arith.subi %div3A_491, %sub3A_517 : vector<16xi32>
      %select_n3A_519 = arith.select %and3A_515, %sub3A_518, %div3A_491 : vector<16xi1>, vector<16xi32>
      %jit3A_520 = arith.constant 4 : i32
      %eq3A_521 = arith.constant 0 : i32
      %eq3A_522 = arith.cmpi eq, %jit3A_520, %eq3A_521 : i32
      %jit3A_523 = arith.constant 1 : i32
      %select_n3A_524 = arith.select %eq3A_522, %jit3A_523, %jit3A_520 : i32
      %rem3A_525 = vector.broadcast %select_n3A_524 : i32 to vector<16xi32>
      %rem3A_526 = arith.remsi %get3A_484, %rem3A_525 : vector<16xi32>
      %ne3A_527 = arith.constant 0 : i32
      %ne3A_528 = vector.broadcast %ne3A_527 : i32 to vector<16xi32>
      %ne3A_529 = arith.cmpi ne, %rem3A_526, %ne3A_528 : vector<16xi32>
      %lt3A = arith.constant 0 : i32
      %lt3A_530 = vector.broadcast %lt3A : i32 to vector<16xi32>
      %lt3A_531 = arith.cmpi slt, %rem3A_526, %lt3A_530 : vector<16xi32>
      %lt3A_532 = arith.constant 0 : i32
      %lt3A_533 = arith.cmpi slt, %select_n3A_524, %lt3A_532 : i32
      %ne3A_534 = vector.broadcast %lt3A_533 : i1 to vector<16xi1>
      %ne3A_535 = vector.broadcast %ne3A_534 : vector<16xi1> to vector<16xi1>
      %ne3A_536 = arith.xori %lt3A_531, %ne3A_535 : vector<16xi1>
      %and3A_537 = arith.andi %ne3A_536, %ne3A_529 : vector<16xi1>
      %add3A_538 = vector.broadcast %select_n3A_524 : i32 to vector<16xi32>
      %add3A_539 = arith.addi %rem3A_526, %add3A_538 : vector<16xi32>
      %select_n3A_540 = arith.select %and3A_537, %add3A_539, %rem3A_526 : vector<16xi1>, vector<16xi32>
      %gt3A_541 = arith.constant 0 : i32
      %gt3A_542 = vector.broadcast %gt3A_541 : i32 to vector<16xi32>
      %gt3A_543 = arith.cmpi sgt, %get3A_480, %gt3A_542 : vector<16xi32>
      tpu.vector_store_idx %arg11[%select_n3A_519, %select_n3A_540], %add3A_488 masked %gt3A_543 : memref<256x4xi32, #tpu.memory_space<vmem>>[vector<16xi32>, vector<16xi32>], vector<16xi32>, vector<16xi1>
      %scan3A_544 = arith.constant 0 : i32
      %scan3A_545 = arith.constant 1 : i32
      %scan3A_546 = arith.addi %scan3A_475, %scan3A_545 : i32
      %mul3A_547 = arith.constant 16 : i32
      %mul3A_548 = arith.muli %scan3A_546, %mul3A_547 : i32
      %get3A_549 = arith.index_cast %mul3A_548 : i32 to index
      %get3A_550 = tpu.vector_load %arg9[%get3A_549] {strides = array<i32>} : memref<4096xi32, #tpu.memory_space<vmem>>, vector<16xi32>,
      %mul3A_551 = arith.constant 16 : i32
      %mul3A_552 = arith.muli %scan3A_546, %mul3A_551 : i32
      %get3A_553 = arith.index_cast %mul3A_552 : i32 to index
      %get3A_554 = tpu.vector_load %arg10[%get3A_553] {strides = array<i32>} : memref<4096xi32, #tpu.memory_space<vmem>>, vector<16xi32>,
      %mul3A_555 = arith.constant 16 : i32
      %mul3A_556 = arith.muli %scan3A_546, %mul3A_555 : i32
      %add3A_557 = vector.broadcast %mul3A_556 : i32 to vector<16xi32>
      %add3A_558 = arith.addi %iota3A, %add3A_557 : vector<16xi32>
      %jit3A_559 = arith.constant 4 : i32
      %div3A_560 = vector.broadcast %jit3A_559 : i32 to vector<16xi32>
      %div3A_561 = arith.divsi %get3A_554, %div3A_560 : vector<16xi32>
      %sign3A_562 = arith.constant 0 : i32
      %sign3A_563 = vector.broadcast %sign3A_562 : i32 to vector<16xi32>
      %sign3A_564 = arith.cmpi sgt, %get3A_554, %sign3A_563 : vector<16xi32>
      %sign3A_565 = arith.extui %sign3A_564 : vector<16xi1> to vector<16xi32>
      %sign3A_566 = arith.constant 0 : i32
      %sign3A_567 = vector.broadcast %sign3A_566 : i32 to vector<16xi32>
      %sign3A_568 = arith.cmpi slt, %get3A_554, %sign3A_567 : vector<16xi32>
      %sign3A_569 = arith.extui %sign3A_568 : vector<16xi1> to vector<16xi32>
      %sign3A_570 = arith.subi %sign3A_565, %sign3A_569 : vector<16xi32>
      %sign3A_571 = arith.constant 0 : i32
      %sign3A_572 = arith.cmpi sgt, %jit3A_559, %sign3A_571 : i32
      %sign3A_573 = arith.extui %sign3A_572 : i1 to i32
      %sign3A_574 = arith.constant 0 : i32
      %sign3A_575 = arith.cmpi slt, %jit3A_559, %sign3A_574 : i32
      %sign3A_576 = arith.extui %sign3A_575 : i1 to i32
      %sign3A_577 = arith.subi %sign3A_573, %sign3A_576 : i32
      %ne3A_578 = vector.broadcast %sign3A_577 : i32 to vector<16xi32>
      %ne3A_579 = arith.cmpi ne, %sign3A_570, %ne3A_578 : vector<16xi32>
      %rem3A_580 = vector.broadcast %jit3A_559 : i32 to vector<16xi32>
      %rem3A_581 = arith.remsi %get3A_554, %rem3A_580 : vector<16xi32>
      %ne3A_582 = arith.constant 0 : i32
      %ne3A_583 = vector.broadcast %ne3A_582 : i32 to vector<16xi32>
      %ne3A_584 = arith.cmpi ne, %rem3A_581, %ne3A_583 : vector<16xi32>
      %and3A_585 = arith.andi %ne3A_579, %ne3A_584 : vector<16xi1>
      %sub3A_586 = arith.constant 1 : i32
      %sub3A_587 = vector.broadcast %sub3A_586 : i32 to vector<16xi32>
      %sub3A_588 = arith.subi %div3A_561, %sub3A_587 : vector<16xi32>
      %select_n3A_589 = arith.select %and3A_585, %sub3A_588, %div3A_561 : vector<16xi1>, vector<16xi32>
      %jit3A_590 = arith.constant 4 : i32
      %eq3A_591 = arith.constant 0 : i32
      %eq3A_592 = arith.cmpi eq, %jit3A_590, %eq3A_591 : i32
      %jit3A_593 = arith.constant 1 : i32
      %select_n3A_594 = arith.select %eq3A_592, %jit3A_593, %jit3A_590 : i32
      %rem3A_595 = vector.broadcast %select_n3A_594 : i32 to vector<16xi32>
      %rem3A_596 = arith.remsi %get3A_554, %rem3A_595 : vector<16xi32>
      %ne3A_597 = arith.constant 0 : i32
      %ne3A_598 = vector.broadcast %ne3A_597 : i32 to vector<16xi32>
      %ne3A_599 = arith.cmpi ne, %rem3A_596, %ne3A_598 : vector<16xi32>
      %lt3A_600 = arith.constant 0 : i32
      %lt3A_601 = vector.broadcast %lt3A_600 : i32 to vector<16xi32>
      %lt3A_602 = arith.cmpi slt, %rem3A_596, %lt3A_601 : vector<16xi32>
      %lt3A_603 = arith.constant 0 : i32
      %lt3A_604 = arith.cmpi slt, %select_n3A_594, %lt3A_603 : i32
      %ne3A_605 = vector.broadcast %lt3A_604 : i1 to vector<16xi1>
      %ne3A_606 = vector.broadcast %ne3A_605 : vector<16xi1> to vector<16xi1>
      %ne3A_607 = arith.xori %lt3A_602, %ne3A_606 : vector<16xi1>
      %and3A_608 = arith.andi %ne3A_607, %ne3A_599 : vector<16xi1>
      %add3A_609 = vector.broadcast %select_n3A_594 : i32 to vector<16xi32>
      %add3A_610 = arith.addi %rem3A_596, %add3A_609 : vector<16xi32>
      %select_n3A_611 = arith.select %and3A_608, %add3A_610, %rem3A_596 : vector<16xi1>, vector<16xi32>
      %gt3A_612 = arith.constant 0 : i32
      %gt3A_613 = vector.broadcast %gt3A_612 : i32 to vector<16xi32>
      %gt3A_614 = arith.cmpi sgt, %get3A_550, %gt3A_613 : vector<16xi32>
      tpu.vector_store_idx %arg11[%select_n3A_589, %select_n3A_611], %add3A_558 masked %gt3A_614 : memref<256x4xi32, #tpu.memory_space<vmem>>[vector<16xi32>, vector<16xi32>], vector<16xi32>, vector<16xi1>
      %scan3A_615 = arith.constant 0 : i32
      %scan3A_616 = arith.constant 2 : i32
      %scan3A_617 = arith.addi %scan3A_475, %scan3A_616 : i32
      %mul3A_618 = arith.constant 16 : i32
      %mul3A_619 = arith.muli %scan3A_617, %mul3A_618 : i32
      %get3A_620 = arith.index_cast %mul3A_619 : i32 to index
      %get3A_621 = tpu.vector_load %arg9[%get3A_620] {strides = array<i32>} : memref<4096xi32, #tpu.memory_space<vmem>>, vector<16xi32>,
      %mul3A_622 = arith.constant 16 : i32
      %mul3A_623 = arith.muli %scan3A_617, %mul3A_622 : i32
      %get3A_624 = arith.index_cast %mul3A_623 : i32 to index
      %get3A_625 = tpu.vector_load %arg10[%get3A_624] {strides = array<i32>} : memref<4096xi32, #tpu.memory_space<vmem>>, vector<16xi32>,
      %mul3A_626 = arith.constant 16 : i32
      %mul3A_627 = arith.muli %scan3A_617, %mul3A_626 : i32
      %add3A_628 = vector.broadcast %mul3A_627 : i32 to vector<16xi32>
      %add3A_629 = arith.addi %iota3A, %add3A_628 : vector<16xi32>
      %jit3A_630 = arith.constant 4 : i32
      %div3A_631 = vector.broadcast %jit3A_630 : i32 to vector<16xi32>
      %div3A_632 = arith.divsi %get3A_625, %div3A_631 : vector<16xi32>
      %sign3A_633 = arith.constant 0 : i32
      %sign3A_634 = vector.broadcast %sign3A_633 : i32 to vector<16xi32>
      %sign3A_635 = arith.cmpi sgt, %get3A_625, %sign3A_634 : vector<16xi32>
      %sign3A_636 = arith.extui %sign3A_635 : vector<16xi1> to vector<16xi32>
      %sign3A_637 = arith.constant 0 : i32
      %sign3A_638 = vector.broadcast %sign3A_637 : i32 to vector<16xi32>
      %sign3A_639 = arith.cmpi slt, %get3A_625, %sign3A_638 : vector<16xi32>
      %sign3A_640 = arith.extui %sign3A_639 : vector<16xi1> to vector<16xi32>
      %sign3A_641 = arith.subi %sign3A_636, %sign3A_640 : vector<16xi32>
      %sign3A_642 = arith.constant 0 : i32
      %sign3A_643 = arith.cmpi sgt, %jit3A_630, %sign3A_642 : i32
      %sign3A_644 = arith.extui %sign3A_643 : i1 to i32
      %sign3A_645 = arith.constant 0 : i32
      %sign3A_646 = arith.cmpi slt, %jit3A_630, %sign3A_645 : i32
      %sign3A_647 = arith.extui %sign3A_646 : i1 to i32
      %sign3A_648 = arith.subi %sign3A_644, %sign3A_647 : i32
      %ne3A_649 = vector.broadcast %sign3A_648 : i32 to vector<16xi32>
      %ne3A_650 = arith.cmpi ne, %sign3A_641, %ne3A_649 : vector<16xi32>
      %rem3A_651 = vector.broadcast %jit3A_630 : i32 to vector<16xi32>
      %rem3A_652 = arith.remsi %get3A_625, %rem3A_651 : vector<16xi32>
      %ne3A_653 = arith.constant 0 : i32
      %ne3A_654 = vector.broadcast %ne3A_653 : i32 to vector<16xi32>
      %ne3A_655 = arith.cmpi ne, %rem3A_652, %ne3A_654 : vector<16xi32>
      %and3A_656 = arith.andi %ne3A_650, %ne3A_655 : vector<16xi1>
      %sub3A_657 = arith.constant 1 : i32
      %sub3A_658 = vector.broadcast %sub3A_657 : i32 to vector<16xi32>
      %sub3A_659 = arith.subi %div3A_632, %sub3A_658 : vector<16xi32>
      %select_n3A_660 = arith.select %and3A_656, %sub3A_659, %div3A_632 : vector<16xi1>, vector<16xi32>
      %jit3A_661 = arith.constant 4 : i32
      %eq3A_662 = arith.constant 0 : i32
      %eq3A_663 = arith.cmpi eq, %jit3A_661, %eq3A_662 : i32
      %jit3A_664 = arith.constant 1 : i32
      %select_n3A_665 = arith.select %eq3A_663, %jit3A_664, %jit3A_661 : i32
      %rem3A_666 = vector.broadcast %select_n3A_665 : i32 to vector<16xi32>
      %rem3A_667 = arith.remsi %get3A_625, %rem3A_666 : vector<16xi32>
      %ne3A_668 = arith.constant 0 : i32
      %ne3A_669 = vector.broadcast %ne3A_668 : i32 to vector<16xi32>
      %ne3A_670 = arith.cmpi ne, %rem3A_667, %ne3A_669 : vector<16xi32>
      %lt3A_671 = arith.constant 0 : i32
      %lt3A_672 = vector.broadcast %lt3A_671 : i32 to vector<16xi32>
      %lt3A_673 = arith.cmpi slt, %rem3A_667, %lt3A_672 : vector<16xi32>
      %lt3A_674 = arith.constant 0 : i32
      %lt3A_675 = arith.cmpi slt, %select_n3A_665, %lt3A_674 : i32
      %ne3A_676 = vector.broadcast %lt3A_675 : i1 to vector<16xi1>
      %ne3A_677 = vector.broadcast %ne3A_676 : vector<16xi1> to vector<16xi1>
      %ne3A_678 = arith.xori %lt3A_673, %ne3A_677 : vector<16xi1>
      %and3A_679 = arith.andi %ne3A_678, %ne3A_670 : vector<16xi1>
      %add3A_680 = vector.broadcast %select_n3A_665 : i32 to vector<16xi32>
      %add3A_681 = arith.addi %rem3A_667, %add3A_680 : vector<16xi32>
      %select_n3A_682 = arith.select %and3A_679, %add3A_681, %rem3A_667 : vector<16xi1>, vector<16xi32>
      %gt3A_683 = arith.constant 0 : i32
      %gt3A_684 = vector.broadcast %gt3A_683 : i32 to vector<16xi32>
      %gt3A_685 = arith.cmpi sgt, %get3A_621, %gt3A_684 : vector<16xi32>
      tpu.vector_store_idx %arg11[%select_n3A_660, %select_n3A_682], %add3A_629 masked %gt3A_685 : memref<256x4xi32, #tpu.memory_space<vmem>>[vector<16xi32>, vector<16xi32>], vector<16xi32>, vector<16xi1>
      %scan3A_686 = arith.constant 0 : i32
      %scan3A_687 = arith.constant 3 : i32
      %scan3A_688 = arith.addi %scan3A_475, %scan3A_687 : i32
      %mul3A_689 = arith.constant 16 : i32
      %mul3A_690 = arith.muli %scan3A_688, %mul3A_689 : i32
      %get3A_691 = arith.index_cast %mul3A_690 : i32 to index
      %get3A_692 = tpu.vector_load %arg9[%get3A_691] {strides = array<i32>} : memref<4096xi32, #tpu.memory_space<vmem>>, vector<16xi32>,
      %mul3A_693 = arith.constant 16 : i32
      %mul3A_694 = arith.muli %scan3A_688, %mul3A_693 : i32
      %get3A_695 = arith.index_cast %mul3A_694 : i32 to index
      %get3A_696 = tpu.vector_load %arg10[%get3A_695] {strides = array<i32>} : memref<4096xi32, #tpu.memory_space<vmem>>, vector<16xi32>,
      %mul3A_697 = arith.constant 16 : i32
      %mul3A_698 = arith.muli %scan3A_688, %mul3A_697 : i32
      %add3A_699 = vector.broadcast %mul3A_698 : i32 to vector<16xi32>
      %add3A_700 = arith.addi %iota3A, %add3A_699 : vector<16xi32>
      %jit3A_701 = arith.constant 4 : i32
      %div3A_702 = vector.broadcast %jit3A_701 : i32 to vector<16xi32>
      %div3A_703 = arith.divsi %get3A_696, %div3A_702 : vector<16xi32>
      %sign3A_704 = arith.constant 0 : i32
      %sign3A_705 = vector.broadcast %sign3A_704 : i32 to vector<16xi32>
      %sign3A_706 = arith.cmpi sgt, %get3A_696, %sign3A_705 : vector<16xi32>
      %sign3A_707 = arith.extui %sign3A_706 : vector<16xi1> to vector<16xi32>
      %sign3A_708 = arith.constant 0 : i32
      %sign3A_709 = vector.broadcast %sign3A_708 : i32 to vector<16xi32>
      %sign3A_710 = arith.cmpi slt, %get3A_696, %sign3A_709 : vector<16xi32>
      %sign3A_711 = arith.extui %sign3A_710 : vector<16xi1> to vector<16xi32>
      %sign3A_712 = arith.subi %sign3A_707, %sign3A_711 : vector<16xi32>
      %sign3A_713 = arith.constant 0 : i32
      %sign3A_714 = arith.cmpi sgt, %jit3A_701, %sign3A_713 : i32
      %sign3A_715 = arith.extui %sign3A_714 : i1 to i32
      %sign3A_716 = arith.constant 0 : i32
      %sign3A_717 = arith.cmpi slt, %jit3A_701, %sign3A_716 : i32
      %sign3A_718 = arith.extui %sign3A_717 : i1 to i32
      %sign3A_719 = arith.subi %sign3A_715, %sign3A_718 : i32
      %ne3A_720 = vector.broadcast %sign3A_719 : i32 to vector<16xi32>
      %ne3A_721 = arith.cmpi ne, %sign3A_712, %ne3A_720 : vector<16xi32>
      %rem3A_722 = vector.broadcast %jit3A_701 : i32 to vector<16xi32>
      %rem3A_723 = arith.remsi %get3A_696, %rem3A_722 : vector<16xi32>
      %ne3A_724 = arith.constant 0 : i32
      %ne3A_725 = vector.broadcast %ne3A_724 : i32 to vector<16xi32>
      %ne3A_726 = arith.cmpi ne, %rem3A_723, %ne3A_725 : vector<16xi32>
      %and3A_727 = arith.andi %ne3A_721, %ne3A_726 : vector<16xi1>
      %sub3A_728 = arith.constant 1 : i32
      %sub3A_729 = vector.broadcast %sub3A_728 : i32 to vector<16xi32>
      %sub3A_730 = arith.subi %div3A_703, %sub3A_729 : vector<16xi32>
      %select_n3A_731 = arith.select %and3A_727, %sub3A_730, %div3A_703 : vector<16xi1>, vector<16xi32>
      %jit3A_732 = arith.constant 4 : i32
      %eq3A_733 = arith.constant 0 : i32
      %eq3A_734 = arith.cmpi eq, %jit3A_732, %eq3A_733 : i32
      %jit3A_735 = arith.constant 1 : i32
      %select_n3A_736 = arith.select %eq3A_734, %jit3A_735, %jit3A_732 : i32
      %rem3A_737 = vector.broadcast %select_n3A_736 : i32 to vector<16xi32>
      %rem3A_738 = arith.remsi %get3A_696, %rem3A_737 : vector<16xi32>
      %ne3A_739 = arith.constant 0 : i32
      %ne3A_740 = vector.broadcast %ne3A_739 : i32 to vector<16xi32>
      %ne3A_741 = arith.cmpi ne, %rem3A_738, %ne3A_740 : vector<16xi32>
      %lt3A_742 = arith.constant 0 : i32
      %lt3A_743 = vector.broadcast %lt3A_742 : i32 to vector<16xi32>
      %lt3A_744 = arith.cmpi slt, %rem3A_738, %lt3A_743 : vector<16xi32>
      %lt3A_745 = arith.constant 0 : i32
      %lt3A_746 = arith.cmpi slt, %select_n3A_736, %lt3A_745 : i32
      %ne3A_747 = vector.broadcast %lt3A_746 : i1 to vector<16xi1>
      %ne3A_748 = vector.broadcast %ne3A_747 : vector<16xi1> to vector<16xi1>
      %ne3A_749 = arith.xori %lt3A_744, %ne3A_748 : vector<16xi1>
      %and3A_750 = arith.andi %ne3A_749, %ne3A_741 : vector<16xi1>
      %add3A_751 = vector.broadcast %select_n3A_736 : i32 to vector<16xi32>
      %add3A_752 = arith.addi %rem3A_738, %add3A_751 : vector<16xi32>
      %select_n3A_753 = arith.select %and3A_750, %add3A_752, %rem3A_738 : vector<16xi1>, vector<16xi32>
      %gt3A_754 = arith.constant 0 : i32
      %gt3A_755 = vector.broadcast %gt3A_754 : i32 to vector<16xi32>
      %gt3A_756 = arith.cmpi sgt, %get3A_692, %gt3A_755 : vector<16xi32>
      tpu.vector_store_idx %arg11[%select_n3A_731, %select_n3A_753], %add3A_700 masked %gt3A_756 : memref<256x4xi32, #tpu.memory_space<vmem>>[vector<16xi32>, vector<16xi32>], vector<16xi32>, vector<16xi1>
      %scan3A_757 = arith.constant 0 : i32
      %scan3A_758 = arith.constant 4 : i32
      %scan3A_759 = arith.addi %scan3A_475, %scan3A_758 : i32
      %mul3A_760 = arith.constant 16 : i32
      %mul3A_761 = arith.muli %scan3A_759, %mul3A_760 : i32
      %get3A_762 = arith.index_cast %mul3A_761 : i32 to index
      %get3A_763 = tpu.vector_load %arg9[%get3A_762] {strides = array<i32>} : memref<4096xi32, #tpu.memory_space<vmem>>, vector<16xi32>,
      %mul3A_764 = arith.constant 16 : i32
      %mul3A_765 = arith.muli %scan3A_759, %mul3A_764 : i32
      %get3A_766 = arith.index_cast %mul3A_765 : i32 to index
      %get3A_767 = tpu.vector_load %arg10[%get3A_766] {strides = array<i32>} : memref<4096xi32, #tpu.memory_space<vmem>>, vector<16xi32>,
      %mul3A_768 = arith.constant 16 : i32
      %mul3A_769 = arith.muli %scan3A_759, %mul3A_768 : i32
      %add3A_770 = vector.broadcast %mul3A_769 : i32 to vector<16xi32>
      %add3A_771 = arith.addi %iota3A, %add3A_770 : vector<16xi32>
      %jit3A_772 = arith.constant 4 : i32
      %div3A_773 = vector.broadcast %jit3A_772 : i32 to vector<16xi32>
      %div3A_774 = arith.divsi %get3A_767, %div3A_773 : vector<16xi32>
      %sign3A_775 = arith.constant 0 : i32
      %sign3A_776 = vector.broadcast %sign3A_775 : i32 to vector<16xi32>
      %sign3A_777 = arith.cmpi sgt, %get3A_767, %sign3A_776 : vector<16xi32>
      %sign3A_778 = arith.extui %sign3A_777 : vector<16xi1> to vector<16xi32>
      %sign3A_779 = arith.constant 0 : i32
      %sign3A_780 = vector.broadcast %sign3A_779 : i32 to vector<16xi32>
      %sign3A_781 = arith.cmpi slt, %get3A_767, %sign3A_780 : vector<16xi32>
      %sign3A_782 = arith.extui %sign3A_781 : vector<16xi1> to vector<16xi32>
      %sign3A_783 = arith.subi %sign3A_778, %sign3A_782 : vector<16xi32>
      %sign3A_784 = arith.constant 0 : i32
      %sign3A_785 = arith.cmpi sgt, %jit3A_772, %sign3A_784 : i32
      %sign3A_786 = arith.extui %sign3A_785 : i1 to i32
      %sign3A_787 = arith.constant 0 : i32
      %sign3A_788 = arith.cmpi slt, %jit3A_772, %sign3A_787 : i32
      %sign3A_789 = arith.extui %sign3A_788 : i1 to i32
      %sign3A_790 = arith.subi %sign3A_786, %sign3A_789 : i32
      %ne3A_791 = vector.broadcast %sign3A_790 : i32 to vector<16xi32>
      %ne3A_792 = arith.cmpi ne, %sign3A_783, %ne3A_791 : vector<16xi32>
      %rem3A_793 = vector.broadcast %jit3A_772 : i32 to vector<16xi32>
      %rem3A_794 = arith.remsi %get3A_767, %rem3A_793 : vector<16xi32>
      %ne3A_795 = arith.constant 0 : i32
      %ne3A_796 = vector.broadcast %ne3A_795 : i32 to vector<16xi32>
      %ne3A_797 = arith.cmpi ne, %rem3A_794, %ne3A_796 : vector<16xi32>
      %and3A_798 = arith.andi %ne3A_792, %ne3A_797 : vector<16xi1>
      %sub3A_799 = arith.constant 1 : i32
      %sub3A_800 = vector.broadcast %sub3A_799 : i32 to vector<16xi32>
      %sub3A_801 = arith.subi %div3A_774, %sub3A_800 : vector<16xi32>
      %select_n3A_802 = arith.select %and3A_798, %sub3A_801, %div3A_774 : vector<16xi1>, vector<16xi32>
      %jit3A_803 = arith.constant 4 : i32
      %eq3A_804 = arith.constant 0 : i32
      %eq3A_805 = arith.cmpi eq, %jit3A_803, %eq3A_804 : i32
      %jit3A_806 = arith.constant 1 : i32
      %select_n3A_807 = arith.select %eq3A_805, %jit3A_806, %jit3A_803 : i32
      %rem3A_808 = vector.broadcast %select_n3A_807 : i32 to vector<16xi32>
      %rem3A_809 = arith.remsi %get3A_767, %rem3A_808 : vector<16xi32>
      %ne3A_810 = arith.constant 0 : i32
      %ne3A_811 = vector.broadcast %ne3A_810 : i32 to vector<16xi32>
      %ne3A_812 = arith.cmpi ne, %rem3A_809, %ne3A_811 : vector<16xi32>
      %lt3A_813 = arith.constant 0 : i32
      %lt3A_814 = vector.broadcast %lt3A_813 : i32 to vector<16xi32>
      %lt3A_815 = arith.cmpi slt, %rem3A_809, %lt3A_814 : vector<16xi32>
      %lt3A_816 = arith.constant 0 : i32
      %lt3A_817 = arith.cmpi slt, %select_n3A_807, %lt3A_816 : i32
      %ne3A_818 = vector.broadcast %lt3A_817 : i1 to vector<16xi1>
      %ne3A_819 = vector.broadcast %ne3A_818 : vector<16xi1> to vector<16xi1>
      %ne3A_820 = arith.xori %lt3A_815, %ne3A_819 : vector<16xi1>
      %and3A_821 = arith.andi %ne3A_820, %ne3A_812 : vector<16xi1>
      %add3A_822 = vector.broadcast %select_n3A_807 : i32 to vector<16xi32>
      %add3A_823 = arith.addi %rem3A_809, %add3A_822 : vector<16xi32>
      %select_n3A_824 = arith.select %and3A_821, %add3A_823, %rem3A_809 : vector<16xi1>, vector<16xi32>
      %gt3A_825 = arith.constant 0 : i32
      %gt3A_826 = vector.broadcast %gt3A_825 : i32 to vector<16xi32>
      %gt3A_827 = arith.cmpi sgt, %get3A_763, %gt3A_826 : vector<16xi32>
      tpu.vector_store_idx %arg11[%select_n3A_802, %select_n3A_824], %add3A_771 masked %gt3A_827 : memref<256x4xi32, #tpu.memory_space<vmem>>[vector<16xi32>, vector<16xi32>], vector<16xi32>, vector<16xi1>
      %scan3A_828 = arith.constant 0 : i32
      %scan3A_829 = arith.constant 5 : i32
      %scan3A_830 = arith.addi %scan3A_475, %scan3A_829 : i32
      %mul3A_831 = arith.constant 16 : i32
      %mul3A_832 = arith.muli %scan3A_830, %mul3A_831 : i32
      %get3A_833 = arith.index_cast %mul3A_832 : i32 to index
      %get3A_834 = tpu.vector_load %arg9[%get3A_833] {strides = array<i32>} : memref<4096xi32, #tpu.memory_space<vmem>>, vector<16xi32>,
      %mul3A_835 = arith.constant 16 : i32
      %mul3A_836 = arith.muli %scan3A_830, %mul3A_835 : i32
      %get3A_837 = arith.index_cast %mul3A_836 : i32 to index
      %get3A_838 = tpu.vector_load %arg10[%get3A_837] {strides = array<i32>} : memref<4096xi32, #tpu.memory_space<vmem>>, vector<16xi32>,
      %mul3A_839 = arith.constant 16 : i32
      %mul3A_840 = arith.muli %scan3A_830, %mul3A_839 : i32
      %add3A_841 = vector.broadcast %mul3A_840 : i32 to vector<16xi32>
      %add3A_842 = arith.addi %iota3A, %add3A_841 : vector<16xi32>
      %jit3A_843 = arith.constant 4 : i32
      %div3A_844 = vector.broadcast %jit3A_843 : i32 to vector<16xi32>
      %div3A_845 = arith.divsi %get3A_838, %div3A_844 : vector<16xi32>
      %sign3A_846 = arith.constant 0 : i32
      %sign3A_847 = vector.broadcast %sign3A_846 : i32 to vector<16xi32>
      %sign3A_848 = arith.cmpi sgt, %get3A_838, %sign3A_847 : vector<16xi32>
      %sign3A_849 = arith.extui %sign3A_848 : vector<16xi1> to vector<16xi32>
      %sign3A_850 = arith.constant 0 : i32
      %sign3A_851 = vector.broadcast %sign3A_850 : i32 to vector<16xi32>
      %sign3A_852 = arith.cmpi slt, %get3A_838, %sign3A_851 : vector<16xi32>
      %sign3A_853 = arith.extui %sign3A_852 : vector<16xi1> to vector<16xi32>
      %sign3A_854 = arith.subi %sign3A_849, %sign3A_853 : vector<16xi32>
      %sign3A_855 = arith.constant 0 : i32
      %sign3A_856 = arith.cmpi sgt, %jit3A_843, %sign3A_855 : i32
      %sign3A_857 = arith.extui %sign3A_856 : i1 to i32
      %sign3A_858 = arith.constant 0 : i32
      %sign3A_859 = arith.cmpi slt, %jit3A_843, %sign3A_858 : i32
      %sign3A_860 = arith.extui %sign3A_859 : i1 to i32
      %sign3A_861 = arith.subi %sign3A_857, %sign3A_860 : i32
      %ne3A_862 = vector.broadcast %sign3A_861 : i32 to vector<16xi32>
      %ne3A_863 = arith.cmpi ne, %sign3A_854, %ne3A_862 : vector<16xi32>
      %rem3A_864 = vector.broadcast %jit3A_843 : i32 to vector<16xi32>
      %rem3A_865 = arith.remsi %get3A_838, %rem3A_864 : vector<16xi32>
      %ne3A_866 = arith.constant 0 : i32
      %ne3A_867 = vector.broadcast %ne3A_866 : i32 to vector<16xi32>
      %ne3A_868 = arith.cmpi ne, %rem3A_865, %ne3A_867 : vector<16xi32>
      %and3A_869 = arith.andi %ne3A_863, %ne3A_868 : vector<16xi1>
      %sub3A_870 = arith.constant 1 : i32
      %sub3A_871 = vector.broadcast %sub3A_870 : i32 to vector<16xi32>
      %sub3A_872 = arith.subi %div3A_845, %sub3A_871 : vector<16xi32>
      %select_n3A_873 = arith.select %and3A_869, %sub3A_872, %div3A_845 : vector<16xi1>, vector<16xi32>
      %jit3A_874 = arith.constant 4 : i32
      %eq3A_875 = arith.constant 0 : i32
      %eq3A_876 = arith.cmpi eq, %jit3A_874, %eq3A_875 : i32
      %jit3A_877 = arith.constant 1 : i32
      %select_n3A_878 = arith.select %eq3A_876, %jit3A_877, %jit3A_874 : i32
      %rem3A_879 = vector.broadcast %select_n3A_878 : i32 to vector<16xi32>
      %rem3A_880 = arith.remsi %get3A_838, %rem3A_879 : vector<16xi32>
      %ne3A_881 = arith.constant 0 : i32
      %ne3A_882 = vector.broadcast %ne3A_881 : i32 to vector<16xi32>
      %ne3A_883 = arith.cmpi ne, %rem3A_880, %ne3A_882 : vector<16xi32>
      %lt3A_884 = arith.constant 0 : i32
      %lt3A_885 = vector.broadcast %lt3A_884 : i32 to vector<16xi32>
      %lt3A_886 = arith.cmpi slt, %rem3A_880, %lt3A_885 : vector<16xi32>
      %lt3A_887 = arith.constant 0 : i32
      %lt3A_888 = arith.cmpi slt, %select_n3A_878, %lt3A_887 : i32
      %ne3A_889 = vector.broadcast %lt3A_888 : i1 to vector<16xi1>
      %ne3A_890 = vector.broadcast %ne3A_889 : vector<16xi1> to vector<16xi1>
      %ne3A_891 = arith.xori %lt3A_886, %ne3A_890 : vector<16xi1>
      %and3A_892 = arith.andi %ne3A_891, %ne3A_883 : vector<16xi1>
      %add3A_893 = vector.broadcast %select_n3A_878 : i32 to vector<16xi32>
      %add3A_894 = arith.addi %rem3A_880, %add3A_893 : vector<16xi32>
      %select_n3A_895 = arith.select %and3A_892, %add3A_894, %rem3A_880 : vector<16xi1>, vector<16xi32>
      %gt3A_896 = arith.constant 0 : i32
      %gt3A_897 = vector.broadcast %gt3A_896 : i32 to vector<16xi32>
      %gt3A_898 = arith.cmpi sgt, %get3A_834, %gt3A_897 : vector<16xi32>
      tpu.vector_store_idx %arg11[%select_n3A_873, %select_n3A_895], %add3A_842 masked %gt3A_898 : memref<256x4xi32, #tpu.memory_space<vmem>>[vector<16xi32>, vector<16xi32>], vector<16xi32>, vector<16xi1>
      %scan3A_899 = arith.constant 0 : i32
      %scan3A_900 = arith.constant 6 : i32
      %scan3A_901 = arith.addi %scan3A_475, %scan3A_900 : i32
      %mul3A_902 = arith.constant 16 : i32
      %mul3A_903 = arith.muli %scan3A_901, %mul3A_902 : i32
      %get3A_904 = arith.index_cast %mul3A_903 : i32 to index
      %get3A_905 = tpu.vector_load %arg9[%get3A_904] {strides = array<i32>} : memref<4096xi32, #tpu.memory_space<vmem>>, vector<16xi32>,
      %mul3A_906 = arith.constant 16 : i32
      %mul3A_907 = arith.muli %scan3A_901, %mul3A_906 : i32
      %get3A_908 = arith.index_cast %mul3A_907 : i32 to index
      %get3A_909 = tpu.vector_load %arg10[%get3A_908] {strides = array<i32>} : memref<4096xi32, #tpu.memory_space<vmem>>, vector<16xi32>,
      %mul3A_910 = arith.constant 16 : i32
      %mul3A_911 = arith.muli %scan3A_901, %mul3A_910 : i32
      %add3A_912 = vector.broadcast %mul3A_911 : i32 to vector<16xi32>
      %add3A_913 = arith.addi %iota3A, %add3A_912 : vector<16xi32>
      %jit3A_914 = arith.constant 4 : i32
      %div3A_915 = vector.broadcast %jit3A_914 : i32 to vector<16xi32>
      %div3A_916 = arith.divsi %get3A_909, %div3A_915 : vector<16xi32>
      %sign3A_917 = arith.constant 0 : i32
      %sign3A_918 = vector.broadcast %sign3A_917 : i32 to vector<16xi32>
      %sign3A_919 = arith.cmpi sgt, %get3A_909, %sign3A_918 : vector<16xi32>
      %sign3A_920 = arith.extui %sign3A_919 : vector<16xi1> to vector<16xi32>
      %sign3A_921 = arith.constant 0 : i32
      %sign3A_922 = vector.broadcast %sign3A_921 : i32 to vector<16xi32>
      %sign3A_923 = arith.cmpi slt, %get3A_909, %sign3A_922 : vector<16xi32>
      %sign3A_924 = arith.extui %sign3A_923 : vector<16xi1> to vector<16xi32>
      %sign3A_925 = arith.subi %sign3A_920, %sign3A_924 : vector<16xi32>
      %sign3A_926 = arith.constant 0 : i32
      %sign3A_927 = arith.cmpi sgt, %jit3A_914, %sign3A_926 : i32
      %sign3A_928 = arith.extui %sign3A_927 : i1 to i32
      %sign3A_929 = arith.constant 0 : i32
      %sign3A_930 = arith.cmpi slt, %jit3A_914, %sign3A_929 : i32
      %sign3A_931 = arith.extui %sign3A_930 : i1 to i32
      %sign3A_932 = arith.subi %sign3A_928, %sign3A_931 : i32
      %ne3A_933 = vector.broadcast %sign3A_932 : i32 to vector<16xi32>
      %ne3A_934 = arith.cmpi ne, %sign3A_925, %ne3A_933 : vector<16xi32>
      %rem3A_935 = vector.broadcast %jit3A_914 : i32 to vector<16xi32>
      %rem3A_936 = arith.remsi %get3A_909, %rem3A_935 : vector<16xi32>
      %ne3A_937 = arith.constant 0 : i32
      %ne3A_938 = vector.broadcast %ne3A_937 : i32 to vector<16xi32>
      %ne3A_939 = arith.cmpi ne, %rem3A_936, %ne3A_938 : vector<16xi32>
      %and3A_940 = arith.andi %ne3A_934, %ne3A_939 : vector<16xi1>
      %sub3A_941 = arith.constant 1 : i32
      %sub3A_942 = vector.broadcast %sub3A_941 : i32 to vector<16xi32>
      %sub3A_943 = arith.subi %div3A_916, %sub3A_942 : vector<16xi32>
      %select_n3A_944 = arith.select %and3A_940, %sub3A_943, %div3A_916 : vector<16xi1>, vector<16xi32>
      %jit3A_945 = arith.constant 4 : i32
      %eq3A_946 = arith.constant 0 : i32
      %eq3A_947 = arith.cmpi eq, %jit3A_945, %eq3A_946 : i32
      %jit3A_948 = arith.constant 1 : i32
      %select_n3A_949 = arith.select %eq3A_947, %jit3A_948, %jit3A_945 : i32
      %rem3A_950 = vector.broadcast %select_n3A_949 : i32 to vector<16xi32>
      %rem3A_951 = arith.remsi %get3A_909, %rem3A_950 : vector<16xi32>
      %ne3A_952 = arith.constant 0 : i32
      %ne3A_953 = vector.broadcast %ne3A_952 : i32 to vector<16xi32>
      %ne3A_954 = arith.cmpi ne, %rem3A_951, %ne3A_953 : vector<16xi32>
      %lt3A_955 = arith.constant 0 : i32
      %lt3A_956 = vector.broadcast %lt3A_955 : i32 to vector<16xi32>
      %lt3A_957 = arith.cmpi slt, %rem3A_951, %lt3A_956 : vector<16xi32>
      %lt3A_958 = arith.constant 0 : i32
      %lt3A_959 = arith.cmpi slt, %select_n3A_949, %lt3A_958 : i32
      %ne3A_960 = vector.broadcast %lt3A_959 : i1 to vector<16xi1>
      %ne3A_961 = vector.broadcast %ne3A_960 : vector<16xi1> to vector<16xi1>
      %ne3A_962 = arith.xori %lt3A_957, %ne3A_961 : vector<16xi1>
      %and3A_963 = arith.andi %ne3A_962, %ne3A_954 : vector<16xi1>
      %add3A_964 = vector.broadcast %select_n3A_949 : i32 to vector<16xi32>
      %add3A_965 = arith.addi %rem3A_951, %add3A_964 : vector<16xi32>
      %select_n3A_966 = arith.select %and3A_963, %add3A_965, %rem3A_951 : vector<16xi1>, vector<16xi32>
      %gt3A_967 = arith.constant 0 : i32
      %gt3A_968 = vector.broadcast %gt3A_967 : i32 to vector<16xi32>
      %gt3A_969 = arith.cmpi sgt, %get3A_905, %gt3A_968 : vector<16xi32>
      tpu.vector_store_idx %arg11[%select_n3A_944, %select_n3A_966], %add3A_913 masked %gt3A_969 : memref<256x4xi32, #tpu.memory_space<vmem>>[vector<16xi32>, vector<16xi32>], vector<16xi32>, vector<16xi1>
      %scan3A_970 = arith.constant 0 : i32
      %scan3A_971 = arith.constant 7 : i32
      %scan3A_972 = arith.addi %scan3A_475, %scan3A_971 : i32
      %mul3A_973 = arith.constant 16 : i32
      %mul3A_974 = arith.muli %scan3A_972, %mul3A_973 : i32
      %get3A_975 = arith.index_cast %mul3A_974 : i32 to index
      %get3A_976 = tpu.vector_load %arg9[%get3A_975] {strides = array<i32>} : memref<4096xi32, #tpu.memory_space<vmem>>, vector<16xi32>,
      %mul3A_977 = arith.constant 16 : i32
      %mul3A_978 = arith.muli %scan3A_972, %mul3A_977 : i32
      %get3A_979 = arith.index_cast %mul3A_978 : i32 to index
      %get3A_980 = tpu.vector_load %arg10[%get3A_979] {strides = array<i32>} : memref<4096xi32, #tpu.memory_space<vmem>>, vector<16xi32>,
      %mul3A_981 = arith.constant 16 : i32
      %mul3A_982 = arith.muli %scan3A_972, %mul3A_981 : i32
      %add3A_983 = vector.broadcast %mul3A_982 : i32 to vector<16xi32>
      %add3A_984 = arith.addi %iota3A, %add3A_983 : vector<16xi32>
      %jit3A_985 = arith.constant 4 : i32
      %div3A_986 = vector.broadcast %jit3A_985 : i32 to vector<16xi32>
      %div3A_987 = arith.divsi %get3A_980, %div3A_986 : vector<16xi32>
      %sign3A_988 = arith.constant 0 : i32
      %sign3A_989 = vector.broadcast %sign3A_988 : i32 to vector<16xi32>
      %sign3A_990 = arith.cmpi sgt, %get3A_980, %sign3A_989 : vector<16xi32>
      %sign3A_991 = arith.extui %sign3A_990 : vector<16xi1> to vector<16xi32>
      %sign3A_992 = arith.constant 0 : i32
      %sign3A_993 = vector.broadcast %sign3A_992 : i32 to vector<16xi32>
      %sign3A_994 = arith.cmpi slt, %get3A_980, %sign3A_993 : vector<16xi32>
      %sign3A_995 = arith.extui %sign3A_994 : vector<16xi1> to vector<16xi32>
      %sign3A_996 = arith.subi %sign3A_991, %sign3A_995 : vector<16xi32>
      %sign3A_997 = arith.constant 0 : i32
      %sign3A_998 = arith.cmpi sgt, %jit3A_985, %sign3A_997 : i32
      %sign3A_999 = arith.extui %sign3A_998 : i1 to i32
      %sign3A_1000 = arith.constant 0 : i32
      %sign3A_1001 = arith.cmpi slt, %jit3A_985, %sign3A_1000 : i32
      %sign3A_1002 = arith.extui %sign3A_1001 : i1 to i32
      %sign3A_1003 = arith.subi %sign3A_999, %sign3A_1002 : i32
      %ne3A_1004 = vector.broadcast %sign3A_1003 : i32 to vector<16xi32>
      %ne3A_1005 = arith.cmpi ne, %sign3A_996, %ne3A_1004 : vector<16xi32>
      %rem3A_1006 = vector.broadcast %jit3A_985 : i32 to vector<16xi32>
      %rem3A_1007 = arith.remsi %get3A_980, %rem3A_1006 : vector<16xi32>
      %ne3A_1008 = arith.constant 0 : i32
      %ne3A_1009 = vector.broadcast %ne3A_1008 : i32 to vector<16xi32>
      %ne3A_1010 = arith.cmpi ne, %rem3A_1007, %ne3A_1009 : vector<16xi32>
      %and3A_1011 = arith.andi %ne3A_1005, %ne3A_1010 : vector<16xi1>
      %sub3A_1012 = arith.constant 1 : i32
      %sub3A_1013 = vector.broadcast %sub3A_1012 : i32 to vector<16xi32>
      %sub3A_1014 = arith.subi %div3A_987, %sub3A_1013 : vector<16xi32>
      %select_n3A_1015 = arith.select %and3A_1011, %sub3A_1014, %div3A_987 : vector<16xi1>, vector<16xi32>
      %jit3A_1016 = arith.constant 4 : i32
      %eq3A_1017 = arith.constant 0 : i32
      %eq3A_1018 = arith.cmpi eq, %jit3A_1016, %eq3A_1017 : i32
      %jit3A_1019 = arith.constant 1 : i32
      %select_n3A_1020 = arith.select %eq3A_1018, %jit3A_1019, %jit3A_1016 : i32
      %rem3A_1021 = vector.broadcast %select_n3A_1020 : i32 to vector<16xi32>
      %rem3A_1022 = arith.remsi %get3A_980, %rem3A_1021 : vector<16xi32>
      %ne3A_1023 = arith.constant 0 : i32
      %ne3A_1024 = vector.broadcast %ne3A_1023 : i32 to vector<16xi32>
      %ne3A_1025 = arith.cmpi ne, %rem3A_1022, %ne3A_1024 : vector<16xi32>
      %lt3A_1026 = arith.constant 0 : i32
      %lt3A_1027 = vector.broadcast %lt3A_1026 : i32 to vector<16xi32>
      %lt3A_1028 = arith.cmpi slt, %rem3A_1022, %lt3A_1027 : vector<16xi32>
      %lt3A_1029 = arith.constant 0 : i32
      %lt3A_1030 = arith.cmpi slt, %select_n3A_1020, %lt3A_1029 : i32
      %ne3A_1031 = vector.broadcast %lt3A_1030 : i1 to vector<16xi1>
      %ne3A_1032 = vector.broadcast %ne3A_1031 : vector<16xi1> to vector<16xi1>
      %ne3A_1033 = arith.xori %lt3A_1028, %ne3A_1032 : vector<16xi1>
      %and3A_1034 = arith.andi %ne3A_1033, %ne3A_1025 : vector<16xi1>
      %add3A_1035 = vector.broadcast %select_n3A_1020 : i32 to vector<16xi32>
      %add3A_1036 = arith.addi %rem3A_1022, %add3A_1035 : vector<16xi32>
      %select_n3A_1037 = arith.select %and3A_1034, %add3A_1036, %rem3A_1022 : vector<16xi1>, vector<16xi32>
      %gt3A_1038 = arith.constant 0 : i32
      %gt3A_1039 = vector.broadcast %gt3A_1038 : i32 to vector<16xi32>
      %gt3A_1040 = arith.cmpi sgt, %get3A_976, %gt3A_1039 : vector<16xi32>
      tpu.vector_store_idx %arg11[%select_n3A_1015, %select_n3A_1037], %add3A_984 masked %gt3A_1040 : memref<256x4xi32, #tpu.memory_space<vmem>>[vector<16xi32>, vector<16xi32>], vector<16xi32>, vector<16xi1>
      %scan3A_1041 = arith.constant 0 : i32
      scf.yield %scan3A_1041 : i32
    }
    %scan3A_13 = arith.constant 256 : i32
    %mul3A_14 = arith.constant 32 : i32
    %mul3A_15 = arith.muli %add3A, %mul3A_14 : i32
    %jit3A = arith.constant 4 : i32
    %div3A = arith.divsi %mul3A_15, %jit3A : i32
    %sign3A = arith.constant 0 : i32
    %sign3A_16 = arith.cmpi sgt, %mul3A_15, %sign3A : i32
    %sign3A_17 = arith.extui %sign3A_16 : i1 to i32
    %sign3A_18 = arith.constant 0 : i32
    %sign3A_19 = arith.cmpi slt, %mul3A_15, %sign3A_18 : i32
    %sign3A_20 = arith.extui %sign3A_19 : i1 to i32
    %sign3A_21 = arith.subi %sign3A_17, %sign3A_20 : i32
    %sign3A_22 = arith.constant 0 : i32
    %sign3A_23 = arith.cmpi sgt, %jit3A, %sign3A_22 : i32
    %sign3A_24 = arith.extui %sign3A_23 : i1 to i32
    %sign3A_25 = arith.constant 0 : i32
    %sign3A_26 = arith.cmpi slt, %jit3A, %sign3A_25 : i32
    %sign3A_27 = arith.extui %sign3A_26 : i1 to i32
    %sign3A_28 = arith.subi %sign3A_24, %sign3A_27 : i32
    %ne3A = arith.cmpi ne, %sign3A_21, %sign3A_28 : i32
    %rem3A = arith.remsi %mul3A_15, %jit3A : i32
    %ne3A_29 = arith.constant 0 : i32
    %ne3A_30 = arith.cmpi ne, %rem3A, %ne3A_29 : i32
    %and3A = arith.andi %ne3A, %ne3A_30 : i1
    %sub3A = arith.constant 1 : i32
    %sub3A_31 = arith.subi %div3A, %sub3A : i32
    %select_n3A = arith.select %and3A, %sub3A_31, %div3A : i32
    %add3A_32 = arith.constant 0 : i32
    %add3A_33 = arith.addi %select_n3A, %add3A_32 : i32
    %dma_start3A = arith.constant 0 : i32
    %dma_start3A_34 = tpu.memref_slice %arg11[%add3A_33, %dma_start3A] : memref<256x4xi32, #tpu.memory_space<vmem>> -> memref<1x4xi32, #tpu.memory_space<vmem>>
    %dma_start3A_35 = tpu.memref_squeeze %dma_start3A_34 : memref<1x4xi32, #tpu.memory_space<vmem>> -> memref<4xi32, #tpu.memory_space<vmem>>
    %dma_start3A_36 = arith.constant 0 : i32
    %dma_start3A_37 = arith.constant 0 : i32
    %dma_start3A_38 = arith.constant 0 : i32
    %dma_start3A_39 = tpu.memref_slice %arg2[%dma_start3A_36, %dma_start3A_37, %dma_start3A_38] : memref<4096x32x128xf32, #tpu.memory_space<hbm>> -> memref<4096x32x128xf32, #tpu.memory_space<hbm>>
    tpu.enqueue_indirect_dma source(%dma_start3A_39 : memref<4096x32x128xf32, #tpu.memory_space<hbm>>) target(%arg13 : memref<4x32x128xf32, #tpu.memory_space<vmem>>) offsets(%dma_start3A_35 : memref<4xi32, #tpu.memory_space<vmem>>) semaphore(%arg18 : memref<!tpu.dma_semaphore, #tpu.memory_space<semaphore_mem>>)
    %dma_start3A_40 = arith.constant 0 : i32
    %dma_start3A_41 = tpu.memref_slice %arg11[%add3A_33, %dma_start3A_40] : memref<256x4xi32, #tpu.memory_space<vmem>> -> memref<1x4xi32, #tpu.memory_space<vmem>>
    %dma_start3A_42 = tpu.memref_squeeze %dma_start3A_41 : memref<1x4xi32, #tpu.memory_space<vmem>> -> memref<4xi32, #tpu.memory_space<vmem>>
    %dma_start3A_43 = arith.constant 0 : i32
    %dma_start3A_44 = arith.constant 0 : i32
    %dma_start3A_45 = arith.constant 0 : i32
    %dma_start3A_46 = tpu.memref_slice %arg3[%dma_start3A_43, %dma_start3A_44, %dma_start3A_45] : memref<4096x32x128xf32, #tpu.memory_space<hbm>> -> memref<4096x32x128xf32, #tpu.memory_space<hbm>>
    tpu.enqueue_indirect_dma source(%dma_start3A_46 : memref<4096x32x128xf32, #tpu.memory_space<hbm>>) target(%arg15 : memref<4x32x128xf32, #tpu.memory_space<vmem>>) offsets(%dma_start3A_42 : memref<4xi32, #tpu.memory_space<vmem>>) semaphore(%arg18 : memref<!tpu.dma_semaphore, #tpu.memory_space<semaphore_mem>>)
    %add3A_47 = arith.constant 1 : i32
    %add3A_48 = arith.addi %select_n3A, %add3A_47 : i32
    %dma_start3A_49 = arith.constant 0 : i32
    %dma_start3A_50 = tpu.memref_slice %arg11[%add3A_48, %dma_start3A_49] : memref<256x4xi32, #tpu.memory_space<vmem>> -> memref<1x4xi32, #tpu.memory_space<vmem>>
    %dma_start3A_51 = tpu.memref_squeeze %dma_start3A_50 : memref<1x4xi32, #tpu.memory_space<vmem>> -> memref<4xi32, #tpu.memory_space<vmem>>
    %dma_start3A_52 = arith.constant 0 : i32
    %dma_start3A_53 = arith.constant 0 : i32
    %dma_start3A_54 = arith.constant 0 : i32
    %dma_start3A_55 = tpu.memref_slice %arg2[%dma_start3A_52, %dma_start3A_53, %dma_start3A_54] : memref<4096x32x128xf32, #tpu.memory_space<hbm>> -> memref<4096x32x128xf32, #tpu.memory_space<hbm>>
    tpu.enqueue_indirect_dma source(%dma_start3A_55 : memref<4096x32x128xf32, #tpu.memory_space<hbm>>) target(%arg14 : memref<4x32x128xf32, #tpu.memory_space<vmem>>) offsets(%dma_start3A_51 : memref<4xi32, #tpu.memory_space<vmem>>) semaphore(%arg18 : memref<!tpu.dma_semaphore, #tpu.memory_space<semaphore_mem>>)
    %dma_start3A_56 = arith.constant 0 : i32
    %dma_start3A_57 = tpu.memref_slice %arg11[%add3A_48, %dma_start3A_56] : memref<256x4xi32, #tpu.memory_space<vmem>> -> memref<1x4xi32, #tpu.memory_space<vmem>>
    %dma_start3A_58 = tpu.memref_squeeze %dma_start3A_57 : memref<1x4xi32, #tpu.memory_space<vmem>> -> memref<4xi32, #tpu.memory_space<vmem>>
    %dma_start3A_59 = arith.constant 0 : i32
    %dma_start3A_60 = arith.constant 0 : i32
    %dma_start3A_61 = arith.constant 0 : i32
    %dma_start3A_62 = tpu.memref_slice %arg3[%dma_start3A_59, %dma_start3A_60, %dma_start3A_61] : memref<4096x32x128xf32, #tpu.memory_space<hbm>> -> memref<4096x32x128xf32, #tpu.memory_space<hbm>>
    tpu.enqueue_indirect_dma source(%dma_start3A_62 : memref<4096x32x128xf32, #tpu.memory_space<hbm>>) target(%arg16 : memref<4x32x128xf32, #tpu.memory_space<vmem>>) offsets(%dma_start3A_58 : memref<4xi32, #tpu.memory_space<vmem>>) semaphore(%arg18 : memref<!tpu.dma_semaphore, #tpu.memory_space<semaphore_mem>>)
    %dma_wait3A = arith.constant 0 : i32
    %dma_wait3A_63 = tpu.memref_slice %arg11[%add3A_33, %dma_wait3A] : memref<256x4xi32, #tpu.memory_space<vmem>> -> memref<1x4xi32, #tpu.memory_space<vmem>>
    %dma_wait3A_64 = tpu.memref_squeeze %dma_wait3A_63 : memref<1x4xi32, #tpu.memory_space<vmem>> -> memref<4xi32, #tpu.memory_space<vmem>>
    %dma_wait3A_65 = arith.constant 0 : i32
    %dma_wait3A_66 = arith.constant 0 : i32
    %dma_wait3A_67 = arith.constant 0 : i32
    %dma_wait3A_68 = tpu.memref_slice %arg2[%dma_wait3A_65, %dma_wait3A_66, %dma_wait3A_67] : memref<4096x32x128xf32, #tpu.memory_space<hbm>> -> memref<4096x32x128xf32, #tpu.memory_space<hbm>>
    tpu.wait_indirect_dma semaphore(%arg18 : memref<!tpu.dma_semaphore, #tpu.memory_space<semaphore_mem>>) src(%dma_wait3A_68 : memref<4096x32x128xf32, #tpu.memory_space<hbm>>) dst(%arg13 : memref<4x32x128xf32, #tpu.memory_space<vmem>>)
    %dma_wait3A_69 = arith.constant 0 : i32
    %dma_wait3A_70 = tpu.memref_slice %arg11[%add3A_33, %dma_wait3A_69] : memref<256x4xi32, #tpu.memory_space<vmem>> -> memref<1x4xi32, #tpu.memory_space<vmem>>
    %dma_wait3A_71 = tpu.memref_squeeze %dma_wait3A_70 : memref<1x4xi32, #tpu.memory_space<vmem>> -> memref<4xi32, #tpu.memory_space<vmem>>
    %dma_wait3A_72 = arith.constant 0 : i32
    %dma_wait3A_73 = arith.constant 0 : i32
    %dma_wait3A_74 = arith.constant 0 : i32
    %dma_wait3A_75 = tpu.memref_slice %arg3[%dma_wait3A_72, %dma_wait3A_73, %dma_wait3A_74] : memref<4096x32x128xf32, #tpu.memory_space<hbm>> -> memref<4096x32x128xf32, #tpu.memory_space<hbm>>
    tpu.wait_indirect_dma semaphore(%arg18 : memref<!tpu.dma_semaphore, #tpu.memory_space<semaphore_mem>>) src(%dma_wait3A_75 : memref<4096x32x128xf32, #tpu.memory_space<hbm>>) dst(%arg15 : memref<4x32x128xf32, #tpu.memory_space<vmem>>)
    %add3A_76 = arith.constant 0 : i32
    %add3A_77 = arith.addi %mul3A_15, %add3A_76 : i32
    %dma_start3A_78 = arith.constant 0 : i32
    %dma_start3A_79 = arith.constant 0 : i32
    %dma_start3A_80 = tpu.memref_slice %arg7[%add3A_77, %dma_start3A_78, %dma_start3A_79] : memref<4096x32x128xf32, #tpu.memory_space<hbm>> -> memref<4x32x128xf32, #tpu.memory_space<hbm>>
    %dma_start3A_81 = arith.constant 0 : i32
    %dma_start3A_82 = arith.constant 0 : i32
    %dma_start3A_83 = tpu.memref_slice %arg7[%add3A_77, %dma_start3A_81, %dma_start3A_82] : memref<4096x32x128xf32, #tpu.memory_space<hbm>> -> memref<4x32x128xf32, #tpu.memory_space<hbm>>
    tpu.enqueue_dma source(%arg13 : memref<4x32x128xf32, #tpu.memory_space<vmem>>) target(%dma_start3A_83 : memref<4x32x128xf32, #tpu.memory_space<hbm>>) target_semaphore(%arg19 : memref<!tpu.dma_semaphore, #tpu.memory_space<semaphore_mem>>)
    %dma_start3A_84 = arith.constant 0 : i32
    %dma_start3A_85 = arith.constant 0 : i32
    %dma_start3A_86 = tpu.memref_slice %arg8[%add3A_77, %dma_start3A_84, %dma_start3A_85] : memref<4096x32x128xf32, #tpu.memory_space<hbm>> -> memref<4x32x128xf32, #tpu.memory_space<hbm>>
    %dma_start3A_87 = arith.constant 0 : i32
    %dma_start3A_88 = arith.constant 0 : i32
    %dma_start3A_89 = tpu.memref_slice %arg8[%add3A_77, %dma_start3A_87, %dma_start3A_88] : memref<4096x32x128xf32, #tpu.memory_space<hbm>> -> memref<4x32x128xf32, #tpu.memory_space<hbm>>
    tpu.enqueue_dma source(%arg15 : memref<4x32x128xf32, #tpu.memory_space<vmem>>) target(%dma_start3A_89 : memref<4x32x128xf32, #tpu.memory_space<hbm>>) target_semaphore(%arg19 : memref<!tpu.dma_semaphore, #tpu.memory_space<semaphore_mem>>)
    %dma_wait3A_90 = arith.constant 0 : i32
    %dma_wait3A_91 = arith.constant 0 : i32
    %dma_wait3A_92 = tpu.memref_slice %arg7[%add3A_77, %dma_wait3A_90, %dma_wait3A_91] : memref<4096x32x128xf32, #tpu.memory_space<hbm>> -> memref<4x32x128xf32, #tpu.memory_space<hbm>>
    %dma_wait3A_93 = arith.constant 0 : i32
    %dma_wait3A_94 = arith.constant 0 : i32
    %dma_wait3A_95 = tpu.memref_slice %arg7[%add3A_77, %dma_wait3A_93, %dma_wait3A_94] : memref<4096x32x128xf32, #tpu.memory_space<hbm>> -> memref<4x32x128xf32, #tpu.memory_space<hbm>>
    tpu.wait_dma2 semaphore(%arg19 : memref<!tpu.dma_semaphore, #tpu.memory_space<semaphore_mem>>) src(%arg13 : memref<4x32x128xf32, #tpu.memory_space<vmem>>) dst(%dma_wait3A_95 : memref<4x32x128xf32, #tpu.memory_space<hbm>>)
    %dma_wait3A_96 = arith.constant 0 : i32
    %dma_wait3A_97 = arith.constant 0 : i32
    %dma_wait3A_98 = tpu.memref_slice %arg8[%add3A_77, %dma_wait3A_96, %dma_wait3A_97] : memref<4096x32x128xf32, #tpu.memory_space<hbm>> -> memref<4x32x128xf32, #tpu.memory_space<hbm>>
    %dma_wait3A_99 = arith.constant 0 : i32
    %dma_wait3A_100 = arith.constant 0 : i32
    %dma_wait3A_101 = tpu.memref_slice %arg8[%add3A_77, %dma_wait3A_99, %dma_wait3A_100] : memref<4096x32x128xf32, #tpu.memory_space<hbm>> -> memref<4x32x128xf32, #tpu.memory_space<hbm>>
    tpu.wait_dma2 semaphore(%arg19 : memref<!tpu.dma_semaphore, #tpu.memory_space<semaphore_mem>>) src(%arg15 : memref<4x32x128xf32, #tpu.memory_space<vmem>>) dst(%dma_wait3A_101 : memref<4x32x128xf32, #tpu.memory_space<hbm>>)
    %add3A_102 = arith.constant 2 : i32
    %add3A_103 = arith.addi %select_n3A, %add3A_102 : i32
    %dma_start3A_104 = arith.constant 0 : i32
    %dma_start3A_105 = tpu.memref_slice %arg11[%add3A_103, %dma_start3A_104] : memref<256x4xi32, #tpu.memory_space<vmem>> -> memref<1x4xi32, #tpu.memory_space<vmem>>
    %dma_start3A_106 = tpu.memref_squeeze %dma_start3A_105 : memref<1x4xi32, #tpu.memory_space<vmem>> -> memref<4xi32, #tpu.memory_space<vmem>>
    %dma_start3A_107 = arith.constant 0 : i32
    %dma_start3A_108 = arith.constant 0 : i32
    %dma_start3A_109 = arith.constant 0 : i32
    %dma_start3A_110 = tpu.memref_slice %arg2[%dma_start3A_107, %dma_start3A_108, %dma_start3A_109] : memref<4096x32x128xf32, #tpu.memory_space<hbm>> -> memref<4096x32x128xf32, #tpu.memory_space<hbm>>
    tpu.enqueue_indirect_dma source(%dma_start3A_110 : memref<4096x32x128xf32, #tpu.memory_space<hbm>>) target(%arg13 : memref<4x32x128xf32, #tpu.memory_space<vmem>>) offsets(%dma_start3A_106 : memref<4xi32, #tpu.memory_space<vmem>>) semaphore(%arg18 : memref<!tpu.dma_semaphore, #tpu.memory_space<semaphore_mem>>)
    %dma_start3A_111 = arith.constant 0 : i32
    %dma_start3A_112 = tpu.memref_slice %arg11[%add3A_103, %dma_start3A_111] : memref<256x4xi32, #tpu.memory_space<vmem>> -> memref<1x4xi32, #tpu.memory_space<vmem>>
    %dma_start3A_113 = tpu.memref_squeeze %dma_start3A_112 : memref<1x4xi32, #tpu.memory_space<vmem>> -> memref<4xi32, #tpu.memory_space<vmem>>
    %dma_start3A_114 = arith.constant 0 : i32
    %dma_start3A_115 = arith.constant 0 : i32
    %dma_start3A_116 = arith.constant 0 : i32
    %dma_start3A_117 = tpu.memref_slice %arg3[%dma_start3A_114, %dma_start3A_115, %dma_start3A_116] : memref<4096x32x128xf32, #tpu.memory_space<hbm>> -> memref<4096x32x128xf32, #tpu.memory_space<hbm>>
    tpu.enqueue_indirect_dma source(%dma_start3A_117 : memref<4096x32x128xf32, #tpu.memory_space<hbm>>) target(%arg15 : memref<4x32x128xf32, #tpu.memory_space<vmem>>) offsets(%dma_start3A_113 : memref<4xi32, #tpu.memory_space<vmem>>) semaphore(%arg18 : memref<!tpu.dma_semaphore, #tpu.memory_space<semaphore_mem>>)
    %dma_wait3A_118 = arith.constant 0 : i32
    %dma_wait3A_119 = tpu.memref_slice %arg11[%add3A_48, %dma_wait3A_118] : memref<256x4xi32, #tpu.memory_space<vmem>> -> memref<1x4xi32, #tpu.memory_space<vmem>>
    %dma_wait3A_120 = tpu.memref_squeeze %dma_wait3A_119 : memref<1x4xi32, #tpu.memory_space<vmem>> -> memref<4xi32, #tpu.memory_space<vmem>>
    %dma_wait3A_121 = arith.constant 0 : i32
    %dma_wait3A_122 = arith.constant 0 : i32
    %dma_wait3A_123 = arith.constant 0 : i32
    %dma_wait3A_124 = tpu.memref_slice %arg2[%dma_wait3A_121, %dma_wait3A_122, %dma_wait3A_123] : memref<4096x32x128xf32, #tpu.memory_space<hbm>> -> memref<4096x32x128xf32, #tpu.memory_space<hbm>>
    tpu.wait_indirect_dma semaphore(%arg18 : memref<!tpu.dma_semaphore, #tpu.memory_space<semaphore_mem>>) src(%dma_wait3A_124 : memref<4096x32x128xf32, #tpu.memory_space<hbm>>) dst(%arg14 : memref<4x32x128xf32, #tpu.memory_space<vmem>>)
    %dma_wait3A_125 = arith.constant 0 : i32
    %dma_wait3A_126 = tpu.memref_slice %arg11[%add3A_48, %dma_wait3A_125] : memref<256x4xi32, #tpu.memory_space<vmem>> -> memref<1x4xi32, #tpu.memory_space<vmem>>
    %dma_wait3A_127 = tpu.memref_squeeze %dma_wait3A_126 : memref<1x4xi32, #tpu.memory_space<vmem>> -> memref<4xi32, #tpu.memory_space<vmem>>
    %dma_wait3A_128 = arith.constant 0 : i32
    %dma_wait3A_129 = arith.constant 0 : i32
    %dma_wait3A_130 = arith.constant 0 : i32
    %dma_wait3A_131 = tpu.memref_slice %arg3[%dma_wait3A_128, %dma_wait3A_129, %dma_wait3A_130] : memref<4096x32x128xf32, #tpu.memory_space<hbm>> -> memref<4096x32x128xf32, #tpu.memory_space<hbm>>
    tpu.wait_indirect_dma semaphore(%arg18 : memref<!tpu.dma_semaphore, #tpu.memory_space<semaphore_mem>>) src(%dma_wait3A_131 : memref<4096x32x128xf32, #tpu.memory_space<hbm>>) dst(%arg16 : memref<4x32x128xf32, #tpu.memory_space<vmem>>)
    %add3A_132 = arith.constant 4 : i32
    %add3A_133 = arith.addi %mul3A_15, %add3A_132 : i32
    %dma_start3A_134 = arith.constant 0 : i32
    %dma_start3A_135 = arith.constant 0 : i32
    %dma_start3A_136 = tpu.memref_slice %arg7[%add3A_133, %dma_start3A_134, %dma_start3A_135] : memref<4096x32x128xf32, #tpu.memory_space<hbm>> -> memref<4x32x128xf32, #tpu.memory_space<hbm>>
    %dma_start3A_137 = arith.constant 0 : i32
    %dma_start3A_138 = arith.constant 0 : i32
    %dma_start3A_139 = tpu.memref_slice %arg7[%add3A_133, %dma_start3A_137, %dma_start3A_138] : memref<4096x32x128xf32, #tpu.memory_space<hbm>> -> memref<4x32x128xf32, #tpu.memory_space<hbm>>
    tpu.enqueue_dma source(%arg14 : memref<4x32x128xf32, #tpu.memory_space<vmem>>) target(%dma_start3A_139 : memref<4x32x128xf32, #tpu.memory_space<hbm>>) target_semaphore(%arg19 : memref<!tpu.dma_semaphore, #tpu.memory_space<semaphore_mem>>)
    %dma_start3A_140 = arith.constant 0 : i32
    %dma_start3A_141 = arith.constant 0 : i32
    %dma_start3A_142 = tpu.memref_slice %arg8[%add3A_133, %dma_start3A_140, %dma_start3A_141] : memref<4096x32x128xf32, #tpu.memory_space<hbm>> -> memref<4x32x128xf32, #tpu.memory_space<hbm>>
    %dma_start3A_143 = arith.constant 0 : i32
    %dma_start3A_144 = arith.constant 0 : i32
    %dma_start3A_145 = tpu.memref_slice %arg8[%add3A_133, %dma_start3A_143, %dma_start3A_144] : memref<4096x32x128xf32, #tpu.memory_space<hbm>> -> memref<4x32x128xf32, #tpu.memory_space<hbm>>
    tpu.enqueue_dma source(%arg16 : memref<4x32x128xf32, #tpu.memory_space<vmem>>) target(%dma_start3A_145 : memref<4x32x128xf32, #tpu.memory_space<hbm>>) target_semaphore(%arg19 : memref<!tpu.dma_semaphore, #tpu.memory_space<semaphore_mem>>)
    %dma_wait3A_146 = arith.constant 0 : i32
    %dma_wait3A_147 = arith.constant 0 : i32
    %dma_wait3A_148 = tpu.memref_slice %arg7[%add3A_133, %dma_wait3A_146, %dma_wait3A_147] : memref<4096x32x128xf32, #tpu.memory_space<hbm>> -> memref<4x32x128xf32, #tpu.memory_space<hbm>>
    %dma_wait3A_149 = arith.constant 0 : i32
    %dma_wait3A_150 = arith.constant 0 : i32
    %dma_wait3A_151 = tpu.memref_slice %arg7[%add3A_133, %dma_wait3A_149, %dma_wait3A_150] : memref<4096x32x128xf32, #tpu.memory_space<hbm>> -> memref<4x32x128xf32, #tpu.memory_space<hbm>>
    tpu.wait_dma2 semaphore(%arg19 : memref<!tpu.dma_semaphore, #tpu.memory_space<semaphore_mem>>) src(%arg14 : memref<4x32x128xf32, #tpu.memory_space<vmem>>) dst(%dma_wait3A_151 : memref<4x32x128xf32, #tpu.memory_space<hbm>>)
    %dma_wait3A_152 = arith.constant 0 : i32
    %dma_wait3A_153 = arith.constant 0 : i32
    %dma_wait3A_154 = tpu.memref_slice %arg8[%add3A_133, %dma_wait3A_152, %dma_wait3A_153] : memref<4096x32x128xf32, #tpu.memory_space<hbm>> -> memref<4x32x128xf32, #tpu.memory_space<hbm>>
    %dma_wait3A_155 = arith.constant 0 : i32
    %dma_wait3A_156 = arith.constant 0 : i32
    %dma_wait3A_157 = tpu.memref_slice %arg8[%add3A_133, %dma_wait3A_155, %dma_wait3A_156] : memref<4096x32x128xf32, #tpu.memory_space<hbm>> -> memref<4x32x128xf32, #tpu.memory_space<hbm>>
    tpu.wait_dma2 semaphore(%arg19 : memref<!tpu.dma_semaphore, #tpu.memory_space<semaphore_mem>>) src(%arg16 : memref<4x32x128xf32, #tpu.memory_space<vmem>>) dst(%dma_wait3A_157 : memref<4x32x128xf32, #tpu.memory_space<hbm>>)
    %add3A_158 = arith.constant 3 : i32
    %add3A_159 = arith.addi %select_n3A, %add3A_158 : i32
    %dma_start3A_160 = arith.constant 0 : i32
    %dma_start3A_161 = tpu.memref_slice %arg11[%add3A_159, %dma_start3A_160] : memref<256x4xi32, #tpu.memory_space<vmem>> -> memref<1x4xi32, #tpu.memory_space<vmem>>
    %dma_start3A_162 = tpu.memref_squeeze %dma_start3A_161 : memref<1x4xi32, #tpu.memory_space<vmem>> -> memref<4xi32, #tpu.memory_space<vmem>>
    %dma_start3A_163 = arith.constant 0 : i32
    %dma_start3A_164 = arith.constant 0 : i32
    %dma_start3A_165 = arith.constant 0 : i32
    %dma_start3A_166 = tpu.memref_slice %arg2[%dma_start3A_163, %dma_start3A_164, %dma_start3A_165] : memref<4096x32x128xf32, #tpu.memory_space<hbm>> -> memref<4096x32x128xf32, #tpu.memory_space<hbm>>
    tpu.enqueue_indirect_dma source(%dma_start3A_166 : memref<4096x32x128xf32, #tpu.memory_space<hbm>>) target(%arg14 : memref<4x32x128xf32, #tpu.memory_space<vmem>>) offsets(%dma_start3A_162 : memref<4xi32, #tpu.memory_space<vmem>>) semaphore(%arg18 : memref<!tpu.dma_semaphore, #tpu.memory_space<semaphore_mem>>)
    %dma_start3A_167 = arith.constant 0 : i32
    %dma_start3A_168 = tpu.memref_slice %arg11[%add3A_159, %dma_start3A_167] : memref<256x4xi32, #tpu.memory_space<vmem>> -> memref<1x4xi32, #tpu.memory_space<vmem>>
    %dma_start3A_169 = tpu.memref_squeeze %dma_start3A_168 : memref<1x4xi32, #tpu.memory_space<vmem>> -> memref<4xi32, #tpu.memory_space<vmem>>
    %dma_start3A_170 = arith.constant 0 : i32
    %dma_start3A_171 = arith.constant 0 : i32
    %dma_start3A_172 = arith.constant 0 : i32
    %dma_start3A_173 = tpu.memref_slice %arg3[%dma_start3A_170, %dma_start3A_171, %dma_start3A_172] : memref<4096x32x128xf32, #tpu.memory_space<hbm>> -> memref<4096x32x128xf32, #tpu.memory_space<hbm>>
    tpu.enqueue_indirect_dma source(%dma_start3A_173 : memref<4096x32x128xf32, #tpu.memory_space<hbm>>) target(%arg16 : memref<4x32x128xf32, #tpu.memory_space<vmem>>) offsets(%dma_start3A_169 : memref<4xi32, #tpu.memory_space<vmem>>) semaphore(%arg18 : memref<!tpu.dma_semaphore, #tpu.memory_space<semaphore_mem>>)
    %dma_wait3A_174 = arith.constant 0 : i32
    %dma_wait3A_175 = tpu.memref_slice %arg11[%add3A_103, %dma_wait3A_174] : memref<256x4xi32, #tpu.memory_space<vmem>> -> memref<1x4xi32, #tpu.memory_space<vmem>>
    %dma_wait3A_176 = tpu.memref_squeeze %dma_wait3A_175 : memref<1x4xi32, #tpu.memory_space<vmem>> -> memref<4xi32, #tpu.memory_space<vmem>>
    %dma_wait3A_177 = arith.constant 0 : i32
    %dma_wait3A_178 = arith.constant 0 : i32
    %dma_wait3A_179 = arith.constant 0 : i32
    %dma_wait3A_180 = tpu.memref_slice %arg2[%dma_wait3A_177, %dma_wait3A_178, %dma_wait3A_179] : memref<4096x32x128xf32, #tpu.memory_space<hbm>> -> memref<4096x32x128xf32, #tpu.memory_space<hbm>>
    tpu.wait_indirect_dma semaphore(%arg18 : memref<!tpu.dma_semaphore, #tpu.memory_space<semaphore_mem>>) src(%dma_wait3A_180 : memref<4096x32x128xf32, #tpu.memory_space<hbm>>) dst(%arg13 : memref<4x32x128xf32, #tpu.memory_space<vmem>>)
    %dma_wait3A_181 = arith.constant 0 : i32
    %dma_wait3A_182 = tpu.memref_slice %arg11[%add3A_103, %dma_wait3A_181] : memref<256x4xi32, #tpu.memory_space<vmem>> -> memref<1x4xi32, #tpu.memory_space<vmem>>
    %dma_wait3A_183 = tpu.memref_squeeze %dma_wait3A_182 : memref<1x4xi32, #tpu.memory_space<vmem>> -> memref<4xi32, #tpu.memory_space<vmem>>
    %dma_wait3A_184 = arith.constant 0 : i32
    %dma_wait3A_185 = arith.constant 0 : i32
    %dma_wait3A_186 = arith.constant 0 : i32
    %dma_wait3A_187 = tpu.memref_slice %arg3[%dma_wait3A_184, %dma_wait3A_185, %dma_wait3A_186] : memref<4096x32x128xf32, #tpu.memory_space<hbm>> -> memref<4096x32x128xf32, #tpu.memory_space<hbm>>
    tpu.wait_indirect_dma semaphore(%arg18 : memref<!tpu.dma_semaphore, #tpu.memory_space<semaphore_mem>>) src(%dma_wait3A_187 : memref<4096x32x128xf32, #tpu.memory_space<hbm>>) dst(%arg15 : memref<4x32x128xf32, #tpu.memory_space<vmem>>)
    %add3A_188 = arith.constant 8 : i32
    %add3A_189 = arith.addi %mul3A_15, %add3A_188 : i32
    %dma_start3A_190 = arith.constant 0 : i32
    %dma_start3A_191 = arith.constant 0 : i32
    %dma_start3A_192 = tpu.memref_slice %arg7[%add3A_189, %dma_start3A_190, %dma_start3A_191] : memref<4096x32x128xf32, #tpu.memory_space<hbm>> -> memref<4x32x128xf32, #tpu.memory_space<hbm>>
    %dma_start3A_193 = arith.constant 0 : i32
    %dma_start3A_194 = arith.constant 0 : i32
    %dma_start3A_195 = tpu.memref_slice %arg7[%add3A_189, %dma_start3A_193, %dma_start3A_194] : memref<4096x32x128xf32, #tpu.memory_space<hbm>> -> memref<4x32x128xf32, #tpu.memory_space<hbm>>
    tpu.enqueue_dma source(%arg13 : memref<4x32x128xf32, #tpu.memory_space<vmem>>) target(%dma_start3A_195 : memref<4x32x128xf32, #tpu.memory_space<hbm>>) target_semaphore(%arg19 : memref<!tpu.dma_semaphore, #tpu.memory_space<semaphore_mem>>)
    %dma_start3A_196 = arith.constant 0 : i32
    %dma_start3A_197 = arith.constant 0 : i32
    %dma_start3A_198 = tpu.memref_slice %arg8[%add3A_189, %dma_start3A_196, %dma_start3A_197] : memref<4096x32x128xf32, #tpu.memory_space<hbm>> -> memref<4x32x128xf32, #tpu.memory_space<hbm>>
    %dma_start3A_199 = arith.constant 0 : i32
    %dma_start3A_200 = arith.constant 0 : i32
    %dma_start3A_201 = tpu.memref_slice %arg8[%add3A_189, %dma_start3A_199, %dma_start3A_200] : memref<4096x32x128xf32, #tpu.memory_space<hbm>> -> memref<4x32x128xf32, #tpu.memory_space<hbm>>
    tpu.enqueue_dma source(%arg15 : memref<4x32x128xf32, #tpu.memory_space<vmem>>) target(%dma_start3A_201 : memref<4x32x128xf32, #tpu.memory_space<hbm>>) target_semaphore(%arg19 : memref<!tpu.dma_semaphore, #tpu.memory_space<semaphore_mem>>)
    %dma_wait3A_202 = arith.constant 0 : i32
    %dma_wait3A_203 = arith.constant 0 : i32
    %dma_wait3A_204 = tpu.memref_slice %arg7[%add3A_189, %dma_wait3A_202, %dma_wait3A_203] : memref<4096x32x128xf32, #tpu.memory_space<hbm>> -> memref<4x32x128xf32, #tpu.memory_space<hbm>>
    %dma_wait3A_205 = arith.constant 0 : i32
    %dma_wait3A_206 = arith.constant 0 : i32
    %dma_wait3A_207 = tpu.memref_slice %arg7[%add3A_189, %dma_wait3A_205, %dma_wait3A_206] : memref<4096x32x128xf32, #tpu.memory_space<hbm>> -> memref<4x32x128xf32, #tpu.memory_space<hbm>>
    tpu.wait_dma2 semaphore(%arg19 : memref<!tpu.dma_semaphore, #tpu.memory_space<semaphore_mem>>) src(%arg13 : memref<4x32x128xf32, #tpu.memory_space<vmem>>) dst(%dma_wait3A_207 : memref<4x32x128xf32, #tpu.memory_space<hbm>>)
    %dma_wait3A_208 = arith.constant 0 : i32
    %dma_wait3A_209 = arith.constant 0 : i32
    %dma_wait3A_210 = tpu.memref_slice %arg8[%add3A_189, %dma_wait3A_208, %dma_wait3A_209] : memref<4096x32x128xf32, #tpu.memory_space<hbm>> -> memref<4x32x128xf32, #tpu.memory_space<hbm>>
    %dma_wait3A_211 = arith.constant 0 : i32
    %dma_wait3A_212 = arith.constant 0 : i32
    %dma_wait3A_213 = tpu.memref_slice %arg8[%add3A_189, %dma_wait3A_211, %dma_wait3A_212] : memref<4096x32x128xf32, #tpu.memory_space<hbm>> -> memref<4x32x128xf32, #tpu.memory_space<hbm>>
    tpu.wait_dma2 semaphore(%arg19 : memref<!tpu.dma_semaphore, #tpu.memory_space<semaphore_mem>>) src(%arg15 : memref<4x32x128xf32, #tpu.memory_space<vmem>>) dst(%dma_wait3A_213 : memref<4x32x128xf32, #tpu.memory_space<hbm>>)
    %add3A_214 = arith.constant 4 : i32
    %add3A_215 = arith.addi %select_n3A, %add3A_214 : i32
    %dma_start3A_216 = arith.constant 0 : i32
    %dma_start3A_217 = tpu.memref_slice %arg11[%add3A_215, %dma_start3A_216] : memref<256x4xi32, #tpu.memory_space<vmem>> -> memref<1x4xi32, #tpu.memory_space<vmem>>
    %dma_start3A_218 = tpu.memref_squeeze %dma_start3A_217 : memref<1x4xi32, #tpu.memory_space<vmem>> -> memref<4xi32, #tpu.memory_space<vmem>>
    %dma_start3A_219 = arith.constant 0 : i32
    %dma_start3A_220 = arith.constant 0 : i32
    %dma_start3A_221 = arith.constant 0 : i32
    %dma_start3A_222 = tpu.memref_slice %arg2[%dma_start3A_219, %dma_start3A_220, %dma_start3A_221] : memref<4096x32x128xf32, #tpu.memory_space<hbm>> -> memref<4096x32x128xf32, #tpu.memory_space<hbm>>
    tpu.enqueue_indirect_dma source(%dma_start3A_222 : memref<4096x32x128xf32, #tpu.memory_space<hbm>>) target(%arg13 : memref<4x32x128xf32, #tpu.memory_space<vmem>>) offsets(%dma_start3A_218 : memref<4xi32, #tpu.memory_space<vmem>>) semaphore(%arg18 : memref<!tpu.dma_semaphore, #tpu.memory_space<semaphore_mem>>)
    %dma_start3A_223 = arith.constant 0 : i32
    %dma_start3A_224 = tpu.memref_slice %arg11[%add3A_215, %dma_start3A_223] : memref<256x4xi32, #tpu.memory_space<vmem>> -> memref<1x4xi32, #tpu.memory_space<vmem>>
    %dma_start3A_225 = tpu.memref_squeeze %dma_start3A_224 : memref<1x4xi32, #tpu.memory_space<vmem>> -> memref<4xi32, #tpu.memory_space<vmem>>
    %dma_start3A_226 = arith.constant 0 : i32
    %dma_start3A_227 = arith.constant 0 : i32
    %dma_start3A_228 = arith.constant 0 : i32
    %dma_start3A_229 = tpu.memref_slice %arg3[%dma_start3A_226, %dma_start3A_227, %dma_start3A_228] : memref<4096x32x128xf32, #tpu.memory_space<hbm>> -> memref<4096x32x128xf32, #tpu.memory_space<hbm>>
    tpu.enqueue_indirect_dma source(%dma_start3A_229 : memref<4096x32x128xf32, #tpu.memory_space<hbm>>) target(%arg15 : memref<4x32x128xf32, #tpu.memory_space<vmem>>) offsets(%dma_start3A_225 : memref<4xi32, #tpu.memory_space<vmem>>) semaphore(%arg18 : memref<!tpu.dma_semaphore, #tpu.memory_space<semaphore_mem>>)
    %dma_wait3A_230 = arith.constant 0 : i32
    %dma_wait3A_231 = tpu.memref_slice %arg11[%add3A_159, %dma_wait3A_230] : memref<256x4xi32, #tpu.memory_space<vmem>> -> memref<1x4xi32, #tpu.memory_space<vmem>>
    %dma_wait3A_232 = tpu.memref_squeeze %dma_wait3A_231 : memref<1x4xi32, #tpu.memory_space<vmem>> -> memref<4xi32, #tpu.memory_space<vmem>>
    %dma_wait3A_233 = arith.constant 0 : i32
    %dma_wait3A_234 = arith.constant 0 : i32
    %dma_wait3A_235 = arith.constant 0 : i32
    %dma_wait3A_236 = tpu.memref_slice %arg2[%dma_wait3A_233, %dma_wait3A_234, %dma_wait3A_235] : memref<4096x32x128xf32, #tpu.memory_space<hbm>> -> memref<4096x32x128xf32, #tpu.memory_space<hbm>>
    tpu.wait_indirect_dma semaphore(%arg18 : memref<!tpu.dma_semaphore, #tpu.memory_space<semaphore_mem>>) src(%dma_wait3A_236 : memref<4096x32x128xf32, #tpu.memory_space<hbm>>) dst(%arg14 : memref<4x32x128xf32, #tpu.memory_space<vmem>>)
    %dma_wait3A_237 = arith.constant 0 : i32
    %dma_wait3A_238 = tpu.memref_slice %arg11[%add3A_159, %dma_wait3A_237] : memref<256x4xi32, #tpu.memory_space<vmem>> -> memref<1x4xi32, #tpu.memory_space<vmem>>
    %dma_wait3A_239 = tpu.memref_squeeze %dma_wait3A_238 : memref<1x4xi32, #tpu.memory_space<vmem>> -> memref<4xi32, #tpu.memory_space<vmem>>
    %dma_wait3A_240 = arith.constant 0 : i32
    %dma_wait3A_241 = arith.constant 0 : i32
    %dma_wait3A_242 = arith.constant 0 : i32
    %dma_wait3A_243 = tpu.memref_slice %arg3[%dma_wait3A_240, %dma_wait3A_241, %dma_wait3A_242] : memref<4096x32x128xf32, #tpu.memory_space<hbm>> -> memref<4096x32x128xf32, #tpu.memory_space<hbm>>
    tpu.wait_indirect_dma semaphore(%arg18 : memref<!tpu.dma_semaphore, #tpu.memory_space<semaphore_mem>>) src(%dma_wait3A_243 : memref<4096x32x128xf32, #tpu.memory_space<hbm>>) dst(%arg16 : memref<4x32x128xf32, #tpu.memory_space<vmem>>)
    %add3A_244 = arith.constant 12 : i32
    %add3A_245 = arith.addi %mul3A_15, %add3A_244 : i32
    %dma_start3A_246 = arith.constant 0 : i32
    %dma_start3A_247 = arith.constant 0 : i32
    %dma_start3A_248 = tpu.memref_slice %arg7[%add3A_245, %dma_start3A_246, %dma_start3A_247] : memref<4096x32x128xf32, #tpu.memory_space<hbm>> -> memref<4x32x128xf32, #tpu.memory_space<hbm>>
    %dma_start3A_249 = arith.constant 0 : i32
    %dma_start3A_250 = arith.constant 0 : i32
    %dma_start3A_251 = tpu.memref_slice %arg7[%add3A_245, %dma_start3A_249, %dma_start3A_250] : memref<4096x32x128xf32, #tpu.memory_space<hbm>> -> memref<4x32x128xf32, #tpu.memory_space<hbm>>
    tpu.enqueue_dma source(%arg14 : memref<4x32x128xf32, #tpu.memory_space<vmem>>) target(%dma_start3A_251 : memref<4x32x128xf32, #tpu.memory_space<hbm>>) target_semaphore(%arg19 : memref<!tpu.dma_semaphore, #tpu.memory_space<semaphore_mem>>)
    %dma_start3A_252 = arith.constant 0 : i32
    %dma_start3A_253 = arith.constant 0 : i32
    %dma_start3A_254 = tpu.memref_slice %arg8[%add3A_245, %dma_start3A_252, %dma_start3A_253] : memref<4096x32x128xf32, #tpu.memory_space<hbm>> -> memref<4x32x128xf32, #tpu.memory_space<hbm>>
    %dma_start3A_255 = arith.constant 0 : i32
    %dma_start3A_256 = arith.constant 0 : i32
    %dma_start3A_257 = tpu.memref_slice %arg8[%add3A_245, %dma_start3A_255, %dma_start3A_256] : memref<4096x32x128xf32, #tpu.memory_space<hbm>> -> memref<4x32x128xf32, #tpu.memory_space<hbm>>
    tpu.enqueue_dma source(%arg16 : memref<4x32x128xf32, #tpu.memory_space<vmem>>) target(%dma_start3A_257 : memref<4x32x128xf32, #tpu.memory_space<hbm>>) target_semaphore(%arg19 : memref<!tpu.dma_semaphore, #tpu.memory_space<semaphore_mem>>)
    %dma_wait3A_258 = arith.constant 0 : i32
    %dma_wait3A_259 = arith.constant 0 : i32
    %dma_wait3A_260 = tpu.memref_slice %arg7[%add3A_245, %dma_wait3A_258, %dma_wait3A_259] : memref<4096x32x128xf32, #tpu.memory_space<hbm>> -> memref<4x32x128xf32, #tpu.memory_space<hbm>>
    %dma_wait3A_261 = arith.constant 0 : i32
    %dma_wait3A_262 = arith.constant 0 : i32
    %dma_wait3A_263 = tpu.memref_slice %arg7[%add3A_245, %dma_wait3A_261, %dma_wait3A_262] : memref<4096x32x128xf32, #tpu.memory_space<hbm>> -> memref<4x32x128xf32, #tpu.memory_space<hbm>>
    tpu.wait_dma2 semaphore(%arg19 : memref<!tpu.dma_semaphore, #tpu.memory_space<semaphore_mem>>) src(%arg14 : memref<4x32x128xf32, #tpu.memory_space<vmem>>) dst(%dma_wait3A_263 : memref<4x32x128xf32, #tpu.memory_space<hbm>>)
    %dma_wait3A_264 = arith.constant 0 : i32
    %dma_wait3A_265 = arith.constant 0 : i32
    %dma_wait3A_266 = tpu.memref_slice %arg8[%add3A_245, %dma_wait3A_264, %dma_wait3A_265] : memref<4096x32x128xf32, #tpu.memory_space<hbm>> -> memref<4x32x128xf32, #tpu.memory_space<hbm>>
    %dma_wait3A_267 = arith.constant 0 : i32
    %dma_wait3A_268 = arith.constant 0 : i32
    %dma_wait3A_269 = tpu.memref_slice %arg8[%add3A_245, %dma_wait3A_267, %dma_wait3A_268] : memref<4096x32x128xf32, #tpu.memory_space<hbm>> -> memref<4x32x128xf32, #tpu.memory_space<hbm>>
    tpu.wait_dma2 semaphore(%arg19 : memref<!tpu.dma_semaphore, #tpu.memory_space<semaphore_mem>>) src(%arg16 : memref<4x32x128xf32, #tpu.memory_space<vmem>>) dst(%dma_wait3A_269 : memref<4x32x128xf32, #tpu.memory_space<hbm>>)
    %add3A_270 = arith.constant 5 : i32
    %add3A_271 = arith.addi %select_n3A, %add3A_270 : i32
    %dma_start3A_272 = arith.constant 0 : i32
    %dma_start3A_273 = tpu.memref_slice %arg11[%add3A_271, %dma_start3A_272] : memref<256x4xi32, #tpu.memory_space<vmem>> -> memref<1x4xi32, #tpu.memory_space<vmem>>
    %dma_start3A_274 = tpu.memref_squeeze %dma_start3A_273 : memref<1x4xi32, #tpu.memory_space<vmem>> -> memref<4xi32, #tpu.memory_space<vmem>>
    %dma_start3A_275 = arith.constant 0 : i32
    %dma_start3A_276 = arith.constant 0 : i32
    %dma_start3A_277 = arith.constant 0 : i32
    %dma_start3A_278 = tpu.memref_slice %arg2[%dma_start3A_275, %dma_start3A_276, %dma_start3A_277] : memref<4096x32x128xf32, #tpu.memory_space<hbm>> -> memref<4096x32x128xf32, #tpu.memory_space<hbm>>
    tpu.enqueue_indirect_dma source(%dma_start3A_278 : memref<4096x32x128xf32, #tpu.memory_space<hbm>>) target(%arg14 : memref<4x32x128xf32, #tpu.memory_space<vmem>>) offsets(%dma_start3A_274 : memref<4xi32, #tpu.memory_space<vmem>>) semaphore(%arg18 : memref<!tpu.dma_semaphore, #tpu.memory_space<semaphore_mem>>)
    %dma_start3A_279 = arith.constant 0 : i32
    %dma_start3A_280 = tpu.memref_slice %arg11[%add3A_271, %dma_start3A_279] : memref<256x4xi32, #tpu.memory_space<vmem>> -> memref<1x4xi32, #tpu.memory_space<vmem>>
    %dma_start3A_281 = tpu.memref_squeeze %dma_start3A_280 : memref<1x4xi32, #tpu.memory_space<vmem>> -> memref<4xi32, #tpu.memory_space<vmem>>
    %dma_start3A_282 = arith.constant 0 : i32
    %dma_start3A_283 = arith.constant 0 : i32
    %dma_start3A_284 = arith.constant 0 : i32
    %dma_start3A_285 = tpu.memref_slice %arg3[%dma_start3A_282, %dma_start3A_283, %dma_start3A_284] : memref<4096x32x128xf32, #tpu.memory_space<hbm>> -> memref<4096x32x128xf32, #tpu.memory_space<hbm>>
    tpu.enqueue_indirect_dma source(%dma_start3A_285 : memref<4096x32x128xf32, #tpu.memory_space<hbm>>) target(%arg16 : memref<4x32x128xf32, #tpu.memory_space<vmem>>) offsets(%dma_start3A_281 : memref<4xi32, #tpu.memory_space<vmem>>) semaphore(%arg18 : memref<!tpu.dma_semaphore, #tpu.memory_space<semaphore_mem>>)
    %dma_wait3A_286 = arith.constant 0 : i32
    %dma_wait3A_287 = tpu.memref_slice %arg11[%add3A_215, %dma_wait3A_286] : memref<256x4xi32, #tpu.memory_space<vmem>> -> memref<1x4xi32, #tpu.memory_space<vmem>>
    %dma_wait3A_288 = tpu.memref_squeeze %dma_wait3A_287 : memref<1x4xi32, #tpu.memory_space<vmem>> -> memref<4xi32, #tpu.memory_space<vmem>>
    %dma_wait3A_289 = arith.constant 0 : i32
    %dma_wait3A_290 = arith.constant 0 : i32
    %dma_wait3A_291 = arith.constant 0 : i32
    %dma_wait3A_292 = tpu.memref_slice %arg2[%dma_wait3A_289, %dma_wait3A_290, %dma_wait3A_291] : memref<4096x32x128xf32, #tpu.memory_space<hbm>> -> memref<4096x32x128xf32, #tpu.memory_space<hbm>>
    tpu.wait_indirect_dma semaphore(%arg18 : memref<!tpu.dma_semaphore, #tpu.memory_space<semaphore_mem>>) src(%dma_wait3A_292 : memref<4096x32x128xf32, #tpu.memory_space<hbm>>) dst(%arg13 : memref<4x32x128xf32, #tpu.memory_space<vmem>>)
    %dma_wait3A_293 = arith.constant 0 : i32
    %dma_wait3A_294 = tpu.memref_slice %arg11[%add3A_215, %dma_wait3A_293] : memref<256x4xi32, #tpu.memory_space<vmem>> -> memref<1x4xi32, #tpu.memory_space<vmem>>
    %dma_wait3A_295 = tpu.memref_squeeze %dma_wait3A_294 : memref<1x4xi32, #tpu.memory_space<vmem>> -> memref<4xi32, #tpu.memory_space<vmem>>
    %dma_wait3A_296 = arith.constant 0 : i32
    %dma_wait3A_297 = arith.constant 0 : i32
    %dma_wait3A_298 = arith.constant 0 : i32
    %dma_wait3A_299 = tpu.memref_slice %arg3[%dma_wait3A_296, %dma_wait3A_297, %dma_wait3A_298] : memref<4096x32x128xf32, #tpu.memory_space<hbm>> -> memref<4096x32x128xf32, #tpu.memory_space<hbm>>
    tpu.wait_indirect_dma semaphore(%arg18 : memref<!tpu.dma_semaphore, #tpu.memory_space<semaphore_mem>>) src(%dma_wait3A_299 : memref<4096x32x128xf32, #tpu.memory_space<hbm>>) dst(%arg15 : memref<4x32x128xf32, #tpu.memory_space<vmem>>)
    %add3A_300 = arith.constant 16 : i32
    %add3A_301 = arith.addi %mul3A_15, %add3A_300 : i32
    %dma_start3A_302 = arith.constant 0 : i32
    %dma_start3A_303 = arith.constant 0 : i32
    %dma_start3A_304 = tpu.memref_slice %arg7[%add3A_301, %dma_start3A_302, %dma_start3A_303] : memref<4096x32x128xf32, #tpu.memory_space<hbm>> -> memref<4x32x128xf32, #tpu.memory_space<hbm>>
    %dma_start3A_305 = arith.constant 0 : i32
    %dma_start3A_306 = arith.constant 0 : i32
    %dma_start3A_307 = tpu.memref_slice %arg7[%add3A_301, %dma_start3A_305, %dma_start3A_306] : memref<4096x32x128xf32, #tpu.memory_space<hbm>> -> memref<4x32x128xf32, #tpu.memory_space<hbm>>
    tpu.enqueue_dma source(%arg13 : memref<4x32x128xf32, #tpu.memory_space<vmem>>) target(%dma_start3A_307 : memref<4x32x128xf32, #tpu.memory_space<hbm>>) target_semaphore(%arg19 : memref<!tpu.dma_semaphore, #tpu.memory_space<semaphore_mem>>)
    %dma_start3A_308 = arith.constant 0 : i32
    %dma_start3A_309 = arith.constant 0 : i32
    %dma_start3A_310 = tpu.memref_slice %arg8[%add3A_301, %dma_start3A_308, %dma_start3A_309] : memref<4096x32x128xf32, #tpu.memory_space<hbm>> -> memref<4x32x128xf32, #tpu.memory_space<hbm>>
    %dma_start3A_311 = arith.constant 0 : i32
    %dma_start3A_312 = arith.constant 0 : i32
    %dma_start3A_313 = tpu.memref_slice %arg8[%add3A_301, %dma_start3A_311, %dma_start3A_312] : memref<4096x32x128xf32, #tpu.memory_space<hbm>> -> memref<4x32x128xf32, #tpu.memory_space<hbm>>
    tpu.enqueue_dma source(%arg15 : memref<4x32x128xf32, #tpu.memory_space<vmem>>) target(%dma_start3A_313 : memref<4x32x128xf32, #tpu.memory_space<hbm>>) target_semaphore(%arg19 : memref<!tpu.dma_semaphore, #tpu.memory_space<semaphore_mem>>)
    %dma_wait3A_314 = arith.constant 0 : i32
    %dma_wait3A_315 = arith.constant 0 : i32
    %dma_wait3A_316 = tpu.memref_slice %arg7[%add3A_301, %dma_wait3A_314, %dma_wait3A_315] : memref<4096x32x128xf32, #tpu.memory_space<hbm>> -> memref<4x32x128xf32, #tpu.memory_space<hbm>>
    %dma_wait3A_317 = arith.constant 0 : i32
    %dma_wait3A_318 = arith.constant 0 : i32
    %dma_wait3A_319 = tpu.memref_slice %arg7[%add3A_301, %dma_wait3A_317, %dma_wait3A_318] : memref<4096x32x128xf32, #tpu.memory_space<hbm>> -> memref<4x32x128xf32, #tpu.memory_space<hbm>>
    tpu.wait_dma2 semaphore(%arg19 : memref<!tpu.dma_semaphore, #tpu.memory_space<semaphore_mem>>) src(%arg13 : memref<4x32x128xf32, #tpu.memory_space<vmem>>) dst(%dma_wait3A_319 : memref<4x32x128xf32, #tpu.memory_space<hbm>>)
    %dma_wait3A_320 = arith.constant 0 : i32
    %dma_wait3A_321 = arith.constant 0 : i32
    %dma_wait3A_322 = tpu.memref_slice %arg8[%add3A_301, %dma_wait3A_320, %dma_wait3A_321] : memref<4096x32x128xf32, #tpu.memory_space<hbm>> -> memref<4x32x128xf32, #tpu.memory_space<hbm>>
    %dma_wait3A_323 = arith.constant 0 : i32
    %dma_wait3A_324 = arith.constant 0 : i32
    %dma_wait3A_325 = tpu.memref_slice %arg8[%add3A_301, %dma_wait3A_323, %dma_wait3A_324] : memref<4096x32x128xf32, #tpu.memory_space<hbm>> -> memref<4x32x128xf32, #tpu.memory_space<hbm>>
    tpu.wait_dma2 semaphore(%arg19 : memref<!tpu.dma_semaphore, #tpu.memory_space<semaphore_mem>>) src(%arg15 : memref<4x32x128xf32, #tpu.memory_space<vmem>>) dst(%dma_wait3A_325 : memref<4x32x128xf32, #tpu.memory_space<hbm>>)
    %add3A_326 = arith.constant 6 : i32
    %add3A_327 = arith.addi %select_n3A, %add3A_326 : i32
    %dma_start3A_328 = arith.constant 0 : i32
    %dma_start3A_329 = tpu.memref_slice %arg11[%add3A_327, %dma_start3A_328] : memref<256x4xi32, #tpu.memory_space<vmem>> -> memref<1x4xi32, #tpu.memory_space<vmem>>
    %dma_start3A_330 = tpu.memref_squeeze %dma_start3A_329 : memref<1x4xi32, #tpu.memory_space<vmem>> -> memref<4xi32, #tpu.memory_space<vmem>>
    %dma_start3A_331 = arith.constant 0 : i32
    %dma_start3A_332 = arith.constant 0 : i32
    %dma_start3A_333 = arith.constant 0 : i32
    %dma_start3A_334 = tpu.memref_slice %arg2[%dma_start3A_331, %dma_start3A_332, %dma_start3A_333] : memref<4096x32x128xf32, #tpu.memory_space<hbm>> -> memref<4096x32x128xf32, #tpu.memory_space<hbm>>
    tpu.enqueue_indirect_dma source(%dma_start3A_334 : memref<4096x32x128xf32, #tpu.memory_space<hbm>>) target(%arg13 : memref<4x32x128xf32, #tpu.memory_space<vmem>>) offsets(%dma_start3A_330 : memref<4xi32, #tpu.memory_space<vmem>>) semaphore(%arg18 : memref<!tpu.dma_semaphore, #tpu.memory_space<semaphore_mem>>)
    %dma_start3A_335 = arith.constant 0 : i32
    %dma_start3A_336 = tpu.memref_slice %arg11[%add3A_327, %dma_start3A_335] : memref<256x4xi32, #tpu.memory_space<vmem>> -> memref<1x4xi32, #tpu.memory_space<vmem>>
    %dma_start3A_337 = tpu.memref_squeeze %dma_start3A_336 : memref<1x4xi32, #tpu.memory_space<vmem>> -> memref<4xi32, #tpu.memory_space<vmem>>
    %dma_start3A_338 = arith.constant 0 : i32
    %dma_start3A_339 = arith.constant 0 : i32
    %dma_start3A_340 = arith.constant 0 : i32
    %dma_start3A_341 = tpu.memref_slice %arg3[%dma_start3A_338, %dma_start3A_339, %dma_start3A_340] : memref<4096x32x128xf32, #tpu.memory_space<hbm>> -> memref<4096x32x128xf32, #tpu.memory_space<hbm>>
    tpu.enqueue_indirect_dma source(%dma_start3A_341 : memref<4096x32x128xf32, #tpu.memory_space<hbm>>) target(%arg15 : memref<4x32x128xf32, #tpu.memory_space<vmem>>) offsets(%dma_start3A_337 : memref<4xi32, #tpu.memory_space<vmem>>) semaphore(%arg18 : memref<!tpu.dma_semaphore, #tpu.memory_space<semaphore_mem>>)
    %dma_wait3A_342 = arith.constant 0 : i32
    %dma_wait3A_343 = tpu.memref_slice %arg11[%add3A_271, %dma_wait3A_342] : memref<256x4xi32, #tpu.memory_space<vmem>> -> memref<1x4xi32, #tpu.memory_space<vmem>>
    %dma_wait3A_344 = tpu.memref_squeeze %dma_wait3A_343 : memref<1x4xi32, #tpu.memory_space<vmem>> -> memref<4xi32, #tpu.memory_space<vmem>>
    %dma_wait3A_345 = arith.constant 0 : i32
    %dma_wait3A_346 = arith.constant 0 : i32
    %dma_wait3A_347 = arith.constant 0 : i32
    %dma_wait3A_348 = tpu.memref_slice %arg2[%dma_wait3A_345, %dma_wait3A_346, %dma_wait3A_347] : memref<4096x32x128xf32, #tpu.memory_space<hbm>> -> memref<4096x32x128xf32, #tpu.memory_space<hbm>>
    tpu.wait_indirect_dma semaphore(%arg18 : memref<!tpu.dma_semaphore, #tpu.memory_space<semaphore_mem>>) src(%dma_wait3A_348 : memref<4096x32x128xf32, #tpu.memory_space<hbm>>) dst(%arg14 : memref<4x32x128xf32, #tpu.memory_space<vmem>>)
    %dma_wait3A_349 = arith.constant 0 : i32
    %dma_wait3A_350 = tpu.memref_slice %arg11[%add3A_271, %dma_wait3A_349] : memref<256x4xi32, #tpu.memory_space<vmem>> -> memref<1x4xi32, #tpu.memory_space<vmem>>
    %dma_wait3A_351 = tpu.memref_squeeze %dma_wait3A_350 : memref<1x4xi32, #tpu.memory_space<vmem>> -> memref<4xi32, #tpu.memory_space<vmem>>
    %dma_wait3A_352 = arith.constant 0 : i32
    %dma_wait3A_353 = arith.constant 0 : i32
    %dma_wait3A_354 = arith.constant 0 : i32
    %dma_wait3A_355 = tpu.memref_slice %arg3[%dma_wait3A_352, %dma_wait3A_353, %dma_wait3A_354] : memref<4096x32x128xf32, #tpu.memory_space<hbm>> -> memref<4096x32x128xf32, #tpu.memory_space<hbm>>
    tpu.wait_indirect_dma semaphore(%arg18 : memref<!tpu.dma_semaphore, #tpu.memory_space<semaphore_mem>>) src(%dma_wait3A_355 : memref<4096x32x128xf32, #tpu.memory_space<hbm>>) dst(%arg16 : memref<4x32x128xf32, #tpu.memory_space<vmem>>)
    %add3A_356 = arith.constant 20 : i32
    %add3A_357 = arith.addi %mul3A_15, %add3A_356 : i32
    %dma_start3A_358 = arith.constant 0 : i32
    %dma_start3A_359 = arith.constant 0 : i32
    %dma_start3A_360 = tpu.memref_slice %arg7[%add3A_357, %dma_start3A_358, %dma_start3A_359] : memref<4096x32x128xf32, #tpu.memory_space<hbm>> -> memref<4x32x128xf32, #tpu.memory_space<hbm>>
    %dma_start3A_361 = arith.constant 0 : i32
    %dma_start3A_362 = arith.constant 0 : i32
    %dma_start3A_363 = tpu.memref_slice %arg7[%add3A_357, %dma_start3A_361, %dma_start3A_362] : memref<4096x32x128xf32, #tpu.memory_space<hbm>> -> memref<4x32x128xf32, #tpu.memory_space<hbm>>
    tpu.enqueue_dma source(%arg14 : memref<4x32x128xf32, #tpu.memory_space<vmem>>) target(%dma_start3A_363 : memref<4x32x128xf32, #tpu.memory_space<hbm>>) target_semaphore(%arg19 : memref<!tpu.dma_semaphore, #tpu.memory_space<semaphore_mem>>)
    %dma_start3A_364 = arith.constant 0 : i32
    %dma_start3A_365 = arith.constant 0 : i32
    %dma_start3A_366 = tpu.memref_slice %arg8[%add3A_357, %dma_start3A_364, %dma_start3A_365] : memref<4096x32x128xf32, #tpu.memory_space<hbm>> -> memref<4x32x128xf32, #tpu.memory_space<hbm>>
    %dma_start3A_367 = arith.constant 0 : i32
    %dma_start3A_368 = arith.constant 0 : i32
    %dma_start3A_369 = tpu.memref_slice %arg8[%add3A_357, %dma_start3A_367, %dma_start3A_368] : memref<4096x32x128xf32, #tpu.memory_space<hbm>> -> memref<4x32x128xf32, #tpu.memory_space<hbm>>
    tpu.enqueue_dma source(%arg16 : memref<4x32x128xf32, #tpu.memory_space<vmem>>) target(%dma_start3A_369 : memref<4x32x128xf32, #tpu.memory_space<hbm>>) target_semaphore(%arg19 : memref<!tpu.dma_semaphore, #tpu.memory_space<semaphore_mem>>)
    %dma_wait3A_370 = arith.constant 0 : i32
    %dma_wait3A_371 = arith.constant 0 : i32
    %dma_wait3A_372 = tpu.memref_slice %arg7[%add3A_357, %dma_wait3A_370, %dma_wait3A_371] : memref<4096x32x128xf32, #tpu.memory_space<hbm>> -> memref<4x32x128xf32, #tpu.memory_space<hbm>>
    %dma_wait3A_373 = arith.constant 0 : i32
    %dma_wait3A_374 = arith.constant 0 : i32
    %dma_wait3A_375 = tpu.memref_slice %arg7[%add3A_357, %dma_wait3A_373, %dma_wait3A_374] : memref<4096x32x128xf32, #tpu.memory_space<hbm>> -> memref<4x32x128xf32, #tpu.memory_space<hbm>>
    tpu.wait_dma2 semaphore(%arg19 : memref<!tpu.dma_semaphore, #tpu.memory_space<semaphore_mem>>) src(%arg14 : memref<4x32x128xf32, #tpu.memory_space<vmem>>) dst(%dma_wait3A_375 : memref<4x32x128xf32, #tpu.memory_space<hbm>>)
    %dma_wait3A_376 = arith.constant 0 : i32
    %dma_wait3A_377 = arith.constant 0 : i32
    %dma_wait3A_378 = tpu.memref_slice %arg8[%add3A_357, %dma_wait3A_376, %dma_wait3A_377] : memref<4096x32x128xf32, #tpu.memory_space<hbm>> -> memref<4x32x128xf32, #tpu.memory_space<hbm>>
    %dma_wait3A_379 = arith.constant 0 : i32
    %dma_wait3A_380 = arith.constant 0 : i32
    %dma_wait3A_381 = tpu.memref_slice %arg8[%add3A_357, %dma_wait3A_379, %dma_wait3A_380] : memref<4096x32x128xf32, #tpu.memory_space<hbm>> -> memref<4x32x128xf32, #tpu.memory_space<hbm>>
    tpu.wait_dma2 semaphore(%arg19 : memref<!tpu.dma_semaphore, #tpu.memory_space<semaphore_mem>>) src(%arg16 : memref<4x32x128xf32, #tpu.memory_space<vmem>>) dst(%dma_wait3A_381 : memref<4x32x128xf32, #tpu.memory_space<hbm>>)
    %add3A_382 = arith.constant 7 : i32
    %add3A_383 = arith.addi %select_n3A, %add3A_382 : i32
    %dma_start3A_384 = arith.constant 0 : i32
    %dma_start3A_385 = tpu.memref_slice %arg11[%add3A_383, %dma_start3A_384] : memref<256x4xi32, #tpu.memory_space<vmem>> -> memref<1x4xi32, #tpu.memory_space<vmem>>
    %dma_start3A_386 = tpu.memref_squeeze %dma_start3A_385 : memref<1x4xi32, #tpu.memory_space<vmem>> -> memref<4xi32, #tpu.memory_space<vmem>>
    %dma_start3A_387 = arith.constant 0 : i32
    %dma_start3A_388 = arith.constant 0 : i32
    %dma_start3A_389 = arith.constant 0 : i32
    %dma_start3A_390 = tpu.memref_slice %arg2[%dma_start3A_387, %dma_start3A_388, %dma_start3A_389] : memref<4096x32x128xf32, #tpu.memory_space<hbm>> -> memref<4096x32x128xf32, #tpu.memory_space<hbm>>
    tpu.enqueue_indirect_dma source(%dma_start3A_390 : memref<4096x32x128xf32, #tpu.memory_space<hbm>>) target(%arg14 : memref<4x32x128xf32, #tpu.memory_space<vmem>>) offsets(%dma_start3A_386 : memref<4xi32, #tpu.memory_space<vmem>>) semaphore(%arg18 : memref<!tpu.dma_semaphore, #tpu.memory_space<semaphore_mem>>)
    %dma_start3A_391 = arith.constant 0 : i32
    %dma_start3A_392 = tpu.memref_slice %arg11[%add3A_383, %dma_start3A_391] : memref<256x4xi32, #tpu.memory_space<vmem>> -> memref<1x4xi32, #tpu.memory_space<vmem>>
    %dma_start3A_393 = tpu.memref_squeeze %dma_start3A_392 : memref<1x4xi32, #tpu.memory_space<vmem>> -> memref<4xi32, #tpu.memory_space<vmem>>
    %dma_start3A_394 = arith.constant 0 : i32
    %dma_start3A_395 = arith.constant 0 : i32
    %dma_start3A_396 = arith.constant 0 : i32
    %dma_start3A_397 = tpu.memref_slice %arg3[%dma_start3A_394, %dma_start3A_395, %dma_start3A_396] : memref<4096x32x128xf32, #tpu.memory_space<hbm>> -> memref<4096x32x128xf32, #tpu.memory_space<hbm>>
    tpu.enqueue_indirect_dma source(%dma_start3A_397 : memref<4096x32x128xf32, #tpu.memory_space<hbm>>) target(%arg16 : memref<4x32x128xf32, #tpu.memory_space<vmem>>) offsets(%dma_start3A_393 : memref<4xi32, #tpu.memory_space<vmem>>) semaphore(%arg18 : memref<!tpu.dma_semaphore, #tpu.memory_space<semaphore_mem>>)
    %dma_wait3A_398 = arith.constant 0 : i32
    %dma_wait3A_399 = tpu.memref_slice %arg11[%add3A_327, %dma_wait3A_398] : memref<256x4xi32, #tpu.memory_space<vmem>> -> memref<1x4xi32, #tpu.memory_space<vmem>>
    %dma_wait3A_400 = tpu.memref_squeeze %dma_wait3A_399 : memref<1x4xi32, #tpu.memory_space<vmem>> -> memref<4xi32, #tpu.memory_space<vmem>>
    %dma_wait3A_401 = arith.constant 0 : i32
    %dma_wait3A_402 = arith.constant 0 : i32
    %dma_wait3A_403 = arith.constant 0 : i32
    %dma_wait3A_404 = tpu.memref_slice %arg2[%dma_wait3A_401, %dma_wait3A_402, %dma_wait3A_403] : memref<4096x32x128xf32, #tpu.memory_space<hbm>> -> memref<4096x32x128xf32, #tpu.memory_space<hbm>>
    tpu.wait_indirect_dma semaphore(%arg18 : memref<!tpu.dma_semaphore, #tpu.memory_space<semaphore_mem>>) src(%dma_wait3A_404 : memref<4096x32x128xf32, #tpu.memory_space<hbm>>) dst(%arg13 : memref<4x32x128xf32, #tpu.memory_space<vmem>>)
    %dma_wait3A_405 = arith.constant 0 : i32
    %dma_wait3A_406 = tpu.memref_slice %arg11[%add3A_327, %dma_wait3A_405] : memref<256x4xi32, #tpu.memory_space<vmem>> -> memref<1x4xi32, #tpu.memory_space<vmem>>
    %dma_wait3A_407 = tpu.memref_squeeze %dma_wait3A_406 : memref<1x4xi32, #tpu.memory_space<vmem>> -> memref<4xi32, #tpu.memory_space<vmem>>
    %dma_wait3A_408 = arith.constant 0 : i32
    %dma_wait3A_409 = arith.constant 0 : i32
    %dma_wait3A_410 = arith.constant 0 : i32
    %dma_wait3A_411 = tpu.memref_slice %arg3[%dma_wait3A_408, %dma_wait3A_409, %dma_wait3A_410] : memref<4096x32x128xf32, #tpu.memory_space<hbm>> -> memref<4096x32x128xf32, #tpu.memory_space<hbm>>
    tpu.wait_indirect_dma semaphore(%arg18 : memref<!tpu.dma_semaphore, #tpu.memory_space<semaphore_mem>>) src(%dma_wait3A_411 : memref<4096x32x128xf32, #tpu.memory_space<hbm>>) dst(%arg15 : memref<4x32x128xf32, #tpu.memory_space<vmem>>)
    %add3A_412 = arith.constant 24 : i32
    %add3A_413 = arith.addi %mul3A_15, %add3A_412 : i32
    %dma_start3A_414 = arith.constant 0 : i32
    %dma_start3A_415 = arith.constant 0 : i32
    %dma_start3A_416 = tpu.memref_slice %arg7[%add3A_413, %dma_start3A_414, %dma_start3A_415] : memref<4096x32x128xf32, #tpu.memory_space<hbm>> -> memref<4x32x128xf32, #tpu.memory_space<hbm>>
    %dma_start3A_417 = arith.constant 0 : i32
    %dma_start3A_418 = arith.constant 0 : i32
    %dma_start3A_419 = tpu.memref_slice %arg7[%add3A_413, %dma_start3A_417, %dma_start3A_418] : memref<4096x32x128xf32, #tpu.memory_space<hbm>> -> memref<4x32x128xf32, #tpu.memory_space<hbm>>
    tpu.enqueue_dma source(%arg13 : memref<4x32x128xf32, #tpu.memory_space<vmem>>) target(%dma_start3A_419 : memref<4x32x128xf32, #tpu.memory_space<hbm>>) target_semaphore(%arg19 : memref<!tpu.dma_semaphore, #tpu.memory_space<semaphore_mem>>)
    %dma_start3A_420 = arith.constant 0 : i32
    %dma_start3A_421 = arith.constant 0 : i32
    %dma_start3A_422 = tpu.memref_slice %arg8[%add3A_413, %dma_start3A_420, %dma_start3A_421] : memref<4096x32x128xf32, #tpu.memory_space<hbm>> -> memref<4x32x128xf32, #tpu.memory_space<hbm>>
    %dma_start3A_423 = arith.constant 0 : i32
    %dma_start3A_424 = arith.constant 0 : i32
    %dma_start3A_425 = tpu.memref_slice %arg8[%add3A_413, %dma_start3A_423, %dma_start3A_424] : memref<4096x32x128xf32, #tpu.memory_space<hbm>> -> memref<4x32x128xf32, #tpu.memory_space<hbm>>
    tpu.enqueue_dma source(%arg15 : memref<4x32x128xf32, #tpu.memory_space<vmem>>) target(%dma_start3A_425 : memref<4x32x128xf32, #tpu.memory_space<hbm>>) target_semaphore(%arg19 : memref<!tpu.dma_semaphore, #tpu.memory_space<semaphore_mem>>)
    %dma_wait3A_426 = arith.constant 0 : i32
    %dma_wait3A_427 = tpu.memref_slice %arg11[%add3A_383, %dma_wait3A_426] : memref<256x4xi32, #tpu.memory_space<vmem>> -> memref<1x4xi32, #tpu.memory_space<vmem>>
    %dma_wait3A_428 = tpu.memref_squeeze %dma_wait3A_427 : memref<1x4xi32, #tpu.memory_space<vmem>> -> memref<4xi32, #tpu.memory_space<vmem>>
    %dma_wait3A_429 = arith.constant 0 : i32
    %dma_wait3A_430 = arith.constant 0 : i32
    %dma_wait3A_431 = arith.constant 0 : i32
    %dma_wait3A_432 = tpu.memref_slice %arg2[%dma_wait3A_429, %dma_wait3A_430, %dma_wait3A_431] : memref<4096x32x128xf32, #tpu.memory_space<hbm>> -> memref<4096x32x128xf32, #tpu.memory_space<hbm>>
    tpu.wait_indirect_dma semaphore(%arg18 : memref<!tpu.dma_semaphore, #tpu.memory_space<semaphore_mem>>) src(%dma_wait3A_432 : memref<4096x32x128xf32, #tpu.memory_space<hbm>>) dst(%arg14 : memref<4x32x128xf32, #tpu.memory_space<vmem>>)
    %dma_wait3A_433 = arith.constant 0 : i32
    %dma_wait3A_434 = tpu.memref_slice %arg11[%add3A_383, %dma_wait3A_433] : memref<256x4xi32, #tpu.memory_space<vmem>> -> memref<1x4xi32, #tpu.memory_space<vmem>>
    %dma_wait3A_435 = tpu.memref_squeeze %dma_wait3A_434 : memref<1x4xi32, #tpu.memory_space<vmem>> -> memref<4xi32, #tpu.memory_space<vmem>>
    %dma_wait3A_436 = arith.constant 0 : i32
    %dma_wait3A_437 = arith.constant 0 : i32
    %dma_wait3A_438 = arith.constant 0 : i32
    %dma_wait3A_439 = tpu.memref_slice %arg3[%dma_wait3A_436, %dma_wait3A_437, %dma_wait3A_438] : memref<4096x32x128xf32, #tpu.memory_space<hbm>> -> memref<4096x32x128xf32, #tpu.memory_space<hbm>>
    tpu.wait_indirect_dma semaphore(%arg18 : memref<!tpu.dma_semaphore, #tpu.memory_space<semaphore_mem>>) src(%dma_wait3A_439 : memref<4096x32x128xf32, #tpu.memory_space<hbm>>) dst(%arg16 : memref<4x32x128xf32, #tpu.memory_space<vmem>>)
    %add3A_440 = arith.constant 28 : i32
    %add3A_441 = arith.addi %mul3A_15, %add3A_440 : i32
    %dma_start3A_442 = arith.constant 0 : i32
    %dma_start3A_443 = arith.constant 0 : i32
    %dma_start3A_444 = tpu.memref_slice %arg7[%add3A_441, %dma_start3A_442, %dma_start3A_443] : memref<4096x32x128xf32, #tpu.memory_space<hbm>> -> memref<4x32x128xf32, #tpu.memory_space<hbm>>
    %dma_start3A_445 = arith.constant 0 : i32
    %dma_start3A_446 = arith.constant 0 : i32
    %dma_start3A_447 = tpu.memref_slice %arg7[%add3A_441, %dma_start3A_445, %dma_start3A_446] : memref<4096x32x128xf32, #tpu.memory_space<hbm>> -> memref<4x32x128xf32, #tpu.memory_space<hbm>>
    tpu.enqueue_dma source(%arg14 : memref<4x32x128xf32, #tpu.memory_space<vmem>>) target(%dma_start3A_447 : memref<4x32x128xf32, #tpu.memory_space<hbm>>) target_semaphore(%arg19 : memref<!tpu.dma_semaphore, #tpu.memory_space<semaphore_mem>>)
    %dma_start3A_448 = arith.constant 0 : i32
    %dma_start3A_449 = arith.constant 0 : i32
    %dma_start3A_450 = tpu.memref_slice %arg8[%add3A_441, %dma_start3A_448, %dma_start3A_449] : memref<4096x32x128xf32, #tpu.memory_space<hbm>> -> memref<4x32x128xf32, #tpu.memory_space<hbm>>
    %dma_start3A_451 = arith.constant 0 : i32
    %dma_start3A_452 = arith.constant 0 : i32
    %dma_start3A_453 = tpu.memref_slice %arg8[%add3A_441, %dma_start3A_451, %dma_start3A_452] : memref<4096x32x128xf32, #tpu.memory_space<hbm>> -> memref<4x32x128xf32, #tpu.memory_space<hbm>>
    tpu.enqueue_dma source(%arg16 : memref<4x32x128xf32, #tpu.memory_space<vmem>>) target(%dma_start3A_453 : memref<4x32x128xf32, #tpu.memory_space<hbm>>) target_semaphore(%arg19 : memref<!tpu.dma_semaphore, #tpu.memory_space<semaphore_mem>>)
    %dma_wait3A_454 = arith.constant 0 : i32
    %dma_wait3A_455 = arith.constant 0 : i32
    %dma_wait3A_456 = tpu.memref_slice %arg7[%add3A_441, %dma_wait3A_454, %dma_wait3A_455] : memref<4096x32x128xf32, #tpu.memory_space<hbm>> -> memref<4x32x128xf32, #tpu.memory_space<hbm>>
    %dma_wait3A_457 = arith.constant 0 : i32
    %dma_wait3A_458 = arith.constant 0 : i32
    %dma_wait3A_459 = tpu.memref_slice %arg7[%add3A_441, %dma_wait3A_457, %dma_wait3A_458] : memref<4096x32x128xf32, #tpu.memory_space<hbm>> -> memref<4x32x128xf32, #tpu.memory_space<hbm>>
    tpu.wait_dma2 semaphore(%arg19 : memref<!tpu.dma_semaphore, #tpu.memory_space<semaphore_mem>>) src(%arg14 : memref<4x32x128xf32, #tpu.memory_space<vmem>>) dst(%dma_wait3A_459 : memref<4x32x128xf32, #tpu.memory_space<hbm>>)
    %dma_wait3A_460 = arith.constant 0 : i32
    %dma_wait3A_461 = arith.constant 0 : i32
    %dma_wait3A_462 = tpu.memref_slice %arg8[%add3A_441, %dma_wait3A_460, %dma_wait3A_461] : memref<4096x32x128xf32, #tpu.memory_space<hbm>> -> memref<4x32x128xf32, #tpu.memory_space<hbm>>
    %dma_wait3A_463 = arith.constant 0 : i32
    %dma_wait3A_464 = arith.constant 0 : i32
    %dma_wait3A_465 = tpu.memref_slice %arg8[%add3A_441, %dma_wait3A_463, %dma_wait3A_464] : memref<4096x32x128xf32, #tpu.memory_space<hbm>> -> memref<4x32x128xf32, #tpu.memory_space<hbm>>
    tpu.wait_dma2 semaphore(%arg19 : memref<!tpu.dma_semaphore, #tpu.memory_space<semaphore_mem>>) src(%arg16 : memref<4x32x128xf32, #tpu.memory_space<vmem>>) dst(%dma_wait3A_465 : memref<4x32x128xf32, #tpu.memory_space<hbm>>)
    %gt3A_466 = arith.constant 0 : i32
    %gt3A_467 = arith.cmpi sgt, %squeeze3A, %gt3A_466 : i32
    %convert_element_type3A_468 = arith.extui %gt3A_467 : i1 to i32
    %cond3A_469 = arith.constant 0 : i32
    %cond3A_470 = arith.cmpi ne, %convert_element_type3A_468, %cond3A_469 : i32
    scf.if %cond3A_470 {
      %add3A_475 = arith.constant 0 : i32
      %add3A_476 = arith.addi %add3A_4, %add3A_475 : i32
      %dma_wait3A_477 = arith.constant 0 : i32
      %dma_wait3A_478 = arith.constant 0 : i32
      %dma_wait3A_479 = tpu.memref_slice %arg7[%add3A_476, %dma_wait3A_477, %dma_wait3A_478] : memref<4096x32x128xf32, #tpu.memory_space<hbm>> -> memref<4x32x128xf32, #tpu.memory_space<hbm>>
      %dma_wait3A_480 = arith.constant 0 : i32
      %dma_wait3A_481 = arith.constant 0 : i32
      %dma_wait3A_482 = tpu.memref_slice %arg7[%add3A_476, %dma_wait3A_480, %dma_wait3A_481] : memref<4096x32x128xf32, #tpu.memory_space<hbm>> -> memref<4x32x128xf32, #tpu.memory_space<hbm>>
      tpu.wait_dma2 semaphore(%arg20 : memref<!tpu.dma_semaphore, #tpu.memory_space<semaphore_mem>>) src(%arg17 : memref<4x32x128xf32, #tpu.memory_space<vmem>>) dst(%dma_wait3A_482 : memref<4x32x128xf32, #tpu.memory_space<hbm>>)
      %dma_wait3A_483 = arith.constant 0 : i32
      %dma_wait3A_484 = arith.constant 0 : i32
      %dma_wait3A_485 = tpu.memref_slice %arg8[%add3A_476, %dma_wait3A_483, %dma_wait3A_484] : memref<4096x32x128xf32, #tpu.memory_space<hbm>> -> memref<4x32x128xf32, #tpu.memory_space<hbm>>
      %dma_wait3A_486 = arith.constant 0 : i32
      %dma_wait3A_487 = arith.constant 0 : i32
      %dma_wait3A_488 = tpu.memref_slice %arg8[%add3A_476, %dma_wait3A_486, %dma_wait3A_487] : memref<4096x32x128xf32, #tpu.memory_space<hbm>> -> memref<4x32x128xf32, #tpu.memory_space<hbm>>
      tpu.wait_dma2 semaphore(%arg20 : memref<!tpu.dma_semaphore, #tpu.memory_space<semaphore_mem>>) src(%arg17 : memref<4x32x128xf32, #tpu.memory_space<vmem>>) dst(%dma_wait3A_488 : memref<4x32x128xf32, #tpu.memory_space<hbm>>)
      %add3A_489 = arith.constant 4 : i32
      %add3A_490 = arith.addi %add3A_4, %add3A_489 : i32
      %dma_wait3A_491 = arith.constant 0 : i32
      %dma_wait3A_492 = arith.constant 0 : i32
      %dma_wait3A_493 = tpu.memref_slice %arg7[%add3A_490, %dma_wait3A_491, %dma_wait3A_492] : memref<4096x32x128xf32, #tpu.memory_space<hbm>> -> memref<4x32x128xf32, #tpu.memory_space<hbm>>
      %dma_wait3A_494 = arith.constant 0 : i32
      %dma_wait3A_495 = arith.constant 0 : i32
      %dma_wait3A_496 = tpu.memref_slice %arg7[%add3A_490, %dma_wait3A_494, %dma_wait3A_495] : memref<4096x32x128xf32, #tpu.memory_space<hbm>> -> memref<4x32x128xf32, #tpu.memory_space<hbm>>
      tpu.wait_dma2 semaphore(%arg20 : memref<!tpu.dma_semaphore, #tpu.memory_space<semaphore_mem>>) src(%arg17 : memref<4x32x128xf32, #tpu.memory_space<vmem>>) dst(%dma_wait3A_496 : memref<4x32x128xf32, #tpu.memory_space<hbm>>)
      %dma_wait3A_497 = arith.constant 0 : i32
      %dma_wait3A_498 = arith.constant 0 : i32
      %dma_wait3A_499 = tpu.memref_slice %arg8[%add3A_490, %dma_wait3A_497, %dma_wait3A_498] : memref<4096x32x128xf32, #tpu.memory_space<hbm>> -> memref<4x32x128xf32, #tpu.memory_space<hbm>>
      %dma_wait3A_500 = arith.constant 0 : i32
      %dma_wait3A_501 = arith.constant 0 : i32
      %dma_wait3A_502 = tpu.memref_slice %arg8[%add3A_490, %dma_wait3A_500, %dma_wait3A_501] : memref<4096x32x128xf32, #tpu.memory_space<hbm>> -> memref<4x32x128xf32, #tpu.memory_space<hbm>>
      tpu.wait_dma2 semaphore(%arg20 : memref<!tpu.dma_semaphore, #tpu.memory_space<semaphore_mem>>) src(%arg17 : memref<4x32x128xf32, #tpu.memory_space<vmem>>) dst(%dma_wait3A_502 : memref<4x32x128xf32, #tpu.memory_space<hbm>>)
      %add3A_503 = arith.constant 8 : i32
      %add3A_504 = arith.addi %add3A_4, %add3A_503 : i32
      %dma_wait3A_505 = arith.constant 0 : i32
      %dma_wait3A_506 = arith.constant 0 : i32
      %dma_wait3A_507 = tpu.memref_slice %arg7[%add3A_504, %dma_wait3A_505, %dma_wait3A_506] : memref<4096x32x128xf32, #tpu.memory_space<hbm>> -> memref<4x32x128xf32, #tpu.memory_space<hbm>>
      %dma_wait3A_508 = arith.constant 0 : i32
      %dma_wait3A_509 = arith.constant 0 : i32
      %dma_wait3A_510 = tpu.memref_slice %arg7[%add3A_504, %dma_wait3A_508, %dma_wait3A_509] : memref<4096x32x128xf32, #tpu.memory_space<hbm>> -> memref<4x32x128xf32, #tpu.memory_space<hbm>>
      tpu.wait_dma2 semaphore(%arg20 : memref<!tpu.dma_semaphore, #tpu.memory_space<semaphore_mem>>) src(%arg17 : memref<4x32x128xf32, #tpu.memory_space<vmem>>) dst(%dma_wait3A_510 : memref<4x32x128xf32, #tpu.memory_space<hbm>>)
      %dma_wait3A_511 = arith.constant 0 : i32
      %dma_wait3A_512 = arith.constant 0 : i32
      %dma_wait3A_513 = tpu.memref_slice %arg8[%add3A_504, %dma_wait3A_511, %dma_wait3A_512] : memref<4096x32x128xf32, #tpu.memory_space<hbm>> -> memref<4x32x128xf32, #tpu.memory_space<hbm>>
      %dma_wait3A_514 = arith.constant 0 : i32
      %dma_wait3A_515 = arith.constant 0 : i32
      %dma_wait3A_516 = tpu.memref_slice %arg8[%add3A_504, %dma_wait3A_514, %dma_wait3A_515] : memref<4096x32x128xf32, #tpu.memory_space<hbm>> -> memref<4x32x128xf32, #tpu.memory_space<hbm>>
      tpu.wait_dma2 semaphore(%arg20 : memref<!tpu.dma_semaphore, #tpu.memory_space<semaphore_mem>>) src(%arg17 : memref<4x32x128xf32, #tpu.memory_space<vmem>>) dst(%dma_wait3A_516 : memref<4x32x128xf32, #tpu.memory_space<hbm>>)
      %add3A_517 = arith.constant 12 : i32
      %add3A_518 = arith.addi %add3A_4, %add3A_517 : i32
      %dma_wait3A_519 = arith.constant 0 : i32
      %dma_wait3A_520 = arith.constant 0 : i32
      %dma_wait3A_521 = tpu.memref_slice %arg7[%add3A_518, %dma_wait3A_519, %dma_wait3A_520] : memref<4096x32x128xf32, #tpu.memory_space<hbm>> -> memref<4x32x128xf32, #tpu.memory_space<hbm>>
      %dma_wait3A_522 = arith.constant 0 : i32
      %dma_wait3A_523 = arith.constant 0 : i32
      %dma_wait3A_524 = tpu.memref_slice %arg7[%add3A_518, %dma_wait3A_522, %dma_wait3A_523] : memref<4096x32x128xf32, #tpu.memory_space<hbm>> -> memref<4x32x128xf32, #tpu.memory_space<hbm>>
      tpu.wait_dma2 semaphore(%arg20 : memref<!tpu.dma_semaphore, #tpu.memory_space<semaphore_mem>>) src(%arg17 : memref<4x32x128xf32, #tpu.memory_space<vmem>>) dst(%dma_wait3A_524 : memref<4x32x128xf32, #tpu.memory_space<hbm>>)
      %dma_wait3A_525 = arith.constant 0 : i32
      %dma_wait3A_526 = arith.constant 0 : i32
      %dma_wait3A_527 = tpu.memref_slice %arg8[%add3A_518, %dma_wait3A_525, %dma_wait3A_526] : memref<4096x32x128xf32, #tpu.memory_space<hbm>> -> memref<4x32x128xf32, #tpu.memory_space<hbm>>
      %dma_wait3A_528 = arith.constant 0 : i32
      %dma_wait3A_529 = arith.constant 0 : i32
      %dma_wait3A_530 = tpu.memref_slice %arg8[%add3A_518, %dma_wait3A_528, %dma_wait3A_529] : memref<4096x32x128xf32, #tpu.memory_space<hbm>> -> memref<4x32x128xf32, #tpu.memory_space<hbm>>
      tpu.wait_dma2 semaphore(%arg20 : memref<!tpu.dma_semaphore, #tpu.memory_space<semaphore_mem>>) src(%arg17 : memref<4x32x128xf32, #tpu.memory_space<vmem>>) dst(%dma_wait3A_530 : memref<4x32x128xf32, #tpu.memory_space<hbm>>)
      %add3A_531 = arith.constant 16 : i32
      %add3A_532 = arith.addi %add3A_4, %add3A_531 : i32
      %dma_wait3A_533 = arith.constant 0 : i32
      %dma_wait3A_534 = arith.constant 0 : i32
      %dma_wait3A_535 = tpu.memref_slice %arg7[%add3A_532, %dma_wait3A_533, %dma_wait3A_534] : memref<4096x32x128xf32, #tpu.memory_space<hbm>> -> memref<4x32x128xf32, #tpu.memory_space<hbm>>
      %dma_wait3A_536 = arith.constant 0 : i32
      %dma_wait3A_537 = arith.constant 0 : i32
      %dma_wait3A_538 = tpu.memref_slice %arg7[%add3A_532, %dma_wait3A_536, %dma_wait3A_537] : memref<4096x32x128xf32, #tpu.memory_space<hbm>> -> memref<4x32x128xf32, #tpu.memory_space<hbm>>
      tpu.wait_dma2 semaphore(%arg20 : memref<!tpu.dma_semaphore, #tpu.memory_space<semaphore_mem>>) src(%arg17 : memref<4x32x128xf32, #tpu.memory_space<vmem>>) dst(%dma_wait3A_538 : memref<4x32x128xf32, #tpu.memory_space<hbm>>)
      %dma_wait3A_539 = arith.constant 0 : i32
      %dma_wait3A_540 = arith.constant 0 : i32
      %dma_wait3A_541 = tpu.memref_slice %arg8[%add3A_532, %dma_wait3A_539, %dma_wait3A_540] : memref<4096x32x128xf32, #tpu.memory_space<hbm>> -> memref<4x32x128xf32, #tpu.memory_space<hbm>>
      %dma_wait3A_542 = arith.constant 0 : i32
      %dma_wait3A_543 = arith.constant 0 : i32
      %dma_wait3A_544 = tpu.memref_slice %arg8[%add3A_532, %dma_wait3A_542, %dma_wait3A_543] : memref<4096x32x128xf32, #tpu.memory_space<hbm>> -> memref<4x32x128xf32, #tpu.memory_space<hbm>>
      tpu.wait_dma2 semaphore(%arg20 : memref<!tpu.dma_semaphore, #tpu.memory_space<semaphore_mem>>) src(%arg17 : memref<4x32x128xf32, #tpu.memory_space<vmem>>) dst(%dma_wait3A_544 : memref<4x32x128xf32, #tpu.memory_space<hbm>>)
      %add3A_545 = arith.constant 20 : i32
      %add3A_546 = arith.addi %add3A_4, %add3A_545 : i32
      %dma_wait3A_547 = arith.constant 0 : i32
      %dma_wait3A_548 = arith.constant 0 : i32
      %dma_wait3A_549 = tpu.memref_slice %arg7[%add3A_546, %dma_wait3A_547, %dma_wait3A_548] : memref<4096x32x128xf32, #tpu.memory_space<hbm>> -> memref<4x32x128xf32, #tpu.memory_space<hbm>>
      %dma_wait3A_550 = arith.constant 0 : i32
      %dma_wait3A_551 = arith.constant 0 : i32
      %dma_wait3A_552 = tpu.memref_slice %arg7[%add3A_546, %dma_wait3A_550, %dma_wait3A_551] : memref<4096x32x128xf32, #tpu.memory_space<hbm>> -> memref<4x32x128xf32, #tpu.memory_space<hbm>>
      tpu.wait_dma2 semaphore(%arg20 : memref<!tpu.dma_semaphore, #tpu.memory_space<semaphore_mem>>) src(%arg17 : memref<4x32x128xf32, #tpu.memory_space<vmem>>) dst(%dma_wait3A_552 : memref<4x32x128xf32, #tpu.memory_space<hbm>>)
      %dma_wait3A_553 = arith.constant 0 : i32
      %dma_wait3A_554 = arith.constant 0 : i32
      %dma_wait3A_555 = tpu.memref_slice %arg8[%add3A_546, %dma_wait3A_553, %dma_wait3A_554] : memref<4096x32x128xf32, #tpu.memory_space<hbm>> -> memref<4x32x128xf32, #tpu.memory_space<hbm>>
      %dma_wait3A_556 = arith.constant 0 : i32
      %dma_wait3A_557 = arith.constant 0 : i32
      %dma_wait3A_558 = tpu.memref_slice %arg8[%add3A_546, %dma_wait3A_556, %dma_wait3A_557] : memref<4096x32x128xf32, #tpu.memory_space<hbm>> -> memref<4x32x128xf32, #tpu.memory_space<hbm>>
      tpu.wait_dma2 semaphore(%arg20 : memref<!tpu.dma_semaphore, #tpu.memory_space<semaphore_mem>>) src(%arg17 : memref<4x32x128xf32, #tpu.memory_space<vmem>>) dst(%dma_wait3A_558 : memref<4x32x128xf32, #tpu.memory_space<hbm>>)
      %add3A_559 = arith.constant 24 : i32
      %add3A_560 = arith.addi %add3A_4, %add3A_559 : i32
      %dma_wait3A_561 = arith.constant 0 : i32
      %dma_wait3A_562 = arith.constant 0 : i32
      %dma_wait3A_563 = tpu.memref_slice %arg7[%add3A_560, %dma_wait3A_561, %dma_wait3A_562] : memref<4096x32x128xf32, #tpu.memory_space<hbm>> -> memref<4x32x128xf32, #tpu.memory_space<hbm>>
      %dma_wait3A_564 = arith.constant 0 : i32
      %dma_wait3A_565 = arith.constant 0 : i32
      %dma_wait3A_566 = tpu.memref_slice %arg7[%add3A_560, %dma_wait3A_564, %dma_wait3A_565] : memref<4096x32x128xf32, #tpu.memory_space<hbm>> -> memref<4x32x128xf32, #tpu.memory_space<hbm>>
      tpu.wait_dma2 semaphore(%arg20 : memref<!tpu.dma_semaphore, #tpu.memory_space<semaphore_mem>>) src(%arg17 : memref<4x32x128xf32, #tpu.memory_space<vmem>>) dst(%dma_wait3A_566 : memref<4x32x128xf32, #tpu.memory_space<hbm>>)
      %dma_wait3A_567 = arith.constant 0 : i32
      %dma_wait3A_568 = arith.constant 0 : i32
      %dma_wait3A_569 = tpu.memref_slice %arg8[%add3A_560, %dma_wait3A_567, %dma_wait3A_568] : memref<4096x32x128xf32, #tpu.memory_space<hbm>> -> memref<4x32x128xf32, #tpu.memory_space<hbm>>
      %dma_wait3A_570 = arith.constant 0 : i32
      %dma_wait3A_571 = arith.constant 0 : i32
      %dma_wait3A_572 = tpu.memref_slice %arg8[%add3A_560, %dma_wait3A_570, %dma_wait3A_571] : memref<4096x32x128xf32, #tpu.memory_space<hbm>> -> memref<4x32x128xf32, #tpu.memory_space<hbm>>
      tpu.wait_dma2 semaphore(%arg20 : memref<!tpu.dma_semaphore, #tpu.memory_space<semaphore_mem>>) src(%arg17 : memref<4x32x128xf32, #tpu.memory_space<vmem>>) dst(%dma_wait3A_572 : memref<4x32x128xf32, #tpu.memory_space<hbm>>)
      %add3A_573 = arith.constant 28 : i32
      %add3A_574 = arith.addi %add3A_4, %add3A_573 : i32
      %dma_wait3A_575 = arith.constant 0 : i32
      %dma_wait3A_576 = arith.constant 0 : i32
      %dma_wait3A_577 = tpu.memref_slice %arg7[%add3A_574, %dma_wait3A_575, %dma_wait3A_576] : memref<4096x32x128xf32, #tpu.memory_space<hbm>> -> memref<4x32x128xf32, #tpu.memory_space<hbm>>
      %dma_wait3A_578 = arith.constant 0 : i32
      %dma_wait3A_579 = arith.constant 0 : i32
      %dma_wait3A_580 = tpu.memref_slice %arg7[%add3A_574, %dma_wait3A_578, %dma_wait3A_579] : memref<4096x32x128xf32, #tpu.memory_space<hbm>> -> memref<4x32x128xf32, #tpu.memory_space<hbm>>
      tpu.wait_dma2 semaphore(%arg20 : memref<!tpu.dma_semaphore, #tpu.memory_space<semaphore_mem>>) src(%arg17 : memref<4x32x128xf32, #tpu.memory_space<vmem>>) dst(%dma_wait3A_580 : memref<4x32x128xf32, #tpu.memory_space<hbm>>)
      %dma_wait3A_581 = arith.constant 0 : i32
      %dma_wait3A_582 = arith.constant 0 : i32
      %dma_wait3A_583 = tpu.memref_slice %arg8[%add3A_574, %dma_wait3A_581, %dma_wait3A_582] : memref<4096x32x128xf32, #tpu.memory_space<hbm>> -> memref<4x32x128xf32, #tpu.memory_space<hbm>>
      %dma_wait3A_584 = arith.constant 0 : i32
      %dma_wait3A_585 = arith.constant 0 : i32
      %dma_wait3A_586 = tpu.memref_slice %arg8[%add3A_574, %dma_wait3A_584, %dma_wait3A_585] : memref<4096x32x128xf32, #tpu.memory_space<hbm>> -> memref<4x32x128xf32, #tpu.memory_space<hbm>>
      tpu.wait_dma2 semaphore(%arg20 : memref<!tpu.dma_semaphore, #tpu.memory_space<semaphore_mem>>) src(%arg17 : memref<4x32x128xf32, #tpu.memory_space<vmem>>) dst(%dma_wait3A_586 : memref<4x32x128xf32, #tpu.memory_space<hbm>>)
      %add3A_587 = arith.constant 32 : i32
      %add3A_588 = arith.addi %add3A_4, %add3A_587 : i32
      %dma_wait3A_589 = arith.constant 0 : i32
      %dma_wait3A_590 = arith.constant 0 : i32
      %dma_wait3A_591 = tpu.memref_slice %arg7[%add3A_588, %dma_wait3A_589, %dma_wait3A_590] : memref<4096x32x128xf32, #tpu.memory_space<hbm>> -> memref<4x32x128xf32, #tpu.memory_space<hbm>>
      %dma_wait3A_592 = arith.constant 0 : i32
      %dma_wait3A_593 = arith.constant 0 : i32
      %dma_wait3A_594 = tpu.memref_slice %arg7[%add3A_588, %dma_wait3A_592, %dma_wait3A_593] : memref<4096x32x128xf32, #tpu.memory_space<hbm>> -> memref<4x32x128xf32, #tpu.memory_space<hbm>>
      tpu.wait_dma2 semaphore(%arg20 : memref<!tpu.dma_semaphore, #tpu.memory_space<semaphore_mem>>) src(%arg17 : memref<4x32x128xf32, #tpu.memory_space<vmem>>) dst(%dma_wait3A_594 : memref<4x32x128xf32, #tpu.memory_space<hbm>>)
      %dma_wait3A_595 = arith.constant 0 : i32
      %dma_wait3A_596 = arith.constant 0 : i32
      %dma_wait3A_597 = tpu.memref_slice %arg8[%add3A_588, %dma_wait3A_595, %dma_wait3A_596] : memref<4096x32x128xf32, #tpu.memory_space<hbm>> -> memref<4x32x128xf32, #tpu.memory_space<hbm>>
      %dma_wait3A_598 = arith.constant 0 : i32
      %dma_wait3A_599 = arith.constant 0 : i32
      %dma_wait3A_600 = tpu.memref_slice %arg8[%add3A_588, %dma_wait3A_598, %dma_wait3A_599] : memref<4096x32x128xf32, #tpu.memory_space<hbm>> -> memref<4x32x128xf32, #tpu.memory_space<hbm>>
      tpu.wait_dma2 semaphore(%arg20 : memref<!tpu.dma_semaphore, #tpu.memory_space<semaphore_mem>>) src(%arg17 : memref<4x32x128xf32, #tpu.memory_space<vmem>>) dst(%dma_wait3A_600 : memref<4x32x128xf32, #tpu.memory_space<hbm>>)
      %add3A_601 = arith.constant 36 : i32
      %add3A_602 = arith.addi %add3A_4, %add3A_601 : i32
      %dma_wait3A_603 = arith.constant 0 : i32
      %dma_wait3A_604 = arith.constant 0 : i32
      %dma_wait3A_605 = tpu.memref_slice %arg7[%add3A_602, %dma_wait3A_603, %dma_wait3A_604] : memref<4096x32x128xf32, #tpu.memory_space<hbm>> -> memref<4x32x128xf32, #tpu.memory_space<hbm>>
      %dma_wait3A_606 = arith.constant 0 : i32
      %dma_wait3A_607 = arith.constant 0 : i32
      %dma_wait3A_608 = tpu.memref_slice %arg7[%add3A_602, %dma_wait3A_606, %dma_wait3A_607] : memref<4096x32x128xf32, #tpu.memory_space<hbm>> -> memref<4x32x128xf32, #tpu.memory_space<hbm>>
      tpu.wait_dma2 semaphore(%arg20 : memref<!tpu.dma_semaphore, #tpu.memory_space<semaphore_mem>>) src(%arg17 : memref<4x32x128xf32, #tpu.memory_space<vmem>>) dst(%dma_wait3A_608 : memref<4x32x128xf32, #tpu.memory_space<hbm>>)
      %dma_wait3A_609 = arith.constant 0 : i32
      %dma_wait3A_610 = arith.constant 0 : i32
      %dma_wait3A_611 = tpu.memref_slice %arg8[%add3A_602, %dma_wait3A_609, %dma_wait3A_610] : memref<4096x32x128xf32, #tpu.memory_space<hbm>> -> memref<4x32x128xf32, #tpu.memory_space<hbm>>
      %dma_wait3A_612 = arith.constant 0 : i32
      %dma_wait3A_613 = arith.constant 0 : i32
      %dma_wait3A_614 = tpu.memref_slice %arg8[%add3A_602, %dma_wait3A_612, %dma_wait3A_613] : memref<4096x32x128xf32, #tpu.memory_space<hbm>> -> memref<4x32x128xf32, #tpu.memory_space<hbm>>
      tpu.wait_dma2 semaphore(%arg20 : memref<!tpu.dma_semaphore, #tpu.memory_space<semaphore_mem>>) src(%arg17 : memref<4x32x128xf32, #tpu.memory_space<vmem>>) dst(%dma_wait3A_614 : memref<4x32x128xf32, #tpu.memory_space<hbm>>)
      %add3A_615 = arith.constant 40 : i32
      %add3A_616 = arith.addi %add3A_4, %add3A_615 : i32
      %dma_wait3A_617 = arith.constant 0 : i32
      %dma_wait3A_618 = arith.constant 0 : i32
      %dma_wait3A_619 = tpu.memref_slice %arg7[%add3A_616, %dma_wait3A_617, %dma_wait3A_618] : memref<4096x32x128xf32, #tpu.memory_space<hbm>> -> memref<4x32x128xf32, #tpu.memory_space<hbm>>
      %dma_wait3A_620 = arith.constant 0 : i32
      %dma_wait3A_621 = arith.constant 0 : i32
      %dma_wait3A_622 = tpu.memref_slice %arg7[%add3A_616, %dma_wait3A_620, %dma_wait3A_621] : memref<4096x32x128xf32, #tpu.memory_space<hbm>> -> memref<4x32x128xf32, #tpu.memory_space<hbm>>
      tpu.wait_dma2 semaphore(%arg20 : memref<!tpu.dma_semaphore, #tpu.memory_space<semaphore_mem>>) src(%arg17 : memref<4x32x128xf32, #tpu.memory_space<vmem>>) dst(%dma_wait3A_622 : memref<4x32x128xf32, #tpu.memory_space<hbm>>)
      %dma_wait3A_623 = arith.constant 0 : i32
      %dma_wait3A_624 = arith.constant 0 : i32
      %dma_wait3A_625 = tpu.memref_slice %arg8[%add3A_616, %dma_wait3A_623, %dma_wait3A_624] : memref<4096x32x128xf32, #tpu.memory_space<hbm>> -> memref<4x32x128xf32, #tpu.memory_space<hbm>>
      %dma_wait3A_626 = arith.constant 0 : i32
      %dma_wait3A_627 = arith.constant 0 : i32
      %dma_wait3A_628 = tpu.memref_slice %arg8[%add3A_616, %dma_wait3A_626, %dma_wait3A_627] : memref<4096x32x128xf32, #tpu.memory_space<hbm>> -> memref<4x32x128xf32, #tpu.memory_space<hbm>>
      tpu.wait_dma2 semaphore(%arg20 : memref<!tpu.dma_semaphore, #tpu.memory_space<semaphore_mem>>) src(%arg17 : memref<4x32x128xf32, #tpu.memory_space<vmem>>) dst(%dma_wait3A_628 : memref<4x32x128xf32, #tpu.memory_space<hbm>>)
      %add3A_629 = arith.constant 44 : i32
      %add3A_630 = arith.addi %add3A_4, %add3A_629 : i32
      %dma_wait3A_631 = arith.constant 0 : i32
      %dma_wait3A_632 = arith.constant 0 : i32
      %dma_wait3A_633 = tpu.memref_slice %arg7[%add3A_630, %dma_wait3A_631, %dma_wait3A_632] : memref<4096x32x128xf32, #tpu.memory_space<hbm>> -> memref<4x32x128xf32, #tpu.memory_space<hbm>>
      %dma_wait3A_634 = arith.constant 0 : i32
      %dma_wait3A_635 = arith.constant 0 : i32
      %dma_wait3A_636 = tpu.memref_slice %arg7[%add3A_630, %dma_wait3A_634, %dma_wait3A_635] : memref<4096x32x128xf32, #tpu.memory_space<hbm>> -> memref<4x32x128xf32, #tpu.memory_space<hbm>>
      tpu.wait_dma2 semaphore(%arg20 : memref<!tpu.dma_semaphore, #tpu.memory_space<semaphore_mem>>) src(%arg17 : memref<4x32x128xf32, #tpu.memory_space<vmem>>) dst(%dma_wait3A_636 : memref<4x32x128xf32, #tpu.memory_space<hbm>>)
      %dma_wait3A_637 = arith.constant 0 : i32
      %dma_wait3A_638 = arith.constant 0 : i32
      %dma_wait3A_639 = tpu.memref_slice %arg8[%add3A_630, %dma_wait3A_637, %dma_wait3A_638] : memref<4096x32x128xf32, #tpu.memory_space<hbm>> -> memref<4x32x128xf32, #tpu.memory_space<hbm>>
      %dma_wait3A_640 = arith.constant 0 : i32
      %dma_wait3A_641 = arith.constant 0 : i32
      %dma_wait3A_642 = tpu.memref_slice %arg8[%add3A_630, %dma_wait3A_640, %dma_wait3A_641] : memref<4096x32x128xf32, #tpu.memory_space<hbm>> -> memref<4x32x128xf32, #tpu.memory_space<hbm>>
      tpu.wait_dma2 semaphore(%arg20 : memref<!tpu.dma_semaphore, #tpu.memory_space<semaphore_mem>>) src(%arg17 : memref<4x32x128xf32, #tpu.memory_space<vmem>>) dst(%dma_wait3A_642 : memref<4x32x128xf32, #tpu.memory_space<hbm>>)
      %add3A_643 = arith.constant 48 : i32
      %add3A_644 = arith.addi %add3A_4, %add3A_643 : i32
      %dma_wait3A_645 = arith.constant 0 : i32
      %dma_wait3A_646 = arith.constant 0 : i32
      %dma_wait3A_647 = tpu.memref_slice %arg7[%add3A_644, %dma_wait3A_645, %dma_wait3A_646] : memref<4096x32x128xf32, #tpu.memory_space<hbm>> -> memref<4x32x128xf32, #tpu.memory_space<hbm>>
      %dma_wait3A_648 = arith.constant 0 : i32
      %dma_wait3A_649 = arith.constant 0 : i32
      %dma_wait3A_650 = tpu.memref_slice %arg7[%add3A_644, %dma_wait3A_648, %dma_wait3A_649] : memref<4096x32x128xf32, #tpu.memory_space<hbm>> -> memref<4x32x128xf32, #tpu.memory_space<hbm>>
      tpu.wait_dma2 semaphore(%arg20 : memref<!tpu.dma_semaphore, #tpu.memory_space<semaphore_mem>>) src(%arg17 : memref<4x32x128xf32, #tpu.memory_space<vmem>>) dst(%dma_wait3A_650 : memref<4x32x128xf32, #tpu.memory_space<hbm>>)
      %dma_wait3A_651 = arith.constant 0 : i32
      %dma_wait3A_652 = arith.constant 0 : i32
      %dma_wait3A_653 = tpu.memref_slice %arg8[%add3A_644, %dma_wait3A_651, %dma_wait3A_652] : memref<4096x32x128xf32, #tpu.memory_space<hbm>> -> memref<4x32x128xf32, #tpu.memory_space<hbm>>
      %dma_wait3A_654 = arith.constant 0 : i32
      %dma_wait3A_655 = arith.constant 0 : i32
      %dma_wait3A_656 = tpu.memref_slice %arg8[%add3A_644, %dma_wait3A_654, %dma_wait3A_655] : memref<4096x32x128xf32, #tpu.memory_space<hbm>> -> memref<4x32x128xf32, #tpu.memory_space<hbm>>
      tpu.wait_dma2 semaphore(%arg20 : memref<!tpu.dma_semaphore, #tpu.memory_space<semaphore_mem>>) src(%arg17 : memref<4x32x128xf32, #tpu.memory_space<vmem>>) dst(%dma_wait3A_656 : memref<4x32x128xf32, #tpu.memory_space<hbm>>)
      %add3A_657 = arith.constant 52 : i32
      %add3A_658 = arith.addi %add3A_4, %add3A_657 : i32
      %dma_wait3A_659 = arith.constant 0 : i32
      %dma_wait3A_660 = arith.constant 0 : i32
      %dma_wait3A_661 = tpu.memref_slice %arg7[%add3A_658, %dma_wait3A_659, %dma_wait3A_660] : memref<4096x32x128xf32, #tpu.memory_space<hbm>> -> memref<4x32x128xf32, #tpu.memory_space<hbm>>
      %dma_wait3A_662 = arith.constant 0 : i32
      %dma_wait3A_663 = arith.constant 0 : i32
      %dma_wait3A_664 = tpu.memref_slice %arg7[%add3A_658, %dma_wait3A_662, %dma_wait3A_663] : memref<4096x32x128xf32, #tpu.memory_space<hbm>> -> memref<4x32x128xf32, #tpu.memory_space<hbm>>
      tpu.wait_dma2 semaphore(%arg20 : memref<!tpu.dma_semaphore, #tpu.memory_space<semaphore_mem>>) src(%arg17 : memref<4x32x128xf32, #tpu.memory_space<vmem>>) dst(%dma_wait3A_664 : memref<4x32x128xf32, #tpu.memory_space<hbm>>)
      %dma_wait3A_665 = arith.constant 0 : i32
      %dma_wait3A_666 = arith.constant 0 : i32
      %dma_wait3A_667 = tpu.memref_slice %arg8[%add3A_658, %dma_wait3A_665, %dma_wait3A_666] : memref<4096x32x128xf32, #tpu.memory_space<hbm>> -> memref<4x32x128xf32, #tpu.memory_space<hbm>>
      %dma_wait3A_668 = arith.constant 0 : i32
      %dma_wait3A_669 = arith.constant 0 : i32
      %dma_wait3A_670 = tpu.memref_slice %arg8[%add3A_658, %dma_wait3A_668, %dma_wait3A_669] : memref<4096x32x128xf32, #tpu.memory_space<hbm>> -> memref<4x32x128xf32, #tpu.memory_space<hbm>>
      tpu.wait_dma2 semaphore(%arg20 : memref<!tpu.dma_semaphore, #tpu.memory_space<semaphore_mem>>) src(%arg17 : memref<4x32x128xf32, #tpu.memory_space<vmem>>) dst(%dma_wait3A_670 : memref<4x32x128xf32, #tpu.memory_space<hbm>>)
      %add3A_671 = arith.constant 56 : i32
      %add3A_672 = arith.addi %add3A_4, %add3A_671 : i32
      %dma_wait3A_673 = arith.constant 0 : i32
      %dma_wait3A_674 = arith.constant 0 : i32
      %dma_wait3A_675 = tpu.memref_slice %arg7[%add3A_672, %dma_wait3A_673, %dma_wait3A_674] : memref<4096x32x128xf32, #tpu.memory_space<hbm>> -> memref<4x32x128xf32, #tpu.memory_space<hbm>>
      %dma_wait3A_676 = arith.constant 0 : i32
      %dma_wait3A_677 = arith.constant 0 : i32
      %dma_wait3A_678 = tpu.memref_slice %arg7[%add3A_672, %dma_wait3A_676, %dma_wait3A_677] : memref<4096x32x128xf32, #tpu.memory_space<hbm>> -> memref<4x32x128xf32, #tpu.memory_space<hbm>>
      tpu.wait_dma2 semaphore(%arg20 : memref<!tpu.dma_semaphore, #tpu.memory_space<semaphore_mem>>) src(%arg17 : memref<4x32x128xf32, #tpu.memory_space<vmem>>) dst(%dma_wait3A_678 : memref<4x32x128xf32, #tpu.memory_space<hbm>>)
      %dma_wait3A_679 = arith.constant 0 : i32
      %dma_wait3A_680 = arith.constant 0 : i32
      %dma_wait3A_681 = tpu.memref_slice %arg8[%add3A_672, %dma_wait3A_679, %dma_wait3A_680] : memref<4096x32x128xf32, #tpu.memory_space<hbm>> -> memref<4x32x128xf32, #tpu.memory_space<hbm>>
      %dma_wait3A_682 = arith.constant 0 : i32
      %dma_wait3A_683 = arith.constant 0 : i32
      %dma_wait3A_684 = tpu.memref_slice %arg8[%add3A_672, %dma_wait3A_682, %dma_wait3A_683] : memref<4096x32x128xf32, #tpu.memory_space<hbm>> -> memref<4x32x128xf32, #tpu.memory_space<hbm>>
      tpu.wait_dma2 semaphore(%arg20 : memref<!tpu.dma_semaphore, #tpu.memory_space<semaphore_mem>>) src(%arg17 : memref<4x32x128xf32, #tpu.memory_space<vmem>>) dst(%dma_wait3A_684 : memref<4x32x128xf32, #tpu.memory_space<hbm>>)
      %add3A_685 = arith.constant 60 : i32
      %add3A_686 = arith.addi %add3A_4, %add3A_685 : i32
      %dma_wait3A_687 = arith.constant 0 : i32
      %dma_wait3A_688 = arith.constant 0 : i32
      %dma_wait3A_689 = tpu.memref_slice %arg7[%add3A_686, %dma_wait3A_687, %dma_wait3A_688] : memref<4096x32x128xf32, #tpu.memory_space<hbm>> -> memref<4x32x128xf32, #tpu.memory_space<hbm>>
      %dma_wait3A_690 = arith.constant 0 : i32
      %dma_wait3A_691 = arith.constant 0 : i32
      %dma_wait3A_692 = tpu.memref_slice %arg7[%add3A_686, %dma_wait3A_690, %dma_wait3A_691] : memref<4096x32x128xf32, #tpu.memory_space<hbm>> -> memref<4x32x128xf32, #tpu.memory_space<hbm>>
      tpu.wait_dma2 semaphore(%arg20 : memref<!tpu.dma_semaphore, #tpu.memory_space<semaphore_mem>>) src(%arg17 : memref<4x32x128xf32, #tpu.memory_space<vmem>>) dst(%dma_wait3A_692 : memref<4x32x128xf32, #tpu.memory_space<hbm>>)
      %dma_wait3A_693 = arith.constant 0 : i32
      %dma_wait3A_694 = arith.constant 0 : i32
      %dma_wait3A_695 = tpu.memref_slice %arg8[%add3A_686, %dma_wait3A_693, %dma_wait3A_694] : memref<4096x32x128xf32, #tpu.memory_space<hbm>> -> memref<4x32x128xf32, #tpu.memory_space<hbm>>
      %dma_wait3A_696 = arith.constant 0 : i32
      %dma_wait3A_697 = arith.constant 0 : i32
      %dma_wait3A_698 = tpu.memref_slice %arg8[%add3A_686, %dma_wait3A_696, %dma_wait3A_697] : memref<4096x32x128xf32, #tpu.memory_space<hbm>> -> memref<4x32x128xf32, #tpu.memory_space<hbm>>
      tpu.wait_dma2 semaphore(%arg20 : memref<!tpu.dma_semaphore, #tpu.memory_space<semaphore_mem>>) src(%arg17 : memref<4x32x128xf32, #tpu.memory_space<vmem>>) dst(%dma_wait3A_698 : memref<4x32x128xf32, #tpu.memory_space<hbm>>)
      %add3A_699 = arith.constant 64 : i32
      %add3A_700 = arith.addi %add3A_4, %add3A_699 : i32
      %dma_wait3A_701 = arith.constant 0 : i32
      %dma_wait3A_702 = arith.constant 0 : i32
      %dma_wait3A_703 = tpu.memref_slice %arg7[%add3A_700, %dma_wait3A_701, %dma_wait3A_702] : memref<4096x32x128xf32, #tpu.memory_space<hbm>> -> memref<4x32x128xf32, #tpu.memory_space<hbm>>
      %dma_wait3A_704 = arith.constant 0 : i32
      %dma_wait3A_705 = arith.constant 0 : i32
      %dma_wait3A_706 = tpu.memref_slice %arg7[%add3A_700, %dma_wait3A_704, %dma_wait3A_705] : memref<4096x32x128xf32, #tpu.memory_space<hbm>> -> memref<4x32x128xf32, #tpu.memory_space<hbm>>
      tpu.wait_dma2 semaphore(%arg20 : memref<!tpu.dma_semaphore, #tpu.memory_space<semaphore_mem>>) src(%arg17 : memref<4x32x128xf32, #tpu.memory_space<vmem>>) dst(%dma_wait3A_706 : memref<4x32x128xf32, #tpu.memory_space<hbm>>)
      %dma_wait3A_707 = arith.constant 0 : i32
      %dma_wait3A_708 = arith.constant 0 : i32
      %dma_wait3A_709 = tpu.memref_slice %arg8[%add3A_700, %dma_wait3A_707, %dma_wait3A_708] : memref<4096x32x128xf32, #tpu.memory_space<hbm>> -> memref<4x32x128xf32, #tpu.memory_space<hbm>>
      %dma_wait3A_710 = arith.constant 0 : i32
      %dma_wait3A_711 = arith.constant 0 : i32
      %dma_wait3A_712 = tpu.memref_slice %arg8[%add3A_700, %dma_wait3A_710, %dma_wait3A_711] : memref<4096x32x128xf32, #tpu.memory_space<hbm>> -> memref<4x32x128xf32, #tpu.memory_space<hbm>>
      tpu.wait_dma2 semaphore(%arg20 : memref<!tpu.dma_semaphore, #tpu.memory_space<semaphore_mem>>) src(%arg17 : memref<4x32x128xf32, #tpu.memory_space<vmem>>) dst(%dma_wait3A_712 : memref<4x32x128xf32, #tpu.memory_space<hbm>>)
      %add3A_713 = arith.constant 68 : i32
      %add3A_714 = arith.addi %add3A_4, %add3A_713 : i32
      %dma_wait3A_715 = arith.constant 0 : i32
      %dma_wait3A_716 = arith.constant 0 : i32
      %dma_wait3A_717 = tpu.memref_slice %arg7[%add3A_714, %dma_wait3A_715, %dma_wait3A_716] : memref<4096x32x128xf32, #tpu.memory_space<hbm>> -> memref<4x32x128xf32, #tpu.memory_space<hbm>>
      %dma_wait3A_718 = arith.constant 0 : i32
      %dma_wait3A_719 = arith.constant 0 : i32
      %dma_wait3A_720 = tpu.memref_slice %arg7[%add3A_714, %dma_wait3A_718, %dma_wait3A_719] : memref<4096x32x128xf32, #tpu.memory_space<hbm>> -> memref<4x32x128xf32, #tpu.memory_space<hbm>>
      tpu.wait_dma2 semaphore(%arg20 : memref<!tpu.dma_semaphore, #tpu.memory_space<semaphore_mem>>) src(%arg17 : memref<4x32x128xf32, #tpu.memory_space<vmem>>) dst(%dma_wait3A_720 : memref<4x32x128xf32, #tpu.memory_space<hbm>>)
      %dma_wait3A_721 = arith.constant 0 : i32
      %dma_wait3A_722 = arith.constant 0 : i32
      %dma_wait3A_723 = tpu.memref_slice %arg8[%add3A_714, %dma_wait3A_721, %dma_wait3A_722] : memref<4096x32x128xf32, #tpu.memory_space<hbm>> -> memref<4x32x128xf32, #tpu.memory_space<hbm>>
      %dma_wait3A_724 = arith.constant 0 : i32
      %dma_wait3A_725 = arith.constant 0 : i32
      %dma_wait3A_726 = tpu.memref_slice %arg8[%add3A_714, %dma_wait3A_724, %dma_wait3A_725] : memref<4096x32x128xf32, #tpu.memory_space<hbm>> -> memref<4x32x128xf32, #tpu.memory_space<hbm>>
      tpu.wait_dma2 semaphore(%arg20 : memref<!tpu.dma_semaphore, #tpu.memory_space<semaphore_mem>>) src(%arg17 : memref<4x32x128xf32, #tpu.memory_space<vmem>>) dst(%dma_wait3A_726 : memref<4x32x128xf32, #tpu.memory_space<hbm>>)
      %add3A_727 = arith.constant 72 : i32
      %add3A_728 = arith.addi %add3A_4, %add3A_727 : i32
      %dma_wait3A_729 = arith.constant 0 : i32
      %dma_wait3A_730 = arith.constant 0 : i32
      %dma_wait3A_731 = tpu.memref_slice %arg7[%add3A_728, %dma_wait3A_729, %dma_wait3A_730] : memref<4096x32x128xf32, #tpu.memory_space<hbm>> -> memref<4x32x128xf32, #tpu.memory_space<hbm>>
      %dma_wait3A_732 = arith.constant 0 : i32
      %dma_wait3A_733 = arith.constant 0 : i32
      %dma_wait3A_734 = tpu.memref_slice %arg7[%add3A_728, %dma_wait3A_732, %dma_wait3A_733] : memref<4096x32x128xf32, #tpu.memory_space<hbm>> -> memref<4x32x128xf32, #tpu.memory_space<hbm>>
      tpu.wait_dma2 semaphore(%arg20 : memref<!tpu.dma_semaphore, #tpu.memory_space<semaphore_mem>>) src(%arg17 : memref<4x32x128xf32, #tpu.memory_space<vmem>>) dst(%dma_wait3A_734 : memref<4x32x128xf32, #tpu.memory_space<hbm>>)
      %dma_wait3A_735 = arith.constant 0 : i32
      %dma_wait3A_736 = arith.constant 0 : i32
      %dma_wait3A_737 = tpu.memref_slice %arg8[%add3A_728, %dma_wait3A_735, %dma_wait3A_736] : memref<4096x32x128xf32, #tpu.memory_space<hbm>> -> memref<4x32x128xf32, #tpu.memory_space<hbm>>
      %dma_wait3A_738 = arith.constant 0 : i32
      %dma_wait3A_739 = arith.constant 0 : i32
      %dma_wait3A_740 = tpu.memref_slice %arg8[%add3A_728, %dma_wait3A_738, %dma_wait3A_739] : memref<4096x32x128xf32, #tpu.memory_space<hbm>> -> memref<4x32x128xf32, #tpu.memory_space<hbm>>
      tpu.wait_dma2 semaphore(%arg20 : memref<!tpu.dma_semaphore, #tpu.memory_space<semaphore_mem>>) src(%arg17 : memref<4x32x128xf32, #tpu.memory_space<vmem>>) dst(%dma_wait3A_740 : memref<4x32x128xf32, #tpu.memory_space<hbm>>)
      %add3A_741 = arith.constant 76 : i32
      %add3A_742 = arith.addi %add3A_4, %add3A_741 : i32
      %dma_wait3A_743 = arith.constant 0 : i32
      %dma_wait3A_744 = arith.constant 0 : i32
      %dma_wait3A_745 = tpu.memref_slice %arg7[%add3A_742, %dma_wait3A_743, %dma_wait3A_744] : memref<4096x32x128xf32, #tpu.memory_space<hbm>> -> memref<4x32x128xf32, #tpu.memory_space<hbm>>
      %dma_wait3A_746 = arith.constant 0 : i32
      %dma_wait3A_747 = arith.constant 0 : i32
      %dma_wait3A_748 = tpu.memref_slice %arg7[%add3A_742, %dma_wait3A_746, %dma_wait3A_747] : memref<4096x32x128xf32, #tpu.memory_space<hbm>> -> memref<4x32x128xf32, #tpu.memory_space<hbm>>
      tpu.wait_dma2 semaphore(%arg20 : memref<!tpu.dma_semaphore, #tpu.memory_space<semaphore_mem>>) src(%arg17 : memref<4x32x128xf32, #tpu.memory_space<vmem>>) dst(%dma_wait3A_748 : memref<4x32x128xf32, #tpu.memory_space<hbm>>)
      %dma_wait3A_749 = arith.constant 0 : i32
      %dma_wait3A_750 = arith.constant 0 : i32
      %dma_wait3A_751 = tpu.memref_slice %arg8[%add3A_742, %dma_wait3A_749, %dma_wait3A_750] : memref<4096x32x128xf32, #tpu.memory_space<hbm>> -> memref<4x32x128xf32, #tpu.memory_space<hbm>>
      %dma_wait3A_752 = arith.constant 0 : i32
      %dma_wait3A_753 = arith.constant 0 : i32
      %dma_wait3A_754 = tpu.memref_slice %arg8[%add3A_742, %dma_wait3A_752, %dma_wait3A_753] : memref<4096x32x128xf32, #tpu.memory_space<hbm>> -> memref<4x32x128xf32, #tpu.memory_space<hbm>>
      tpu.wait_dma2 semaphore(%arg20 : memref<!tpu.dma_semaphore, #tpu.memory_space<semaphore_mem>>) src(%arg17 : memref<4x32x128xf32, #tpu.memory_space<vmem>>) dst(%dma_wait3A_754 : memref<4x32x128xf32, #tpu.memory_space<hbm>>)
      %add3A_755 = arith.constant 80 : i32
      %add3A_756 = arith.addi %add3A_4, %add3A_755 : i32
      %dma_wait3A_757 = arith.constant 0 : i32
      %dma_wait3A_758 = arith.constant 0 : i32
      %dma_wait3A_759 = tpu.memref_slice %arg7[%add3A_756, %dma_wait3A_757, %dma_wait3A_758] : memref<4096x32x128xf32, #tpu.memory_space<hbm>> -> memref<4x32x128xf32, #tpu.memory_space<hbm>>
      %dma_wait3A_760 = arith.constant 0 : i32
      %dma_wait3A_761 = arith.constant 0 : i32
      %dma_wait3A_762 = tpu.memref_slice %arg7[%add3A_756, %dma_wait3A_760, %dma_wait3A_761] : memref<4096x32x128xf32, #tpu.memory_space<hbm>> -> memref<4x32x128xf32, #tpu.memory_space<hbm>>
      tpu.wait_dma2 semaphore(%arg20 : memref<!tpu.dma_semaphore, #tpu.memory_space<semaphore_mem>>) src(%arg17 : memref<4x32x128xf32, #tpu.memory_space<vmem>>) dst(%dma_wait3A_762 : memref<4x32x128xf32, #tpu.memory_space<hbm>>)
      %dma_wait3A_763 = arith.constant 0 : i32
      %dma_wait3A_764 = arith.constant 0 : i32
      %dma_wait3A_765 = tpu.memref_slice %arg8[%add3A_756, %dma_wait3A_763, %dma_wait3A_764] : memref<4096x32x128xf32, #tpu.memory_space<hbm>> -> memref<4x32x128xf32, #tpu.memory_space<hbm>>
      %dma_wait3A_766 = arith.constant 0 : i32
      %dma_wait3A_767 = arith.constant 0 : i32
      %dma_wait3A_768 = tpu.memref_slice %arg8[%add3A_756, %dma_wait3A_766, %dma_wait3A_767] : memref<4096x32x128xf32, #tpu.memory_space<hbm>> -> memref<4x32x128xf32, #tpu.memory_space<hbm>>
      tpu.wait_dma2 semaphore(%arg20 : memref<!tpu.dma_semaphore, #tpu.memory_space<semaphore_mem>>) src(%arg17 : memref<4x32x128xf32, #tpu.memory_space<vmem>>) dst(%dma_wait3A_768 : memref<4x32x128xf32, #tpu.memory_space<hbm>>)
      %add3A_769 = arith.constant 84 : i32
      %add3A_770 = arith.addi %add3A_4, %add3A_769 : i32
      %dma_wait3A_771 = arith.constant 0 : i32
      %dma_wait3A_772 = arith.constant 0 : i32
      %dma_wait3A_773 = tpu.memref_slice %arg7[%add3A_770, %dma_wait3A_771, %dma_wait3A_772] : memref<4096x32x128xf32, #tpu.memory_space<hbm>> -> memref<4x32x128xf32, #tpu.memory_space<hbm>>
      %dma_wait3A_774 = arith.constant 0 : i32
      %dma_wait3A_775 = arith.constant 0 : i32
      %dma_wait3A_776 = tpu.memref_slice %arg7[%add3A_770, %dma_wait3A_774, %dma_wait3A_775] : memref<4096x32x128xf32, #tpu.memory_space<hbm>> -> memref<4x32x128xf32, #tpu.memory_space<hbm>>
      tpu.wait_dma2 semaphore(%arg20 : memref<!tpu.dma_semaphore, #tpu.memory_space<semaphore_mem>>) src(%arg17 : memref<4x32x128xf32, #tpu.memory_space<vmem>>) dst(%dma_wait3A_776 : memref<4x32x128xf32, #tpu.memory_space<hbm>>)
      %dma_wait3A_777 = arith.constant 0 : i32
      %dma_wait3A_778 = arith.constant 0 : i32
      %dma_wait3A_779 = tpu.memref_slice %arg8[%add3A_770, %dma_wait3A_777, %dma_wait3A_778] : memref<4096x32x128xf32, #tpu.memory_space<hbm>> -> memref<4x32x128xf32, #tpu.memory_space<hbm>>
      %dma_wait3A_780 = arith.constant 0 : i32
      %dma_wait3A_781 = arith.constant 0 : i32
      %dma_wait3A_782 = tpu.memref_slice %arg8[%add3A_770, %dma_wait3A_780, %dma_wait3A_781] : memref<4096x32x128xf32, #tpu.memory_space<hbm>> -> memref<4x32x128xf32, #tpu.memory_space<hbm>>
      tpu.wait_dma2 semaphore(%arg20 : memref<!tpu.dma_semaphore, #tpu.memory_space<semaphore_mem>>) src(%arg17 : memref<4x32x128xf32, #tpu.memory_space<vmem>>) dst(%dma_wait3A_782 : memref<4x32x128xf32, #tpu.memory_space<hbm>>)
      %add3A_783 = arith.constant 88 : i32
      %add3A_784 = arith.addi %add3A_4, %add3A_783 : i32
      %dma_wait3A_785 = arith.constant 0 : i32
      %dma_wait3A_786 = arith.constant 0 : i32
      %dma_wait3A_787 = tpu.memref_slice %arg7[%add3A_784, %dma_wait3A_785, %dma_wait3A_786] : memref<4096x32x128xf32, #tpu.memory_space<hbm>> -> memref<4x32x128xf32, #tpu.memory_space<hbm>>
      %dma_wait3A_788 = arith.constant 0 : i32
      %dma_wait3A_789 = arith.constant 0 : i32
      %dma_wait3A_790 = tpu.memref_slice %arg7[%add3A_784, %dma_wait3A_788, %dma_wait3A_789] : memref<4096x32x128xf32, #tpu.memory_space<hbm>> -> memref<4x32x128xf32, #tpu.memory_space<hbm>>
      tpu.wait_dma2 semaphore(%arg20 : memref<!tpu.dma_semaphore, #tpu.memory_space<semaphore_mem>>) src(%arg17 : memref<4x32x128xf32, #tpu.memory_space<vmem>>) dst(%dma_wait3A_790 : memref<4x32x128xf32, #tpu.memory_space<hbm>>)
      %dma_wait3A_791 = arith.constant 0 : i32
      %dma_wait3A_792 = arith.constant 0 : i32
      %dma_wait3A_793 = tpu.memref_slice %arg8[%add3A_784, %dma_wait3A_791, %dma_wait3A_792] : memref<4096x32x128xf32, #tpu.memory_space<hbm>> -> memref<4x32x128xf32, #tpu.memory_space<hbm>>
      %dma_wait3A_794 = arith.constant 0 : i32
      %dma_wait3A_795 = arith.constant 0 : i32
      %dma_wait3A_796 = tpu.memref_slice %arg8[%add3A_784, %dma_wait3A_794, %dma_wait3A_795] : memref<4096x32x128xf32, #tpu.memory_space<hbm>> -> memref<4x32x128xf32, #tpu.memory_space<hbm>>
      tpu.wait_dma2 semaphore(%arg20 : memref<!tpu.dma_semaphore, #tpu.memory_space<semaphore_mem>>) src(%arg17 : memref<4x32x128xf32, #tpu.memory_space<vmem>>) dst(%dma_wait3A_796 : memref<4x32x128xf32, #tpu.memory_space<hbm>>)
      %add3A_797 = arith.constant 92 : i32
      %add3A_798 = arith.addi %add3A_4, %add3A_797 : i32
      %dma_wait3A_799 = arith.constant 0 : i32
      %dma_wait3A_800 = arith.constant 0 : i32
      %dma_wait3A_801 = tpu.memref_slice %arg7[%add3A_798, %dma_wait3A_799, %dma_wait3A_800] : memref<4096x32x128xf32, #tpu.memory_space<hbm>> -> memref<4x32x128xf32, #tpu.memory_space<hbm>>
      %dma_wait3A_802 = arith.constant 0 : i32
      %dma_wait3A_803 = arith.constant 0 : i32
      %dma_wait3A_804 = tpu.memref_slice %arg7[%add3A_798, %dma_wait3A_802, %dma_wait3A_803] : memref<4096x32x128xf32, #tpu.memory_space<hbm>> -> memref<4x32x128xf32, #tpu.memory_space<hbm>>
      tpu.wait_dma2 semaphore(%arg20 : memref<!tpu.dma_semaphore, #tpu.memory_space<semaphore_mem>>) src(%arg17 : memref<4x32x128xf32, #tpu.memory_space<vmem>>) dst(%dma_wait3A_804 : memref<4x32x128xf32, #tpu.memory_space<hbm>>)
      %dma_wait3A_805 = arith.constant 0 : i32
      %dma_wait3A_806 = arith.constant 0 : i32
      %dma_wait3A_807 = tpu.memref_slice %arg8[%add3A_798, %dma_wait3A_805, %dma_wait3A_806] : memref<4096x32x128xf32, #tpu.memory_space<hbm>> -> memref<4x32x128xf32, #tpu.memory_space<hbm>>
      %dma_wait3A_808 = arith.constant 0 : i32
      %dma_wait3A_809 = arith.constant 0 : i32
      %dma_wait3A_810 = tpu.memref_slice %arg8[%add3A_798, %dma_wait3A_808, %dma_wait3A_809] : memref<4096x32x128xf32, #tpu.memory_space<hbm>> -> memref<4x32x128xf32, #tpu.memory_space<hbm>>
      tpu.wait_dma2 semaphore(%arg20 : memref<!tpu.dma_semaphore, #tpu.memory_space<semaphore_mem>>) src(%arg17 : memref<4x32x128xf32, #tpu.memory_space<vmem>>) dst(%dma_wait3A_810 : memref<4x32x128xf32, #tpu.memory_space<hbm>>)
    } else {
    }
    %eq3A = arith.constant 0 : i32
    %eq3A_471 = arith.cmpi eq, %squeeze3A, %eq3A : i32
    %convert_element_type3A_472 = arith.extui %eq3A_471 : i1 to i32
    %cond3A_473 = arith.constant 0 : i32
    %cond3A_474 = arith.cmpi ne, %convert_element_type3A_472, %cond3A_473 : i32
    scf.if %cond3A_474 {
      %add3A_475 = arith.constant 0 : i32
      %add3A_476 = arith.addi %add3A_4, %add3A_475 : i32
      "tpu.region"() ({
        %run_scoped3A = tpu.sem_alloc : memref<!tpu.dma_semaphore, #tpu.memory_space<semaphore_mem>>
        %dma_start3A_523 = arith.constant 0 : i32
        %dma_start3A_524 = arith.constant 0 : i32
        %dma_start3A_525 = tpu.memref_slice %arg2[%add3A_476, %dma_start3A_523, %dma_start3A_524] : memref<4096x32x128xf32, #tpu.memory_space<hbm>> -> memref<4x32x128xf32, #tpu.memory_space<hbm>>
        %dma_start3A_526 = arith.constant 0 : i32
        %dma_start3A_527 = arith.constant 0 : i32
        %dma_start3A_528 = tpu.memref_slice %arg2[%add3A_476, %dma_start3A_526, %dma_start3A_527] : memref<4096x32x128xf32, #tpu.memory_space<hbm>> -> memref<4x32x128xf32, #tpu.memory_space<hbm>>
        tpu.enqueue_dma source(%dma_start3A_528 : memref<4x32x128xf32, #tpu.memory_space<hbm>>) target(%arg13 : memref<4x32x128xf32, #tpu.memory_space<vmem>>) target_semaphore(%run_scoped3A : memref<!tpu.dma_semaphore, #tpu.memory_space<semaphore_mem>>)
        %dma_wait3A_529 = arith.constant 0 : i32
        %dma_wait3A_530 = arith.constant 0 : i32
        %dma_wait3A_531 = tpu.memref_slice %arg2[%add3A_476, %dma_wait3A_529, %dma_wait3A_530] : memref<4096x32x128xf32, #tpu.memory_space<hbm>> -> memref<4x32x128xf32, #tpu.memory_space<hbm>>
        %dma_wait3A_532 = arith.constant 0 : i32
        %dma_wait3A_533 = arith.constant 0 : i32
        %dma_wait3A_534 = tpu.memref_slice %arg2[%add3A_476, %dma_wait3A_532, %dma_wait3A_533] : memref<4096x32x128xf32, #tpu.memory_space<hbm>> -> memref<4x32x128xf32, #tpu.memory_space<hbm>>
        tpu.wait_dma2 semaphore(%run_scoped3A : memref<!tpu.dma_semaphore, #tpu.memory_space<semaphore_mem>>) src(%dma_wait3A_534 : memref<4x32x128xf32, #tpu.memory_space<hbm>>) dst(%arg13 : memref<4x32x128xf32, #tpu.memory_space<vmem>>)
        tpu.yield
      }) : () -> ()
      "tpu.region"() ({
        %run_scoped3A = tpu.sem_alloc : memref<!tpu.dma_semaphore, #tpu.memory_space<semaphore_mem>>
        %dma_start3A_523 = arith.constant 0 : i32
        %dma_start3A_524 = arith.constant 0 : i32
        %dma_start3A_525 = tpu.memref_slice %arg7[%add3A_476, %dma_start3A_523, %dma_start3A_524] : memref<4096x32x128xf32, #tpu.memory_space<hbm>> -> memref<4x32x128xf32, #tpu.memory_space<hbm>>
        %dma_start3A_526 = arith.constant 0 : i32
        %dma_start3A_527 = arith.constant 0 : i32
        %dma_start3A_528 = tpu.memref_slice %arg7[%add3A_476, %dma_start3A_526, %dma_start3A_527] : memref<4096x32x128xf32, #tpu.memory_space<hbm>> -> memref<4x32x128xf32, #tpu.memory_space<hbm>>
        tpu.enqueue_dma source(%arg13 : memref<4x32x128xf32, #tpu.memory_space<vmem>>) target(%dma_start3A_528 : memref<4x32x128xf32, #tpu.memory_space<hbm>>) target_semaphore(%run_scoped3A : memref<!tpu.dma_semaphore, #tpu.memory_space<semaphore_mem>>)
        %dma_wait3A_529 = arith.constant 0 : i32
        %dma_wait3A_530 = arith.constant 0 : i32
        %dma_wait3A_531 = tpu.memref_slice %arg7[%add3A_476, %dma_wait3A_529, %dma_wait3A_530] : memref<4096x32x128xf32, #tpu.memory_space<hbm>> -> memref<4x32x128xf32, #tpu.memory_space<hbm>>
        %dma_wait3A_532 = arith.constant 0 : i32
        %dma_wait3A_533 = arith.constant 0 : i32
        %dma_wait3A_534 = tpu.memref_slice %arg7[%add3A_476, %dma_wait3A_532, %dma_wait3A_533] : memref<4096x32x128xf32, #tpu.memory_space<hbm>> -> memref<4x32x128xf32, #tpu.memory_space<hbm>>
        tpu.wait_dma2 semaphore(%run_scoped3A : memref<!tpu.dma_semaphore, #tpu.memory_space<semaphore_mem>>) src(%arg13 : memref<4x32x128xf32, #tpu.memory_space<vmem>>) dst(%dma_wait3A_534 : memref<4x32x128xf32, #tpu.memory_space<hbm>>)
        tpu.yield
      }) : () -> ()
      "tpu.region"() ({
        %run_scoped3A = tpu.sem_alloc : memref<!tpu.dma_semaphore, #tpu.memory_space<semaphore_mem>>
        %dma_start3A_523 = arith.constant 0 : i32
        %dma_start3A_524 = arith.constant 0 : i32
        %dma_start3A_525 = tpu.memref_slice %arg3[%add3A_476, %dma_start3A_523, %dma_start3A_524] : memref<4096x32x128xf32, #tpu.memory_space<hbm>> -> memref<4x32x128xf32, #tpu.memory_space<hbm>>
        %dma_start3A_526 = arith.constant 0 : i32
        %dma_start3A_527 = arith.constant 0 : i32
        %dma_start3A_528 = tpu.memref_slice %arg3[%add3A_476, %dma_start3A_526, %dma_start3A_527] : memref<4096x32x128xf32, #tpu.memory_space<hbm>> -> memref<4x32x128xf32, #tpu.memory_space<hbm>>
        tpu.enqueue_dma source(%dma_start3A_528 : memref<4x32x128xf32, #tpu.memory_space<hbm>>) target(%arg15 : memref<4x32x128xf32, #tpu.memory_space<vmem>>) target_semaphore(%run_scoped3A : memref<!tpu.dma_semaphore, #tpu.memory_space<semaphore_mem>>)
        %dma_wait3A_529 = arith.constant 0 : i32
        %dma_wait3A_530 = arith.constant 0 : i32
        %dma_wait3A_531 = tpu.memref_slice %arg3[%add3A_476, %dma_wait3A_529, %dma_wait3A_530] : memref<4096x32x128xf32, #tpu.memory_space<hbm>> -> memref<4x32x128xf32, #tpu.memory_space<hbm>>
        %dma_wait3A_532 = arith.constant 0 : i32
        %dma_wait3A_533 = arith.constant 0 : i32
        %dma_wait3A_534 = tpu.memref_slice %arg3[%add3A_476, %dma_wait3A_532, %dma_wait3A_533] : memref<4096x32x128xf32, #tpu.memory_space<hbm>> -> memref<4x32x128xf32, #tpu.memory_space<hbm>>
        tpu.wait_dma2 semaphore(%run_scoped3A : memref<!tpu.dma_semaphore, #tpu.memory_space<semaphore_mem>>) src(%dma_wait3A_534 : memref<4x32x128xf32, #tpu.memory_space<hbm>>) dst(%arg15 : memref<4x32x128xf32, #tpu.memory_space<vmem>>)
        tpu.yield
      }) : () -> ()
      "tpu.region"() ({
        %run_scoped3A = tpu.sem_alloc : memref<!tpu.dma_semaphore, #tpu.memory_space<semaphore_mem>>
        %dma_start3A_523 = arith.constant 0 : i32
        %dma_start3A_524 = arith.constant 0 : i32
        %dma_start3A_525 = tpu.memref_slice %arg8[%add3A_476, %dma_start3A_523, %dma_start3A_524] : memref<4096x32x128xf32, #tpu.memory_space<hbm>> -> memref<4x32x128xf32, #tpu.memory_space<hbm>>
        %dma_start3A_526 = arith.constant 0 : i32
        %dma_start3A_527 = arith.constant 0 : i32
        %dma_start3A_528 = tpu.memref_slice %arg8[%add3A_476, %dma_start3A_526, %dma_start3A_527] : memref<4096x32x128xf32, #tpu.memory_space<hbm>> -> memref<4x32x128xf32, #tpu.memory_space<hbm>>
        tpu.enqueue_dma source(%arg15 : memref<4x32x128xf32, #tpu.memory_space<vmem>>) target(%dma_start3A_528 : memref<4x32x128xf32, #tpu.memory_space<hbm>>) target_semaphore(%run_scoped3A : memref<!tpu.dma_semaphore, #tpu.memory_space<semaphore_mem>>)
        %dma_wait3A_529 = arith.constant 0 : i32
        %dma_wait3A_530 = arith.constant 0 : i32
        %dma_wait3A_531 = tpu.memref_slice %arg8[%add3A_476, %dma_wait3A_529, %dma_wait3A_530] : memref<4096x32x128xf32, #tpu.memory_space<hbm>> -> memref<4x32x128xf32, #tpu.memory_space<hbm>>
        %dma_wait3A_532 = arith.constant 0 : i32
        %dma_wait3A_533 = arith.constant 0 : i32
        %dma_wait3A_534 = tpu.memref_slice %arg8[%add3A_476, %dma_wait3A_532, %dma_wait3A_533] : memref<4096x32x128xf32, #tpu.memory_space<hbm>> -> memref<4x32x128xf32, #tpu.memory_space<hbm>>
        tpu.wait_dma2 semaphore(%run_scoped3A : memref<!tpu.dma_semaphore, #tpu.memory_space<semaphore_mem>>) src(%arg15 : memref<4x32x128xf32, #tpu.memory_space<vmem>>) dst(%dma_wait3A_534 : memref<4x32x128xf32, #tpu.memory_space<hbm>>)
        tpu.yield
      }) : () -> ()
      %add3A_477 = arith.constant 4 : i32
      %add3A_478 = arith.addi %add3A_4, %add3A_477 : i32
      "tpu.region"() ({
        %run_scoped3A = tpu.sem_alloc : memref<!tpu.dma_semaphore, #tpu.memory_space<semaphore_mem>>
        %dma_start3A_523 = arith.constant 0 : i32
        %dma_start3A_524 = arith.constant 0 : i32
        %dma_start3A_525 = tpu.memref_slice %arg2[%add3A_478, %dma_start3A_523, %dma_start3A_524] : memref<4096x32x128xf32, #tpu.memory_space<hbm>> -> memref<4x32x128xf32, #tpu.memory_space<hbm>>
        %dma_start3A_526 = arith.constant 0 : i32
        %dma_start3A_527 = arith.constant 0 : i32
        %dma_start3A_528 = tpu.memref_slice %arg2[%add3A_478, %dma_start3A_526, %dma_start3A_527] : memref<4096x32x128xf32, #tpu.memory_space<hbm>> -> memref<4x32x128xf32, #tpu.memory_space<hbm>>
        tpu.enqueue_dma source(%dma_start3A_528 : memref<4x32x128xf32, #tpu.memory_space<hbm>>) target(%arg13 : memref<4x32x128xf32, #tpu.memory_space<vmem>>) target_semaphore(%run_scoped3A : memref<!tpu.dma_semaphore, #tpu.memory_space<semaphore_mem>>)
        %dma_wait3A_529 = arith.constant 0 : i32
        %dma_wait3A_530 = arith.constant 0 : i32
        %dma_wait3A_531 = tpu.memref_slice %arg2[%add3A_478, %dma_wait3A_529, %dma_wait3A_530] : memref<4096x32x128xf32, #tpu.memory_space<hbm>> -> memref<4x32x128xf32, #tpu.memory_space<hbm>>
        %dma_wait3A_532 = arith.constant 0 : i32
        %dma_wait3A_533 = arith.constant 0 : i32
        %dma_wait3A_534 = tpu.memref_slice %arg2[%add3A_478, %dma_wait3A_532, %dma_wait3A_533] : memref<4096x32x128xf32, #tpu.memory_space<hbm>> -> memref<4x32x128xf32, #tpu.memory_space<hbm>>
        tpu.wait_dma2 semaphore(%run_scoped3A : memref<!tpu.dma_semaphore, #tpu.memory_space<semaphore_mem>>) src(%dma_wait3A_534 : memref<4x32x128xf32, #tpu.memory_space<hbm>>) dst(%arg13 : memref<4x32x128xf32, #tpu.memory_space<vmem>>)
        tpu.yield
      }) : () -> ()
      "tpu.region"() ({
        %run_scoped3A = tpu.sem_alloc : memref<!tpu.dma_semaphore, #tpu.memory_space<semaphore_mem>>
        %dma_start3A_523 = arith.constant 0 : i32
        %dma_start3A_524 = arith.constant 0 : i32
        %dma_start3A_525 = tpu.memref_slice %arg7[%add3A_478, %dma_start3A_523, %dma_start3A_524] : memref<4096x32x128xf32, #tpu.memory_space<hbm>> -> memref<4x32x128xf32, #tpu.memory_space<hbm>>
        %dma_start3A_526 = arith.constant 0 : i32
        %dma_start3A_527 = arith.constant 0 : i32
        %dma_start3A_528 = tpu.memref_slice %arg7[%add3A_478, %dma_start3A_526, %dma_start3A_527] : memref<4096x32x128xf32, #tpu.memory_space<hbm>> -> memref<4x32x128xf32, #tpu.memory_space<hbm>>
        tpu.enqueue_dma source(%arg13 : memref<4x32x128xf32, #tpu.memory_space<vmem>>) target(%dma_start3A_528 : memref<4x32x128xf32, #tpu.memory_space<hbm>>) target_semaphore(%run_scoped3A : memref<!tpu.dma_semaphore, #tpu.memory_space<semaphore_mem>>)
        %dma_wait3A_529 = arith.constant 0 : i32
        %dma_wait3A_530 = arith.constant 0 : i32
        %dma_wait3A_531 = tpu.memref_slice %arg7[%add3A_478, %dma_wait3A_529, %dma_wait3A_530] : memref<4096x32x128xf32, #tpu.memory_space<hbm>> -> memref<4x32x128xf32, #tpu.memory_space<hbm>>
        %dma_wait3A_532 = arith.constant 0 : i32
        %dma_wait3A_533 = arith.constant 0 : i32
        %dma_wait3A_534 = tpu.memref_slice %arg7[%add3A_478, %dma_wait3A_532, %dma_wait3A_533] : memref<4096x32x128xf32, #tpu.memory_space<hbm>> -> memref<4x32x128xf32, #tpu.memory_space<hbm>>
        tpu.wait_dma2 semaphore(%run_scoped3A : memref<!tpu.dma_semaphore, #tpu.memory_space<semaphore_mem>>) src(%arg13 : memref<4x32x128xf32, #tpu.memory_space<vmem>>) dst(%dma_wait3A_534 : memref<4x32x128xf32, #tpu.memory_space<hbm>>)
        tpu.yield
      }) : () -> ()
      "tpu.region"() ({
        %run_scoped3A = tpu.sem_alloc : memref<!tpu.dma_semaphore, #tpu.memory_space<semaphore_mem>>
        %dma_start3A_523 = arith.constant 0 : i32
        %dma_start3A_524 = arith.constant 0 : i32
        %dma_start3A_525 = tpu.memref_slice %arg3[%add3A_478, %dma_start3A_523, %dma_start3A_524] : memref<4096x32x128xf32, #tpu.memory_space<hbm>> -> memref<4x32x128xf32, #tpu.memory_space<hbm>>
        %dma_start3A_526 = arith.constant 0 : i32
        %dma_start3A_527 = arith.constant 0 : i32
        %dma_start3A_528 = tpu.memref_slice %arg3[%add3A_478, %dma_start3A_526, %dma_start3A_527] : memref<4096x32x128xf32, #tpu.memory_space<hbm>> -> memref<4x32x128xf32, #tpu.memory_space<hbm>>
        tpu.enqueue_dma source(%dma_start3A_528 : memref<4x32x128xf32, #tpu.memory_space<hbm>>) target(%arg15 : memref<4x32x128xf32, #tpu.memory_space<vmem>>) target_semaphore(%run_scoped3A : memref<!tpu.dma_semaphore, #tpu.memory_space<semaphore_mem>>)
        %dma_wait3A_529 = arith.constant 0 : i32
        %dma_wait3A_530 = arith.constant 0 : i32
        %dma_wait3A_531 = tpu.memref_slice %arg3[%add3A_478, %dma_wait3A_529, %dma_wait3A_530] : memref<4096x32x128xf32, #tpu.memory_space<hbm>> -> memref<4x32x128xf32, #tpu.memory_space<hbm>>
        %dma_wait3A_532 = arith.constant 0 : i32
        %dma_wait3A_533 = arith.constant 0 : i32
        %dma_wait3A_534 = tpu.memref_slice %arg3[%add3A_478, %dma_wait3A_532, %dma_wait3A_533] : memref<4096x32x128xf32, #tpu.memory_space<hbm>> -> memref<4x32x128xf32, #tpu.memory_space<hbm>>
        tpu.wait_dma2 semaphore(%run_scoped3A : memref<!tpu.dma_semaphore, #tpu.memory_space<semaphore_mem>>) src(%dma_wait3A_534 : memref<4x32x128xf32, #tpu.memory_space<hbm>>) dst(%arg15 : memref<4x32x128xf32, #tpu.memory_space<vmem>>)
        tpu.yield
      }) : () -> ()
      "tpu.region"() ({
        %run_scoped3A = tpu.sem_alloc : memref<!tpu.dma_semaphore, #tpu.memory_space<semaphore_mem>>
        %dma_start3A_523 = arith.constant 0 : i32
        %dma_start3A_524 = arith.constant 0 : i32
        %dma_start3A_525 = tpu.memref_slice %arg8[%add3A_478, %dma_start3A_523, %dma_start3A_524] : memref<4096x32x128xf32, #tpu.memory_space<hbm>> -> memref<4x32x128xf32, #tpu.memory_space<hbm>>
        %dma_start3A_526 = arith.constant 0 : i32
        %dma_start3A_527 = arith.constant 0 : i32
        %dma_start3A_528 = tpu.memref_slice %arg8[%add3A_478, %dma_start3A_526, %dma_start3A_527] : memref<4096x32x128xf32, #tpu.memory_space<hbm>> -> memref<4x32x128xf32, #tpu.memory_space<hbm>>
        tpu.enqueue_dma source(%arg15 : memref<4x32x128xf32, #tpu.memory_space<vmem>>) target(%dma_start3A_528 : memref<4x32x128xf32, #tpu.memory_space<hbm>>) target_semaphore(%run_scoped3A : memref<!tpu.dma_semaphore, #tpu.memory_space<semaphore_mem>>)
        %dma_wait3A_529 = arith.constant 0 : i32
        %dma_wait3A_530 = arith.constant 0 : i32
        %dma_wait3A_531 = tpu.memref_slice %arg8[%add3A_478, %dma_wait3A_529, %dma_wait3A_530] : memref<4096x32x128xf32, #tpu.memory_space<hbm>> -> memref<4x32x128xf32, #tpu.memory_space<hbm>>
        %dma_wait3A_532 = arith.constant 0 : i32
        %dma_wait3A_533 = arith.constant 0 : i32
        %dma_wait3A_534 = tpu.memref_slice %arg8[%add3A_478, %dma_wait3A_532, %dma_wait3A_533] : memref<4096x32x128xf32, #tpu.memory_space<hbm>> -> memref<4x32x128xf32, #tpu.memory_space<hbm>>
        tpu.wait_dma2 semaphore(%run_scoped3A : memref<!tpu.dma_semaphore, #tpu.memory_space<semaphore_mem>>) src(%arg15 : memref<4x32x128xf32, #tpu.memory_space<vmem>>) dst(%dma_wait3A_534 : memref<4x32x128xf32, #tpu.memory_space<hbm>>)
        tpu.yield
      }) : () -> ()
      %add3A_479 = arith.constant 8 : i32
      %add3A_480 = arith.addi %add3A_4, %add3A_479 : i32
      "tpu.region"() ({
        %run_scoped3A = tpu.sem_alloc : memref<!tpu.dma_semaphore, #tpu.memory_space<semaphore_mem>>
        %dma_start3A_523 = arith.constant 0 : i32
        %dma_start3A_524 = arith.constant 0 : i32
        %dma_start3A_525 = tpu.memref_slice %arg2[%add3A_480, %dma_start3A_523, %dma_start3A_524] : memref<4096x32x128xf32, #tpu.memory_space<hbm>> -> memref<4x32x128xf32, #tpu.memory_space<hbm>>
        %dma_start3A_526 = arith.constant 0 : i32
        %dma_start3A_527 = arith.constant 0 : i32
        %dma_start3A_528 = tpu.memref_slice %arg2[%add3A_480, %dma_start3A_526, %dma_start3A_527] : memref<4096x32x128xf32, #tpu.memory_space<hbm>> -> memref<4x32x128xf32, #tpu.memory_space<hbm>>
        tpu.enqueue_dma source(%dma_start3A_528 : memref<4x32x128xf32, #tpu.memory_space<hbm>>) target(%arg13 : memref<4x32x128xf32, #tpu.memory_space<vmem>>) target_semaphore(%run_scoped3A : memref<!tpu.dma_semaphore, #tpu.memory_space<semaphore_mem>>)
        %dma_wait3A_529 = arith.constant 0 : i32
        %dma_wait3A_530 = arith.constant 0 : i32
        %dma_wait3A_531 = tpu.memref_slice %arg2[%add3A_480, %dma_wait3A_529, %dma_wait3A_530] : memref<4096x32x128xf32, #tpu.memory_space<hbm>> -> memref<4x32x128xf32, #tpu.memory_space<hbm>>
        %dma_wait3A_532 = arith.constant 0 : i32
        %dma_wait3A_533 = arith.constant 0 : i32
        %dma_wait3A_534 = tpu.memref_slice %arg2[%add3A_480, %dma_wait3A_532, %dma_wait3A_533] : memref<4096x32x128xf32, #tpu.memory_space<hbm>> -> memref<4x32x128xf32, #tpu.memory_space<hbm>>
        tpu.wait_dma2 semaphore(%run_scoped3A : memref<!tpu.dma_semaphore, #tpu.memory_space<semaphore_mem>>) src(%dma_wait3A_534 : memref<4x32x128xf32, #tpu.memory_space<hbm>>) dst(%arg13 : memref<4x32x128xf32, #tpu.memory_space<vmem>>)
        tpu.yield
      }) : () -> ()
      "tpu.region"() ({
        %run_scoped3A = tpu.sem_alloc : memref<!tpu.dma_semaphore, #tpu.memory_space<semaphore_mem>>
        %dma_start3A_523 = arith.constant 0 : i32
        %dma_start3A_524 = arith.constant 0 : i32
        %dma_start3A_525 = tpu.memref_slice %arg7[%add3A_480, %dma_start3A_523, %dma_start3A_524] : memref<4096x32x128xf32, #tpu.memory_space<hbm>> -> memref<4x32x128xf32, #tpu.memory_space<hbm>>
        %dma_start3A_526 = arith.constant 0 : i32
        %dma_start3A_527 = arith.constant 0 : i32
        %dma_start3A_528 = tpu.memref_slice %arg7[%add3A_480, %dma_start3A_526, %dma_start3A_527] : memref<4096x32x128xf32, #tpu.memory_space<hbm>> -> memref<4x32x128xf32, #tpu.memory_space<hbm>>
        tpu.enqueue_dma source(%arg13 : memref<4x32x128xf32, #tpu.memory_space<vmem>>) target(%dma_start3A_528 : memref<4x32x128xf32, #tpu.memory_space<hbm>>) target_semaphore(%run_scoped3A : memref<!tpu.dma_semaphore, #tpu.memory_space<semaphore_mem>>)
        %dma_wait3A_529 = arith.constant 0 : i32
        %dma_wait3A_530 = arith.constant 0 : i32
        %dma_wait3A_531 = tpu.memref_slice %arg7[%add3A_480, %dma_wait3A_529, %dma_wait3A_530] : memref<4096x32x128xf32, #tpu.memory_space<hbm>> -> memref<4x32x128xf32, #tpu.memory_space<hbm>>
        %dma_wait3A_532 = arith.constant 0 : i32
        %dma_wait3A_533 = arith.constant 0 : i32
        %dma_wait3A_534 = tpu.memref_slice %arg7[%add3A_480, %dma_wait3A_532, %dma_wait3A_533] : memref<4096x32x128xf32, #tpu.memory_space<hbm>> -> memref<4x32x128xf32, #tpu.memory_space<hbm>>
        tpu.wait_dma2 semaphore(%run_scoped3A : memref<!tpu.dma_semaphore, #tpu.memory_space<semaphore_mem>>) src(%arg13 : memref<4x32x128xf32, #tpu.memory_space<vmem>>) dst(%dma_wait3A_534 : memref<4x32x128xf32, #tpu.memory_space<hbm>>)
        tpu.yield
      }) : () -> ()
      "tpu.region"() ({
        %run_scoped3A = tpu.sem_alloc : memref<!tpu.dma_semaphore, #tpu.memory_space<semaphore_mem>>
        %dma_start3A_523 = arith.constant 0 : i32
        %dma_start3A_524 = arith.constant 0 : i32
        %dma_start3A_525 = tpu.memref_slice %arg3[%add3A_480, %dma_start3A_523, %dma_start3A_524] : memref<4096x32x128xf32, #tpu.memory_space<hbm>> -> memref<4x32x128xf32, #tpu.memory_space<hbm>>
        %dma_start3A_526 = arith.constant 0 : i32
        %dma_start3A_527 = arith.constant 0 : i32
        %dma_start3A_528 = tpu.memref_slice %arg3[%add3A_480, %dma_start3A_526, %dma_start3A_527] : memref<4096x32x128xf32, #tpu.memory_space<hbm>> -> memref<4x32x128xf32, #tpu.memory_space<hbm>>
        tpu.enqueue_dma source(%dma_start3A_528 : memref<4x32x128xf32, #tpu.memory_space<hbm>>) target(%arg15 : memref<4x32x128xf32, #tpu.memory_space<vmem>>) target_semaphore(%run_scoped3A : memref<!tpu.dma_semaphore, #tpu.memory_space<semaphore_mem>>)
        %dma_wait3A_529 = arith.constant 0 : i32
        %dma_wait3A_530 = arith.constant 0 : i32
        %dma_wait3A_531 = tpu.memref_slice %arg3[%add3A_480, %dma_wait3A_529, %dma_wait3A_530] : memref<4096x32x128xf32, #tpu.memory_space<hbm>> -> memref<4x32x128xf32, #tpu.memory_space<hbm>>
        %dma_wait3A_532 = arith.constant 0 : i32
        %dma_wait3A_533 = arith.constant 0 : i32
        %dma_wait3A_534 = tpu.memref_slice %arg3[%add3A_480, %dma_wait3A_532, %dma_wait3A_533] : memref<4096x32x128xf32, #tpu.memory_space<hbm>> -> memref<4x32x128xf32, #tpu.memory_space<hbm>>
        tpu.wait_dma2 semaphore(%run_scoped3A : memref<!tpu.dma_semaphore, #tpu.memory_space<semaphore_mem>>) src(%dma_wait3A_534 : memref<4x32x128xf32, #tpu.memory_space<hbm>>) dst(%arg15 : memref<4x32x128xf32, #tpu.memory_space<vmem>>)
        tpu.yield
      }) : () -> ()
      "tpu.region"() ({
        %run_scoped3A = tpu.sem_alloc : memref<!tpu.dma_semaphore, #tpu.memory_space<semaphore_mem>>
        %dma_start3A_523 = arith.constant 0 : i32
        %dma_start3A_524 = arith.constant 0 : i32
        %dma_start3A_525 = tpu.memref_slice %arg8[%add3A_480, %dma_start3A_523, %dma_start3A_524] : memref<4096x32x128xf32, #tpu.memory_space<hbm>> -> memref<4x32x128xf32, #tpu.memory_space<hbm>>
        %dma_start3A_526 = arith.constant 0 : i32
        %dma_start3A_527 = arith.constant 0 : i32
        %dma_start3A_528 = tpu.memref_slice %arg8[%add3A_480, %dma_start3A_526, %dma_start3A_527] : memref<4096x32x128xf32, #tpu.memory_space<hbm>> -> memref<4x32x128xf32, #tpu.memory_space<hbm>>
        tpu.enqueue_dma source(%arg15 : memref<4x32x128xf32, #tpu.memory_space<vmem>>) target(%dma_start3A_528 : memref<4x32x128xf32, #tpu.memory_space<hbm>>) target_semaphore(%run_scoped3A : memref<!tpu.dma_semaphore, #tpu.memory_space<semaphore_mem>>)
        %dma_wait3A_529 = arith.constant 0 : i32
        %dma_wait3A_530 = arith.constant 0 : i32
        %dma_wait3A_531 = tpu.memref_slice %arg8[%add3A_480, %dma_wait3A_529, %dma_wait3A_530] : memref<4096x32x128xf32, #tpu.memory_space<hbm>> -> memref<4x32x128xf32, #tpu.memory_space<hbm>>
        %dma_wait3A_532 = arith.constant 0 : i32
        %dma_wait3A_533 = arith.constant 0 : i32
        %dma_wait3A_534 = tpu.memref_slice %arg8[%add3A_480, %dma_wait3A_532, %dma_wait3A_533] : memref<4096x32x128xf32, #tpu.memory_space<hbm>> -> memref<4x32x128xf32, #tpu.memory_space<hbm>>
        tpu.wait_dma2 semaphore(%run_scoped3A : memref<!tpu.dma_semaphore, #tpu.memory_space<semaphore_mem>>) src(%arg15 : memref<4x32x128xf32, #tpu.memory_space<vmem>>) dst(%dma_wait3A_534 : memref<4x32x128xf32, #tpu.memory_space<hbm>>)
        tpu.yield
      }) : () -> ()
      %add3A_481 = arith.constant 12 : i32
      %add3A_482 = arith.addi %add3A_4, %add3A_481 : i32
      "tpu.region"() ({
        %run_scoped3A = tpu.sem_alloc : memref<!tpu.dma_semaphore, #tpu.memory_space<semaphore_mem>>
        %dma_start3A_523 = arith.constant 0 : i32
        %dma_start3A_524 = arith.constant 0 : i32
        %dma_start3A_525 = tpu.memref_slice %arg2[%add3A_482, %dma_start3A_523, %dma_start3A_524] : memref<4096x32x128xf32, #tpu.memory_space<hbm>> -> memref<4x32x128xf32, #tpu.memory_space<hbm>>
        %dma_start3A_526 = arith.constant 0 : i32
        %dma_start3A_527 = arith.constant 0 : i32
        %dma_start3A_528 = tpu.memref_slice %arg2[%add3A_482, %dma_start3A_526, %dma_start3A_527] : memref<4096x32x128xf32, #tpu.memory_space<hbm>> -> memref<4x32x128xf32, #tpu.memory_space<hbm>>
        tpu.enqueue_dma source(%dma_start3A_528 : memref<4x32x128xf32, #tpu.memory_space<hbm>>) target(%arg13 : memref<4x32x128xf32, #tpu.memory_space<vmem>>) target_semaphore(%run_scoped3A : memref<!tpu.dma_semaphore, #tpu.memory_space<semaphore_mem>>)
        %dma_wait3A_529 = arith.constant 0 : i32
        %dma_wait3A_530 = arith.constant 0 : i32
        %dma_wait3A_531 = tpu.memref_slice %arg2[%add3A_482, %dma_wait3A_529, %dma_wait3A_530] : memref<4096x32x128xf32, #tpu.memory_space<hbm>> -> memref<4x32x128xf32, #tpu.memory_space<hbm>>
        %dma_wait3A_532 = arith.constant 0 : i32
        %dma_wait3A_533 = arith.constant 0 : i32
        %dma_wait3A_534 = tpu.memref_slice %arg2[%add3A_482, %dma_wait3A_532, %dma_wait3A_533] : memref<4096x32x128xf32, #tpu.memory_space<hbm>> -> memref<4x32x128xf32, #tpu.memory_space<hbm>>
        tpu.wait_dma2 semaphore(%run_scoped3A : memref<!tpu.dma_semaphore, #tpu.memory_space<semaphore_mem>>) src(%dma_wait3A_534 : memref<4x32x128xf32, #tpu.memory_space<hbm>>) dst(%arg13 : memref<4x32x128xf32, #tpu.memory_space<vmem>>)
        tpu.yield
      }) : () -> ()
      "tpu.region"() ({
        %run_scoped3A = tpu.sem_alloc : memref<!tpu.dma_semaphore, #tpu.memory_space<semaphore_mem>>
        %dma_start3A_523 = arith.constant 0 : i32
        %dma_start3A_524 = arith.constant 0 : i32
        %dma_start3A_525 = tpu.memref_slice %arg7[%add3A_482, %dma_start3A_523, %dma_start3A_524] : memref<4096x32x128xf32, #tpu.memory_space<hbm>> -> memref<4x32x128xf32, #tpu.memory_space<hbm>>
        %dma_start3A_526 = arith.constant 0 : i32
        %dma_start3A_527 = arith.constant 0 : i32
        %dma_start3A_528 = tpu.memref_slice %arg7[%add3A_482, %dma_start3A_526, %dma_start3A_527] : memref<4096x32x128xf32, #tpu.memory_space<hbm>> -> memref<4x32x128xf32, #tpu.memory_space<hbm>>
        tpu.enqueue_dma source(%arg13 : memref<4x32x128xf32, #tpu.memory_space<vmem>>) target(%dma_start3A_528 : memref<4x32x128xf32, #tpu.memory_space<hbm>>) target_semaphore(%run_scoped3A : memref<!tpu.dma_semaphore, #tpu.memory_space<semaphore_mem>>)
        %dma_wait3A_529 = arith.constant 0 : i32
        %dma_wait3A_530 = arith.constant 0 : i32
        %dma_wait3A_531 = tpu.memref_slice %arg7[%add3A_482, %dma_wait3A_529, %dma_wait3A_530] : memref<4096x32x128xf32, #tpu.memory_space<hbm>> -> memref<4x32x128xf32, #tpu.memory_space<hbm>>
        %dma_wait3A_532 = arith.constant 0 : i32
        %dma_wait3A_533 = arith.constant 0 : i32
        %dma_wait3A_534 = tpu.memref_slice %arg7[%add3A_482, %dma_wait3A_532, %dma_wait3A_533] : memref<4096x32x128xf32, #tpu.memory_space<hbm>> -> memref<4x32x128xf32, #tpu.memory_space<hbm>>
        tpu.wait_dma2 semaphore(%run_scoped3A : memref<!tpu.dma_semaphore, #tpu.memory_space<semaphore_mem>>) src(%arg13 : memref<4x32x128xf32, #tpu.memory_space<vmem>>) dst(%dma_wait3A_534 : memref<4x32x128xf32, #tpu.memory_space<hbm>>)
        tpu.yield
      }) : () -> ()
      "tpu.region"() ({
        %run_scoped3A = tpu.sem_alloc : memref<!tpu.dma_semaphore, #tpu.memory_space<semaphore_mem>>
        %dma_start3A_523 = arith.constant 0 : i32
        %dma_start3A_524 = arith.constant 0 : i32
        %dma_start3A_525 = tpu.memref_slice %arg3[%add3A_482, %dma_start3A_523, %dma_start3A_524] : memref<4096x32x128xf32, #tpu.memory_space<hbm>> -> memref<4x32x128xf32, #tpu.memory_space<hbm>>
        %dma_start3A_526 = arith.constant 0 : i32
        %dma_start3A_527 = arith.constant 0 : i32
        %dma_start3A_528 = tpu.memref_slice %arg3[%add3A_482, %dma_start3A_526, %dma_start3A_527] : memref<4096x32x128xf32, #tpu.memory_space<hbm>> -> memref<4x32x128xf32, #tpu.memory_space<hbm>>
        tpu.enqueue_dma source(%dma_start3A_528 : memref<4x32x128xf32, #tpu.memory_space<hbm>>) target(%arg15 : memref<4x32x128xf32, #tpu.memory_space<vmem>>) target_semaphore(%run_scoped3A : memref<!tpu.dma_semaphore, #tpu.memory_space<semaphore_mem>>)
        %dma_wait3A_529 = arith.constant 0 : i32
        %dma_wait3A_530 = arith.constant 0 : i32
        %dma_wait3A_531 = tpu.memref_slice %arg3[%add3A_482, %dma_wait3A_529, %dma_wait3A_530] : memref<4096x32x128xf32, #tpu.memory_space<hbm>> -> memref<4x32x128xf32, #tpu.memory_space<hbm>>
        %dma_wait3A_532 = arith.constant 0 : i32
        %dma_wait3A_533 = arith.constant 0 : i32
        %dma_wait3A_534 = tpu.memref_slice %arg3[%add3A_482, %dma_wait3A_532, %dma_wait3A_533] : memref<4096x32x128xf32, #tpu.memory_space<hbm>> -> memref<4x32x128xf32, #tpu.memory_space<hbm>>
        tpu.wait_dma2 semaphore(%run_scoped3A : memref<!tpu.dma_semaphore, #tpu.memory_space<semaphore_mem>>) src(%dma_wait3A_534 : memref<4x32x128xf32, #tpu.memory_space<hbm>>) dst(%arg15 : memref<4x32x128xf32, #tpu.memory_space<vmem>>)
        tpu.yield
      }) : () -> ()
      "tpu.region"() ({
        %run_scoped3A = tpu.sem_alloc : memref<!tpu.dma_semaphore, #tpu.memory_space<semaphore_mem>>
        %dma_start3A_523 = arith.constant 0 : i32
        %dma_start3A_524 = arith.constant 0 : i32
        %dma_start3A_525 = tpu.memref_slice %arg8[%add3A_482, %dma_start3A_523, %dma_start3A_524] : memref<4096x32x128xf32, #tpu.memory_space<hbm>> -> memref<4x32x128xf32, #tpu.memory_space<hbm>>
        %dma_start3A_526 = arith.constant 0 : i32
        %dma_start3A_527 = arith.constant 0 : i32
        %dma_start3A_528 = tpu.memref_slice %arg8[%add3A_482, %dma_start3A_526, %dma_start3A_527] : memref<4096x32x128xf32, #tpu.memory_space<hbm>> -> memref<4x32x128xf32, #tpu.memory_space<hbm>>
        tpu.enqueue_dma source(%arg15 : memref<4x32x128xf32, #tpu.memory_space<vmem>>) target(%dma_start3A_528 : memref<4x32x128xf32, #tpu.memory_space<hbm>>) target_semaphore(%run_scoped3A : memref<!tpu.dma_semaphore, #tpu.memory_space<semaphore_mem>>)
        %dma_wait3A_529 = arith.constant 0 : i32
        %dma_wait3A_530 = arith.constant 0 : i32
        %dma_wait3A_531 = tpu.memref_slice %arg8[%add3A_482, %dma_wait3A_529, %dma_wait3A_530] : memref<4096x32x128xf32, #tpu.memory_space<hbm>> -> memref<4x32x128xf32, #tpu.memory_space<hbm>>
        %dma_wait3A_532 = arith.constant 0 : i32
        %dma_wait3A_533 = arith.constant 0 : i32
        %dma_wait3A_534 = tpu.memref_slice %arg8[%add3A_482, %dma_wait3A_532, %dma_wait3A_533] : memref<4096x32x128xf32, #tpu.memory_space<hbm>> -> memref<4x32x128xf32, #tpu.memory_space<hbm>>
        tpu.wait_dma2 semaphore(%run_scoped3A : memref<!tpu.dma_semaphore, #tpu.memory_space<semaphore_mem>>) src(%arg15 : memref<4x32x128xf32, #tpu.memory_space<vmem>>) dst(%dma_wait3A_534 : memref<4x32x128xf32, #tpu.memory_space<hbm>>)
        tpu.yield
      }) : () -> ()
      %add3A_483 = arith.constant 16 : i32
      %add3A_484 = arith.addi %add3A_4, %add3A_483 : i32
      "tpu.region"() ({
        %run_scoped3A = tpu.sem_alloc : memref<!tpu.dma_semaphore, #tpu.memory_space<semaphore_mem>>
        %dma_start3A_523 = arith.constant 0 : i32
        %dma_start3A_524 = arith.constant 0 : i32
        %dma_start3A_525 = tpu.memref_slice %arg2[%add3A_484, %dma_start3A_523, %dma_start3A_524] : memref<4096x32x128xf32, #tpu.memory_space<hbm>> -> memref<4x32x128xf32, #tpu.memory_space<hbm>>
        %dma_start3A_526 = arith.constant 0 : i32
        %dma_start3A_527 = arith.constant 0 : i32
        %dma_start3A_528 = tpu.memref_slice %arg2[%add3A_484, %dma_start3A_526, %dma_start3A_527] : memref<4096x32x128xf32, #tpu.memory_space<hbm>> -> memref<4x32x128xf32, #tpu.memory_space<hbm>>
        tpu.enqueue_dma source(%dma_start3A_528 : memref<4x32x128xf32, #tpu.memory_space<hbm>>) target(%arg13 : memref<4x32x128xf32, #tpu.memory_space<vmem>>) target_semaphore(%run_scoped3A : memref<!tpu.dma_semaphore, #tpu.memory_space<semaphore_mem>>)
        %dma_wait3A_529 = arith.constant 0 : i32
        %dma_wait3A_530 = arith.constant 0 : i32
        %dma_wait3A_531 = tpu.memref_slice %arg2[%add3A_484, %dma_wait3A_529, %dma_wait3A_530] : memref<4096x32x128xf32, #tpu.memory_space<hbm>> -> memref<4x32x128xf32, #tpu.memory_space<hbm>>
        %dma_wait3A_532 = arith.constant 0 : i32
        %dma_wait3A_533 = arith.constant 0 : i32
        %dma_wait3A_534 = tpu.memref_slice %arg2[%add3A_484, %dma_wait3A_532, %dma_wait3A_533] : memref<4096x32x128xf32, #tpu.memory_space<hbm>> -> memref<4x32x128xf32, #tpu.memory_space<hbm>>
        tpu.wait_dma2 semaphore(%run_scoped3A : memref<!tpu.dma_semaphore, #tpu.memory_space<semaphore_mem>>) src(%dma_wait3A_534 : memref<4x32x128xf32, #tpu.memory_space<hbm>>) dst(%arg13 : memref<4x32x128xf32, #tpu.memory_space<vmem>>)
        tpu.yield
      }) : () -> ()
      "tpu.region"() ({
        %run_scoped3A = tpu.sem_alloc : memref<!tpu.dma_semaphore, #tpu.memory_space<semaphore_mem>>
        %dma_start3A_523 = arith.constant 0 : i32
        %dma_start3A_524 = arith.constant 0 : i32
        %dma_start3A_525 = tpu.memref_slice %arg7[%add3A_484, %dma_start3A_523, %dma_start3A_524] : memref<4096x32x128xf32, #tpu.memory_space<hbm>> -> memref<4x32x128xf32, #tpu.memory_space<hbm>>
        %dma_start3A_526 = arith.constant 0 : i32
        %dma_start3A_527 = arith.constant 0 : i32
        %dma_start3A_528 = tpu.memref_slice %arg7[%add3A_484, %dma_start3A_526, %dma_start3A_527] : memref<4096x32x128xf32, #tpu.memory_space<hbm>> -> memref<4x32x128xf32, #tpu.memory_space<hbm>>
        tpu.enqueue_dma source(%arg13 : memref<4x32x128xf32, #tpu.memory_space<vmem>>) target(%dma_start3A_528 : memref<4x32x128xf32, #tpu.memory_space<hbm>>) target_semaphore(%run_scoped3A : memref<!tpu.dma_semaphore, #tpu.memory_space<semaphore_mem>>)
        %dma_wait3A_529 = arith.constant 0 : i32
        %dma_wait3A_530 = arith.constant 0 : i32
        %dma_wait3A_531 = tpu.memref_slice %arg7[%add3A_484, %dma_wait3A_529, %dma_wait3A_530] : memref<4096x32x128xf32, #tpu.memory_space<hbm>> -> memref<4x32x128xf32, #tpu.memory_space<hbm>>
        %dma_wait3A_532 = arith.constant 0 : i32
        %dma_wait3A_533 = arith.constant 0 : i32
        %dma_wait3A_534 = tpu.memref_slice %arg7[%add3A_484, %dma_wait3A_532, %dma_wait3A_533] : memref<4096x32x128xf32, #tpu.memory_space<hbm>> -> memref<4x32x128xf32, #tpu.memory_space<hbm>>
        tpu.wait_dma2 semaphore(%run_scoped3A : memref<!tpu.dma_semaphore, #tpu.memory_space<semaphore_mem>>) src(%arg13 : memref<4x32x128xf32, #tpu.memory_space<vmem>>) dst(%dma_wait3A_534 : memref<4x32x128xf32, #tpu.memory_space<hbm>>)
        tpu.yield
      }) : () -> ()
      "tpu.region"() ({
        %run_scoped3A = tpu.sem_alloc : memref<!tpu.dma_semaphore, #tpu.memory_space<semaphore_mem>>
        %dma_start3A_523 = arith.constant 0 : i32
        %dma_start3A_524 = arith.constant 0 : i32
        %dma_start3A_525 = tpu.memref_slice %arg3[%add3A_484, %dma_start3A_523, %dma_start3A_524] : memref<4096x32x128xf32, #tpu.memory_space<hbm>> -> memref<4x32x128xf32, #tpu.memory_space<hbm>>
        %dma_start3A_526 = arith.constant 0 : i32
        %dma_start3A_527 = arith.constant 0 : i32
        %dma_start3A_528 = tpu.memref_slice %arg3[%add3A_484, %dma_start3A_526, %dma_start3A_527] : memref<4096x32x128xf32, #tpu.memory_space<hbm>> -> memref<4x32x128xf32, #tpu.memory_space<hbm>>
        tpu.enqueue_dma source(%dma_start3A_528 : memref<4x32x128xf32, #tpu.memory_space<hbm>>) target(%arg15 : memref<4x32x128xf32, #tpu.memory_space<vmem>>) target_semaphore(%run_scoped3A : memref<!tpu.dma_semaphore, #tpu.memory_space<semaphore_mem>>)
        %dma_wait3A_529 = arith.constant 0 : i32
        %dma_wait3A_530 = arith.constant 0 : i32
        %dma_wait3A_531 = tpu.memref_slice %arg3[%add3A_484, %dma_wait3A_529, %dma_wait3A_530] : memref<4096x32x128xf32, #tpu.memory_space<hbm>> -> memref<4x32x128xf32, #tpu.memory_space<hbm>>
        %dma_wait3A_532 = arith.constant 0 : i32
        %dma_wait3A_533 = arith.constant 0 : i32
        %dma_wait3A_534 = tpu.memref_slice %arg3[%add3A_484, %dma_wait3A_532, %dma_wait3A_533] : memref<4096x32x128xf32, #tpu.memory_space<hbm>> -> memref<4x32x128xf32, #tpu.memory_space<hbm>>
        tpu.wait_dma2 semaphore(%run_scoped3A : memref<!tpu.dma_semaphore, #tpu.memory_space<semaphore_mem>>) src(%dma_wait3A_534 : memref<4x32x128xf32, #tpu.memory_space<hbm>>) dst(%arg15 : memref<4x32x128xf32, #tpu.memory_space<vmem>>)
        tpu.yield
      }) : () -> ()
      "tpu.region"() ({
        %run_scoped3A = tpu.sem_alloc : memref<!tpu.dma_semaphore, #tpu.memory_space<semaphore_mem>>
        %dma_start3A_523 = arith.constant 0 : i32
        %dma_start3A_524 = arith.constant 0 : i32
        %dma_start3A_525 = tpu.memref_slice %arg8[%add3A_484, %dma_start3A_523, %dma_start3A_524] : memref<4096x32x128xf32, #tpu.memory_space<hbm>> -> memref<4x32x128xf32, #tpu.memory_space<hbm>>
        %dma_start3A_526 = arith.constant 0 : i32
        %dma_start3A_527 = arith.constant 0 : i32
        %dma_start3A_528 = tpu.memref_slice %arg8[%add3A_484, %dma_start3A_526, %dma_start3A_527] : memref<4096x32x128xf32, #tpu.memory_space<hbm>> -> memref<4x32x128xf32, #tpu.memory_space<hbm>>
        tpu.enqueue_dma source(%arg15 : memref<4x32x128xf32, #tpu.memory_space<vmem>>) target(%dma_start3A_528 : memref<4x32x128xf32, #tpu.memory_space<hbm>>) target_semaphore(%run_scoped3A : memref<!tpu.dma_semaphore, #tpu.memory_space<semaphore_mem>>)
        %dma_wait3A_529 = arith.constant 0 : i32
        %dma_wait3A_530 = arith.constant 0 : i32
        %dma_wait3A_531 = tpu.memref_slice %arg8[%add3A_484, %dma_wait3A_529, %dma_wait3A_530] : memref<4096x32x128xf32, #tpu.memory_space<hbm>> -> memref<4x32x128xf32, #tpu.memory_space<hbm>>
        %dma_wait3A_532 = arith.constant 0 : i32
        %dma_wait3A_533 = arith.constant 0 : i32
        %dma_wait3A_534 = tpu.memref_slice %arg8[%add3A_484, %dma_wait3A_532, %dma_wait3A_533] : memref<4096x32x128xf32, #tpu.memory_space<hbm>> -> memref<4x32x128xf32, #tpu.memory_space<hbm>>
        tpu.wait_dma2 semaphore(%run_scoped3A : memref<!tpu.dma_semaphore, #tpu.memory_space<semaphore_mem>>) src(%arg15 : memref<4x32x128xf32, #tpu.memory_space<vmem>>) dst(%dma_wait3A_534 : memref<4x32x128xf32, #tpu.memory_space<hbm>>)
        tpu.yield
      }) : () -> ()
      %add3A_485 = arith.constant 20 : i32
      %add3A_486 = arith.addi %add3A_4, %add3A_485 : i32
      "tpu.region"() ({
        %run_scoped3A = tpu.sem_alloc : memref<!tpu.dma_semaphore, #tpu.memory_space<semaphore_mem>>
        %dma_start3A_523 = arith.constant 0 : i32
        %dma_start3A_524 = arith.constant 0 : i32
        %dma_start3A_525 = tpu.memref_slice %arg2[%add3A_486, %dma_start3A_523, %dma_start3A_524] : memref<4096x32x128xf32, #tpu.memory_space<hbm>> -> memref<4x32x128xf32, #tpu.memory_space<hbm>>
        %dma_start3A_526 = arith.constant 0 : i32
        %dma_start3A_527 = arith.constant 0 : i32
        %dma_start3A_528 = tpu.memref_slice %arg2[%add3A_486, %dma_start3A_526, %dma_start3A_527] : memref<4096x32x128xf32, #tpu.memory_space<hbm>> -> memref<4x32x128xf32, #tpu.memory_space<hbm>>
        tpu.enqueue_dma source(%dma_start3A_528 : memref<4x32x128xf32, #tpu.memory_space<hbm>>) target(%arg13 : memref<4x32x128xf32, #tpu.memory_space<vmem>>) target_semaphore(%run_scoped3A : memref<!tpu.dma_semaphore, #tpu.memory_space<semaphore_mem>>)
        %dma_wait3A_529 = arith.constant 0 : i32
        %dma_wait3A_530 = arith.constant 0 : i32
        %dma_wait3A_531 = tpu.memref_slice %arg2[%add3A_486, %dma_wait3A_529, %dma_wait3A_530] : memref<4096x32x128xf32, #tpu.memory_space<hbm>> -> memref<4x32x128xf32, #tpu.memory_space<hbm>>
        %dma_wait3A_532 = arith.constant 0 : i32
        %dma_wait3A_533 = arith.constant 0 : i32
        %dma_wait3A_534 = tpu.memref_slice %arg2[%add3A_486, %dma_wait3A_532, %dma_wait3A_533] : memref<4096x32x128xf32, #tpu.memory_space<hbm>> -> memref<4x32x128xf32, #tpu.memory_space<hbm>>
        tpu.wait_dma2 semaphore(%run_scoped3A : memref<!tpu.dma_semaphore, #tpu.memory_space<semaphore_mem>>) src(%dma_wait3A_534 : memref<4x32x128xf32, #tpu.memory_space<hbm>>) dst(%arg13 : memref<4x32x128xf32, #tpu.memory_space<vmem>>)
        tpu.yield
      }) : () -> ()
      "tpu.region"() ({
        %run_scoped3A = tpu.sem_alloc : memref<!tpu.dma_semaphore, #tpu.memory_space<semaphore_mem>>
        %dma_start3A_523 = arith.constant 0 : i32
        %dma_start3A_524 = arith.constant 0 : i32
        %dma_start3A_525 = tpu.memref_slice %arg7[%add3A_486, %dma_start3A_523, %dma_start3A_524] : memref<4096x32x128xf32, #tpu.memory_space<hbm>> -> memref<4x32x128xf32, #tpu.memory_space<hbm>>
        %dma_start3A_526 = arith.constant 0 : i32
        %dma_start3A_527 = arith.constant 0 : i32
        %dma_start3A_528 = tpu.memref_slice %arg7[%add3A_486, %dma_start3A_526, %dma_start3A_527] : memref<4096x32x128xf32, #tpu.memory_space<hbm>> -> memref<4x32x128xf32, #tpu.memory_space<hbm>>
        tpu.enqueue_dma source(%arg13 : memref<4x32x128xf32, #tpu.memory_space<vmem>>) target(%dma_start3A_528 : memref<4x32x128xf32, #tpu.memory_space<hbm>>) target_semaphore(%run_scoped3A : memref<!tpu.dma_semaphore, #tpu.memory_space<semaphore_mem>>)
        %dma_wait3A_529 = arith.constant 0 : i32
        %dma_wait3A_530 = arith.constant 0 : i32
        %dma_wait3A_531 = tpu.memref_slice %arg7[%add3A_486, %dma_wait3A_529, %dma_wait3A_530] : memref<4096x32x128xf32, #tpu.memory_space<hbm>> -> memref<4x32x128xf32, #tpu.memory_space<hbm>>
        %dma_wait3A_532 = arith.constant 0 : i32
        %dma_wait3A_533 = arith.constant 0 : i32
        %dma_wait3A_534 = tpu.memref_slice %arg7[%add3A_486, %dma_wait3A_532, %dma_wait3A_533] : memref<4096x32x128xf32, #tpu.memory_space<hbm>> -> memref<4x32x128xf32, #tpu.memory_space<hbm>>
        tpu.wait_dma2 semaphore(%run_scoped3A : memref<!tpu.dma_semaphore, #tpu.memory_space<semaphore_mem>>) src(%arg13 : memref<4x32x128xf32, #tpu.memory_space<vmem>>) dst(%dma_wait3A_534 : memref<4x32x128xf32, #tpu.memory_space<hbm>>)
        tpu.yield
      }) : () -> ()
      "tpu.region"() ({
        %run_scoped3A = tpu.sem_alloc : memref<!tpu.dma_semaphore, #tpu.memory_space<semaphore_mem>>
        %dma_start3A_523 = arith.constant 0 : i32
        %dma_start3A_524 = arith.constant 0 : i32
        %dma_start3A_525 = tpu.memref_slice %arg3[%add3A_486, %dma_start3A_523, %dma_start3A_524] : memref<4096x32x128xf32, #tpu.memory_space<hbm>> -> memref<4x32x128xf32, #tpu.memory_space<hbm>>
        %dma_start3A_526 = arith.constant 0 : i32
        %dma_start3A_527 = arith.constant 0 : i32
        %dma_start3A_528 = tpu.memref_slice %arg3[%add3A_486, %dma_start3A_526, %dma_start3A_527] : memref<4096x32x128xf32, #tpu.memory_space<hbm>> -> memref<4x32x128xf32, #tpu.memory_space<hbm>>
        tpu.enqueue_dma source(%dma_start3A_528 : memref<4x32x128xf32, #tpu.memory_space<hbm>>) target(%arg15 : memref<4x32x128xf32, #tpu.memory_space<vmem>>) target_semaphore(%run_scoped3A : memref<!tpu.dma_semaphore, #tpu.memory_space<semaphore_mem>>)
        %dma_wait3A_529 = arith.constant 0 : i32
        %dma_wait3A_530 = arith.constant 0 : i32
        %dma_wait3A_531 = tpu.memref_slice %arg3[%add3A_486, %dma_wait3A_529, %dma_wait3A_530] : memref<4096x32x128xf32, #tpu.memory_space<hbm>> -> memref<4x32x128xf32, #tpu.memory_space<hbm>>
        %dma_wait3A_532 = arith.constant 0 : i32
        %dma_wait3A_533 = arith.constant 0 : i32
        %dma_wait3A_534 = tpu.memref_slice %arg3[%add3A_486, %dma_wait3A_532, %dma_wait3A_533] : memref<4096x32x128xf32, #tpu.memory_space<hbm>> -> memref<4x32x128xf32, #tpu.memory_space<hbm>>
        tpu.wait_dma2 semaphore(%run_scoped3A : memref<!tpu.dma_semaphore, #tpu.memory_space<semaphore_mem>>) src(%dma_wait3A_534 : memref<4x32x128xf32, #tpu.memory_space<hbm>>) dst(%arg15 : memref<4x32x128xf32, #tpu.memory_space<vmem>>)
        tpu.yield
      }) : () -> ()
      "tpu.region"() ({
        %run_scoped3A = tpu.sem_alloc : memref<!tpu.dma_semaphore, #tpu.memory_space<semaphore_mem>>
        %dma_start3A_523 = arith.constant 0 : i32
        %dma_start3A_524 = arith.constant 0 : i32
        %dma_start3A_525 = tpu.memref_slice %arg8[%add3A_486, %dma_start3A_523, %dma_start3A_524] : memref<4096x32x128xf32, #tpu.memory_space<hbm>> -> memref<4x32x128xf32, #tpu.memory_space<hbm>>
        %dma_start3A_526 = arith.constant 0 : i32
        %dma_start3A_527 = arith.constant 0 : i32
        %dma_start3A_528 = tpu.memref_slice %arg8[%add3A_486, %dma_start3A_526, %dma_start3A_527] : memref<4096x32x128xf32, #tpu.memory_space<hbm>> -> memref<4x32x128xf32, #tpu.memory_space<hbm>>
        tpu.enqueue_dma source(%arg15 : memref<4x32x128xf32, #tpu.memory_space<vmem>>) target(%dma_start3A_528 : memref<4x32x128xf32, #tpu.memory_space<hbm>>) target_semaphore(%run_scoped3A : memref<!tpu.dma_semaphore, #tpu.memory_space<semaphore_mem>>)
        %dma_wait3A_529 = arith.constant 0 : i32
        %dma_wait3A_530 = arith.constant 0 : i32
        %dma_wait3A_531 = tpu.memref_slice %arg8[%add3A_486, %dma_wait3A_529, %dma_wait3A_530] : memref<4096x32x128xf32, #tpu.memory_space<hbm>> -> memref<4x32x128xf32, #tpu.memory_space<hbm>>
        %dma_wait3A_532 = arith.constant 0 : i32
        %dma_wait3A_533 = arith.constant 0 : i32
        %dma_wait3A_534 = tpu.memref_slice %arg8[%add3A_486, %dma_wait3A_532, %dma_wait3A_533] : memref<4096x32x128xf32, #tpu.memory_space<hbm>> -> memref<4x32x128xf32, #tpu.memory_space<hbm>>
        tpu.wait_dma2 semaphore(%run_scoped3A : memref<!tpu.dma_semaphore, #tpu.memory_space<semaphore_mem>>) src(%arg15 : memref<4x32x128xf32, #tpu.memory_space<vmem>>) dst(%dma_wait3A_534 : memref<4x32x128xf32, #tpu.memory_space<hbm>>)
        tpu.yield
      }) : () -> ()
      %add3A_487 = arith.constant 24 : i32
      %add3A_488 = arith.addi %add3A_4, %add3A_487 : i32
      "tpu.region"() ({
        %run_scoped3A = tpu.sem_alloc : memref<!tpu.dma_semaphore, #tpu.memory_space<semaphore_mem>>
        %dma_start3A_523 = arith.constant 0 : i32
        %dma_start3A_524 = arith.constant 0 : i32
        %dma_start3A_525 = tpu.memref_slice %arg2[%add3A_488, %dma_start3A_523, %dma_start3A_524] : memref<4096x32x128xf32, #tpu.memory_space<hbm>> -> memref<4x32x128xf32, #tpu.memory_space<hbm>>
        %dma_start3A_526 = arith.constant 0 : i32
        %dma_start3A_527 = arith.constant 0 : i32
        %dma_start3A_528 = tpu.memref_slice %arg2[%add3A_488, %dma_start3A_526, %dma_start3A_527] : memref<4096x32x128xf32, #tpu.memory_space<hbm>> -> memref<4x32x128xf32, #tpu.memory_space<hbm>>
        tpu.enqueue_dma source(%dma_start3A_528 : memref<4x32x128xf32, #tpu.memory_space<hbm>>) target(%arg13 : memref<4x32x128xf32, #tpu.memory_space<vmem>>) target_semaphore(%run_scoped3A : memref<!tpu.dma_semaphore, #tpu.memory_space<semaphore_mem>>)
        %dma_wait3A_529 = arith.constant 0 : i32
        %dma_wait3A_530 = arith.constant 0 : i32
        %dma_wait3A_531 = tpu.memref_slice %arg2[%add3A_488, %dma_wait3A_529, %dma_wait3A_530] : memref<4096x32x128xf32, #tpu.memory_space<hbm>> -> memref<4x32x128xf32, #tpu.memory_space<hbm>>
        %dma_wait3A_532 = arith.constant 0 : i32
        %dma_wait3A_533 = arith.constant 0 : i32
        %dma_wait3A_534 = tpu.memref_slice %arg2[%add3A_488, %dma_wait3A_532, %dma_wait3A_533] : memref<4096x32x128xf32, #tpu.memory_space<hbm>> -> memref<4x32x128xf32, #tpu.memory_space<hbm>>
        tpu.wait_dma2 semaphore(%run_scoped3A : memref<!tpu.dma_semaphore, #tpu.memory_space<semaphore_mem>>) src(%dma_wait3A_534 : memref<4x32x128xf32, #tpu.memory_space<hbm>>) dst(%arg13 : memref<4x32x128xf32, #tpu.memory_space<vmem>>)
        tpu.yield
      }) : () -> ()
      "tpu.region"() ({
        %run_scoped3A = tpu.sem_alloc : memref<!tpu.dma_semaphore, #tpu.memory_space<semaphore_mem>>
        %dma_start3A_523 = arith.constant 0 : i32
        %dma_start3A_524 = arith.constant 0 : i32
        %dma_start3A_525 = tpu.memref_slice %arg7[%add3A_488, %dma_start3A_523, %dma_start3A_524] : memref<4096x32x128xf32, #tpu.memory_space<hbm>> -> memref<4x32x128xf32, #tpu.memory_space<hbm>>
        %dma_start3A_526 = arith.constant 0 : i32
        %dma_start3A_527 = arith.constant 0 : i32
        %dma_start3A_528 = tpu.memref_slice %arg7[%add3A_488, %dma_start3A_526, %dma_start3A_527] : memref<4096x32x128xf32, #tpu.memory_space<hbm>> -> memref<4x32x128xf32, #tpu.memory_space<hbm>>
        tpu.enqueue_dma source(%arg13 : memref<4x32x128xf32, #tpu.memory_space<vmem>>) target(%dma_start3A_528 : memref<4x32x128xf32, #tpu.memory_space<hbm>>) target_semaphore(%run_scoped3A : memref<!tpu.dma_semaphore, #tpu.memory_space<semaphore_mem>>)
        %dma_wait3A_529 = arith.constant 0 : i32
        %dma_wait3A_530 = arith.constant 0 : i32
        %dma_wait3A_531 = tpu.memref_slice %arg7[%add3A_488, %dma_wait3A_529, %dma_wait3A_530] : memref<4096x32x128xf32, #tpu.memory_space<hbm>> -> memref<4x32x128xf32, #tpu.memory_space<hbm>>
        %dma_wait3A_532 = arith.constant 0 : i32
        %dma_wait3A_533 = arith.constant 0 : i32
        %dma_wait3A_534 = tpu.memref_slice %arg7[%add3A_488, %dma_wait3A_532, %dma_wait3A_533] : memref<4096x32x128xf32, #tpu.memory_space<hbm>> -> memref<4x32x128xf32, #tpu.memory_space<hbm>>
        tpu.wait_dma2 semaphore(%run_scoped3A : memref<!tpu.dma_semaphore, #tpu.memory_space<semaphore_mem>>) src(%arg13 : memref<4x32x128xf32, #tpu.memory_space<vmem>>) dst(%dma_wait3A_534 : memref<4x32x128xf32, #tpu.memory_space<hbm>>)
        tpu.yield
      }) : () -> ()
      "tpu.region"() ({
        %run_scoped3A = tpu.sem_alloc : memref<!tpu.dma_semaphore, #tpu.memory_space<semaphore_mem>>
        %dma_start3A_523 = arith.constant 0 : i32
        %dma_start3A_524 = arith.constant 0 : i32
        %dma_start3A_525 = tpu.memref_slice %arg3[%add3A_488, %dma_start3A_523, %dma_start3A_524] : memref<4096x32x128xf32, #tpu.memory_space<hbm>> -> memref<4x32x128xf32, #tpu.memory_space<hbm>>
        %dma_start3A_526 = arith.constant 0 : i32
        %dma_start3A_527 = arith.constant 0 : i32
        %dma_start3A_528 = tpu.memref_slice %arg3[%add3A_488, %dma_start3A_526, %dma_start3A_527] : memref<4096x32x128xf32, #tpu.memory_space<hbm>> -> memref<4x32x128xf32, #tpu.memory_space<hbm>>
        tpu.enqueue_dma source(%dma_start3A_528 : memref<4x32x128xf32, #tpu.memory_space<hbm>>) target(%arg15 : memref<4x32x128xf32, #tpu.memory_space<vmem>>) target_semaphore(%run_scoped3A : memref<!tpu.dma_semaphore, #tpu.memory_space<semaphore_mem>>)
        %dma_wait3A_529 = arith.constant 0 : i32
        %dma_wait3A_530 = arith.constant 0 : i32
        %dma_wait3A_531 = tpu.memref_slice %arg3[%add3A_488, %dma_wait3A_529, %dma_wait3A_530] : memref<4096x32x128xf32, #tpu.memory_space<hbm>> -> memref<4x32x128xf32, #tpu.memory_space<hbm>>
        %dma_wait3A_532 = arith.constant 0 : i32
        %dma_wait3A_533 = arith.constant 0 : i32
        %dma_wait3A_534 = tpu.memref_slice %arg3[%add3A_488, %dma_wait3A_532, %dma_wait3A_533] : memref<4096x32x128xf32, #tpu.memory_space<hbm>> -> memref<4x32x128xf32, #tpu.memory_space<hbm>>
        tpu.wait_dma2 semaphore(%run_scoped3A : memref<!tpu.dma_semaphore, #tpu.memory_space<semaphore_mem>>) src(%dma_wait3A_534 : memref<4x32x128xf32, #tpu.memory_space<hbm>>) dst(%arg15 : memref<4x32x128xf32, #tpu.memory_space<vmem>>)
        tpu.yield
      }) : () -> ()
      "tpu.region"() ({
        %run_scoped3A = tpu.sem_alloc : memref<!tpu.dma_semaphore, #tpu.memory_space<semaphore_mem>>
        %dma_start3A_523 = arith.constant 0 : i32
        %dma_start3A_524 = arith.constant 0 : i32
        %dma_start3A_525 = tpu.memref_slice %arg8[%add3A_488, %dma_start3A_523, %dma_start3A_524] : memref<4096x32x128xf32, #tpu.memory_space<hbm>> -> memref<4x32x128xf32, #tpu.memory_space<hbm>>
        %dma_start3A_526 = arith.constant 0 : i32
        %dma_start3A_527 = arith.constant 0 : i32
        %dma_start3A_528 = tpu.memref_slice %arg8[%add3A_488, %dma_start3A_526, %dma_start3A_527] : memref<4096x32x128xf32, #tpu.memory_space<hbm>> -> memref<4x32x128xf32, #tpu.memory_space<hbm>>
        tpu.enqueue_dma source(%arg15 : memref<4x32x128xf32, #tpu.memory_space<vmem>>) target(%dma_start3A_528 : memref<4x32x128xf32, #tpu.memory_space<hbm>>) target_semaphore(%run_scoped3A : memref<!tpu.dma_semaphore, #tpu.memory_space<semaphore_mem>>)
        %dma_wait3A_529 = arith.constant 0 : i32
        %dma_wait3A_530 = arith.constant 0 : i32
        %dma_wait3A_531 = tpu.memref_slice %arg8[%add3A_488, %dma_wait3A_529, %dma_wait3A_530] : memref<4096x32x128xf32, #tpu.memory_space<hbm>> -> memref<4x32x128xf32, #tpu.memory_space<hbm>>
        %dma_wait3A_532 = arith.constant 0 : i32
        %dma_wait3A_533 = arith.constant 0 : i32
        %dma_wait3A_534 = tpu.memref_slice %arg8[%add3A_488, %dma_wait3A_532, %dma_wait3A_533] : memref<4096x32x128xf32, #tpu.memory_space<hbm>> -> memref<4x32x128xf32, #tpu.memory_space<hbm>>
        tpu.wait_dma2 semaphore(%run_scoped3A : memref<!tpu.dma_semaphore, #tpu.memory_space<semaphore_mem>>) src(%arg15 : memref<4x32x128xf32, #tpu.memory_space<vmem>>) dst(%dma_wait3A_534 : memref<4x32x128xf32, #tpu.memory_space<hbm>>)
        tpu.yield
      }) : () -> ()
      %add3A_489 = arith.constant 28 : i32
      %add3A_490 = arith.addi %add3A_4, %add3A_489 : i32
      "tpu.region"() ({
        %run_scoped3A = tpu.sem_alloc : memref<!tpu.dma_semaphore, #tpu.memory_space<semaphore_mem>>
        %dma_start3A_523 = arith.constant 0 : i32
        %dma_start3A_524 = arith.constant 0 : i32
        %dma_start3A_525 = tpu.memref_slice %arg2[%add3A_490, %dma_start3A_523, %dma_start3A_524] : memref<4096x32x128xf32, #tpu.memory_space<hbm>> -> memref<4x32x128xf32, #tpu.memory_space<hbm>>
        %dma_start3A_526 = arith.constant 0 : i32
        %dma_start3A_527 = arith.constant 0 : i32
        %dma_start3A_528 = tpu.memref_slice %arg2[%add3A_490, %dma_start3A_526, %dma_start3A_527] : memref<4096x32x128xf32, #tpu.memory_space<hbm>> -> memref<4x32x128xf32, #tpu.memory_space<hbm>>
        tpu.enqueue_dma source(%dma_start3A_528 : memref<4x32x128xf32, #tpu.memory_space<hbm>>) target(%arg13 : memref<4x32x128xf32, #tpu.memory_space<vmem>>) target_semaphore(%run_scoped3A : memref<!tpu.dma_semaphore, #tpu.memory_space<semaphore_mem>>)
        %dma_wait3A_529 = arith.constant 0 : i32
        %dma_wait3A_530 = arith.constant 0 : i32
        %dma_wait3A_531 = tpu.memref_slice %arg2[%add3A_490, %dma_wait3A_529, %dma_wait3A_530] : memref<4096x32x128xf32, #tpu.memory_space<hbm>> -> memref<4x32x128xf32, #tpu.memory_space<hbm>>
        %dma_wait3A_532 = arith.constant 0 : i32
        %dma_wait3A_533 = arith.constant 0 : i32
        %dma_wait3A_534 = tpu.memref_slice %arg2[%add3A_490, %dma_wait3A_532, %dma_wait3A_533] : memref<4096x32x128xf32, #tpu.memory_space<hbm>> -> memref<4x32x128xf32, #tpu.memory_space<hbm>>
        tpu.wait_dma2 semaphore(%run_scoped3A : memref<!tpu.dma_semaphore, #tpu.memory_space<semaphore_mem>>) src(%dma_wait3A_534 : memref<4x32x128xf32, #tpu.memory_space<hbm>>) dst(%arg13 : memref<4x32x128xf32, #tpu.memory_space<vmem>>)
        tpu.yield
      }) : () -> ()
      "tpu.region"() ({
        %run_scoped3A = tpu.sem_alloc : memref<!tpu.dma_semaphore, #tpu.memory_space<semaphore_mem>>
        %dma_start3A_523 = arith.constant 0 : i32
        %dma_start3A_524 = arith.constant 0 : i32
        %dma_start3A_525 = tpu.memref_slice %arg7[%add3A_490, %dma_start3A_523, %dma_start3A_524] : memref<4096x32x128xf32, #tpu.memory_space<hbm>> -> memref<4x32x128xf32, #tpu.memory_space<hbm>>
        %dma_start3A_526 = arith.constant 0 : i32
        %dma_start3A_527 = arith.constant 0 : i32
        %dma_start3A_528 = tpu.memref_slice %arg7[%add3A_490, %dma_start3A_526, %dma_start3A_527] : memref<4096x32x128xf32, #tpu.memory_space<hbm>> -> memref<4x32x128xf32, #tpu.memory_space<hbm>>
        tpu.enqueue_dma source(%arg13 : memref<4x32x128xf32, #tpu.memory_space<vmem>>) target(%dma_start3A_528 : memref<4x32x128xf32, #tpu.memory_space<hbm>>) target_semaphore(%run_scoped3A : memref<!tpu.dma_semaphore, #tpu.memory_space<semaphore_mem>>)
        %dma_wait3A_529 = arith.constant 0 : i32
        %dma_wait3A_530 = arith.constant 0 : i32
        %dma_wait3A_531 = tpu.memref_slice %arg7[%add3A_490, %dma_wait3A_529, %dma_wait3A_530] : memref<4096x32x128xf32, #tpu.memory_space<hbm>> -> memref<4x32x128xf32, #tpu.memory_space<hbm>>
        %dma_wait3A_532 = arith.constant 0 : i32
        %dma_wait3A_533 = arith.constant 0 : i32
        %dma_wait3A_534 = tpu.memref_slice %arg7[%add3A_490, %dma_wait3A_532, %dma_wait3A_533] : memref<4096x32x128xf32, #tpu.memory_space<hbm>> -> memref<4x32x128xf32, #tpu.memory_space<hbm>>
        tpu.wait_dma2 semaphore(%run_scoped3A : memref<!tpu.dma_semaphore, #tpu.memory_space<semaphore_mem>>) src(%arg13 : memref<4x32x128xf32, #tpu.memory_space<vmem>>) dst(%dma_wait3A_534 : memref<4x32x128xf32, #tpu.memory_space<hbm>>)
        tpu.yield
      }) : () -> ()
      "tpu.region"() ({
        %run_scoped3A = tpu.sem_alloc : memref<!tpu.dma_semaphore, #tpu.memory_space<semaphore_mem>>
        %dma_start3A_523 = arith.constant 0 : i32
        %dma_start3A_524 = arith.constant 0 : i32
        %dma_start3A_525 = tpu.memref_slice %arg3[%add3A_490, %dma_start3A_523, %dma_start3A_524] : memref<4096x32x128xf32, #tpu.memory_space<hbm>> -> memref<4x32x128xf32, #tpu.memory_space<hbm>>
        %dma_start3A_526 = arith.constant 0 : i32
        %dma_start3A_527 = arith.constant 0 : i32
        %dma_start3A_528 = tpu.memref_slice %arg3[%add3A_490, %dma_start3A_526, %dma_start3A_527] : memref<4096x32x128xf32, #tpu.memory_space<hbm>> -> memref<4x32x128xf32, #tpu.memory_space<hbm>>
        tpu.enqueue_dma source(%dma_start3A_528 : memref<4x32x128xf32, #tpu.memory_space<hbm>>) target(%arg15 : memref<4x32x128xf32, #tpu.memory_space<vmem>>) target_semaphore(%run_scoped3A : memref<!tpu.dma_semaphore, #tpu.memory_space<semaphore_mem>>)
        %dma_wait3A_529 = arith.constant 0 : i32
        %dma_wait3A_530 = arith.constant 0 : i32
        %dma_wait3A_531 = tpu.memref_slice %arg3[%add3A_490, %dma_wait3A_529, %dma_wait3A_530] : memref<4096x32x128xf32, #tpu.memory_space<hbm>> -> memref<4x32x128xf32, #tpu.memory_space<hbm>>
        %dma_wait3A_532 = arith.constant 0 : i32
        %dma_wait3A_533 = arith.constant 0 : i32
        %dma_wait3A_534 = tpu.memref_slice %arg3[%add3A_490, %dma_wait3A_532, %dma_wait3A_533] : memref<4096x32x128xf32, #tpu.memory_space<hbm>> -> memref<4x32x128xf32, #tpu.memory_space<hbm>>
        tpu.wait_dma2 semaphore(%run_scoped3A : memref<!tpu.dma_semaphore, #tpu.memory_space<semaphore_mem>>) src(%dma_wait3A_534 : memref<4x32x128xf32, #tpu.memory_space<hbm>>) dst(%arg15 : memref<4x32x128xf32, #tpu.memory_space<vmem>>)
        tpu.yield
      }) : () -> ()
      "tpu.region"() ({
        %run_scoped3A = tpu.sem_alloc : memref<!tpu.dma_semaphore, #tpu.memory_space<semaphore_mem>>
        %dma_start3A_523 = arith.constant 0 : i32
        %dma_start3A_524 = arith.constant 0 : i32
        %dma_start3A_525 = tpu.memref_slice %arg8[%add3A_490, %dma_start3A_523, %dma_start3A_524] : memref<4096x32x128xf32, #tpu.memory_space<hbm>> -> memref<4x32x128xf32, #tpu.memory_space<hbm>>
        %dma_start3A_526 = arith.constant 0 : i32
        %dma_start3A_527 = arith.constant 0 : i32
        %dma_start3A_528 = tpu.memref_slice %arg8[%add3A_490, %dma_start3A_526, %dma_start3A_527] : memref<4096x32x128xf32, #tpu.memory_space<hbm>> -> memref<4x32x128xf32, #tpu.memory_space<hbm>>
        tpu.enqueue_dma source(%arg15 : memref<4x32x128xf32, #tpu.memory_space<vmem>>) target(%dma_start3A_528 : memref<4x32x128xf32, #tpu.memory_space<hbm>>) target_semaphore(%run_scoped3A : memref<!tpu.dma_semaphore, #tpu.memory_space<semaphore_mem>>)
        %dma_wait3A_529 = arith.constant 0 : i32
        %dma_wait3A_530 = arith.constant 0 : i32
        %dma_wait3A_531 = tpu.memref_slice %arg8[%add3A_490, %dma_wait3A_529, %dma_wait3A_530] : memref<4096x32x128xf32, #tpu.memory_space<hbm>> -> memref<4x32x128xf32, #tpu.memory_space<hbm>>
        %dma_wait3A_532 = arith.constant 0 : i32
        %dma_wait3A_533 = arith.constant 0 : i32
        %dma_wait3A_534 = tpu.memref_slice %arg8[%add3A_490, %dma_wait3A_532, %dma_wait3A_533] : memref<4096x32x128xf32, #tpu.memory_space<hbm>> -> memref<4x32x128xf32, #tpu.memory_space<hbm>>
        tpu.wait_dma2 semaphore(%run_scoped3A : memref<!tpu.dma_semaphore, #tpu.memory_space<semaphore_mem>>) src(%arg15 : memref<4x32x128xf32, #tpu.memory_space<vmem>>) dst(%dma_wait3A_534 : memref<4x32x128xf32, #tpu.memory_space<hbm>>)
        tpu.yield
      }) : () -> ()
      %add3A_491 = arith.constant 32 : i32
      %add3A_492 = arith.addi %add3A_4, %add3A_491 : i32
      "tpu.region"() ({
        %run_scoped3A = tpu.sem_alloc : memref<!tpu.dma_semaphore, #tpu.memory_space<semaphore_mem>>
        %dma_start3A_523 = arith.constant 0 : i32
        %dma_start3A_524 = arith.constant 0 : i32
        %dma_start3A_525 = tpu.memref_slice %arg2[%add3A_492, %dma_start3A_523, %dma_start3A_524] : memref<4096x32x128xf32, #tpu.memory_space<hbm>> -> memref<4x32x128xf32, #tpu.memory_space<hbm>>
        %dma_start3A_526 = arith.constant 0 : i32
        %dma_start3A_527 = arith.constant 0 : i32
        %dma_start3A_528 = tpu.memref_slice %arg2[%add3A_492, %dma_start3A_526, %dma_start3A_527] : memref<4096x32x128xf32, #tpu.memory_space<hbm>> -> memref<4x32x128xf32, #tpu.memory_space<hbm>>
        tpu.enqueue_dma source(%dma_start3A_528 : memref<4x32x128xf32, #tpu.memory_space<hbm>>) target(%arg13 : memref<4x32x128xf32, #tpu.memory_space<vmem>>) target_semaphore(%run_scoped3A : memref<!tpu.dma_semaphore, #tpu.memory_space<semaphore_mem>>)
        %dma_wait3A_529 = arith.constant 0 : i32
        %dma_wait3A_530 = arith.constant 0 : i32
        %dma_wait3A_531 = tpu.memref_slice %arg2[%add3A_492, %dma_wait3A_529, %dma_wait3A_530] : memref<4096x32x128xf32, #tpu.memory_space<hbm>> -> memref<4x32x128xf32, #tpu.memory_space<hbm>>
        %dma_wait3A_532 = arith.constant 0 : i32
        %dma_wait3A_533 = arith.constant 0 : i32
        %dma_wait3A_534 = tpu.memref_slice %arg2[%add3A_492, %dma_wait3A_532, %dma_wait3A_533] : memref<4096x32x128xf32, #tpu.memory_space<hbm>> -> memref<4x32x128xf32, #tpu.memory_space<hbm>>
        tpu.wait_dma2 semaphore(%run_scoped3A : memref<!tpu.dma_semaphore, #tpu.memory_space<semaphore_mem>>) src(%dma_wait3A_534 : memref<4x32x128xf32, #tpu.memory_space<hbm>>) dst(%arg13 : memref<4x32x128xf32, #tpu.memory_space<vmem>>)
        tpu.yield
      }) : () -> ()
      "tpu.region"() ({
        %run_scoped3A = tpu.sem_alloc : memref<!tpu.dma_semaphore, #tpu.memory_space<semaphore_mem>>
        %dma_start3A_523 = arith.constant 0 : i32
        %dma_start3A_524 = arith.constant 0 : i32
        %dma_start3A_525 = tpu.memref_slice %arg7[%add3A_492, %dma_start3A_523, %dma_start3A_524] : memref<4096x32x128xf32, #tpu.memory_space<hbm>> -> memref<4x32x128xf32, #tpu.memory_space<hbm>>
        %dma_start3A_526 = arith.constant 0 : i32
        %dma_start3A_527 = arith.constant 0 : i32
        %dma_start3A_528 = tpu.memref_slice %arg7[%add3A_492, %dma_start3A_526, %dma_start3A_527] : memref<4096x32x128xf32, #tpu.memory_space<hbm>> -> memref<4x32x128xf32, #tpu.memory_space<hbm>>
        tpu.enqueue_dma source(%arg13 : memref<4x32x128xf32, #tpu.memory_space<vmem>>) target(%dma_start3A_528 : memref<4x32x128xf32, #tpu.memory_space<hbm>>) target_semaphore(%run_scoped3A : memref<!tpu.dma_semaphore, #tpu.memory_space<semaphore_mem>>)
        %dma_wait3A_529 = arith.constant 0 : i32
        %dma_wait3A_530 = arith.constant 0 : i32
        %dma_wait3A_531 = tpu.memref_slice %arg7[%add3A_492, %dma_wait3A_529, %dma_wait3A_530] : memref<4096x32x128xf32, #tpu.memory_space<hbm>> -> memref<4x32x128xf32, #tpu.memory_space<hbm>>
        %dma_wait3A_532 = arith.constant 0 : i32
        %dma_wait3A_533 = arith.constant 0 : i32
        %dma_wait3A_534 = tpu.memref_slice %arg7[%add3A_492, %dma_wait3A_532, %dma_wait3A_533] : memref<4096x32x128xf32, #tpu.memory_space<hbm>> -> memref<4x32x128xf32, #tpu.memory_space<hbm>>
        tpu.wait_dma2 semaphore(%run_scoped3A : memref<!tpu.dma_semaphore, #tpu.memory_space<semaphore_mem>>) src(%arg13 : memref<4x32x128xf32, #tpu.memory_space<vmem>>) dst(%dma_wait3A_534 : memref<4x32x128xf32, #tpu.memory_space<hbm>>)
        tpu.yield
      }) : () -> ()
      "tpu.region"() ({
        %run_scoped3A = tpu.sem_alloc : memref<!tpu.dma_semaphore, #tpu.memory_space<semaphore_mem>>
        %dma_start3A_523 = arith.constant 0 : i32
        %dma_start3A_524 = arith.constant 0 : i32
        %dma_start3A_525 = tpu.memref_slice %arg3[%add3A_492, %dma_start3A_523, %dma_start3A_524] : memref<4096x32x128xf32, #tpu.memory_space<hbm>> -> memref<4x32x128xf32, #tpu.memory_space<hbm>>
        %dma_start3A_526 = arith.constant 0 : i32
        %dma_start3A_527 = arith.constant 0 : i32
        %dma_start3A_528 = tpu.memref_slice %arg3[%add3A_492, %dma_start3A_526, %dma_start3A_527] : memref<4096x32x128xf32, #tpu.memory_space<hbm>> -> memref<4x32x128xf32, #tpu.memory_space<hbm>>
        tpu.enqueue_dma source(%dma_start3A_528 : memref<4x32x128xf32, #tpu.memory_space<hbm>>) target(%arg15 : memref<4x32x128xf32, #tpu.memory_space<vmem>>) target_semaphore(%run_scoped3A : memref<!tpu.dma_semaphore, #tpu.memory_space<semaphore_mem>>)
        %dma_wait3A_529 = arith.constant 0 : i32
        %dma_wait3A_530 = arith.constant 0 : i32
        %dma_wait3A_531 = tpu.memref_slice %arg3[%add3A_492, %dma_wait3A_529, %dma_wait3A_530] : memref<4096x32x128xf32, #tpu.memory_space<hbm>> -> memref<4x32x128xf32, #tpu.memory_space<hbm>>
        %dma_wait3A_532 = arith.constant 0 : i32
        %dma_wait3A_533 = arith.constant 0 : i32
        %dma_wait3A_534 = tpu.memref_slice %arg3[%add3A_492, %dma_wait3A_532, %dma_wait3A_533] : memref<4096x32x128xf32, #tpu.memory_space<hbm>> -> memref<4x32x128xf32, #tpu.memory_space<hbm>>
        tpu.wait_dma2 semaphore(%run_scoped3A : memref<!tpu.dma_semaphore, #tpu.memory_space<semaphore_mem>>) src(%dma_wait3A_534 : memref<4x32x128xf32, #tpu.memory_space<hbm>>) dst(%arg15 : memref<4x32x128xf32, #tpu.memory_space<vmem>>)
        tpu.yield
      }) : () -> ()
      "tpu.region"() ({
        %run_scoped3A = tpu.sem_alloc : memref<!tpu.dma_semaphore, #tpu.memory_space<semaphore_mem>>
        %dma_start3A_523 = arith.constant 0 : i32
        %dma_start3A_524 = arith.constant 0 : i32
        %dma_start3A_525 = tpu.memref_slice %arg8[%add3A_492, %dma_start3A_523, %dma_start3A_524] : memref<4096x32x128xf32, #tpu.memory_space<hbm>> -> memref<4x32x128xf32, #tpu.memory_space<hbm>>
        %dma_start3A_526 = arith.constant 0 : i32
        %dma_start3A_527 = arith.constant 0 : i32
        %dma_start3A_528 = tpu.memref_slice %arg8[%add3A_492, %dma_start3A_526, %dma_start3A_527] : memref<4096x32x128xf32, #tpu.memory_space<hbm>> -> memref<4x32x128xf32, #tpu.memory_space<hbm>>
        tpu.enqueue_dma source(%arg15 : memref<4x32x128xf32, #tpu.memory_space<vmem>>) target(%dma_start3A_528 : memref<4x32x128xf32, #tpu.memory_space<hbm>>) target_semaphore(%run_scoped3A : memref<!tpu.dma_semaphore, #tpu.memory_space<semaphore_mem>>)
        %dma_wait3A_529 = arith.constant 0 : i32
        %dma_wait3A_530 = arith.constant 0 : i32
        %dma_wait3A_531 = tpu.memref_slice %arg8[%add3A_492, %dma_wait3A_529, %dma_wait3A_530] : memref<4096x32x128xf32, #tpu.memory_space<hbm>> -> memref<4x32x128xf32, #tpu.memory_space<hbm>>
        %dma_wait3A_532 = arith.constant 0 : i32
        %dma_wait3A_533 = arith.constant 0 : i32
        %dma_wait3A_534 = tpu.memref_slice %arg8[%add3A_492, %dma_wait3A_532, %dma_wait3A_533] : memref<4096x32x128xf32, #tpu.memory_space<hbm>> -> memref<4x32x128xf32, #tpu.memory_space<hbm>>
        tpu.wait_dma2 semaphore(%run_scoped3A : memref<!tpu.dma_semaphore, #tpu.memory_space<semaphore_mem>>) src(%arg15 : memref<4x32x128xf32, #tpu.memory_space<vmem>>) dst(%dma_wait3A_534 : memref<4x32x128xf32, #tpu.memory_space<hbm>>)
        tpu.yield
      }) : () -> ()
      %add3A_493 = arith.constant 36 : i32
      %add3A_494 = arith.addi %add3A_4, %add3A_493 : i32
      "tpu.region"() ({
        %run_scoped3A = tpu.sem_alloc : memref<!tpu.dma_semaphore, #tpu.memory_space<semaphore_mem>>
        %dma_start3A_523 = arith.constant 0 : i32
        %dma_start3A_524 = arith.constant 0 : i32
        %dma_start3A_525 = tpu.memref_slice %arg2[%add3A_494, %dma_start3A_523, %dma_start3A_524] : memref<4096x32x128xf32, #tpu.memory_space<hbm>> -> memref<4x32x128xf32, #tpu.memory_space<hbm>>
        %dma_start3A_526 = arith.constant 0 : i32
        %dma_start3A_527 = arith.constant 0 : i32
        %dma_start3A_528 = tpu.memref_slice %arg2[%add3A_494, %dma_start3A_526, %dma_start3A_527] : memref<4096x32x128xf32, #tpu.memory_space<hbm>> -> memref<4x32x128xf32, #tpu.memory_space<hbm>>
        tpu.enqueue_dma source(%dma_start3A_528 : memref<4x32x128xf32, #tpu.memory_space<hbm>>) target(%arg13 : memref<4x32x128xf32, #tpu.memory_space<vmem>>) target_semaphore(%run_scoped3A : memref<!tpu.dma_semaphore, #tpu.memory_space<semaphore_mem>>)
        %dma_wait3A_529 = arith.constant 0 : i32
        %dma_wait3A_530 = arith.constant 0 : i32
        %dma_wait3A_531 = tpu.memref_slice %arg2[%add3A_494, %dma_wait3A_529, %dma_wait3A_530] : memref<4096x32x128xf32, #tpu.memory_space<hbm>> -> memref<4x32x128xf32, #tpu.memory_space<hbm>>
        %dma_wait3A_532 = arith.constant 0 : i32
        %dma_wait3A_533 = arith.constant 0 : i32
        %dma_wait3A_534 = tpu.memref_slice %arg2[%add3A_494, %dma_wait3A_532, %dma_wait3A_533] : memref<4096x32x128xf32, #tpu.memory_space<hbm>> -> memref<4x32x128xf32, #tpu.memory_space<hbm>>
        tpu.wait_dma2 semaphore(%run_scoped3A : memref<!tpu.dma_semaphore, #tpu.memory_space<semaphore_mem>>) src(%dma_wait3A_534 : memref<4x32x128xf32, #tpu.memory_space<hbm>>) dst(%arg13 : memref<4x32x128xf32, #tpu.memory_space<vmem>>)
        tpu.yield
      }) : () -> ()
      "tpu.region"() ({
        %run_scoped3A = tpu.sem_alloc : memref<!tpu.dma_semaphore, #tpu.memory_space<semaphore_mem>>
        %dma_start3A_523 = arith.constant 0 : i32
        %dma_start3A_524 = arith.constant 0 : i32
        %dma_start3A_525 = tpu.memref_slice %arg7[%add3A_494, %dma_start3A_523, %dma_start3A_524] : memref<4096x32x128xf32, #tpu.memory_space<hbm>> -> memref<4x32x128xf32, #tpu.memory_space<hbm>>
        %dma_start3A_526 = arith.constant 0 : i32
        %dma_start3A_527 = arith.constant 0 : i32
        %dma_start3A_528 = tpu.memref_slice %arg7[%add3A_494, %dma_start3A_526, %dma_start3A_527] : memref<4096x32x128xf32, #tpu.memory_space<hbm>> -> memref<4x32x128xf32, #tpu.memory_space<hbm>>
        tpu.enqueue_dma source(%arg13 : memref<4x32x128xf32, #tpu.memory_space<vmem>>) target(%dma_start3A_528 : memref<4x32x128xf32, #tpu.memory_space<hbm>>) target_semaphore(%run_scoped3A : memref<!tpu.dma_semaphore, #tpu.memory_space<semaphore_mem>>)
        %dma_wait3A_529 = arith.constant 0 : i32
        %dma_wait3A_530 = arith.constant 0 : i32
        %dma_wait3A_531 = tpu.memref_slice %arg7[%add3A_494, %dma_wait3A_529, %dma_wait3A_530] : memref<4096x32x128xf32, #tpu.memory_space<hbm>> -> memref<4x32x128xf32, #tpu.memory_space<hbm>>
        %dma_wait3A_532 = arith.constant 0 : i32
        %dma_wait3A_533 = arith.constant 0 : i32
        %dma_wait3A_534 = tpu.memref_slice %arg7[%add3A_494, %dma_wait3A_532, %dma_wait3A_533] : memref<4096x32x128xf32, #tpu.memory_space<hbm>> -> memref<4x32x128xf32, #tpu.memory_space<hbm>>
        tpu.wait_dma2 semaphore(%run_scoped3A : memref<!tpu.dma_semaphore, #tpu.memory_space<semaphore_mem>>) src(%arg13 : memref<4x32x128xf32, #tpu.memory_space<vmem>>) dst(%dma_wait3A_534 : memref<4x32x128xf32, #tpu.memory_space<hbm>>)
        tpu.yield
      }) : () -> ()
      "tpu.region"() ({
        %run_scoped3A = tpu.sem_alloc : memref<!tpu.dma_semaphore, #tpu.memory_space<semaphore_mem>>
        %dma_start3A_523 = arith.constant 0 : i32
        %dma_start3A_524 = arith.constant 0 : i32
        %dma_start3A_525 = tpu.memref_slice %arg3[%add3A_494, %dma_start3A_523, %dma_start3A_524] : memref<4096x32x128xf32, #tpu.memory_space<hbm>> -> memref<4x32x128xf32, #tpu.memory_space<hbm>>
        %dma_start3A_526 = arith.constant 0 : i32
        %dma_start3A_527 = arith.constant 0 : i32
        %dma_start3A_528 = tpu.memref_slice %arg3[%add3A_494, %dma_start3A_526, %dma_start3A_527] : memref<4096x32x128xf32, #tpu.memory_space<hbm>> -> memref<4x32x128xf32, #tpu.memory_space<hbm>>
        tpu.enqueue_dma source(%dma_start3A_528 : memref<4x32x128xf32, #tpu.memory_space<hbm>>) target(%arg15 : memref<4x32x128xf32, #tpu.memory_space<vmem>>) target_semaphore(%run_scoped3A : memref<!tpu.dma_semaphore, #tpu.memory_space<semaphore_mem>>)
        %dma_wait3A_529 = arith.constant 0 : i32
        %dma_wait3A_530 = arith.constant 0 : i32
        %dma_wait3A_531 = tpu.memref_slice %arg3[%add3A_494, %dma_wait3A_529, %dma_wait3A_530] : memref<4096x32x128xf32, #tpu.memory_space<hbm>> -> memref<4x32x128xf32, #tpu.memory_space<hbm>>
        %dma_wait3A_532 = arith.constant 0 : i32
        %dma_wait3A_533 = arith.constant 0 : i32
        %dma_wait3A_534 = tpu.memref_slice %arg3[%add3A_494, %dma_wait3A_532, %dma_wait3A_533] : memref<4096x32x128xf32, #tpu.memory_space<hbm>> -> memref<4x32x128xf32, #tpu.memory_space<hbm>>
        tpu.wait_dma2 semaphore(%run_scoped3A : memref<!tpu.dma_semaphore, #tpu.memory_space<semaphore_mem>>) src(%dma_wait3A_534 : memref<4x32x128xf32, #tpu.memory_space<hbm>>) dst(%arg15 : memref<4x32x128xf32, #tpu.memory_space<vmem>>)
        tpu.yield
      }) : () -> ()
      "tpu.region"() ({
        %run_scoped3A = tpu.sem_alloc : memref<!tpu.dma_semaphore, #tpu.memory_space<semaphore_mem>>
        %dma_start3A_523 = arith.constant 0 : i32
        %dma_start3A_524 = arith.constant 0 : i32
        %dma_start3A_525 = tpu.memref_slice %arg8[%add3A_494, %dma_start3A_523, %dma_start3A_524] : memref<4096x32x128xf32, #tpu.memory_space<hbm>> -> memref<4x32x128xf32, #tpu.memory_space<hbm>>
        %dma_start3A_526 = arith.constant 0 : i32
        %dma_start3A_527 = arith.constant 0 : i32
        %dma_start3A_528 = tpu.memref_slice %arg8[%add3A_494, %dma_start3A_526, %dma_start3A_527] : memref<4096x32x128xf32, #tpu.memory_space<hbm>> -> memref<4x32x128xf32, #tpu.memory_space<hbm>>
        tpu.enqueue_dma source(%arg15 : memref<4x32x128xf32, #tpu.memory_space<vmem>>) target(%dma_start3A_528 : memref<4x32x128xf32, #tpu.memory_space<hbm>>) target_semaphore(%run_scoped3A : memref<!tpu.dma_semaphore, #tpu.memory_space<semaphore_mem>>)
        %dma_wait3A_529 = arith.constant 0 : i32
        %dma_wait3A_530 = arith.constant 0 : i32
        %dma_wait3A_531 = tpu.memref_slice %arg8[%add3A_494, %dma_wait3A_529, %dma_wait3A_530] : memref<4096x32x128xf32, #tpu.memory_space<hbm>> -> memref<4x32x128xf32, #tpu.memory_space<hbm>>
        %dma_wait3A_532 = arith.constant 0 : i32
        %dma_wait3A_533 = arith.constant 0 : i32
        %dma_wait3A_534 = tpu.memref_slice %arg8[%add3A_494, %dma_wait3A_532, %dma_wait3A_533] : memref<4096x32x128xf32, #tpu.memory_space<hbm>> -> memref<4x32x128xf32, #tpu.memory_space<hbm>>
        tpu.wait_dma2 semaphore(%run_scoped3A : memref<!tpu.dma_semaphore, #tpu.memory_space<semaphore_mem>>) src(%arg15 : memref<4x32x128xf32, #tpu.memory_space<vmem>>) dst(%dma_wait3A_534 : memref<4x32x128xf32, #tpu.memory_space<hbm>>)
        tpu.yield
      }) : () -> ()
      %add3A_495 = arith.constant 40 : i32
      %add3A_496 = arith.addi %add3A_4, %add3A_495 : i32
      "tpu.region"() ({
        %run_scoped3A = tpu.sem_alloc : memref<!tpu.dma_semaphore, #tpu.memory_space<semaphore_mem>>
        %dma_start3A_523 = arith.constant 0 : i32
        %dma_start3A_524 = arith.constant 0 : i32
        %dma_start3A_525 = tpu.memref_slice %arg2[%add3A_496, %dma_start3A_523, %dma_start3A_524] : memref<4096x32x128xf32, #tpu.memory_space<hbm>> -> memref<4x32x128xf32, #tpu.memory_space<hbm>>
        %dma_start3A_526 = arith.constant 0 : i32
        %dma_start3A_527 = arith.constant 0 : i32
        %dma_start3A_528 = tpu.memref_slice %arg2[%add3A_496, %dma_start3A_526, %dma_start3A_527] : memref<4096x32x128xf32, #tpu.memory_space<hbm>> -> memref<4x32x128xf32, #tpu.memory_space<hbm>>
        tpu.enqueue_dma source(%dma_start3A_528 : memref<4x32x128xf32, #tpu.memory_space<hbm>>) target(%arg13 : memref<4x32x128xf32, #tpu.memory_space<vmem>>) target_semaphore(%run_scoped3A : memref<!tpu.dma_semaphore, #tpu.memory_space<semaphore_mem>>)
        %dma_wait3A_529 = arith.constant 0 : i32
        %dma_wait3A_530 = arith.constant 0 : i32
        %dma_wait3A_531 = tpu.memref_slice %arg2[%add3A_496, %dma_wait3A_529, %dma_wait3A_530] : memref<4096x32x128xf32, #tpu.memory_space<hbm>> -> memref<4x32x128xf32, #tpu.memory_space<hbm>>
        %dma_wait3A_532 = arith.constant 0 : i32
        %dma_wait3A_533 = arith.constant 0 : i32
        %dma_wait3A_534 = tpu.memref_slice %arg2[%add3A_496, %dma_wait3A_532, %dma_wait3A_533] : memref<4096x32x128xf32, #tpu.memory_space<hbm>> -> memref<4x32x128xf32, #tpu.memory_space<hbm>>
        tpu.wait_dma2 semaphore(%run_scoped3A : memref<!tpu.dma_semaphore, #tpu.memory_space<semaphore_mem>>) src(%dma_wait3A_534 : memref<4x32x128xf32, #tpu.memory_space<hbm>>) dst(%arg13 : memref<4x32x128xf32, #tpu.memory_space<vmem>>)
        tpu.yield
      }) : () -> ()
      "tpu.region"() ({
        %run_scoped3A = tpu.sem_alloc : memref<!tpu.dma_semaphore, #tpu.memory_space<semaphore_mem>>
        %dma_start3A_523 = arith.constant 0 : i32
        %dma_start3A_524 = arith.constant 0 : i32
        %dma_start3A_525 = tpu.memref_slice %arg7[%add3A_496, %dma_start3A_523, %dma_start3A_524] : memref<4096x32x128xf32, #tpu.memory_space<hbm>> -> memref<4x32x128xf32, #tpu.memory_space<hbm>>
        %dma_start3A_526 = arith.constant 0 : i32
        %dma_start3A_527 = arith.constant 0 : i32
        %dma_start3A_528 = tpu.memref_slice %arg7[%add3A_496, %dma_start3A_526, %dma_start3A_527] : memref<4096x32x128xf32, #tpu.memory_space<hbm>> -> memref<4x32x128xf32, #tpu.memory_space<hbm>>
        tpu.enqueue_dma source(%arg13 : memref<4x32x128xf32, #tpu.memory_space<vmem>>) target(%dma_start3A_528 : memref<4x32x128xf32, #tpu.memory_space<hbm>>) target_semaphore(%run_scoped3A : memref<!tpu.dma_semaphore, #tpu.memory_space<semaphore_mem>>)
        %dma_wait3A_529 = arith.constant 0 : i32
        %dma_wait3A_530 = arith.constant 0 : i32
        %dma_wait3A_531 = tpu.memref_slice %arg7[%add3A_496, %dma_wait3A_529, %dma_wait3A_530] : memref<4096x32x128xf32, #tpu.memory_space<hbm>> -> memref<4x32x128xf32, #tpu.memory_space<hbm>>
        %dma_wait3A_532 = arith.constant 0 : i32
        %dma_wait3A_533 = arith.constant 0 : i32
        %dma_wait3A_534 = tpu.memref_slice %arg7[%add3A_496, %dma_wait3A_532, %dma_wait3A_533] : memref<4096x32x128xf32, #tpu.memory_space<hbm>> -> memref<4x32x128xf32, #tpu.memory_space<hbm>>
        tpu.wait_dma2 semaphore(%run_scoped3A : memref<!tpu.dma_semaphore, #tpu.memory_space<semaphore_mem>>) src(%arg13 : memref<4x32x128xf32, #tpu.memory_space<vmem>>) dst(%dma_wait3A_534 : memref<4x32x128xf32, #tpu.memory_space<hbm>>)
        tpu.yield
      }) : () -> ()
      "tpu.region"() ({
        %run_scoped3A = tpu.sem_alloc : memref<!tpu.dma_semaphore, #tpu.memory_space<semaphore_mem>>
        %dma_start3A_523 = arith.constant 0 : i32
        %dma_start3A_524 = arith.constant 0 : i32
        %dma_start3A_525 = tpu.memref_slice %arg3[%add3A_496, %dma_start3A_523, %dma_start3A_524] : memref<4096x32x128xf32, #tpu.memory_space<hbm>> -> memref<4x32x128xf32, #tpu.memory_space<hbm>>
        %dma_start3A_526 = arith.constant 0 : i32
        %dma_start3A_527 = arith.constant 0 : i32
        %dma_start3A_528 = tpu.memref_slice %arg3[%add3A_496, %dma_start3A_526, %dma_start3A_527] : memref<4096x32x128xf32, #tpu.memory_space<hbm>> -> memref<4x32x128xf32, #tpu.memory_space<hbm>>
        tpu.enqueue_dma source(%dma_start3A_528 : memref<4x32x128xf32, #tpu.memory_space<hbm>>) target(%arg15 : memref<4x32x128xf32, #tpu.memory_space<vmem>>) target_semaphore(%run_scoped3A : memref<!tpu.dma_semaphore, #tpu.memory_space<semaphore_mem>>)
        %dma_wait3A_529 = arith.constant 0 : i32
        %dma_wait3A_530 = arith.constant 0 : i32
        %dma_wait3A_531 = tpu.memref_slice %arg3[%add3A_496, %dma_wait3A_529, %dma_wait3A_530] : memref<4096x32x128xf32, #tpu.memory_space<hbm>> -> memref<4x32x128xf32, #tpu.memory_space<hbm>>
        %dma_wait3A_532 = arith.constant 0 : i32
        %dma_wait3A_533 = arith.constant 0 : i32
        %dma_wait3A_534 = tpu.memref_slice %arg3[%add3A_496, %dma_wait3A_532, %dma_wait3A_533] : memref<4096x32x128xf32, #tpu.memory_space<hbm>> -> memref<4x32x128xf32, #tpu.memory_space<hbm>>
        tpu.wait_dma2 semaphore(%run_scoped3A : memref<!tpu.dma_semaphore, #tpu.memory_space<semaphore_mem>>) src(%dma_wait3A_534 : memref<4x32x128xf32, #tpu.memory_space<hbm>>) dst(%arg15 : memref<4x32x128xf32, #tpu.memory_space<vmem>>)
        tpu.yield
      }) : () -> ()
      "tpu.region"() ({
        %run_scoped3A = tpu.sem_alloc : memref<!tpu.dma_semaphore, #tpu.memory_space<semaphore_mem>>
        %dma_start3A_523 = arith.constant 0 : i32
        %dma_start3A_524 = arith.constant 0 : i32
        %dma_start3A_525 = tpu.memref_slice %arg8[%add3A_496, %dma_start3A_523, %dma_start3A_524] : memref<4096x32x128xf32, #tpu.memory_space<hbm>> -> memref<4x32x128xf32, #tpu.memory_space<hbm>>
        %dma_start3A_526 = arith.constant 0 : i32
        %dma_start3A_527 = arith.constant 0 : i32
        %dma_start3A_528 = tpu.memref_slice %arg8[%add3A_496, %dma_start3A_526, %dma_start3A_527] : memref<4096x32x128xf32, #tpu.memory_space<hbm>> -> memref<4x32x128xf32, #tpu.memory_space<hbm>>
        tpu.enqueue_dma source(%arg15 : memref<4x32x128xf32, #tpu.memory_space<vmem>>) target(%dma_start3A_528 : memref<4x32x128xf32, #tpu.memory_space<hbm>>) target_semaphore(%run_scoped3A : memref<!tpu.dma_semaphore, #tpu.memory_space<semaphore_mem>>)
        %dma_wait3A_529 = arith.constant 0 : i32
        %dma_wait3A_530 = arith.constant 0 : i32
        %dma_wait3A_531 = tpu.memref_slice %arg8[%add3A_496, %dma_wait3A_529, %dma_wait3A_530] : memref<4096x32x128xf32, #tpu.memory_space<hbm>> -> memref<4x32x128xf32, #tpu.memory_space<hbm>>
        %dma_wait3A_532 = arith.constant 0 : i32
        %dma_wait3A_533 = arith.constant 0 : i32
        %dma_wait3A_534 = tpu.memref_slice %arg8[%add3A_496, %dma_wait3A_532, %dma_wait3A_533] : memref<4096x32x128xf32, #tpu.memory_space<hbm>> -> memref<4x32x128xf32, #tpu.memory_space<hbm>>
        tpu.wait_dma2 semaphore(%run_scoped3A : memref<!tpu.dma_semaphore, #tpu.memory_space<semaphore_mem>>) src(%arg15 : memref<4x32x128xf32, #tpu.memory_space<vmem>>) dst(%dma_wait3A_534 : memref<4x32x128xf32, #tpu.memory_space<hbm>>)
        tpu.yield
      }) : () -> ()
      %add3A_497 = arith.constant 44 : i32
      %add3A_498 = arith.addi %add3A_4, %add3A_497 : i32
      "tpu.region"() ({
        %run_scoped3A = tpu.sem_alloc : memref<!tpu.dma_semaphore, #tpu.memory_space<semaphore_mem>>
        %dma_start3A_523 = arith.constant 0 : i32
        %dma_start3A_524 = arith.constant 0 : i32
        %dma_start3A_525 = tpu.memref_slice %arg2[%add3A_498, %dma_start3A_523, %dma_start3A_524] : memref<4096x32x128xf32, #tpu.memory_space<hbm>> -> memref<4x32x128xf32, #tpu.memory_space<hbm>>
        %dma_start3A_526 = arith.constant 0 : i32
        %dma_start3A_527 = arith.constant 0 : i32
        %dma_start3A_528 = tpu.memref_slice %arg2[%add3A_498, %dma_start3A_526, %dma_start3A_527] : memref<4096x32x128xf32, #tpu.memory_space<hbm>> -> memref<4x32x128xf32, #tpu.memory_space<hbm>>
        tpu.enqueue_dma source(%dma_start3A_528 : memref<4x32x128xf32, #tpu.memory_space<hbm>>) target(%arg13 : memref<4x32x128xf32, #tpu.memory_space<vmem>>) target_semaphore(%run_scoped3A : memref<!tpu.dma_semaphore, #tpu.memory_space<semaphore_mem>>)
        %dma_wait3A_529 = arith.constant 0 : i32
        %dma_wait3A_530 = arith.constant 0 : i32
        %dma_wait3A_531 = tpu.memref_slice %arg2[%add3A_498, %dma_wait3A_529, %dma_wait3A_530] : memref<4096x32x128xf32, #tpu.memory_space<hbm>> -> memref<4x32x128xf32, #tpu.memory_space<hbm>>
        %dma_wait3A_532 = arith.constant 0 : i32
        %dma_wait3A_533 = arith.constant 0 : i32
        %dma_wait3A_534 = tpu.memref_slice %arg2[%add3A_498, %dma_wait3A_532, %dma_wait3A_533] : memref<4096x32x128xf32, #tpu.memory_space<hbm>> -> memref<4x32x128xf32, #tpu.memory_space<hbm>>
        tpu.wait_dma2 semaphore(%run_scoped3A : memref<!tpu.dma_semaphore, #tpu.memory_space<semaphore_mem>>) src(%dma_wait3A_534 : memref<4x32x128xf32, #tpu.memory_space<hbm>>) dst(%arg13 : memref<4x32x128xf32, #tpu.memory_space<vmem>>)
        tpu.yield
      }) : () -> ()
      "tpu.region"() ({
        %run_scoped3A = tpu.sem_alloc : memref<!tpu.dma_semaphore, #tpu.memory_space<semaphore_mem>>
        %dma_start3A_523 = arith.constant 0 : i32
        %dma_start3A_524 = arith.constant 0 : i32
        %dma_start3A_525 = tpu.memref_slice %arg7[%add3A_498, %dma_start3A_523, %dma_start3A_524] : memref<4096x32x128xf32, #tpu.memory_space<hbm>> -> memref<4x32x128xf32, #tpu.memory_space<hbm>>
        %dma_start3A_526 = arith.constant 0 : i32
        %dma_start3A_527 = arith.constant 0 : i32
        %dma_start3A_528 = tpu.memref_slice %arg7[%add3A_498, %dma_start3A_526, %dma_start3A_527] : memref<4096x32x128xf32, #tpu.memory_space<hbm>> -> memref<4x32x128xf32, #tpu.memory_space<hbm>>
        tpu.enqueue_dma source(%arg13 : memref<4x32x128xf32, #tpu.memory_space<vmem>>) target(%dma_start3A_528 : memref<4x32x128xf32, #tpu.memory_space<hbm>>) target_semaphore(%run_scoped3A : memref<!tpu.dma_semaphore, #tpu.memory_space<semaphore_mem>>)
        %dma_wait3A_529 = arith.constant 0 : i32
        %dma_wait3A_530 = arith.constant 0 : i32
        %dma_wait3A_531 = tpu.memref_slice %arg7[%add3A_498, %dma_wait3A_529, %dma_wait3A_530] : memref<4096x32x128xf32, #tpu.memory_space<hbm>> -> memref<4x32x128xf32, #tpu.memory_space<hbm>>
        %dma_wait3A_532 = arith.constant 0 : i32
        %dma_wait3A_533 = arith.constant 0 : i32
        %dma_wait3A_534 = tpu.memref_slice %arg7[%add3A_498, %dma_wait3A_532, %dma_wait3A_533] : memref<4096x32x128xf32, #tpu.memory_space<hbm>> -> memref<4x32x128xf32, #tpu.memory_space<hbm>>
        tpu.wait_dma2 semaphore(%run_scoped3A : memref<!tpu.dma_semaphore, #tpu.memory_space<semaphore_mem>>) src(%arg13 : memref<4x32x128xf32, #tpu.memory_space<vmem>>) dst(%dma_wait3A_534 : memref<4x32x128xf32, #tpu.memory_space<hbm>>)
        tpu.yield
      }) : () -> ()
      "tpu.region"() ({
        %run_scoped3A = tpu.sem_alloc : memref<!tpu.dma_semaphore, #tpu.memory_space<semaphore_mem>>
        %dma_start3A_523 = arith.constant 0 : i32
        %dma_start3A_524 = arith.constant 0 : i32
        %dma_start3A_525 = tpu.memref_slice %arg3[%add3A_498, %dma_start3A_523, %dma_start3A_524] : memref<4096x32x128xf32, #tpu.memory_space<hbm>> -> memref<4x32x128xf32, #tpu.memory_space<hbm>>
        %dma_start3A_526 = arith.constant 0 : i32
        %dma_start3A_527 = arith.constant 0 : i32
        %dma_start3A_528 = tpu.memref_slice %arg3[%add3A_498, %dma_start3A_526, %dma_start3A_527] : memref<4096x32x128xf32, #tpu.memory_space<hbm>> -> memref<4x32x128xf32, #tpu.memory_space<hbm>>
        tpu.enqueue_dma source(%dma_start3A_528 : memref<4x32x128xf32, #tpu.memory_space<hbm>>) target(%arg15 : memref<4x32x128xf32, #tpu.memory_space<vmem>>) target_semaphore(%run_scoped3A : memref<!tpu.dma_semaphore, #tpu.memory_space<semaphore_mem>>)
        %dma_wait3A_529 = arith.constant 0 : i32
        %dma_wait3A_530 = arith.constant 0 : i32
        %dma_wait3A_531 = tpu.memref_slice %arg3[%add3A_498, %dma_wait3A_529, %dma_wait3A_530] : memref<4096x32x128xf32, #tpu.memory_space<hbm>> -> memref<4x32x128xf32, #tpu.memory_space<hbm>>
        %dma_wait3A_532 = arith.constant 0 : i32
        %dma_wait3A_533 = arith.constant 0 : i32
        %dma_wait3A_534 = tpu.memref_slice %arg3[%add3A_498, %dma_wait3A_532, %dma_wait3A_533] : memref<4096x32x128xf32, #tpu.memory_space<hbm>> -> memref<4x32x128xf32, #tpu.memory_space<hbm>>
        tpu.wait_dma2 semaphore(%run_scoped3A : memref<!tpu.dma_semaphore, #tpu.memory_space<semaphore_mem>>) src(%dma_wait3A_534 : memref<4x32x128xf32, #tpu.memory_space<hbm>>) dst(%arg15 : memref<4x32x128xf32, #tpu.memory_space<vmem>>)
        tpu.yield
      }) : () -> ()
      "tpu.region"() ({
        %run_scoped3A = tpu.sem_alloc : memref<!tpu.dma_semaphore, #tpu.memory_space<semaphore_mem>>
        %dma_start3A_523 = arith.constant 0 : i32
        %dma_start3A_524 = arith.constant 0 : i32
        %dma_start3A_525 = tpu.memref_slice %arg8[%add3A_498, %dma_start3A_523, %dma_start3A_524] : memref<4096x32x128xf32, #tpu.memory_space<hbm>> -> memref<4x32x128xf32, #tpu.memory_space<hbm>>
        %dma_start3A_526 = arith.constant 0 : i32
        %dma_start3A_527 = arith.constant 0 : i32
        %dma_start3A_528 = tpu.memref_slice %arg8[%add3A_498, %dma_start3A_526, %dma_start3A_527] : memref<4096x32x128xf32, #tpu.memory_space<hbm>> -> memref<4x32x128xf32, #tpu.memory_space<hbm>>
        tpu.enqueue_dma source(%arg15 : memref<4x32x128xf32, #tpu.memory_space<vmem>>) target(%dma_start3A_528 : memref<4x32x128xf32, #tpu.memory_space<hbm>>) target_semaphore(%run_scoped3A : memref<!tpu.dma_semaphore, #tpu.memory_space<semaphore_mem>>)
        %dma_wait3A_529 = arith.constant 0 : i32
        %dma_wait3A_530 = arith.constant 0 : i32
        %dma_wait3A_531 = tpu.memref_slice %arg8[%add3A_498, %dma_wait3A_529, %dma_wait3A_530] : memref<4096x32x128xf32, #tpu.memory_space<hbm>> -> memref<4x32x128xf32, #tpu.memory_space<hbm>>
        %dma_wait3A_532 = arith.constant 0 : i32
        %dma_wait3A_533 = arith.constant 0 : i32
        %dma_wait3A_534 = tpu.memref_slice %arg8[%add3A_498, %dma_wait3A_532, %dma_wait3A_533] : memref<4096x32x128xf32, #tpu.memory_space<hbm>> -> memref<4x32x128xf32, #tpu.memory_space<hbm>>
        tpu.wait_dma2 semaphore(%run_scoped3A : memref<!tpu.dma_semaphore, #tpu.memory_space<semaphore_mem>>) src(%arg15 : memref<4x32x128xf32, #tpu.memory_space<vmem>>) dst(%dma_wait3A_534 : memref<4x32x128xf32, #tpu.memory_space<hbm>>)
        tpu.yield
      }) : () -> ()
      %add3A_499 = arith.constant 48 : i32
      %add3A_500 = arith.addi %add3A_4, %add3A_499 : i32
      "tpu.region"() ({
        %run_scoped3A = tpu.sem_alloc : memref<!tpu.dma_semaphore, #tpu.memory_space<semaphore_mem>>
        %dma_start3A_523 = arith.constant 0 : i32
        %dma_start3A_524 = arith.constant 0 : i32
        %dma_start3A_525 = tpu.memref_slice %arg2[%add3A_500, %dma_start3A_523, %dma_start3A_524] : memref<4096x32x128xf32, #tpu.memory_space<hbm>> -> memref<4x32x128xf32, #tpu.memory_space<hbm>>
        %dma_start3A_526 = arith.constant 0 : i32
        %dma_start3A_527 = arith.constant 0 : i32
        %dma_start3A_528 = tpu.memref_slice %arg2[%add3A_500, %dma_start3A_526, %dma_start3A_527] : memref<4096x32x128xf32, #tpu.memory_space<hbm>> -> memref<4x32x128xf32, #tpu.memory_space<hbm>>
        tpu.enqueue_dma source(%dma_start3A_528 : memref<4x32x128xf32, #tpu.memory_space<hbm>>) target(%arg13 : memref<4x32x128xf32, #tpu.memory_space<vmem>>) target_semaphore(%run_scoped3A : memref<!tpu.dma_semaphore, #tpu.memory_space<semaphore_mem>>)
        %dma_wait3A_529 = arith.constant 0 : i32
        %dma_wait3A_530 = arith.constant 0 : i32
        %dma_wait3A_531 = tpu.memref_slice %arg2[%add3A_500, %dma_wait3A_529, %dma_wait3A_530] : memref<4096x32x128xf32, #tpu.memory_space<hbm>> -> memref<4x32x128xf32, #tpu.memory_space<hbm>>
        %dma_wait3A_532 = arith.constant 0 : i32
        %dma_wait3A_533 = arith.constant 0 : i32
        %dma_wait3A_534 = tpu.memref_slice %arg2[%add3A_500, %dma_wait3A_532, %dma_wait3A_533] : memref<4096x32x128xf32, #tpu.memory_space<hbm>> -> memref<4x32x128xf32, #tpu.memory_space<hbm>>
        tpu.wait_dma2 semaphore(%run_scoped3A : memref<!tpu.dma_semaphore, #tpu.memory_space<semaphore_mem>>) src(%dma_wait3A_534 : memref<4x32x128xf32, #tpu.memory_space<hbm>>) dst(%arg13 : memref<4x32x128xf32, #tpu.memory_space<vmem>>)
        tpu.yield
      }) : () -> ()
      "tpu.region"() ({
        %run_scoped3A = tpu.sem_alloc : memref<!tpu.dma_semaphore, #tpu.memory_space<semaphore_mem>>
        %dma_start3A_523 = arith.constant 0 : i32
        %dma_start3A_524 = arith.constant 0 : i32
        %dma_start3A_525 = tpu.memref_slice %arg7[%add3A_500, %dma_start3A_523, %dma_start3A_524] : memref<4096x32x128xf32, #tpu.memory_space<hbm>> -> memref<4x32x128xf32, #tpu.memory_space<hbm>>
        %dma_start3A_526 = arith.constant 0 : i32
        %dma_start3A_527 = arith.constant 0 : i32
        %dma_start3A_528 = tpu.memref_slice %arg7[%add3A_500, %dma_start3A_526, %dma_start3A_527] : memref<4096x32x128xf32, #tpu.memory_space<hbm>> -> memref<4x32x128xf32, #tpu.memory_space<hbm>>
        tpu.enqueue_dma source(%arg13 : memref<4x32x128xf32, #tpu.memory_space<vmem>>) target(%dma_start3A_528 : memref<4x32x128xf32, #tpu.memory_space<hbm>>) target_semaphore(%run_scoped3A : memref<!tpu.dma_semaphore, #tpu.memory_space<semaphore_mem>>)
        %dma_wait3A_529 = arith.constant 0 : i32
        %dma_wait3A_530 = arith.constant 0 : i32
        %dma_wait3A_531 = tpu.memref_slice %arg7[%add3A_500, %dma_wait3A_529, %dma_wait3A_530] : memref<4096x32x128xf32, #tpu.memory_space<hbm>> -> memref<4x32x128xf32, #tpu.memory_space<hbm>>
        %dma_wait3A_532 = arith.constant 0 : i32
        %dma_wait3A_533 = arith.constant 0 : i32
        %dma_wait3A_534 = tpu.memref_slice %arg7[%add3A_500, %dma_wait3A_532, %dma_wait3A_533] : memref<4096x32x128xf32, #tpu.memory_space<hbm>> -> memref<4x32x128xf32, #tpu.memory_space<hbm>>
        tpu.wait_dma2 semaphore(%run_scoped3A : memref<!tpu.dma_semaphore, #tpu.memory_space<semaphore_mem>>) src(%arg13 : memref<4x32x128xf32, #tpu.memory_space<vmem>>) dst(%dma_wait3A_534 : memref<4x32x128xf32, #tpu.memory_space<hbm>>)
        tpu.yield
      }) : () -> ()
      "tpu.region"() ({
        %run_scoped3A = tpu.sem_alloc : memref<!tpu.dma_semaphore, #tpu.memory_space<semaphore_mem>>
        %dma_start3A_523 = arith.constant 0 : i32
        %dma_start3A_524 = arith.constant 0 : i32
        %dma_start3A_525 = tpu.memref_slice %arg3[%add3A_500, %dma_start3A_523, %dma_start3A_524] : memref<4096x32x128xf32, #tpu.memory_space<hbm>> -> memref<4x32x128xf32, #tpu.memory_space<hbm>>
        %dma_start3A_526 = arith.constant 0 : i32
        %dma_start3A_527 = arith.constant 0 : i32
        %dma_start3A_528 = tpu.memref_slice %arg3[%add3A_500, %dma_start3A_526, %dma_start3A_527] : memref<4096x32x128xf32, #tpu.memory_space<hbm>> -> memref<4x32x128xf32, #tpu.memory_space<hbm>>
        tpu.enqueue_dma source(%dma_start3A_528 : memref<4x32x128xf32, #tpu.memory_space<hbm>>) target(%arg15 : memref<4x32x128xf32, #tpu.memory_space<vmem>>) target_semaphore(%run_scoped3A : memref<!tpu.dma_semaphore, #tpu.memory_space<semaphore_mem>>)
        %dma_wait3A_529 = arith.constant 0 : i32
        %dma_wait3A_530 = arith.constant 0 : i32
        %dma_wait3A_531 = tpu.memref_slice %arg3[%add3A_500, %dma_wait3A_529, %dma_wait3A_530] : memref<4096x32x128xf32, #tpu.memory_space<hbm>> -> memref<4x32x128xf32, #tpu.memory_space<hbm>>
        %dma_wait3A_532 = arith.constant 0 : i32
        %dma_wait3A_533 = arith.constant 0 : i32
        %dma_wait3A_534 = tpu.memref_slice %arg3[%add3A_500, %dma_wait3A_532, %dma_wait3A_533] : memref<4096x32x128xf32, #tpu.memory_space<hbm>> -> memref<4x32x128xf32, #tpu.memory_space<hbm>>
        tpu.wait_dma2 semaphore(%run_scoped3A : memref<!tpu.dma_semaphore, #tpu.memory_space<semaphore_mem>>) src(%dma_wait3A_534 : memref<4x32x128xf32, #tpu.memory_space<hbm>>) dst(%arg15 : memref<4x32x128xf32, #tpu.memory_space<vmem>>)
        tpu.yield
      }) : () -> ()
      "tpu.region"() ({
        %run_scoped3A = tpu.sem_alloc : memref<!tpu.dma_semaphore, #tpu.memory_space<semaphore_mem>>
        %dma_start3A_523 = arith.constant 0 : i32
        %dma_start3A_524 = arith.constant 0 : i32
        %dma_start3A_525 = tpu.memref_slice %arg8[%add3A_500, %dma_start3A_523, %dma_start3A_524] : memref<4096x32x128xf32, #tpu.memory_space<hbm>> -> memref<4x32x128xf32, #tpu.memory_space<hbm>>
        %dma_start3A_526 = arith.constant 0 : i32
        %dma_start3A_527 = arith.constant 0 : i32
        %dma_start3A_528 = tpu.memref_slice %arg8[%add3A_500, %dma_start3A_526, %dma_start3A_527] : memref<4096x32x128xf32, #tpu.memory_space<hbm>> -> memref<4x32x128xf32, #tpu.memory_space<hbm>>
        tpu.enqueue_dma source(%arg15 : memref<4x32x128xf32, #tpu.memory_space<vmem>>) target(%dma_start3A_528 : memref<4x32x128xf32, #tpu.memory_space<hbm>>) target_semaphore(%run_scoped3A : memref<!tpu.dma_semaphore, #tpu.memory_space<semaphore_mem>>)
        %dma_wait3A_529 = arith.constant 0 : i32
        %dma_wait3A_530 = arith.constant 0 : i32
        %dma_wait3A_531 = tpu.memref_slice %arg8[%add3A_500, %dma_wait3A_529, %dma_wait3A_530] : memref<4096x32x128xf32, #tpu.memory_space<hbm>> -> memref<4x32x128xf32, #tpu.memory_space<hbm>>
        %dma_wait3A_532 = arith.constant 0 : i32
        %dma_wait3A_533 = arith.constant 0 : i32
        %dma_wait3A_534 = tpu.memref_slice %arg8[%add3A_500, %dma_wait3A_532, %dma_wait3A_533] : memref<4096x32x128xf32, #tpu.memory_space<hbm>> -> memref<4x32x128xf32, #tpu.memory_space<hbm>>
        tpu.wait_dma2 semaphore(%run_scoped3A : memref<!tpu.dma_semaphore, #tpu.memory_space<semaphore_mem>>) src(%arg15 : memref<4x32x128xf32, #tpu.memory_space<vmem>>) dst(%dma_wait3A_534 : memref<4x32x128xf32, #tpu.memory_space<hbm>>)
        tpu.yield
      }) : () -> ()
      %add3A_501 = arith.constant 52 : i32
      %add3A_502 = arith.addi %add3A_4, %add3A_501 : i32
      "tpu.region"() ({
        %run_scoped3A = tpu.sem_alloc : memref<!tpu.dma_semaphore, #tpu.memory_space<semaphore_mem>>
        %dma_start3A_523 = arith.constant 0 : i32
        %dma_start3A_524 = arith.constant 0 : i32
        %dma_start3A_525 = tpu.memref_slice %arg2[%add3A_502, %dma_start3A_523, %dma_start3A_524] : memref<4096x32x128xf32, #tpu.memory_space<hbm>> -> memref<4x32x128xf32, #tpu.memory_space<hbm>>
        %dma_start3A_526 = arith.constant 0 : i32
        %dma_start3A_527 = arith.constant 0 : i32
        %dma_start3A_528 = tpu.memref_slice %arg2[%add3A_502, %dma_start3A_526, %dma_start3A_527] : memref<4096x32x128xf32, #tpu.memory_space<hbm>> -> memref<4x32x128xf32, #tpu.memory_space<hbm>>
        tpu.enqueue_dma source(%dma_start3A_528 : memref<4x32x128xf32, #tpu.memory_space<hbm>>) target(%arg13 : memref<4x32x128xf32, #tpu.memory_space<vmem>>) target_semaphore(%run_scoped3A : memref<!tpu.dma_semaphore, #tpu.memory_space<semaphore_mem>>)
        %dma_wait3A_529 = arith.constant 0 : i32
        %dma_wait3A_530 = arith.constant 0 : i32
        %dma_wait3A_531 = tpu.memref_slice %arg2[%add3A_502, %dma_wait3A_529, %dma_wait3A_530] : memref<4096x32x128xf32, #tpu.memory_space<hbm>> -> memref<4x32x128xf32, #tpu.memory_space<hbm>>
        %dma_wait3A_532 = arith.constant 0 : i32
        %dma_wait3A_533 = arith.constant 0 : i32
        %dma_wait3A_534 = tpu.memref_slice %arg2[%add3A_502, %dma_wait3A_532, %dma_wait3A_533] : memref<4096x32x128xf32, #tpu.memory_space<hbm>> -> memref<4x32x128xf32, #tpu.memory_space<hbm>>
        tpu.wait_dma2 semaphore(%run_scoped3A : memref<!tpu.dma_semaphore, #tpu.memory_space<semaphore_mem>>) src(%dma_wait3A_534 : memref<4x32x128xf32, #tpu.memory_space<hbm>>) dst(%arg13 : memref<4x32x128xf32, #tpu.memory_space<vmem>>)
        tpu.yield
      }) : () -> ()
      "tpu.region"() ({
        %run_scoped3A = tpu.sem_alloc : memref<!tpu.dma_semaphore, #tpu.memory_space<semaphore_mem>>
        %dma_start3A_523 = arith.constant 0 : i32
        %dma_start3A_524 = arith.constant 0 : i32
        %dma_start3A_525 = tpu.memref_slice %arg7[%add3A_502, %dma_start3A_523, %dma_start3A_524] : memref<4096x32x128xf32, #tpu.memory_space<hbm>> -> memref<4x32x128xf32, #tpu.memory_space<hbm>>
        %dma_start3A_526 = arith.constant 0 : i32
        %dma_start3A_527 = arith.constant 0 : i32
        %dma_start3A_528 = tpu.memref_slice %arg7[%add3A_502, %dma_start3A_526, %dma_start3A_527] : memref<4096x32x128xf32, #tpu.memory_space<hbm>> -> memref<4x32x128xf32, #tpu.memory_space<hbm>>
        tpu.enqueue_dma source(%arg13 : memref<4x32x128xf32, #tpu.memory_space<vmem>>) target(%dma_start3A_528 : memref<4x32x128xf32, #tpu.memory_space<hbm>>) target_semaphore(%run_scoped3A : memref<!tpu.dma_semaphore, #tpu.memory_space<semaphore_mem>>)
        %dma_wait3A_529 = arith.constant 0 : i32
        %dma_wait3A_530 = arith.constant 0 : i32
        %dma_wait3A_531 = tpu.memref_slice %arg7[%add3A_502, %dma_wait3A_529, %dma_wait3A_530] : memref<4096x32x128xf32, #tpu.memory_space<hbm>> -> memref<4x32x128xf32, #tpu.memory_space<hbm>>
        %dma_wait3A_532 = arith.constant 0 : i32
        %dma_wait3A_533 = arith.constant 0 : i32
        %dma_wait3A_534 = tpu.memref_slice %arg7[%add3A_502, %dma_wait3A_532, %dma_wait3A_533] : memref<4096x32x128xf32, #tpu.memory_space<hbm>> -> memref<4x32x128xf32, #tpu.memory_space<hbm>>
        tpu.wait_dma2 semaphore(%run_scoped3A : memref<!tpu.dma_semaphore, #tpu.memory_space<semaphore_mem>>) src(%arg13 : memref<4x32x128xf32, #tpu.memory_space<vmem>>) dst(%dma_wait3A_534 : memref<4x32x128xf32, #tpu.memory_space<hbm>>)
        tpu.yield
      }) : () -> ()
      "tpu.region"() ({
        %run_scoped3A = tpu.sem_alloc : memref<!tpu.dma_semaphore, #tpu.memory_space<semaphore_mem>>
        %dma_start3A_523 = arith.constant 0 : i32
        %dma_start3A_524 = arith.constant 0 : i32
        %dma_start3A_525 = tpu.memref_slice %arg3[%add3A_502, %dma_start3A_523, %dma_start3A_524] : memref<4096x32x128xf32, #tpu.memory_space<hbm>> -> memref<4x32x128xf32, #tpu.memory_space<hbm>>
        %dma_start3A_526 = arith.constant 0 : i32
        %dma_start3A_527 = arith.constant 0 : i32
        %dma_start3A_528 = tpu.memref_slice %arg3[%add3A_502, %dma_start3A_526, %dma_start3A_527] : memref<4096x32x128xf32, #tpu.memory_space<hbm>> -> memref<4x32x128xf32, #tpu.memory_space<hbm>>
        tpu.enqueue_dma source(%dma_start3A_528 : memref<4x32x128xf32, #tpu.memory_space<hbm>>) target(%arg15 : memref<4x32x128xf32, #tpu.memory_space<vmem>>) target_semaphore(%run_scoped3A : memref<!tpu.dma_semaphore, #tpu.memory_space<semaphore_mem>>)
        %dma_wait3A_529 = arith.constant 0 : i32
        %dma_wait3A_530 = arith.constant 0 : i32
        %dma_wait3A_531 = tpu.memref_slice %arg3[%add3A_502, %dma_wait3A_529, %dma_wait3A_530] : memref<4096x32x128xf32, #tpu.memory_space<hbm>> -> memref<4x32x128xf32, #tpu.memory_space<hbm>>
        %dma_wait3A_532 = arith.constant 0 : i32
        %dma_wait3A_533 = arith.constant 0 : i32
        %dma_wait3A_534 = tpu.memref_slice %arg3[%add3A_502, %dma_wait3A_532, %dma_wait3A_533] : memref<4096x32x128xf32, #tpu.memory_space<hbm>> -> memref<4x32x128xf32, #tpu.memory_space<hbm>>
        tpu.wait_dma2 semaphore(%run_scoped3A : memref<!tpu.dma_semaphore, #tpu.memory_space<semaphore_mem>>) src(%dma_wait3A_534 : memref<4x32x128xf32, #tpu.memory_space<hbm>>) dst(%arg15 : memref<4x32x128xf32, #tpu.memory_space<vmem>>)
        tpu.yield
      }) : () -> ()
      "tpu.region"() ({
        %run_scoped3A = tpu.sem_alloc : memref<!tpu.dma_semaphore, #tpu.memory_space<semaphore_mem>>
        %dma_start3A_523 = arith.constant 0 : i32
        %dma_start3A_524 = arith.constant 0 : i32
        %dma_start3A_525 = tpu.memref_slice %arg8[%add3A_502, %dma_start3A_523, %dma_start3A_524] : memref<4096x32x128xf32, #tpu.memory_space<hbm>> -> memref<4x32x128xf32, #tpu.memory_space<hbm>>
        %dma_start3A_526 = arith.constant 0 : i32
        %dma_start3A_527 = arith.constant 0 : i32
        %dma_start3A_528 = tpu.memref_slice %arg8[%add3A_502, %dma_start3A_526, %dma_start3A_527] : memref<4096x32x128xf32, #tpu.memory_space<hbm>> -> memref<4x32x128xf32, #tpu.memory_space<hbm>>
        tpu.enqueue_dma source(%arg15 : memref<4x32x128xf32, #tpu.memory_space<vmem>>) target(%dma_start3A_528 : memref<4x32x128xf32, #tpu.memory_space<hbm>>) target_semaphore(%run_scoped3A : memref<!tpu.dma_semaphore, #tpu.memory_space<semaphore_mem>>)
        %dma_wait3A_529 = arith.constant 0 : i32
        %dma_wait3A_530 = arith.constant 0 : i32
        %dma_wait3A_531 = tpu.memref_slice %arg8[%add3A_502, %dma_wait3A_529, %dma_wait3A_530] : memref<4096x32x128xf32, #tpu.memory_space<hbm>> -> memref<4x32x128xf32, #tpu.memory_space<hbm>>
        %dma_wait3A_532 = arith.constant 0 : i32
        %dma_wait3A_533 = arith.constant 0 : i32
        %dma_wait3A_534 = tpu.memref_slice %arg8[%add3A_502, %dma_wait3A_532, %dma_wait3A_533] : memref<4096x32x128xf32, #tpu.memory_space<hbm>> -> memref<4x32x128xf32, #tpu.memory_space<hbm>>
        tpu.wait_dma2 semaphore(%run_scoped3A : memref<!tpu.dma_semaphore, #tpu.memory_space<semaphore_mem>>) src(%arg15 : memref<4x32x128xf32, #tpu.memory_space<vmem>>) dst(%dma_wait3A_534 : memref<4x32x128xf32, #tpu.memory_space<hbm>>)
        tpu.yield
      }) : () -> ()
      %add3A_503 = arith.constant 56 : i32
      %add3A_504 = arith.addi %add3A_4, %add3A_503 : i32
      "tpu.region"() ({
        %run_scoped3A = tpu.sem_alloc : memref<!tpu.dma_semaphore, #tpu.memory_space<semaphore_mem>>
        %dma_start3A_523 = arith.constant 0 : i32
        %dma_start3A_524 = arith.constant 0 : i32
        %dma_start3A_525 = tpu.memref_slice %arg2[%add3A_504, %dma_start3A_523, %dma_start3A_524] : memref<4096x32x128xf32, #tpu.memory_space<hbm>> -> memref<4x32x128xf32, #tpu.memory_space<hbm>>
        %dma_start3A_526 = arith.constant 0 : i32
        %dma_start3A_527 = arith.constant 0 : i32
        %dma_start3A_528 = tpu.memref_slice %arg2[%add3A_504, %dma_start3A_526, %dma_start3A_527] : memref<4096x32x128xf32, #tpu.memory_space<hbm>> -> memref<4x32x128xf32, #tpu.memory_space<hbm>>
        tpu.enqueue_dma source(%dma_start3A_528 : memref<4x32x128xf32, #tpu.memory_space<hbm>>) target(%arg13 : memref<4x32x128xf32, #tpu.memory_space<vmem>>) target_semaphore(%run_scoped3A : memref<!tpu.dma_semaphore, #tpu.memory_space<semaphore_mem>>)
        %dma_wait3A_529 = arith.constant 0 : i32
        %dma_wait3A_530 = arith.constant 0 : i32
        %dma_wait3A_531 = tpu.memref_slice %arg2[%add3A_504, %dma_wait3A_529, %dma_wait3A_530] : memref<4096x32x128xf32, #tpu.memory_space<hbm>> -> memref<4x32x128xf32, #tpu.memory_space<hbm>>
        %dma_wait3A_532 = arith.constant 0 : i32
        %dma_wait3A_533 = arith.constant 0 : i32
        %dma_wait3A_534 = tpu.memref_slice %arg2[%add3A_504, %dma_wait3A_532, %dma_wait3A_533] : memref<4096x32x128xf32, #tpu.memory_space<hbm>> -> memref<4x32x128xf32, #tpu.memory_space<hbm>>
        tpu.wait_dma2 semaphore(%run_scoped3A : memref<!tpu.dma_semaphore, #tpu.memory_space<semaphore_mem>>) src(%dma_wait3A_534 : memref<4x32x128xf32, #tpu.memory_space<hbm>>) dst(%arg13 : memref<4x32x128xf32, #tpu.memory_space<vmem>>)
        tpu.yield
      }) : () -> ()
      "tpu.region"() ({
        %run_scoped3A = tpu.sem_alloc : memref<!tpu.dma_semaphore, #tpu.memory_space<semaphore_mem>>
        %dma_start3A_523 = arith.constant 0 : i32
        %dma_start3A_524 = arith.constant 0 : i32
        %dma_start3A_525 = tpu.memref_slice %arg7[%add3A_504, %dma_start3A_523, %dma_start3A_524] : memref<4096x32x128xf32, #tpu.memory_space<hbm>> -> memref<4x32x128xf32, #tpu.memory_space<hbm>>
        %dma_start3A_526 = arith.constant 0 : i32
        %dma_start3A_527 = arith.constant 0 : i32
        %dma_start3A_528 = tpu.memref_slice %arg7[%add3A_504, %dma_start3A_526, %dma_start3A_527] : memref<4096x32x128xf32, #tpu.memory_space<hbm>> -> memref<4x32x128xf32, #tpu.memory_space<hbm>>
        tpu.enqueue_dma source(%arg13 : memref<4x32x128xf32, #tpu.memory_space<vmem>>) target(%dma_start3A_528 : memref<4x32x128xf32, #tpu.memory_space<hbm>>) target_semaphore(%run_scoped3A : memref<!tpu.dma_semaphore, #tpu.memory_space<semaphore_mem>>)
        %dma_wait3A_529 = arith.constant 0 : i32
        %dma_wait3A_530 = arith.constant 0 : i32
        %dma_wait3A_531 = tpu.memref_slice %arg7[%add3A_504, %dma_wait3A_529, %dma_wait3A_530] : memref<4096x32x128xf32, #tpu.memory_space<hbm>> -> memref<4x32x128xf32, #tpu.memory_space<hbm>>
        %dma_wait3A_532 = arith.constant 0 : i32
        %dma_wait3A_533 = arith.constant 0 : i32
        %dma_wait3A_534 = tpu.memref_slice %arg7[%add3A_504, %dma_wait3A_532, %dma_wait3A_533] : memref<4096x32x128xf32, #tpu.memory_space<hbm>> -> memref<4x32x128xf32, #tpu.memory_space<hbm>>
        tpu.wait_dma2 semaphore(%run_scoped3A : memref<!tpu.dma_semaphore, #tpu.memory_space<semaphore_mem>>) src(%arg13 : memref<4x32x128xf32, #tpu.memory_space<vmem>>) dst(%dma_wait3A_534 : memref<4x32x128xf32, #tpu.memory_space<hbm>>)
        tpu.yield
      }) : () -> ()
      "tpu.region"() ({
        %run_scoped3A = tpu.sem_alloc : memref<!tpu.dma_semaphore, #tpu.memory_space<semaphore_mem>>
        %dma_start3A_523 = arith.constant 0 : i32
        %dma_start3A_524 = arith.constant 0 : i32
        %dma_start3A_525 = tpu.memref_slice %arg3[%add3A_504, %dma_start3A_523, %dma_start3A_524] : memref<4096x32x128xf32, #tpu.memory_space<hbm>> -> memref<4x32x128xf32, #tpu.memory_space<hbm>>
        %dma_start3A_526 = arith.constant 0 : i32
        %dma_start3A_527 = arith.constant 0 : i32
        %dma_start3A_528 = tpu.memref_slice %arg3[%add3A_504, %dma_start3A_526, %dma_start3A_527] : memref<4096x32x128xf32, #tpu.memory_space<hbm>> -> memref<4x32x128xf32, #tpu.memory_space<hbm>>
        tpu.enqueue_dma source(%dma_start3A_528 : memref<4x32x128xf32, #tpu.memory_space<hbm>>) target(%arg15 : memref<4x32x128xf32, #tpu.memory_space<vmem>>) target_semaphore(%run_scoped3A : memref<!tpu.dma_semaphore, #tpu.memory_space<semaphore_mem>>)
        %dma_wait3A_529 = arith.constant 0 : i32
        %dma_wait3A_530 = arith.constant 0 : i32
        %dma_wait3A_531 = tpu.memref_slice %arg3[%add3A_504, %dma_wait3A_529, %dma_wait3A_530] : memref<4096x32x128xf32, #tpu.memory_space<hbm>> -> memref<4x32x128xf32, #tpu.memory_space<hbm>>
        %dma_wait3A_532 = arith.constant 0 : i32
        %dma_wait3A_533 = arith.constant 0 : i32
        %dma_wait3A_534 = tpu.memref_slice %arg3[%add3A_504, %dma_wait3A_532, %dma_wait3A_533] : memref<4096x32x128xf32, #tpu.memory_space<hbm>> -> memref<4x32x128xf32, #tpu.memory_space<hbm>>
        tpu.wait_dma2 semaphore(%run_scoped3A : memref<!tpu.dma_semaphore, #tpu.memory_space<semaphore_mem>>) src(%dma_wait3A_534 : memref<4x32x128xf32, #tpu.memory_space<hbm>>) dst(%arg15 : memref<4x32x128xf32, #tpu.memory_space<vmem>>)
        tpu.yield
      }) : () -> ()
      "tpu.region"() ({
        %run_scoped3A = tpu.sem_alloc : memref<!tpu.dma_semaphore, #tpu.memory_space<semaphore_mem>>
        %dma_start3A_523 = arith.constant 0 : i32
        %dma_start3A_524 = arith.constant 0 : i32
        %dma_start3A_525 = tpu.memref_slice %arg8[%add3A_504, %dma_start3A_523, %dma_start3A_524] : memref<4096x32x128xf32, #tpu.memory_space<hbm>> -> memref<4x32x128xf32, #tpu.memory_space<hbm>>
        %dma_start3A_526 = arith.constant 0 : i32
        %dma_start3A_527 = arith.constant 0 : i32
        %dma_start3A_528 = tpu.memref_slice %arg8[%add3A_504, %dma_start3A_526, %dma_start3A_527] : memref<4096x32x128xf32, #tpu.memory_space<hbm>> -> memref<4x32x128xf32, #tpu.memory_space<hbm>>
        tpu.enqueue_dma source(%arg15 : memref<4x32x128xf32, #tpu.memory_space<vmem>>) target(%dma_start3A_528 : memref<4x32x128xf32, #tpu.memory_space<hbm>>) target_semaphore(%run_scoped3A : memref<!tpu.dma_semaphore, #tpu.memory_space<semaphore_mem>>)
        %dma_wait3A_529 = arith.constant 0 : i32
        %dma_wait3A_530 = arith.constant 0 : i32
        %dma_wait3A_531 = tpu.memref_slice %arg8[%add3A_504, %dma_wait3A_529, %dma_wait3A_530] : memref<4096x32x128xf32, #tpu.memory_space<hbm>> -> memref<4x32x128xf32, #tpu.memory_space<hbm>>
        %dma_wait3A_532 = arith.constant 0 : i32
        %dma_wait3A_533 = arith.constant 0 : i32
        %dma_wait3A_534 = tpu.memref_slice %arg8[%add3A_504, %dma_wait3A_532, %dma_wait3A_533] : memref<4096x32x128xf32, #tpu.memory_space<hbm>> -> memref<4x32x128xf32, #tpu.memory_space<hbm>>
        tpu.wait_dma2 semaphore(%run_scoped3A : memref<!tpu.dma_semaphore, #tpu.memory_space<semaphore_mem>>) src(%arg15 : memref<4x32x128xf32, #tpu.memory_space<vmem>>) dst(%dma_wait3A_534 : memref<4x32x128xf32, #tpu.memory_space<hbm>>)
        tpu.yield
      }) : () -> ()
      %add3A_505 = arith.constant 60 : i32
      %add3A_506 = arith.addi %add3A_4, %add3A_505 : i32
      "tpu.region"() ({
        %run_scoped3A = tpu.sem_alloc : memref<!tpu.dma_semaphore, #tpu.memory_space<semaphore_mem>>
        %dma_start3A_523 = arith.constant 0 : i32
        %dma_start3A_524 = arith.constant 0 : i32
        %dma_start3A_525 = tpu.memref_slice %arg2[%add3A_506, %dma_start3A_523, %dma_start3A_524] : memref<4096x32x128xf32, #tpu.memory_space<hbm>> -> memref<4x32x128xf32, #tpu.memory_space<hbm>>
        %dma_start3A_526 = arith.constant 0 : i32
        %dma_start3A_527 = arith.constant 0 : i32
        %dma_start3A_528 = tpu.memref_slice %arg2[%add3A_506, %dma_start3A_526, %dma_start3A_527] : memref<4096x32x128xf32, #tpu.memory_space<hbm>> -> memref<4x32x128xf32, #tpu.memory_space<hbm>>
        tpu.enqueue_dma source(%dma_start3A_528 : memref<4x32x128xf32, #tpu.memory_space<hbm>>) target(%arg13 : memref<4x32x128xf32, #tpu.memory_space<vmem>>) target_semaphore(%run_scoped3A : memref<!tpu.dma_semaphore, #tpu.memory_space<semaphore_mem>>)
        %dma_wait3A_529 = arith.constant 0 : i32
        %dma_wait3A_530 = arith.constant 0 : i32
        %dma_wait3A_531 = tpu.memref_slice %arg2[%add3A_506, %dma_wait3A_529, %dma_wait3A_530] : memref<4096x32x128xf32, #tpu.memory_space<hbm>> -> memref<4x32x128xf32, #tpu.memory_space<hbm>>
        %dma_wait3A_532 = arith.constant 0 : i32
        %dma_wait3A_533 = arith.constant 0 : i32
        %dma_wait3A_534 = tpu.memref_slice %arg2[%add3A_506, %dma_wait3A_532, %dma_wait3A_533] : memref<4096x32x128xf32, #tpu.memory_space<hbm>> -> memref<4x32x128xf32, #tpu.memory_space<hbm>>
        tpu.wait_dma2 semaphore(%run_scoped3A : memref<!tpu.dma_semaphore, #tpu.memory_space<semaphore_mem>>) src(%dma_wait3A_534 : memref<4x32x128xf32, #tpu.memory_space<hbm>>) dst(%arg13 : memref<4x32x128xf32, #tpu.memory_space<vmem>>)
        tpu.yield
      }) : () -> ()
      "tpu.region"() ({
        %run_scoped3A = tpu.sem_alloc : memref<!tpu.dma_semaphore, #tpu.memory_space<semaphore_mem>>
        %dma_start3A_523 = arith.constant 0 : i32
        %dma_start3A_524 = arith.constant 0 : i32
        %dma_start3A_525 = tpu.memref_slice %arg7[%add3A_506, %dma_start3A_523, %dma_start3A_524] : memref<4096x32x128xf32, #tpu.memory_space<hbm>> -> memref<4x32x128xf32, #tpu.memory_space<hbm>>
        %dma_start3A_526 = arith.constant 0 : i32
        %dma_start3A_527 = arith.constant 0 : i32
        %dma_start3A_528 = tpu.memref_slice %arg7[%add3A_506, %dma_start3A_526, %dma_start3A_527] : memref<4096x32x128xf32, #tpu.memory_space<hbm>> -> memref<4x32x128xf32, #tpu.memory_space<hbm>>
        tpu.enqueue_dma source(%arg13 : memref<4x32x128xf32, #tpu.memory_space<vmem>>) target(%dma_start3A_528 : memref<4x32x128xf32, #tpu.memory_space<hbm>>) target_semaphore(%run_scoped3A : memref<!tpu.dma_semaphore, #tpu.memory_space<semaphore_mem>>)
        %dma_wait3A_529 = arith.constant 0 : i32
        %dma_wait3A_530 = arith.constant 0 : i32
        %dma_wait3A_531 = tpu.memref_slice %arg7[%add3A_506, %dma_wait3A_529, %dma_wait3A_530] : memref<4096x32x128xf32, #tpu.memory_space<hbm>> -> memref<4x32x128xf32, #tpu.memory_space<hbm>>
        %dma_wait3A_532 = arith.constant 0 : i32
        %dma_wait3A_533 = arith.constant 0 : i32
        %dma_wait3A_534 = tpu.memref_slice %arg7[%add3A_506, %dma_wait3A_532, %dma_wait3A_533] : memref<4096x32x128xf32, #tpu.memory_space<hbm>> -> memref<4x32x128xf32, #tpu.memory_space<hbm>>
        tpu.wait_dma2 semaphore(%run_scoped3A : memref<!tpu.dma_semaphore, #tpu.memory_space<semaphore_mem>>) src(%arg13 : memref<4x32x128xf32, #tpu.memory_space<vmem>>) dst(%dma_wait3A_534 : memref<4x32x128xf32, #tpu.memory_space<hbm>>)
        tpu.yield
      }) : () -> ()
      "tpu.region"() ({
        %run_scoped3A = tpu.sem_alloc : memref<!tpu.dma_semaphore, #tpu.memory_space<semaphore_mem>>
        %dma_start3A_523 = arith.constant 0 : i32
        %dma_start3A_524 = arith.constant 0 : i32
        %dma_start3A_525 = tpu.memref_slice %arg3[%add3A_506, %dma_start3A_523, %dma_start3A_524] : memref<4096x32x128xf32, #tpu.memory_space<hbm>> -> memref<4x32x128xf32, #tpu.memory_space<hbm>>
        %dma_start3A_526 = arith.constant 0 : i32
        %dma_start3A_527 = arith.constant 0 : i32
        %dma_start3A_528 = tpu.memref_slice %arg3[%add3A_506, %dma_start3A_526, %dma_start3A_527] : memref<4096x32x128xf32, #tpu.memory_space<hbm>> -> memref<4x32x128xf32, #tpu.memory_space<hbm>>
        tpu.enqueue_dma source(%dma_start3A_528 : memref<4x32x128xf32, #tpu.memory_space<hbm>>) target(%arg15 : memref<4x32x128xf32, #tpu.memory_space<vmem>>) target_semaphore(%run_scoped3A : memref<!tpu.dma_semaphore, #tpu.memory_space<semaphore_mem>>)
        %dma_wait3A_529 = arith.constant 0 : i32
        %dma_wait3A_530 = arith.constant 0 : i32
        %dma_wait3A_531 = tpu.memref_slice %arg3[%add3A_506, %dma_wait3A_529, %dma_wait3A_530] : memref<4096x32x128xf32, #tpu.memory_space<hbm>> -> memref<4x32x128xf32, #tpu.memory_space<hbm>>
        %dma_wait3A_532 = arith.constant 0 : i32
        %dma_wait3A_533 = arith.constant 0 : i32
        %dma_wait3A_534 = tpu.memref_slice %arg3[%add3A_506, %dma_wait3A_532, %dma_wait3A_533] : memref<4096x32x128xf32, #tpu.memory_space<hbm>> -> memref<4x32x128xf32, #tpu.memory_space<hbm>>
        tpu.wait_dma2 semaphore(%run_scoped3A : memref<!tpu.dma_semaphore, #tpu.memory_space<semaphore_mem>>) src(%dma_wait3A_534 : memref<4x32x128xf32, #tpu.memory_space<hbm>>) dst(%arg15 : memref<4x32x128xf32, #tpu.memory_space<vmem>>)
        tpu.yield
      }) : () -> ()
      "tpu.region"() ({
        %run_scoped3A = tpu.sem_alloc : memref<!tpu.dma_semaphore, #tpu.memory_space<semaphore_mem>>
        %dma_start3A_523 = arith.constant 0 : i32
        %dma_start3A_524 = arith.constant 0 : i32
        %dma_start3A_525 = tpu.memref_slice %arg8[%add3A_506, %dma_start3A_523, %dma_start3A_524] : memref<4096x32x128xf32, #tpu.memory_space<hbm>> -> memref<4x32x128xf32, #tpu.memory_space<hbm>>
        %dma_start3A_526 = arith.constant 0 : i32
        %dma_start3A_527 = arith.constant 0 : i32
        %dma_start3A_528 = tpu.memref_slice %arg8[%add3A_506, %dma_start3A_526, %dma_start3A_527] : memref<4096x32x128xf32, #tpu.memory_space<hbm>> -> memref<4x32x128xf32, #tpu.memory_space<hbm>>
        tpu.enqueue_dma source(%arg15 : memref<4x32x128xf32, #tpu.memory_space<vmem>>) target(%dma_start3A_528 : memref<4x32x128xf32, #tpu.memory_space<hbm>>) target_semaphore(%run_scoped3A : memref<!tpu.dma_semaphore, #tpu.memory_space<semaphore_mem>>)
        %dma_wait3A_529 = arith.constant 0 : i32
        %dma_wait3A_530 = arith.constant 0 : i32
        %dma_wait3A_531 = tpu.memref_slice %arg8[%add3A_506, %dma_wait3A_529, %dma_wait3A_530] : memref<4096x32x128xf32, #tpu.memory_space<hbm>> -> memref<4x32x128xf32, #tpu.memory_space<hbm>>
        %dma_wait3A_532 = arith.constant 0 : i32
        %dma_wait3A_533 = arith.constant 0 : i32
        %dma_wait3A_534 = tpu.memref_slice %arg8[%add3A_506, %dma_wait3A_532, %dma_wait3A_533] : memref<4096x32x128xf32, #tpu.memory_space<hbm>> -> memref<4x32x128xf32, #tpu.memory_space<hbm>>
        tpu.wait_dma2 semaphore(%run_scoped3A : memref<!tpu.dma_semaphore, #tpu.memory_space<semaphore_mem>>) src(%arg15 : memref<4x32x128xf32, #tpu.memory_space<vmem>>) dst(%dma_wait3A_534 : memref<4x32x128xf32, #tpu.memory_space<hbm>>)
        tpu.yield
      }) : () -> ()
      %add3A_507 = arith.constant 64 : i32
      %add3A_508 = arith.addi %add3A_4, %add3A_507 : i32
      "tpu.region"() ({
        %run_scoped3A = tpu.sem_alloc : memref<!tpu.dma_semaphore, #tpu.memory_space<semaphore_mem>>
        %dma_start3A_523 = arith.constant 0 : i32
        %dma_start3A_524 = arith.constant 0 : i32
        %dma_start3A_525 = tpu.memref_slice %arg2[%add3A_508, %dma_start3A_523, %dma_start3A_524] : memref<4096x32x128xf32, #tpu.memory_space<hbm>> -> memref<4x32x128xf32, #tpu.memory_space<hbm>>
        %dma_start3A_526 = arith.constant 0 : i32
        %dma_start3A_527 = arith.constant 0 : i32
        %dma_start3A_528 = tpu.memref_slice %arg2[%add3A_508, %dma_start3A_526, %dma_start3A_527] : memref<4096x32x128xf32, #tpu.memory_space<hbm>> -> memref<4x32x128xf32, #tpu.memory_space<hbm>>
        tpu.enqueue_dma source(%dma_start3A_528 : memref<4x32x128xf32, #tpu.memory_space<hbm>>) target(%arg13 : memref<4x32x128xf32, #tpu.memory_space<vmem>>) target_semaphore(%run_scoped3A : memref<!tpu.dma_semaphore, #tpu.memory_space<semaphore_mem>>)
        %dma_wait3A_529 = arith.constant 0 : i32
        %dma_wait3A_530 = arith.constant 0 : i32
        %dma_wait3A_531 = tpu.memref_slice %arg2[%add3A_508, %dma_wait3A_529, %dma_wait3A_530] : memref<4096x32x128xf32, #tpu.memory_space<hbm>> -> memref<4x32x128xf32, #tpu.memory_space<hbm>>
        %dma_wait3A_532 = arith.constant 0 : i32
        %dma_wait3A_533 = arith.constant 0 : i32
        %dma_wait3A_534 = tpu.memref_slice %arg2[%add3A_508, %dma_wait3A_532, %dma_wait3A_533] : memref<4096x32x128xf32, #tpu.memory_space<hbm>> -> memref<4x32x128xf32, #tpu.memory_space<hbm>>
        tpu.wait_dma2 semaphore(%run_scoped3A : memref<!tpu.dma_semaphore, #tpu.memory_space<semaphore_mem>>) src(%dma_wait3A_534 : memref<4x32x128xf32, #tpu.memory_space<hbm>>) dst(%arg13 : memref<4x32x128xf32, #tpu.memory_space<vmem>>)
        tpu.yield
      }) : () -> ()
      "tpu.region"() ({
        %run_scoped3A = tpu.sem_alloc : memref<!tpu.dma_semaphore, #tpu.memory_space<semaphore_mem>>
        %dma_start3A_523 = arith.constant 0 : i32
        %dma_start3A_524 = arith.constant 0 : i32
        %dma_start3A_525 = tpu.memref_slice %arg7[%add3A_508, %dma_start3A_523, %dma_start3A_524] : memref<4096x32x128xf32, #tpu.memory_space<hbm>> -> memref<4x32x128xf32, #tpu.memory_space<hbm>>
        %dma_start3A_526 = arith.constant 0 : i32
        %dma_start3A_527 = arith.constant 0 : i32
        %dma_start3A_528 = tpu.memref_slice %arg7[%add3A_508, %dma_start3A_526, %dma_start3A_527] : memref<4096x32x128xf32, #tpu.memory_space<hbm>> -> memref<4x32x128xf32, #tpu.memory_space<hbm>>
        tpu.enqueue_dma source(%arg13 : memref<4x32x128xf32, #tpu.memory_space<vmem>>) target(%dma_start3A_528 : memref<4x32x128xf32, #tpu.memory_space<hbm>>) target_semaphore(%run_scoped3A : memref<!tpu.dma_semaphore, #tpu.memory_space<semaphore_mem>>)
        %dma_wait3A_529 = arith.constant 0 : i32
        %dma_wait3A_530 = arith.constant 0 : i32
        %dma_wait3A_531 = tpu.memref_slice %arg7[%add3A_508, %dma_wait3A_529, %dma_wait3A_530] : memref<4096x32x128xf32, #tpu.memory_space<hbm>> -> memref<4x32x128xf32, #tpu.memory_space<hbm>>
        %dma_wait3A_532 = arith.constant 0 : i32
        %dma_wait3A_533 = arith.constant 0 : i32
        %dma_wait3A_534 = tpu.memref_slice %arg7[%add3A_508, %dma_wait3A_532, %dma_wait3A_533] : memref<4096x32x128xf32, #tpu.memory_space<hbm>> -> memref<4x32x128xf32, #tpu.memory_space<hbm>>
        tpu.wait_dma2 semaphore(%run_scoped3A : memref<!tpu.dma_semaphore, #tpu.memory_space<semaphore_mem>>) src(%arg13 : memref<4x32x128xf32, #tpu.memory_space<vmem>>) dst(%dma_wait3A_534 : memref<4x32x128xf32, #tpu.memory_space<hbm>>)
        tpu.yield
      }) : () -> ()
      "tpu.region"() ({
        %run_scoped3A = tpu.sem_alloc : memref<!tpu.dma_semaphore, #tpu.memory_space<semaphore_mem>>
        %dma_start3A_523 = arith.constant 0 : i32
        %dma_start3A_524 = arith.constant 0 : i32
        %dma_start3A_525 = tpu.memref_slice %arg3[%add3A_508, %dma_start3A_523, %dma_start3A_524] : memref<4096x32x128xf32, #tpu.memory_space<hbm>> -> memref<4x32x128xf32, #tpu.memory_space<hbm>>
        %dma_start3A_526 = arith.constant 0 : i32
        %dma_start3A_527 = arith.constant 0 : i32
        %dma_start3A_528 = tpu.memref_slice %arg3[%add3A_508, %dma_start3A_526, %dma_start3A_527] : memref<4096x32x128xf32, #tpu.memory_space<hbm>> -> memref<4x32x128xf32, #tpu.memory_space<hbm>>
        tpu.enqueue_dma source(%dma_start3A_528 : memref<4x32x128xf32, #tpu.memory_space<hbm>>) target(%arg15 : memref<4x32x128xf32, #tpu.memory_space<vmem>>) target_semaphore(%run_scoped3A : memref<!tpu.dma_semaphore, #tpu.memory_space<semaphore_mem>>)
        %dma_wait3A_529 = arith.constant 0 : i32
        %dma_wait3A_530 = arith.constant 0 : i32
        %dma_wait3A_531 = tpu.memref_slice %arg3[%add3A_508, %dma_wait3A_529, %dma_wait3A_530] : memref<4096x32x128xf32, #tpu.memory_space<hbm>> -> memref<4x32x128xf32, #tpu.memory_space<hbm>>
        %dma_wait3A_532 = arith.constant 0 : i32
        %dma_wait3A_533 = arith.constant 0 : i32
        %dma_wait3A_534 = tpu.memref_slice %arg3[%add3A_508, %dma_wait3A_532, %dma_wait3A_533] : memref<4096x32x128xf32, #tpu.memory_space<hbm>> -> memref<4x32x128xf32, #tpu.memory_space<hbm>>
        tpu.wait_dma2 semaphore(%run_scoped3A : memref<!tpu.dma_semaphore, #tpu.memory_space<semaphore_mem>>) src(%dma_wait3A_534 : memref<4x32x128xf32, #tpu.memory_space<hbm>>) dst(%arg15 : memref<4x32x128xf32, #tpu.memory_space<vmem>>)
        tpu.yield
      }) : () -> ()
      "tpu.region"() ({
        %run_scoped3A = tpu.sem_alloc : memref<!tpu.dma_semaphore, #tpu.memory_space<semaphore_mem>>
        %dma_start3A_523 = arith.constant 0 : i32
        %dma_start3A_524 = arith.constant 0 : i32
        %dma_start3A_525 = tpu.memref_slice %arg8[%add3A_508, %dma_start3A_523, %dma_start3A_524] : memref<4096x32x128xf32, #tpu.memory_space<hbm>> -> memref<4x32x128xf32, #tpu.memory_space<hbm>>
        %dma_start3A_526 = arith.constant 0 : i32
        %dma_start3A_527 = arith.constant 0 : i32
        %dma_start3A_528 = tpu.memref_slice %arg8[%add3A_508, %dma_start3A_526, %dma_start3A_527] : memref<4096x32x128xf32, #tpu.memory_space<hbm>> -> memref<4x32x128xf32, #tpu.memory_space<hbm>>
        tpu.enqueue_dma source(%arg15 : memref<4x32x128xf32, #tpu.memory_space<vmem>>) target(%dma_start3A_528 : memref<4x32x128xf32, #tpu.memory_space<hbm>>) target_semaphore(%run_scoped3A : memref<!tpu.dma_semaphore, #tpu.memory_space<semaphore_mem>>)
        %dma_wait3A_529 = arith.constant 0 : i32
        %dma_wait3A_530 = arith.constant 0 : i32
        %dma_wait3A_531 = tpu.memref_slice %arg8[%add3A_508, %dma_wait3A_529, %dma_wait3A_530] : memref<4096x32x128xf32, #tpu.memory_space<hbm>> -> memref<4x32x128xf32, #tpu.memory_space<hbm>>
        %dma_wait3A_532 = arith.constant 0 : i32
        %dma_wait3A_533 = arith.constant 0 : i32
        %dma_wait3A_534 = tpu.memref_slice %arg8[%add3A_508, %dma_wait3A_532, %dma_wait3A_533] : memref<4096x32x128xf32, #tpu.memory_space<hbm>> -> memref<4x32x128xf32, #tpu.memory_space<hbm>>
        tpu.wait_dma2 semaphore(%run_scoped3A : memref<!tpu.dma_semaphore, #tpu.memory_space<semaphore_mem>>) src(%arg15 : memref<4x32x128xf32, #tpu.memory_space<vmem>>) dst(%dma_wait3A_534 : memref<4x32x128xf32, #tpu.memory_space<hbm>>)
        tpu.yield
      }) : () -> ()
      %add3A_509 = arith.constant 68 : i32
      %add3A_510 = arith.addi %add3A_4, %add3A_509 : i32
      "tpu.region"() ({
        %run_scoped3A = tpu.sem_alloc : memref<!tpu.dma_semaphore, #tpu.memory_space<semaphore_mem>>
        %dma_start3A_523 = arith.constant 0 : i32
        %dma_start3A_524 = arith.constant 0 : i32
        %dma_start3A_525 = tpu.memref_slice %arg2[%add3A_510, %dma_start3A_523, %dma_start3A_524] : memref<4096x32x128xf32, #tpu.memory_space<hbm>> -> memref<4x32x128xf32, #tpu.memory_space<hbm>>
        %dma_start3A_526 = arith.constant 0 : i32
        %dma_start3A_527 = arith.constant 0 : i32
        %dma_start3A_528 = tpu.memref_slice %arg2[%add3A_510, %dma_start3A_526, %dma_start3A_527] : memref<4096x32x128xf32, #tpu.memory_space<hbm>> -> memref<4x32x128xf32, #tpu.memory_space<hbm>>
        tpu.enqueue_dma source(%dma_start3A_528 : memref<4x32x128xf32, #tpu.memory_space<hbm>>) target(%arg13 : memref<4x32x128xf32, #tpu.memory_space<vmem>>) target_semaphore(%run_scoped3A : memref<!tpu.dma_semaphore, #tpu.memory_space<semaphore_mem>>)
        %dma_wait3A_529 = arith.constant 0 : i32
        %dma_wait3A_530 = arith.constant 0 : i32
        %dma_wait3A_531 = tpu.memref_slice %arg2[%add3A_510, %dma_wait3A_529, %dma_wait3A_530] : memref<4096x32x128xf32, #tpu.memory_space<hbm>> -> memref<4x32x128xf32, #tpu.memory_space<hbm>>
        %dma_wait3A_532 = arith.constant 0 : i32
        %dma_wait3A_533 = arith.constant 0 : i32
        %dma_wait3A_534 = tpu.memref_slice %arg2[%add3A_510, %dma_wait3A_532, %dma_wait3A_533] : memref<4096x32x128xf32, #tpu.memory_space<hbm>> -> memref<4x32x128xf32, #tpu.memory_space<hbm>>
        tpu.wait_dma2 semaphore(%run_scoped3A : memref<!tpu.dma_semaphore, #tpu.memory_space<semaphore_mem>>) src(%dma_wait3A_534 : memref<4x32x128xf32, #tpu.memory_space<hbm>>) dst(%arg13 : memref<4x32x128xf32, #tpu.memory_space<vmem>>)
        tpu.yield
      }) : () -> ()
      "tpu.region"() ({
        %run_scoped3A = tpu.sem_alloc : memref<!tpu.dma_semaphore, #tpu.memory_space<semaphore_mem>>
        %dma_start3A_523 = arith.constant 0 : i32
        %dma_start3A_524 = arith.constant 0 : i32
        %dma_start3A_525 = tpu.memref_slice %arg7[%add3A_510, %dma_start3A_523, %dma_start3A_524] : memref<4096x32x128xf32, #tpu.memory_space<hbm>> -> memref<4x32x128xf32, #tpu.memory_space<hbm>>
        %dma_start3A_526 = arith.constant 0 : i32
        %dma_start3A_527 = arith.constant 0 : i32
        %dma_start3A_528 = tpu.memref_slice %arg7[%add3A_510, %dma_start3A_526, %dma_start3A_527] : memref<4096x32x128xf32, #tpu.memory_space<hbm>> -> memref<4x32x128xf32, #tpu.memory_space<hbm>>
        tpu.enqueue_dma source(%arg13 : memref<4x32x128xf32, #tpu.memory_space<vmem>>) target(%dma_start3A_528 : memref<4x32x128xf32, #tpu.memory_space<hbm>>) target_semaphore(%run_scoped3A : memref<!tpu.dma_semaphore, #tpu.memory_space<semaphore_mem>>)
        %dma_wait3A_529 = arith.constant 0 : i32
        %dma_wait3A_530 = arith.constant 0 : i32
        %dma_wait3A_531 = tpu.memref_slice %arg7[%add3A_510, %dma_wait3A_529, %dma_wait3A_530] : memref<4096x32x128xf32, #tpu.memory_space<hbm>> -> memref<4x32x128xf32, #tpu.memory_space<hbm>>
        %dma_wait3A_532 = arith.constant 0 : i32
        %dma_wait3A_533 = arith.constant 0 : i32
        %dma_wait3A_534 = tpu.memref_slice %arg7[%add3A_510, %dma_wait3A_532, %dma_wait3A_533] : memref<4096x32x128xf32, #tpu.memory_space<hbm>> -> memref<4x32x128xf32, #tpu.memory_space<hbm>>
        tpu.wait_dma2 semaphore(%run_scoped3A : memref<!tpu.dma_semaphore, #tpu.memory_space<semaphore_mem>>) src(%arg13 : memref<4x32x128xf32, #tpu.memory_space<vmem>>) dst(%dma_wait3A_534 : memref<4x32x128xf32, #tpu.memory_space<hbm>>)
        tpu.yield
      }) : () -> ()
      "tpu.region"() ({
        %run_scoped3A = tpu.sem_alloc : memref<!tpu.dma_semaphore, #tpu.memory_space<semaphore_mem>>
        %dma_start3A_523 = arith.constant 0 : i32
        %dma_start3A_524 = arith.constant 0 : i32
        %dma_start3A_525 = tpu.memref_slice %arg3[%add3A_510, %dma_start3A_523, %dma_start3A_524] : memref<4096x32x128xf32, #tpu.memory_space<hbm>> -> memref<4x32x128xf32, #tpu.memory_space<hbm>>
        %dma_start3A_526 = arith.constant 0 : i32
        %dma_start3A_527 = arith.constant 0 : i32
        %dma_start3A_528 = tpu.memref_slice %arg3[%add3A_510, %dma_start3A_526, %dma_start3A_527] : memref<4096x32x128xf32, #tpu.memory_space<hbm>> -> memref<4x32x128xf32, #tpu.memory_space<hbm>>
        tpu.enqueue_dma source(%dma_start3A_528 : memref<4x32x128xf32, #tpu.memory_space<hbm>>) target(%arg15 : memref<4x32x128xf32, #tpu.memory_space<vmem>>) target_semaphore(%run_scoped3A : memref<!tpu.dma_semaphore, #tpu.memory_space<semaphore_mem>>)
        %dma_wait3A_529 = arith.constant 0 : i32
        %dma_wait3A_530 = arith.constant 0 : i32
        %dma_wait3A_531 = tpu.memref_slice %arg3[%add3A_510, %dma_wait3A_529, %dma_wait3A_530] : memref<4096x32x128xf32, #tpu.memory_space<hbm>> -> memref<4x32x128xf32, #tpu.memory_space<hbm>>
        %dma_wait3A_532 = arith.constant 0 : i32
        %dma_wait3A_533 = arith.constant 0 : i32
        %dma_wait3A_534 = tpu.memref_slice %arg3[%add3A_510, %dma_wait3A_532, %dma_wait3A_533] : memref<4096x32x128xf32, #tpu.memory_space<hbm>> -> memref<4x32x128xf32, #tpu.memory_space<hbm>>
        tpu.wait_dma2 semaphore(%run_scoped3A : memref<!tpu.dma_semaphore, #tpu.memory_space<semaphore_mem>>) src(%dma_wait3A_534 : memref<4x32x128xf32, #tpu.memory_space<hbm>>) dst(%arg15 : memref<4x32x128xf32, #tpu.memory_space<vmem>>)
        tpu.yield
      }) : () -> ()
      "tpu.region"() ({
        %run_scoped3A = tpu.sem_alloc : memref<!tpu.dma_semaphore, #tpu.memory_space<semaphore_mem>>
        %dma_start3A_523 = arith.constant 0 : i32
        %dma_start3A_524 = arith.constant 0 : i32
        %dma_start3A_525 = tpu.memref_slice %arg8[%add3A_510, %dma_start3A_523, %dma_start3A_524] : memref<4096x32x128xf32, #tpu.memory_space<hbm>> -> memref<4x32x128xf32, #tpu.memory_space<hbm>>
        %dma_start3A_526 = arith.constant 0 : i32
        %dma_start3A_527 = arith.constant 0 : i32
        %dma_start3A_528 = tpu.memref_slice %arg8[%add3A_510, %dma_start3A_526, %dma_start3A_527] : memref<4096x32x128xf32, #tpu.memory_space<hbm>> -> memref<4x32x128xf32, #tpu.memory_space<hbm>>
        tpu.enqueue_dma source(%arg15 : memref<4x32x128xf32, #tpu.memory_space<vmem>>) target(%dma_start3A_528 : memref<4x32x128xf32, #tpu.memory_space<hbm>>) target_semaphore(%run_scoped3A : memref<!tpu.dma_semaphore, #tpu.memory_space<semaphore_mem>>)
        %dma_wait3A_529 = arith.constant 0 : i32
        %dma_wait3A_530 = arith.constant 0 : i32
        %dma_wait3A_531 = tpu.memref_slice %arg8[%add3A_510, %dma_wait3A_529, %dma_wait3A_530] : memref<4096x32x128xf32, #tpu.memory_space<hbm>> -> memref<4x32x128xf32, #tpu.memory_space<hbm>>
        %dma_wait3A_532 = arith.constant 0 : i32
        %dma_wait3A_533 = arith.constant 0 : i32
        %dma_wait3A_534 = tpu.memref_slice %arg8[%add3A_510, %dma_wait3A_532, %dma_wait3A_533] : memref<4096x32x128xf32, #tpu.memory_space<hbm>> -> memref<4x32x128xf32, #tpu.memory_space<hbm>>
        tpu.wait_dma2 semaphore(%run_scoped3A : memref<!tpu.dma_semaphore, #tpu.memory_space<semaphore_mem>>) src(%arg15 : memref<4x32x128xf32, #tpu.memory_space<vmem>>) dst(%dma_wait3A_534 : memref<4x32x128xf32, #tpu.memory_space<hbm>>)
        tpu.yield
      }) : () -> ()
      %add3A_511 = arith.constant 72 : i32
      %add3A_512 = arith.addi %add3A_4, %add3A_511 : i32
      "tpu.region"() ({
        %run_scoped3A = tpu.sem_alloc : memref<!tpu.dma_semaphore, #tpu.memory_space<semaphore_mem>>
        %dma_start3A_523 = arith.constant 0 : i32
        %dma_start3A_524 = arith.constant 0 : i32
        %dma_start3A_525 = tpu.memref_slice %arg2[%add3A_512, %dma_start3A_523, %dma_start3A_524] : memref<4096x32x128xf32, #tpu.memory_space<hbm>> -> memref<4x32x128xf32, #tpu.memory_space<hbm>>
        %dma_start3A_526 = arith.constant 0 : i32
        %dma_start3A_527 = arith.constant 0 : i32
        %dma_start3A_528 = tpu.memref_slice %arg2[%add3A_512, %dma_start3A_526, %dma_start3A_527] : memref<4096x32x128xf32, #tpu.memory_space<hbm>> -> memref<4x32x128xf32, #tpu.memory_space<hbm>>
        tpu.enqueue_dma source(%dma_start3A_528 : memref<4x32x128xf32, #tpu.memory_space<hbm>>) target(%arg13 : memref<4x32x128xf32, #tpu.memory_space<vmem>>) target_semaphore(%run_scoped3A : memref<!tpu.dma_semaphore, #tpu.memory_space<semaphore_mem>>)
        %dma_wait3A_529 = arith.constant 0 : i32
        %dma_wait3A_530 = arith.constant 0 : i32
        %dma_wait3A_531 = tpu.memref_slice %arg2[%add3A_512, %dma_wait3A_529, %dma_wait3A_530] : memref<4096x32x128xf32, #tpu.memory_space<hbm>> -> memref<4x32x128xf32, #tpu.memory_space<hbm>>
        %dma_wait3A_532 = arith.constant 0 : i32
        %dma_wait3A_533 = arith.constant 0 : i32
        %dma_wait3A_534 = tpu.memref_slice %arg2[%add3A_512, %dma_wait3A_532, %dma_wait3A_533] : memref<4096x32x128xf32, #tpu.memory_space<hbm>> -> memref<4x32x128xf32, #tpu.memory_space<hbm>>
        tpu.wait_dma2 semaphore(%run_scoped3A : memref<!tpu.dma_semaphore, #tpu.memory_space<semaphore_mem>>) src(%dma_wait3A_534 : memref<4x32x128xf32, #tpu.memory_space<hbm>>) dst(%arg13 : memref<4x32x128xf32, #tpu.memory_space<vmem>>)
        tpu.yield
      }) : () -> ()
      "tpu.region"() ({
        %run_scoped3A = tpu.sem_alloc : memref<!tpu.dma_semaphore, #tpu.memory_space<semaphore_mem>>
        %dma_start3A_523 = arith.constant 0 : i32
        %dma_start3A_524 = arith.constant 0 : i32
        %dma_start3A_525 = tpu.memref_slice %arg7[%add3A_512, %dma_start3A_523, %dma_start3A_524] : memref<4096x32x128xf32, #tpu.memory_space<hbm>> -> memref<4x32x128xf32, #tpu.memory_space<hbm>>
        %dma_start3A_526 = arith.constant 0 : i32
        %dma_start3A_527 = arith.constant 0 : i32
        %dma_start3A_528 = tpu.memref_slice %arg7[%add3A_512, %dma_start3A_526, %dma_start3A_527] : memref<4096x32x128xf32, #tpu.memory_space<hbm>> -> memref<4x32x128xf32, #tpu.memory_space<hbm>>
        tpu.enqueue_dma source(%arg13 : memref<4x32x128xf32, #tpu.memory_space<vmem>>) target(%dma_start3A_528 : memref<4x32x128xf32, #tpu.memory_space<hbm>>) target_semaphore(%run_scoped3A : memref<!tpu.dma_semaphore, #tpu.memory_space<semaphore_mem>>)
        %dma_wait3A_529 = arith.constant 0 : i32
        %dma_wait3A_530 = arith.constant 0 : i32
        %dma_wait3A_531 = tpu.memref_slice %arg7[%add3A_512, %dma_wait3A_529, %dma_wait3A_530] : memref<4096x32x128xf32, #tpu.memory_space<hbm>> -> memref<4x32x128xf32, #tpu.memory_space<hbm>>
        %dma_wait3A_532 = arith.constant 0 : i32
        %dma_wait3A_533 = arith.constant 0 : i32
        %dma_wait3A_534 = tpu.memref_slice %arg7[%add3A_512, %dma_wait3A_532, %dma_wait3A_533] : memref<4096x32x128xf32, #tpu.memory_space<hbm>> -> memref<4x32x128xf32, #tpu.memory_space<hbm>>
        tpu.wait_dma2 semaphore(%run_scoped3A : memref<!tpu.dma_semaphore, #tpu.memory_space<semaphore_mem>>) src(%arg13 : memref<4x32x128xf32, #tpu.memory_space<vmem>>) dst(%dma_wait3A_534 : memref<4x32x128xf32, #tpu.memory_space<hbm>>)
        tpu.yield
      }) : () -> ()
      "tpu.region"() ({
        %run_scoped3A = tpu.sem_alloc : memref<!tpu.dma_semaphore, #tpu.memory_space<semaphore_mem>>
        %dma_start3A_523 = arith.constant 0 : i32
        %dma_start3A_524 = arith.constant 0 : i32
        %dma_start3A_525 = tpu.memref_slice %arg3[%add3A_512, %dma_start3A_523, %dma_start3A_524] : memref<4096x32x128xf32, #tpu.memory_space<hbm>> -> memref<4x32x128xf32, #tpu.memory_space<hbm>>
        %dma_start3A_526 = arith.constant 0 : i32
        %dma_start3A_527 = arith.constant 0 : i32
        %dma_start3A_528 = tpu.memref_slice %arg3[%add3A_512, %dma_start3A_526, %dma_start3A_527] : memref<4096x32x128xf32, #tpu.memory_space<hbm>> -> memref<4x32x128xf32, #tpu.memory_space<hbm>>
        tpu.enqueue_dma source(%dma_start3A_528 : memref<4x32x128xf32, #tpu.memory_space<hbm>>) target(%arg15 : memref<4x32x128xf32, #tpu.memory_space<vmem>>) target_semaphore(%run_scoped3A : memref<!tpu.dma_semaphore, #tpu.memory_space<semaphore_mem>>)
        %dma_wait3A_529 = arith.constant 0 : i32
        %dma_wait3A_530 = arith.constant 0 : i32
        %dma_wait3A_531 = tpu.memref_slice %arg3[%add3A_512, %dma_wait3A_529, %dma_wait3A_530] : memref<4096x32x128xf32, #tpu.memory_space<hbm>> -> memref<4x32x128xf32, #tpu.memory_space<hbm>>
        %dma_wait3A_532 = arith.constant 0 : i32
        %dma_wait3A_533 = arith.constant 0 : i32
        %dma_wait3A_534 = tpu.memref_slice %arg3[%add3A_512, %dma_wait3A_532, %dma_wait3A_533] : memref<4096x32x128xf32, #tpu.memory_space<hbm>> -> memref<4x32x128xf32, #tpu.memory_space<hbm>>
        tpu.wait_dma2 semaphore(%run_scoped3A : memref<!tpu.dma_semaphore, #tpu.memory_space<semaphore_mem>>) src(%dma_wait3A_534 : memref<4x32x128xf32, #tpu.memory_space<hbm>>) dst(%arg15 : memref<4x32x128xf32, #tpu.memory_space<vmem>>)
        tpu.yield
      }) : () -> ()
      "tpu.region"() ({
        %run_scoped3A = tpu.sem_alloc : memref<!tpu.dma_semaphore, #tpu.memory_space<semaphore_mem>>
        %dma_start3A_523 = arith.constant 0 : i32
        %dma_start3A_524 = arith.constant 0 : i32
        %dma_start3A_525 = tpu.memref_slice %arg8[%add3A_512, %dma_start3A_523, %dma_start3A_524] : memref<4096x32x128xf32, #tpu.memory_space<hbm>> -> memref<4x32x128xf32, #tpu.memory_space<hbm>>
        %dma_start3A_526 = arith.constant 0 : i32
        %dma_start3A_527 = arith.constant 0 : i32
        %dma_start3A_528 = tpu.memref_slice %arg8[%add3A_512, %dma_start3A_526, %dma_start3A_527] : memref<4096x32x128xf32, #tpu.memory_space<hbm>> -> memref<4x32x128xf32, #tpu.memory_space<hbm>>
        tpu.enqueue_dma source(%arg15 : memref<4x32x128xf32, #tpu.memory_space<vmem>>) target(%dma_start3A_528 : memref<4x32x128xf32, #tpu.memory_space<hbm>>) target_semaphore(%run_scoped3A : memref<!tpu.dma_semaphore, #tpu.memory_space<semaphore_mem>>)
        %dma_wait3A_529 = arith.constant 0 : i32
        %dma_wait3A_530 = arith.constant 0 : i32
        %dma_wait3A_531 = tpu.memref_slice %arg8[%add3A_512, %dma_wait3A_529, %dma_wait3A_530] : memref<4096x32x128xf32, #tpu.memory_space<hbm>> -> memref<4x32x128xf32, #tpu.memory_space<hbm>>
        %dma_wait3A_532 = arith.constant 0 : i32
        %dma_wait3A_533 = arith.constant 0 : i32
        %dma_wait3A_534 = tpu.memref_slice %arg8[%add3A_512, %dma_wait3A_532, %dma_wait3A_533] : memref<4096x32x128xf32, #tpu.memory_space<hbm>> -> memref<4x32x128xf32, #tpu.memory_space<hbm>>
        tpu.wait_dma2 semaphore(%run_scoped3A : memref<!tpu.dma_semaphore, #tpu.memory_space<semaphore_mem>>) src(%arg15 : memref<4x32x128xf32, #tpu.memory_space<vmem>>) dst(%dma_wait3A_534 : memref<4x32x128xf32, #tpu.memory_space<hbm>>)
        tpu.yield
      }) : () -> ()
      %add3A_513 = arith.constant 76 : i32
      %add3A_514 = arith.addi %add3A_4, %add3A_513 : i32
      "tpu.region"() ({
        %run_scoped3A = tpu.sem_alloc : memref<!tpu.dma_semaphore, #tpu.memory_space<semaphore_mem>>
        %dma_start3A_523 = arith.constant 0 : i32
        %dma_start3A_524 = arith.constant 0 : i32
        %dma_start3A_525 = tpu.memref_slice %arg2[%add3A_514, %dma_start3A_523, %dma_start3A_524] : memref<4096x32x128xf32, #tpu.memory_space<hbm>> -> memref<4x32x128xf32, #tpu.memory_space<hbm>>
        %dma_start3A_526 = arith.constant 0 : i32
        %dma_start3A_527 = arith.constant 0 : i32
        %dma_start3A_528 = tpu.memref_slice %arg2[%add3A_514, %dma_start3A_526, %dma_start3A_527] : memref<4096x32x128xf32, #tpu.memory_space<hbm>> -> memref<4x32x128xf32, #tpu.memory_space<hbm>>
        tpu.enqueue_dma source(%dma_start3A_528 : memref<4x32x128xf32, #tpu.memory_space<hbm>>) target(%arg13 : memref<4x32x128xf32, #tpu.memory_space<vmem>>) target_semaphore(%run_scoped3A : memref<!tpu.dma_semaphore, #tpu.memory_space<semaphore_mem>>)
        %dma_wait3A_529 = arith.constant 0 : i32
        %dma_wait3A_530 = arith.constant 0 : i32
        %dma_wait3A_531 = tpu.memref_slice %arg2[%add3A_514, %dma_wait3A_529, %dma_wait3A_530] : memref<4096x32x128xf32, #tpu.memory_space<hbm>> -> memref<4x32x128xf32, #tpu.memory_space<hbm>>
        %dma_wait3A_532 = arith.constant 0 : i32
        %dma_wait3A_533 = arith.constant 0 : i32
        %dma_wait3A_534 = tpu.memref_slice %arg2[%add3A_514, %dma_wait3A_532, %dma_wait3A_533] : memref<4096x32x128xf32, #tpu.memory_space<hbm>> -> memref<4x32x128xf32, #tpu.memory_space<hbm>>
        tpu.wait_dma2 semaphore(%run_scoped3A : memref<!tpu.dma_semaphore, #tpu.memory_space<semaphore_mem>>) src(%dma_wait3A_534 : memref<4x32x128xf32, #tpu.memory_space<hbm>>) dst(%arg13 : memref<4x32x128xf32, #tpu.memory_space<vmem>>)
        tpu.yield
      }) : () -> ()
      "tpu.region"() ({
        %run_scoped3A = tpu.sem_alloc : memref<!tpu.dma_semaphore, #tpu.memory_space<semaphore_mem>>
        %dma_start3A_523 = arith.constant 0 : i32
        %dma_start3A_524 = arith.constant 0 : i32
        %dma_start3A_525 = tpu.memref_slice %arg7[%add3A_514, %dma_start3A_523, %dma_start3A_524] : memref<4096x32x128xf32, #tpu.memory_space<hbm>> -> memref<4x32x128xf32, #tpu.memory_space<hbm>>
        %dma_start3A_526 = arith.constant 0 : i32
        %dma_start3A_527 = arith.constant 0 : i32
        %dma_start3A_528 = tpu.memref_slice %arg7[%add3A_514, %dma_start3A_526, %dma_start3A_527] : memref<4096x32x128xf32, #tpu.memory_space<hbm>> -> memref<4x32x128xf32, #tpu.memory_space<hbm>>
        tpu.enqueue_dma source(%arg13 : memref<4x32x128xf32, #tpu.memory_space<vmem>>) target(%dma_start3A_528 : memref<4x32x128xf32, #tpu.memory_space<hbm>>) target_semaphore(%run_scoped3A : memref<!tpu.dma_semaphore, #tpu.memory_space<semaphore_mem>>)
        %dma_wait3A_529 = arith.constant 0 : i32
        %dma_wait3A_530 = arith.constant 0 : i32
        %dma_wait3A_531 = tpu.memref_slice %arg7[%add3A_514, %dma_wait3A_529, %dma_wait3A_530] : memref<4096x32x128xf32, #tpu.memory_space<hbm>> -> memref<4x32x128xf32, #tpu.memory_space<hbm>>
        %dma_wait3A_532 = arith.constant 0 : i32
        %dma_wait3A_533 = arith.constant 0 : i32
        %dma_wait3A_534 = tpu.memref_slice %arg7[%add3A_514, %dma_wait3A_532, %dma_wait3A_533] : memref<4096x32x128xf32, #tpu.memory_space<hbm>> -> memref<4x32x128xf32, #tpu.memory_space<hbm>>
        tpu.wait_dma2 semaphore(%run_scoped3A : memref<!tpu.dma_semaphore, #tpu.memory_space<semaphore_mem>>) src(%arg13 : memref<4x32x128xf32, #tpu.memory_space<vmem>>) dst(%dma_wait3A_534 : memref<4x32x128xf32, #tpu.memory_space<hbm>>)
        tpu.yield
      }) : () -> ()
      "tpu.region"() ({
        %run_scoped3A = tpu.sem_alloc : memref<!tpu.dma_semaphore, #tpu.memory_space<semaphore_mem>>
        %dma_start3A_523 = arith.constant 0 : i32
        %dma_start3A_524 = arith.constant 0 : i32
        %dma_start3A_525 = tpu.memref_slice %arg3[%add3A_514, %dma_start3A_523, %dma_start3A_524] : memref<4096x32x128xf32, #tpu.memory_space<hbm>> -> memref<4x32x128xf32, #tpu.memory_space<hbm>>
        %dma_start3A_526 = arith.constant 0 : i32
        %dma_start3A_527 = arith.constant 0 : i32
        %dma_start3A_528 = tpu.memref_slice %arg3[%add3A_514, %dma_start3A_526, %dma_start3A_527] : memref<4096x32x128xf32, #tpu.memory_space<hbm>> -> memref<4x32x128xf32, #tpu.memory_space<hbm>>
        tpu.enqueue_dma source(%dma_start3A_528 : memref<4x32x128xf32, #tpu.memory_space<hbm>>) target(%arg15 : memref<4x32x128xf32, #tpu.memory_space<vmem>>) target_semaphore(%run_scoped3A : memref<!tpu.dma_semaphore, #tpu.memory_space<semaphore_mem>>)
        %dma_wait3A_529 = arith.constant 0 : i32
        %dma_wait3A_530 = arith.constant 0 : i32
        %dma_wait3A_531 = tpu.memref_slice %arg3[%add3A_514, %dma_wait3A_529, %dma_wait3A_530] : memref<4096x32x128xf32, #tpu.memory_space<hbm>> -> memref<4x32x128xf32, #tpu.memory_space<hbm>>
        %dma_wait3A_532 = arith.constant 0 : i32
        %dma_wait3A_533 = arith.constant 0 : i32
        %dma_wait3A_534 = tpu.memref_slice %arg3[%add3A_514, %dma_wait3A_532, %dma_wait3A_533] : memref<4096x32x128xf32, #tpu.memory_space<hbm>> -> memref<4x32x128xf32, #tpu.memory_space<hbm>>
        tpu.wait_dma2 semaphore(%run_scoped3A : memref<!tpu.dma_semaphore, #tpu.memory_space<semaphore_mem>>) src(%dma_wait3A_534 : memref<4x32x128xf32, #tpu.memory_space<hbm>>) dst(%arg15 : memref<4x32x128xf32, #tpu.memory_space<vmem>>)
        tpu.yield
      }) : () -> ()
      "tpu.region"() ({
        %run_scoped3A = tpu.sem_alloc : memref<!tpu.dma_semaphore, #tpu.memory_space<semaphore_mem>>
        %dma_start3A_523 = arith.constant 0 : i32
        %dma_start3A_524 = arith.constant 0 : i32
        %dma_start3A_525 = tpu.memref_slice %arg8[%add3A_514, %dma_start3A_523, %dma_start3A_524] : memref<4096x32x128xf32, #tpu.memory_space<hbm>> -> memref<4x32x128xf32, #tpu.memory_space<hbm>>
        %dma_start3A_526 = arith.constant 0 : i32
        %dma_start3A_527 = arith.constant 0 : i32
        %dma_start3A_528 = tpu.memref_slice %arg8[%add3A_514, %dma_start3A_526, %dma_start3A_527] : memref<4096x32x128xf32, #tpu.memory_space<hbm>> -> memref<4x32x128xf32, #tpu.memory_space<hbm>>
        tpu.enqueue_dma source(%arg15 : memref<4x32x128xf32, #tpu.memory_space<vmem>>) target(%dma_start3A_528 : memref<4x32x128xf32, #tpu.memory_space<hbm>>) target_semaphore(%run_scoped3A : memref<!tpu.dma_semaphore, #tpu.memory_space<semaphore_mem>>)
        %dma_wait3A_529 = arith.constant 0 : i32
        %dma_wait3A_530 = arith.constant 0 : i32
        %dma_wait3A_531 = tpu.memref_slice %arg8[%add3A_514, %dma_wait3A_529, %dma_wait3A_530] : memref<4096x32x128xf32, #tpu.memory_space<hbm>> -> memref<4x32x128xf32, #tpu.memory_space<hbm>>
        %dma_wait3A_532 = arith.constant 0 : i32
        %dma_wait3A_533 = arith.constant 0 : i32
        %dma_wait3A_534 = tpu.memref_slice %arg8[%add3A_514, %dma_wait3A_532, %dma_wait3A_533] : memref<4096x32x128xf32, #tpu.memory_space<hbm>> -> memref<4x32x128xf32, #tpu.memory_space<hbm>>
        tpu.wait_dma2 semaphore(%run_scoped3A : memref<!tpu.dma_semaphore, #tpu.memory_space<semaphore_mem>>) src(%arg15 : memref<4x32x128xf32, #tpu.memory_space<vmem>>) dst(%dma_wait3A_534 : memref<4x32x128xf32, #tpu.memory_space<hbm>>)
        tpu.yield
      }) : () -> ()
      %add3A_515 = arith.constant 80 : i32
      %add3A_516 = arith.addi %add3A_4, %add3A_515 : i32
      "tpu.region"() ({
        %run_scoped3A = tpu.sem_alloc : memref<!tpu.dma_semaphore, #tpu.memory_space<semaphore_mem>>
        %dma_start3A_523 = arith.constant 0 : i32
        %dma_start3A_524 = arith.constant 0 : i32
        %dma_start3A_525 = tpu.memref_slice %arg2[%add3A_516, %dma_start3A_523, %dma_start3A_524] : memref<4096x32x128xf32, #tpu.memory_space<hbm>> -> memref<4x32x128xf32, #tpu.memory_space<hbm>>
        %dma_start3A_526 = arith.constant 0 : i32
        %dma_start3A_527 = arith.constant 0 : i32
        %dma_start3A_528 = tpu.memref_slice %arg2[%add3A_516, %dma_start3A_526, %dma_start3A_527] : memref<4096x32x128xf32, #tpu.memory_space<hbm>> -> memref<4x32x128xf32, #tpu.memory_space<hbm>>
        tpu.enqueue_dma source(%dma_start3A_528 : memref<4x32x128xf32, #tpu.memory_space<hbm>>) target(%arg13 : memref<4x32x128xf32, #tpu.memory_space<vmem>>) target_semaphore(%run_scoped3A : memref<!tpu.dma_semaphore, #tpu.memory_space<semaphore_mem>>)
        %dma_wait3A_529 = arith.constant 0 : i32
        %dma_wait3A_530 = arith.constant 0 : i32
        %dma_wait3A_531 = tpu.memref_slice %arg2[%add3A_516, %dma_wait3A_529, %dma_wait3A_530] : memref<4096x32x128xf32, #tpu.memory_space<hbm>> -> memref<4x32x128xf32, #tpu.memory_space<hbm>>
        %dma_wait3A_532 = arith.constant 0 : i32
        %dma_wait3A_533 = arith.constant 0 : i32
        %dma_wait3A_534 = tpu.memref_slice %arg2[%add3A_516, %dma_wait3A_532, %dma_wait3A_533] : memref<4096x32x128xf32, #tpu.memory_space<hbm>> -> memref<4x32x128xf32, #tpu.memory_space<hbm>>
        tpu.wait_dma2 semaphore(%run_scoped3A : memref<!tpu.dma_semaphore, #tpu.memory_space<semaphore_mem>>) src(%dma_wait3A_534 : memref<4x32x128xf32, #tpu.memory_space<hbm>>) dst(%arg13 : memref<4x32x128xf32, #tpu.memory_space<vmem>>)
        tpu.yield
      }) : () -> ()
      "tpu.region"() ({
        %run_scoped3A = tpu.sem_alloc : memref<!tpu.dma_semaphore, #tpu.memory_space<semaphore_mem>>
        %dma_start3A_523 = arith.constant 0 : i32
        %dma_start3A_524 = arith.constant 0 : i32
        %dma_start3A_525 = tpu.memref_slice %arg7[%add3A_516, %dma_start3A_523, %dma_start3A_524] : memref<4096x32x128xf32, #tpu.memory_space<hbm>> -> memref<4x32x128xf32, #tpu.memory_space<hbm>>
        %dma_start3A_526 = arith.constant 0 : i32
        %dma_start3A_527 = arith.constant 0 : i32
        %dma_start3A_528 = tpu.memref_slice %arg7[%add3A_516, %dma_start3A_526, %dma_start3A_527] : memref<4096x32x128xf32, #tpu.memory_space<hbm>> -> memref<4x32x128xf32, #tpu.memory_space<hbm>>
        tpu.enqueue_dma source(%arg13 : memref<4x32x128xf32, #tpu.memory_space<vmem>>) target(%dma_start3A_528 : memref<4x32x128xf32, #tpu.memory_space<hbm>>) target_semaphore(%run_scoped3A : memref<!tpu.dma_semaphore, #tpu.memory_space<semaphore_mem>>)
        %dma_wait3A_529 = arith.constant 0 : i32
        %dma_wait3A_530 = arith.constant 0 : i32
        %dma_wait3A_531 = tpu.memref_slice %arg7[%add3A_516, %dma_wait3A_529, %dma_wait3A_530] : memref<4096x32x128xf32, #tpu.memory_space<hbm>> -> memref<4x32x128xf32, #tpu.memory_space<hbm>>
        %dma_wait3A_532 = arith.constant 0 : i32
        %dma_wait3A_533 = arith.constant 0 : i32
        %dma_wait3A_534 = tpu.memref_slice %arg7[%add3A_516, %dma_wait3A_532, %dma_wait3A_533] : memref<4096x32x128xf32, #tpu.memory_space<hbm>> -> memref<4x32x128xf32, #tpu.memory_space<hbm>>
        tpu.wait_dma2 semaphore(%run_scoped3A : memref<!tpu.dma_semaphore, #tpu.memory_space<semaphore_mem>>) src(%arg13 : memref<4x32x128xf32, #tpu.memory_space<vmem>>) dst(%dma_wait3A_534 : memref<4x32x128xf32, #tpu.memory_space<hbm>>)
        tpu.yield
      }) : () -> ()
      "tpu.region"() ({
        %run_scoped3A = tpu.sem_alloc : memref<!tpu.dma_semaphore, #tpu.memory_space<semaphore_mem>>
        %dma_start3A_523 = arith.constant 0 : i32
        %dma_start3A_524 = arith.constant 0 : i32
        %dma_start3A_525 = tpu.memref_slice %arg3[%add3A_516, %dma_start3A_523, %dma_start3A_524] : memref<4096x32x128xf32, #tpu.memory_space<hbm>> -> memref<4x32x128xf32, #tpu.memory_space<hbm>>
        %dma_start3A_526 = arith.constant 0 : i32
        %dma_start3A_527 = arith.constant 0 : i32
        %dma_start3A_528 = tpu.memref_slice %arg3[%add3A_516, %dma_start3A_526, %dma_start3A_527] : memref<4096x32x128xf32, #tpu.memory_space<hbm>> -> memref<4x32x128xf32, #tpu.memory_space<hbm>>
        tpu.enqueue_dma source(%dma_start3A_528 : memref<4x32x128xf32, #tpu.memory_space<hbm>>) target(%arg15 : memref<4x32x128xf32, #tpu.memory_space<vmem>>) target_semaphore(%run_scoped3A : memref<!tpu.dma_semaphore, #tpu.memory_space<semaphore_mem>>)
        %dma_wait3A_529 = arith.constant 0 : i32
        %dma_wait3A_530 = arith.constant 0 : i32
        %dma_wait3A_531 = tpu.memref_slice %arg3[%add3A_516, %dma_wait3A_529, %dma_wait3A_530] : memref<4096x32x128xf32, #tpu.memory_space<hbm>> -> memref<4x32x128xf32, #tpu.memory_space<hbm>>
        %dma_wait3A_532 = arith.constant 0 : i32
        %dma_wait3A_533 = arith.constant 0 : i32
        %dma_wait3A_534 = tpu.memref_slice %arg3[%add3A_516, %dma_wait3A_532, %dma_wait3A_533] : memref<4096x32x128xf32, #tpu.memory_space<hbm>> -> memref<4x32x128xf32, #tpu.memory_space<hbm>>
        tpu.wait_dma2 semaphore(%run_scoped3A : memref<!tpu.dma_semaphore, #tpu.memory_space<semaphore_mem>>) src(%dma_wait3A_534 : memref<4x32x128xf32, #tpu.memory_space<hbm>>) dst(%arg15 : memref<4x32x128xf32, #tpu.memory_space<vmem>>)
        tpu.yield
      }) : () -> ()
      "tpu.region"() ({
        %run_scoped3A = tpu.sem_alloc : memref<!tpu.dma_semaphore, #tpu.memory_space<semaphore_mem>>
        %dma_start3A_523 = arith.constant 0 : i32
        %dma_start3A_524 = arith.constant 0 : i32
        %dma_start3A_525 = tpu.memref_slice %arg8[%add3A_516, %dma_start3A_523, %dma_start3A_524] : memref<4096x32x128xf32, #tpu.memory_space<hbm>> -> memref<4x32x128xf32, #tpu.memory_space<hbm>>
        %dma_start3A_526 = arith.constant 0 : i32
        %dma_start3A_527 = arith.constant 0 : i32
        %dma_start3A_528 = tpu.memref_slice %arg8[%add3A_516, %dma_start3A_526, %dma_start3A_527] : memref<4096x32x128xf32, #tpu.memory_space<hbm>> -> memref<4x32x128xf32, #tpu.memory_space<hbm>>
        tpu.enqueue_dma source(%arg15 : memref<4x32x128xf32, #tpu.memory_space<vmem>>) target(%dma_start3A_528 : memref<4x32x128xf32, #tpu.memory_space<hbm>>) target_semaphore(%run_scoped3A : memref<!tpu.dma_semaphore, #tpu.memory_space<semaphore_mem>>)
        %dma_wait3A_529 = arith.constant 0 : i32
        %dma_wait3A_530 = arith.constant 0 : i32
        %dma_wait3A_531 = tpu.memref_slice %arg8[%add3A_516, %dma_wait3A_529, %dma_wait3A_530] : memref<4096x32x128xf32, #tpu.memory_space<hbm>> -> memref<4x32x128xf32, #tpu.memory_space<hbm>>
        %dma_wait3A_532 = arith.constant 0 : i32
        %dma_wait3A_533 = arith.constant 0 : i32
        %dma_wait3A_534 = tpu.memref_slice %arg8[%add3A_516, %dma_wait3A_532, %dma_wait3A_533] : memref<4096x32x128xf32, #tpu.memory_space<hbm>> -> memref<4x32x128xf32, #tpu.memory_space<hbm>>
        tpu.wait_dma2 semaphore(%run_scoped3A : memref<!tpu.dma_semaphore, #tpu.memory_space<semaphore_mem>>) src(%arg15 : memref<4x32x128xf32, #tpu.memory_space<vmem>>) dst(%dma_wait3A_534 : memref<4x32x128xf32, #tpu.memory_space<hbm>>)
        tpu.yield
      }) : () -> ()
      %add3A_517 = arith.constant 84 : i32
      %add3A_518 = arith.addi %add3A_4, %add3A_517 : i32
      "tpu.region"() ({
        %run_scoped3A = tpu.sem_alloc : memref<!tpu.dma_semaphore, #tpu.memory_space<semaphore_mem>>
        %dma_start3A_523 = arith.constant 0 : i32
        %dma_start3A_524 = arith.constant 0 : i32
        %dma_start3A_525 = tpu.memref_slice %arg2[%add3A_518, %dma_start3A_523, %dma_start3A_524] : memref<4096x32x128xf32, #tpu.memory_space<hbm>> -> memref<4x32x128xf32, #tpu.memory_space<hbm>>
        %dma_start3A_526 = arith.constant 0 : i32
        %dma_start3A_527 = arith.constant 0 : i32
        %dma_start3A_528 = tpu.memref_slice %arg2[%add3A_518, %dma_start3A_526, %dma_start3A_527] : memref<4096x32x128xf32, #tpu.memory_space<hbm>> -> memref<4x32x128xf32, #tpu.memory_space<hbm>>
        tpu.enqueue_dma source(%dma_start3A_528 : memref<4x32x128xf32, #tpu.memory_space<hbm>>) target(%arg13 : memref<4x32x128xf32, #tpu.memory_space<vmem>>) target_semaphore(%run_scoped3A : memref<!tpu.dma_semaphore, #tpu.memory_space<semaphore_mem>>)
        %dma_wait3A_529 = arith.constant 0 : i32
        %dma_wait3A_530 = arith.constant 0 : i32
        %dma_wait3A_531 = tpu.memref_slice %arg2[%add3A_518, %dma_wait3A_529, %dma_wait3A_530] : memref<4096x32x128xf32, #tpu.memory_space<hbm>> -> memref<4x32x128xf32, #tpu.memory_space<hbm>>
        %dma_wait3A_532 = arith.constant 0 : i32
        %dma_wait3A_533 = arith.constant 0 : i32
        %dma_wait3A_534 = tpu.memref_slice %arg2[%add3A_518, %dma_wait3A_532, %dma_wait3A_533] : memref<4096x32x128xf32, #tpu.memory_space<hbm>> -> memref<4x32x128xf32, #tpu.memory_space<hbm>>
        tpu.wait_dma2 semaphore(%run_scoped3A : memref<!tpu.dma_semaphore, #tpu.memory_space<semaphore_mem>>) src(%dma_wait3A_534 : memref<4x32x128xf32, #tpu.memory_space<hbm>>) dst(%arg13 : memref<4x32x128xf32, #tpu.memory_space<vmem>>)
        tpu.yield
      }) : () -> ()
      "tpu.region"() ({
        %run_scoped3A = tpu.sem_alloc : memref<!tpu.dma_semaphore, #tpu.memory_space<semaphore_mem>>
        %dma_start3A_523 = arith.constant 0 : i32
        %dma_start3A_524 = arith.constant 0 : i32
        %dma_start3A_525 = tpu.memref_slice %arg7[%add3A_518, %dma_start3A_523, %dma_start3A_524] : memref<4096x32x128xf32, #tpu.memory_space<hbm>> -> memref<4x32x128xf32, #tpu.memory_space<hbm>>
        %dma_start3A_526 = arith.constant 0 : i32
        %dma_start3A_527 = arith.constant 0 : i32
        %dma_start3A_528 = tpu.memref_slice %arg7[%add3A_518, %dma_start3A_526, %dma_start3A_527] : memref<4096x32x128xf32, #tpu.memory_space<hbm>> -> memref<4x32x128xf32, #tpu.memory_space<hbm>>
        tpu.enqueue_dma source(%arg13 : memref<4x32x128xf32, #tpu.memory_space<vmem>>) target(%dma_start3A_528 : memref<4x32x128xf32, #tpu.memory_space<hbm>>) target_semaphore(%run_scoped3A : memref<!tpu.dma_semaphore, #tpu.memory_space<semaphore_mem>>)
        %dma_wait3A_529 = arith.constant 0 : i32
        %dma_wait3A_530 = arith.constant 0 : i32
        %dma_wait3A_531 = tpu.memref_slice %arg7[%add3A_518, %dma_wait3A_529, %dma_wait3A_530] : memref<4096x32x128xf32, #tpu.memory_space<hbm>> -> memref<4x32x128xf32, #tpu.memory_space<hbm>>
        %dma_wait3A_532 = arith.constant 0 : i32
        %dma_wait3A_533 = arith.constant 0 : i32
        %dma_wait3A_534 = tpu.memref_slice %arg7[%add3A_518, %dma_wait3A_532, %dma_wait3A_533] : memref<4096x32x128xf32, #tpu.memory_space<hbm>> -> memref<4x32x128xf32, #tpu.memory_space<hbm>>
        tpu.wait_dma2 semaphore(%run_scoped3A : memref<!tpu.dma_semaphore, #tpu.memory_space<semaphore_mem>>) src(%arg13 : memref<4x32x128xf32, #tpu.memory_space<vmem>>) dst(%dma_wait3A_534 : memref<4x32x128xf32, #tpu.memory_space<hbm>>)
        tpu.yield
      }) : () -> ()
      "tpu.region"() ({
        %run_scoped3A = tpu.sem_alloc : memref<!tpu.dma_semaphore, #tpu.memory_space<semaphore_mem>>
        %dma_start3A_523 = arith.constant 0 : i32
        %dma_start3A_524 = arith.constant 0 : i32
        %dma_start3A_525 = tpu.memref_slice %arg3[%add3A_518, %dma_start3A_523, %dma_start3A_524] : memref<4096x32x128xf32, #tpu.memory_space<hbm>> -> memref<4x32x128xf32, #tpu.memory_space<hbm>>
        %dma_start3A_526 = arith.constant 0 : i32
        %dma_start3A_527 = arith.constant 0 : i32
        %dma_start3A_528 = tpu.memref_slice %arg3[%add3A_518, %dma_start3A_526, %dma_start3A_527] : memref<4096x32x128xf32, #tpu.memory_space<hbm>> -> memref<4x32x128xf32, #tpu.memory_space<hbm>>
        tpu.enqueue_dma source(%dma_start3A_528 : memref<4x32x128xf32, #tpu.memory_space<hbm>>) target(%arg15 : memref<4x32x128xf32, #tpu.memory_space<vmem>>) target_semaphore(%run_scoped3A : memref<!tpu.dma_semaphore, #tpu.memory_space<semaphore_mem>>)
        %dma_wait3A_529 = arith.constant 0 : i32
        %dma_wait3A_530 = arith.constant 0 : i32
        %dma_wait3A_531 = tpu.memref_slice %arg3[%add3A_518, %dma_wait3A_529, %dma_wait3A_530] : memref<4096x32x128xf32, #tpu.memory_space<hbm>> -> memref<4x32x128xf32, #tpu.memory_space<hbm>>
        %dma_wait3A_532 = arith.constant 0 : i32
        %dma_wait3A_533 = arith.constant 0 : i32
        %dma_wait3A_534 = tpu.memref_slice %arg3[%add3A_518, %dma_wait3A_532, %dma_wait3A_533] : memref<4096x32x128xf32, #tpu.memory_space<hbm>> -> memref<4x32x128xf32, #tpu.memory_space<hbm>>
        tpu.wait_dma2 semaphore(%run_scoped3A : memref<!tpu.dma_semaphore, #tpu.memory_space<semaphore_mem>>) src(%dma_wait3A_534 : memref<4x32x128xf32, #tpu.memory_space<hbm>>) dst(%arg15 : memref<4x32x128xf32, #tpu.memory_space<vmem>>)
        tpu.yield
      }) : () -> ()
      "tpu.region"() ({
        %run_scoped3A = tpu.sem_alloc : memref<!tpu.dma_semaphore, #tpu.memory_space<semaphore_mem>>
        %dma_start3A_523 = arith.constant 0 : i32
        %dma_start3A_524 = arith.constant 0 : i32
        %dma_start3A_525 = tpu.memref_slice %arg8[%add3A_518, %dma_start3A_523, %dma_start3A_524] : memref<4096x32x128xf32, #tpu.memory_space<hbm>> -> memref<4x32x128xf32, #tpu.memory_space<hbm>>
        %dma_start3A_526 = arith.constant 0 : i32
        %dma_start3A_527 = arith.constant 0 : i32
        %dma_start3A_528 = tpu.memref_slice %arg8[%add3A_518, %dma_start3A_526, %dma_start3A_527] : memref<4096x32x128xf32, #tpu.memory_space<hbm>> -> memref<4x32x128xf32, #tpu.memory_space<hbm>>
        tpu.enqueue_dma source(%arg15 : memref<4x32x128xf32, #tpu.memory_space<vmem>>) target(%dma_start3A_528 : memref<4x32x128xf32, #tpu.memory_space<hbm>>) target_semaphore(%run_scoped3A : memref<!tpu.dma_semaphore, #tpu.memory_space<semaphore_mem>>)
        %dma_wait3A_529 = arith.constant 0 : i32
        %dma_wait3A_530 = arith.constant 0 : i32
        %dma_wait3A_531 = tpu.memref_slice %arg8[%add3A_518, %dma_wait3A_529, %dma_wait3A_530] : memref<4096x32x128xf32, #tpu.memory_space<hbm>> -> memref<4x32x128xf32, #tpu.memory_space<hbm>>
        %dma_wait3A_532 = arith.constant 0 : i32
        %dma_wait3A_533 = arith.constant 0 : i32
        %dma_wait3A_534 = tpu.memref_slice %arg8[%add3A_518, %dma_wait3A_532, %dma_wait3A_533] : memref<4096x32x128xf32, #tpu.memory_space<hbm>> -> memref<4x32x128xf32, #tpu.memory_space<hbm>>
        tpu.wait_dma2 semaphore(%run_scoped3A : memref<!tpu.dma_semaphore, #tpu.memory_space<semaphore_mem>>) src(%arg15 : memref<4x32x128xf32, #tpu.memory_space<vmem>>) dst(%dma_wait3A_534 : memref<4x32x128xf32, #tpu.memory_space<hbm>>)
        tpu.yield
      }) : () -> ()
      %add3A_519 = arith.constant 88 : i32
      %add3A_520 = arith.addi %add3A_4, %add3A_519 : i32
      "tpu.region"() ({
        %run_scoped3A = tpu.sem_alloc : memref<!tpu.dma_semaphore, #tpu.memory_space<semaphore_mem>>
        %dma_start3A_523 = arith.constant 0 : i32
        %dma_start3A_524 = arith.constant 0 : i32
        %dma_start3A_525 = tpu.memref_slice %arg2[%add3A_520, %dma_start3A_523, %dma_start3A_524] : memref<4096x32x128xf32, #tpu.memory_space<hbm>> -> memref<4x32x128xf32, #tpu.memory_space<hbm>>
        %dma_start3A_526 = arith.constant 0 : i32
        %dma_start3A_527 = arith.constant 0 : i32
        %dma_start3A_528 = tpu.memref_slice %arg2[%add3A_520, %dma_start3A_526, %dma_start3A_527] : memref<4096x32x128xf32, #tpu.memory_space<hbm>> -> memref<4x32x128xf32, #tpu.memory_space<hbm>>
        tpu.enqueue_dma source(%dma_start3A_528 : memref<4x32x128xf32, #tpu.memory_space<hbm>>) target(%arg13 : memref<4x32x128xf32, #tpu.memory_space<vmem>>) target_semaphore(%run_scoped3A : memref<!tpu.dma_semaphore, #tpu.memory_space<semaphore_mem>>)
        %dma_wait3A_529 = arith.constant 0 : i32
        %dma_wait3A_530 = arith.constant 0 : i32
        %dma_wait3A_531 = tpu.memref_slice %arg2[%add3A_520, %dma_wait3A_529, %dma_wait3A_530] : memref<4096x32x128xf32, #tpu.memory_space<hbm>> -> memref<4x32x128xf32, #tpu.memory_space<hbm>>
        %dma_wait3A_532 = arith.constant 0 : i32
        %dma_wait3A_533 = arith.constant 0 : i32
        %dma_wait3A_534 = tpu.memref_slice %arg2[%add3A_520, %dma_wait3A_532, %dma_wait3A_533] : memref<4096x32x128xf32, #tpu.memory_space<hbm>> -> memref<4x32x128xf32, #tpu.memory_space<hbm>>
        tpu.wait_dma2 semaphore(%run_scoped3A : memref<!tpu.dma_semaphore, #tpu.memory_space<semaphore_mem>>) src(%dma_wait3A_534 : memref<4x32x128xf32, #tpu.memory_space<hbm>>) dst(%arg13 : memref<4x32x128xf32, #tpu.memory_space<vmem>>)
        tpu.yield
      }) : () -> ()
      "tpu.region"() ({
        %run_scoped3A = tpu.sem_alloc : memref<!tpu.dma_semaphore, #tpu.memory_space<semaphore_mem>>
        %dma_start3A_523 = arith.constant 0 : i32
        %dma_start3A_524 = arith.constant 0 : i32
        %dma_start3A_525 = tpu.memref_slice %arg7[%add3A_520, %dma_start3A_523, %dma_start3A_524] : memref<4096x32x128xf32, #tpu.memory_space<hbm>> -> memref<4x32x128xf32, #tpu.memory_space<hbm>>
        %dma_start3A_526 = arith.constant 0 : i32
        %dma_start3A_527 = arith.constant 0 : i32
        %dma_start3A_528 = tpu.memref_slice %arg7[%add3A_520, %dma_start3A_526, %dma_start3A_527] : memref<4096x32x128xf32, #tpu.memory_space<hbm>> -> memref<4x32x128xf32, #tpu.memory_space<hbm>>
        tpu.enqueue_dma source(%arg13 : memref<4x32x128xf32, #tpu.memory_space<vmem>>) target(%dma_start3A_528 : memref<4x32x128xf32, #tpu.memory_space<hbm>>) target_semaphore(%run_scoped3A : memref<!tpu.dma_semaphore, #tpu.memory_space<semaphore_mem>>)
        %dma_wait3A_529 = arith.constant 0 : i32
        %dma_wait3A_530 = arith.constant 0 : i32
        %dma_wait3A_531 = tpu.memref_slice %arg7[%add3A_520, %dma_wait3A_529, %dma_wait3A_530] : memref<4096x32x128xf32, #tpu.memory_space<hbm>> -> memref<4x32x128xf32, #tpu.memory_space<hbm>>
        %dma_wait3A_532 = arith.constant 0 : i32
        %dma_wait3A_533 = arith.constant 0 : i32
        %dma_wait3A_534 = tpu.memref_slice %arg7[%add3A_520, %dma_wait3A_532, %dma_wait3A_533] : memref<4096x32x128xf32, #tpu.memory_space<hbm>> -> memref<4x32x128xf32, #tpu.memory_space<hbm>>
        tpu.wait_dma2 semaphore(%run_scoped3A : memref<!tpu.dma_semaphore, #tpu.memory_space<semaphore_mem>>) src(%arg13 : memref<4x32x128xf32, #tpu.memory_space<vmem>>) dst(%dma_wait3A_534 : memref<4x32x128xf32, #tpu.memory_space<hbm>>)
        tpu.yield
      }) : () -> ()
      "tpu.region"() ({
        %run_scoped3A = tpu.sem_alloc : memref<!tpu.dma_semaphore, #tpu.memory_space<semaphore_mem>>
        %dma_start3A_523 = arith.constant 0 : i32
        %dma_start3A_524 = arith.constant 0 : i32
        %dma_start3A_525 = tpu.memref_slice %arg3[%add3A_520, %dma_start3A_523, %dma_start3A_524] : memref<4096x32x128xf32, #tpu.memory_space<hbm>> -> memref<4x32x128xf32, #tpu.memory_space<hbm>>
        %dma_start3A_526 = arith.constant 0 : i32
        %dma_start3A_527 = arith.constant 0 : i32
        %dma_start3A_528 = tpu.memref_slice %arg3[%add3A_520, %dma_start3A_526, %dma_start3A_527] : memref<4096x32x128xf32, #tpu.memory_space<hbm>> -> memref<4x32x128xf32, #tpu.memory_space<hbm>>
        tpu.enqueue_dma source(%dma_start3A_528 : memref<4x32x128xf32, #tpu.memory_space<hbm>>) target(%arg15 : memref<4x32x128xf32, #tpu.memory_space<vmem>>) target_semaphore(%run_scoped3A : memref<!tpu.dma_semaphore, #tpu.memory_space<semaphore_mem>>)
        %dma_wait3A_529 = arith.constant 0 : i32
        %dma_wait3A_530 = arith.constant 0 : i32
        %dma_wait3A_531 = tpu.memref_slice %arg3[%add3A_520, %dma_wait3A_529, %dma_wait3A_530] : memref<4096x32x128xf32, #tpu.memory_space<hbm>> -> memref<4x32x128xf32, #tpu.memory_space<hbm>>
        %dma_wait3A_532 = arith.constant 0 : i32
        %dma_wait3A_533 = arith.constant 0 : i32
        %dma_wait3A_534 = tpu.memref_slice %arg3[%add3A_520, %dma_wait3A_532, %dma_wait3A_533] : memref<4096x32x128xf32, #tpu.memory_space<hbm>> -> memref<4x32x128xf32, #tpu.memory_space<hbm>>
        tpu.wait_dma2 semaphore(%run_scoped3A : memref<!tpu.dma_semaphore, #tpu.memory_space<semaphore_mem>>) src(%dma_wait3A_534 : memref<4x32x128xf32, #tpu.memory_space<hbm>>) dst(%arg15 : memref<4x32x128xf32, #tpu.memory_space<vmem>>)
        tpu.yield
      }) : () -> ()
      "tpu.region"() ({
        %run_scoped3A = tpu.sem_alloc : memref<!tpu.dma_semaphore, #tpu.memory_space<semaphore_mem>>
        %dma_start3A_523 = arith.constant 0 : i32
        %dma_start3A_524 = arith.constant 0 : i32
        %dma_start3A_525 = tpu.memref_slice %arg8[%add3A_520, %dma_start3A_523, %dma_start3A_524] : memref<4096x32x128xf32, #tpu.memory_space<hbm>> -> memref<4x32x128xf32, #tpu.memory_space<hbm>>
        %dma_start3A_526 = arith.constant 0 : i32
        %dma_start3A_527 = arith.constant 0 : i32
        %dma_start3A_528 = tpu.memref_slice %arg8[%add3A_520, %dma_start3A_526, %dma_start3A_527] : memref<4096x32x128xf32, #tpu.memory_space<hbm>> -> memref<4x32x128xf32, #tpu.memory_space<hbm>>
        tpu.enqueue_dma source(%arg15 : memref<4x32x128xf32, #tpu.memory_space<vmem>>) target(%dma_start3A_528 : memref<4x32x128xf32, #tpu.memory_space<hbm>>) target_semaphore(%run_scoped3A : memref<!tpu.dma_semaphore, #tpu.memory_space<semaphore_mem>>)
        %dma_wait3A_529 = arith.constant 0 : i32
        %dma_wait3A_530 = arith.constant 0 : i32
        %dma_wait3A_531 = tpu.memref_slice %arg8[%add3A_520, %dma_wait3A_529, %dma_wait3A_530] : memref<4096x32x128xf32, #tpu.memory_space<hbm>> -> memref<4x32x128xf32, #tpu.memory_space<hbm>>
        %dma_wait3A_532 = arith.constant 0 : i32
        %dma_wait3A_533 = arith.constant 0 : i32
        %dma_wait3A_534 = tpu.memref_slice %arg8[%add3A_520, %dma_wait3A_532, %dma_wait3A_533] : memref<4096x32x128xf32, #tpu.memory_space<hbm>> -> memref<4x32x128xf32, #tpu.memory_space<hbm>>
        tpu.wait_dma2 semaphore(%run_scoped3A : memref<!tpu.dma_semaphore, #tpu.memory_space<semaphore_mem>>) src(%arg15 : memref<4x32x128xf32, #tpu.memory_space<vmem>>) dst(%dma_wait3A_534 : memref<4x32x128xf32, #tpu.memory_space<hbm>>)
        tpu.yield
      }) : () -> ()
      %add3A_521 = arith.constant 92 : i32
      %add3A_522 = arith.addi %add3A_4, %add3A_521 : i32
      "tpu.region"() ({
        %run_scoped3A = tpu.sem_alloc : memref<!tpu.dma_semaphore, #tpu.memory_space<semaphore_mem>>
        %dma_start3A_523 = arith.constant 0 : i32
        %dma_start3A_524 = arith.constant 0 : i32
        %dma_start3A_525 = tpu.memref_slice %arg2[%add3A_522, %dma_start3A_523, %dma_start3A_524] : memref<4096x32x128xf32, #tpu.memory_space<hbm>> -> memref<4x32x128xf32, #tpu.memory_space<hbm>>
        %dma_start3A_526 = arith.constant 0 : i32
        %dma_start3A_527 = arith.constant 0 : i32
        %dma_start3A_528 = tpu.memref_slice %arg2[%add3A_522, %dma_start3A_526, %dma_start3A_527] : memref<4096x32x128xf32, #tpu.memory_space<hbm>> -> memref<4x32x128xf32, #tpu.memory_space<hbm>>
        tpu.enqueue_dma source(%dma_start3A_528 : memref<4x32x128xf32, #tpu.memory_space<hbm>>) target(%arg13 : memref<4x32x128xf32, #tpu.memory_space<vmem>>) target_semaphore(%run_scoped3A : memref<!tpu.dma_semaphore, #tpu.memory_space<semaphore_mem>>)
        %dma_wait3A_529 = arith.constant 0 : i32
        %dma_wait3A_530 = arith.constant 0 : i32
        %dma_wait3A_531 = tpu.memref_slice %arg2[%add3A_522, %dma_wait3A_529, %dma_wait3A_530] : memref<4096x32x128xf32, #tpu.memory_space<hbm>> -> memref<4x32x128xf32, #tpu.memory_space<hbm>>
        %dma_wait3A_532 = arith.constant 0 : i32
        %dma_wait3A_533 = arith.constant 0 : i32
        %dma_wait3A_534 = tpu.memref_slice %arg2[%add3A_522, %dma_wait3A_532, %dma_wait3A_533] : memref<4096x32x128xf32, #tpu.memory_space<hbm>> -> memref<4x32x128xf32, #tpu.memory_space<hbm>>
        tpu.wait_dma2 semaphore(%run_scoped3A : memref<!tpu.dma_semaphore, #tpu.memory_space<semaphore_mem>>) src(%dma_wait3A_534 : memref<4x32x128xf32, #tpu.memory_space<hbm>>) dst(%arg13 : memref<4x32x128xf32, #tpu.memory_space<vmem>>)
        tpu.yield
      }) : () -> ()
      "tpu.region"() ({
        %run_scoped3A = tpu.sem_alloc : memref<!tpu.dma_semaphore, #tpu.memory_space<semaphore_mem>>
        %dma_start3A_523 = arith.constant 0 : i32
        %dma_start3A_524 = arith.constant 0 : i32
        %dma_start3A_525 = tpu.memref_slice %arg7[%add3A_522, %dma_start3A_523, %dma_start3A_524] : memref<4096x32x128xf32, #tpu.memory_space<hbm>> -> memref<4x32x128xf32, #tpu.memory_space<hbm>>
        %dma_start3A_526 = arith.constant 0 : i32
        %dma_start3A_527 = arith.constant 0 : i32
        %dma_start3A_528 = tpu.memref_slice %arg7[%add3A_522, %dma_start3A_526, %dma_start3A_527] : memref<4096x32x128xf32, #tpu.memory_space<hbm>> -> memref<4x32x128xf32, #tpu.memory_space<hbm>>
        tpu.enqueue_dma source(%arg13 : memref<4x32x128xf32, #tpu.memory_space<vmem>>) target(%dma_start3A_528 : memref<4x32x128xf32, #tpu.memory_space<hbm>>) target_semaphore(%run_scoped3A : memref<!tpu.dma_semaphore, #tpu.memory_space<semaphore_mem>>)
        %dma_wait3A_529 = arith.constant 0 : i32
        %dma_wait3A_530 = arith.constant 0 : i32
        %dma_wait3A_531 = tpu.memref_slice %arg7[%add3A_522, %dma_wait3A_529, %dma_wait3A_530] : memref<4096x32x128xf32, #tpu.memory_space<hbm>> -> memref<4x32x128xf32, #tpu.memory_space<hbm>>
        %dma_wait3A_532 = arith.constant 0 : i32
        %dma_wait3A_533 = arith.constant 0 : i32
        %dma_wait3A_534 = tpu.memref_slice %arg7[%add3A_522, %dma_wait3A_532, %dma_wait3A_533] : memref<4096x32x128xf32, #tpu.memory_space<hbm>> -> memref<4x32x128xf32, #tpu.memory_space<hbm>>
        tpu.wait_dma2 semaphore(%run_scoped3A : memref<!tpu.dma_semaphore, #tpu.memory_space<semaphore_mem>>) src(%arg13 : memref<4x32x128xf32, #tpu.memory_space<vmem>>) dst(%dma_wait3A_534 : memref<4x32x128xf32, #tpu.memory_space<hbm>>)
        tpu.yield
      }) : () -> ()
      "tpu.region"() ({
        %run_scoped3A = tpu.sem_alloc : memref<!tpu.dma_semaphore, #tpu.memory_space<semaphore_mem>>
        %dma_start3A_523 = arith.constant 0 : i32
        %dma_start3A_524 = arith.constant 0 : i32
        %dma_start3A_525 = tpu.memref_slice %arg3[%add3A_522, %dma_start3A_523, %dma_start3A_524] : memref<4096x32x128xf32, #tpu.memory_space<hbm>> -> memref<4x32x128xf32, #tpu.memory_space<hbm>>
        %dma_start3A_526 = arith.constant 0 : i32
        %dma_start3A_527 = arith.constant 0 : i32
        %dma_start3A_528 = tpu.memref_slice %arg3[%add3A_522, %dma_start3A_526, %dma_start3A_527] : memref<4096x32x128xf32, #tpu.memory_space<hbm>> -> memref<4x32x128xf32, #tpu.memory_space<hbm>>
        tpu.enqueue_dma source(%dma_start3A_528 : memref<4x32x128xf32, #tpu.memory_space<hbm>>) target(%arg15 : memref<4x32x128xf32, #tpu.memory_space<vmem>>) target_semaphore(%run_scoped3A : memref<!tpu.dma_semaphore, #tpu.memory_space<semaphore_mem>>)
        %dma_wait3A_529 = arith.constant 0 : i32
        %dma_wait3A_530 = arith.constant 0 : i32
        %dma_wait3A_531 = tpu.memref_slice %arg3[%add3A_522, %dma_wait3A_529, %dma_wait3A_530] : memref<4096x32x128xf32, #tpu.memory_space<hbm>> -> memref<4x32x128xf32, #tpu.memory_space<hbm>>
        %dma_wait3A_532 = arith.constant 0 : i32
        %dma_wait3A_533 = arith.constant 0 : i32
        %dma_wait3A_534 = tpu.memref_slice %arg3[%add3A_522, %dma_wait3A_532, %dma_wait3A_533] : memref<4096x32x128xf32, #tpu.memory_space<hbm>> -> memref<4x32x128xf32, #tpu.memory_space<hbm>>
        tpu.wait_dma2 semaphore(%run_scoped3A : memref<!tpu.dma_semaphore, #tpu.memory_space<semaphore_mem>>) src(%dma_wait3A_534 : memref<4x32x128xf32, #tpu.memory_space<hbm>>) dst(%arg15 : memref<4x32x128xf32, #tpu.memory_space<vmem>>)
        tpu.yield
      }) : () -> ()
      "tpu.region"() ({
        %run_scoped3A = tpu.sem_alloc : memref<!tpu.dma_semaphore, #tpu.memory_space<semaphore_mem>>
        %dma_start3A_523 = arith.constant 0 : i32
        %dma_start3A_524 = arith.constant 0 : i32
        %dma_start3A_525 = tpu.memref_slice %arg8[%add3A_522, %dma_start3A_523, %dma_start3A_524] : memref<4096x32x128xf32, #tpu.memory_space<hbm>> -> memref<4x32x128xf32, #tpu.memory_space<hbm>>
        %dma_start3A_526 = arith.constant 0 : i32
        %dma_start3A_527 = arith.constant 0 : i32
        %dma_start3A_528 = tpu.memref_slice %arg8[%add3A_522, %dma_start3A_526, %dma_start3A_527] : memref<4096x32x128xf32, #tpu.memory_space<hbm>> -> memref<4x32x128xf32, #tpu.memory_space<hbm>>
        tpu.enqueue_dma source(%arg15 : memref<4x32x128xf32, #tpu.memory_space<vmem>>) target(%dma_start3A_528 : memref<4x32x128xf32, #tpu.memory_space<hbm>>) target_semaphore(%run_scoped3A : memref<!tpu.dma_semaphore, #tpu.memory_space<semaphore_mem>>)
        %dma_wait3A_529 = arith.constant 0 : i32
        %dma_wait3A_530 = arith.constant 0 : i32
        %dma_wait3A_531 = tpu.memref_slice %arg8[%add3A_522, %dma_wait3A_529, %dma_wait3A_530] : memref<4096x32x128xf32, #tpu.memory_space<hbm>> -> memref<4x32x128xf32, #tpu.memory_space<hbm>>
        %dma_wait3A_532 = arith.constant 0 : i32
        %dma_wait3A_533 = arith.constant 0 : i32
        %dma_wait3A_534 = tpu.memref_slice %arg8[%add3A_522, %dma_wait3A_532, %dma_wait3A_533] : memref<4096x32x128xf32, #tpu.memory_space<hbm>> -> memref<4x32x128xf32, #tpu.memory_space<hbm>>
        tpu.wait_dma2 semaphore(%run_scoped3A : memref<!tpu.dma_semaphore, #tpu.memory_space<semaphore_mem>>) src(%arg15 : memref<4x32x128xf32, #tpu.memory_space<vmem>>) dst(%dma_wait3A_534 : memref<4x32x128xf32, #tpu.memory_space<hbm>>)
        tpu.yield
      }) : () -> ()
    } else {
    }
    return
  }
}

module attributes {stable_mosaic.version = 14 : i64} {
  func.func @_tc_select_body(%arg0: i32, %arg1: memref<1xi32, #tpu.memory_space<smem>>, %arg2: memref<512x32x128xf32, #tpu.memory_space<vmem>>, %arg3: memref<32x128xi32, #tpu.memory_space<vmem>>, %arg4: memref<32x128xi32, #tpu.memory_space<vmem>>, %arg5: memref<8x128xi32, #tpu.memory_space<vmem>>, %arg6: memref<8x4x128xi32, #tpu.memory_space<vmem>>) attributes {dimension_semantics = [#tpu.dimension_semantics<arbitrary>], iteration_bounds = array<i64: 8>, scalar_prefetch = 0 : i64, scratch_operands = 1 : i64, tpu.core_type = #tpu.core_type<tc>, window_params = [{transform_indices = @transform_0, window_bounds = array<i64: 1>}, {transform_indices = @transform_1, window_bounds = array<i64: 512, 32, 128>}, {pipeline_mode = #tpu.pipeline_mode<synchronous>, transform_indices = @transform_2, window_bounds = array<i64: 32, 128>}, {pipeline_mode = #tpu.pipeline_mode<synchronous>, transform_indices = @transform_3, window_bounds = array<i64: 32, 128>}, {pipeline_mode = #tpu.pipeline_mode<synchronous>, transform_indices = @transform_4, window_bounds = array<i64: 8, 128>}]} {
    %get3A = arith.constant 0 : index
    %get3A_0 = arith.constant 0 : index
    %get3A_1 = arith.constant 0 : index
    %get3A_2 = vector.load %arg2[%get3A, %get3A_0, %get3A_1] : memref<512x32x128xf32, #tpu.memory_space<vmem>>, vector<512x32x128xf32>
    %ne3A = arith.constant 0.000000e+00 : f32
    %ne3A_3 = vector.broadcast %ne3A : f32 to vector<512x32x128xf32>
    %ne3A_4 = arith.cmpf one, %get3A_2, %ne3A_3 : vector<512x32x128xf32>
    %reduce_or3A = arith.constant 1.000000e+00 : f32
    %reduce_or3A_5 = arith.constant 0.000000e+00 : f32
    %reduce_or3A_6 = vector.broadcast %reduce_or3A : f32 to vector<512x32x128xf32>
    %reduce_or3A_7 = vector.broadcast %reduce_or3A_5 : f32 to vector<512x32x128xf32>
    %reduce_or3A_8 = arith.select %ne3A_4, %reduce_or3A_6, %reduce_or3A_7 : vector<512x32x128xi1>, vector<512x32x128xf32>
    %reduce_or3A_9 = arith.constant dense<0xFF800000> : vector<512xf32>
    %reduce_or3A_10 = vector.multi_reduction <maximumf>, %reduce_or3A_8, %reduce_or3A_9 [1, 2] : vector<512x32x128xf32> to vector<512xf32>
    %reduce_or3A_11 = arith.constant 0.000000e+00 : f32
    %reduce_or3A_12 = vector.broadcast %reduce_or3A_11 : f32 to vector<512xf32>
    %reduce_or3A_13 = arith.cmpf ogt, %reduce_or3A_10, %reduce_or3A_12 : vector<512xf32>
    %reshape3A = vector.shape_cast %reduce_or3A_13 : vector<512xi1> to vector<4x128xi1>
    %convert_element_type3A = arith.extui %reshape3A : vector<4x128xi1> to vector<4x128xi32>
    %swap3A = arith.index_cast %arg0 : i32 to index
    %swap3A_14 = arith.constant 0 : index
    %swap3A_15 = arith.constant 0 : index
    %swap3A_16 = vector.load %arg6[%swap3A, %swap3A_14, %swap3A_15] : memref<8x4x128xi32, #tpu.memory_space<vmem>>, vector<1x4x128xi32>
    %swap3A_17 = vector.shape_cast %swap3A_16 : vector<1x4x128xi32> to vector<4x128xi32>
    %swap3A_18 = vector.shape_cast %convert_element_type3A : vector<4x128xi32> to vector<1x4x128xi32>
    tpu.vector_store %arg6[%swap3A, %swap3A_14, %swap3A_15], %swap3A_18 {strides = array<i32>} : memref<8x4x128xi32, #tpu.memory_space<vmem>>, vector<1x4x128xi32>,
    %eq3A = arith.constant 7 : i32
    %eq3A_19 = arith.cmpi eq, %arg0, %eq3A : i32
    %convert_element_type3A_20 = arith.extui %eq3A_19 : i1 to i32
    %cond3A = arith.constant 0 : i32
    %cond3A_21 = arith.cmpi ne, %convert_element_type3A_20, %cond3A : i32
    scf.if %cond3A_21 {
      %get3A_22 = arith.constant 0 : index
      %get3A_23 = arith.constant 0 : index
      %get3A_24 = arith.constant 0 : index
      %get3A_25 = vector.load %arg6[%get3A_22, %get3A_23, %get3A_24] : memref<8x4x128xi32, #tpu.memory_space<vmem>>, vector<8x4x128xi32>
      %reshape3A_26 = vector.shape_cast %get3A_25 : vector<8x4x128xi32> to vector<32x128xi32>
      %reduce_sum3A = vector.shape_cast %reshape3A_26 : vector<32x128xi32> to vector<1x32x128xi32>
      %reduce_sum3A_27 = arith.constant dense<0> : vector<1xi32>
      %reduce_sum3A_28 = vector.multi_reduction <add>, %reduce_sum3A, %reduce_sum3A_27 [1, 2] : vector<1x32x128xi32> to vector<1xi32>
      %reduce_sum3A_29 = vector.shape_cast %reduce_sum3A_28 : vector<1xi32> to vector<1x1x1xi32>
      %reduce_sum3A_30 = vector.extract %reduce_sum3A_29[0, 0, 0] : i32 from vector<1x1x1xi32>
      %gt3A = arith.constant 1024 : i32
      %gt3A_31 = arith.cmpi sgt, %reduce_sum3A_30, %gt3A : i32
      %convert_element_type3A_32 = arith.extui %gt3A_31 : i1 to i32
      %get3A_33 = arith.constant 0 : index
      %get3A_34 = memref.load %arg1[%get3A_33] : memref<1xi32, #tpu.memory_space<smem>>
      %xor3A = arith.constant 0 : i32
      %xor3A_35 = arith.constant 0 : i32
      %xor3A_36 = arith.xori %xor3A, %xor3A_35 : i32
      %xor3A_37 = arith.constant 466688986 : i32
      %xor3A_38 = arith.xori %xor3A_36, %xor3A_37 : i32
      %add3A = arith.constant 0 : i32
      %add3A_39 = arith.constant 0 : i32
      %add3A_40 = arith.addi %add3A, %add3A_39 : i32
      %add3A_41 = arith.constant 0 : i32
      %add3A_42 = arith.addi %get3A_34, %add3A_41 : i32
      %add3A_43 = arith.addi %add3A_40, %add3A_42 : i32
      %shift_left3A = arith.constant 13 : i32
      %shift_left3A_44 = arith.shli %add3A_42, %shift_left3A : i32
      %shift_right_logical3A = arith.constant 19 : i32
      %shift_right_logical3A_45 = arith.shrui %add3A_42, %shift_right_logical3A : i32
      %or3A = arith.ori %shift_left3A_44, %shift_right_logical3A_45 : i32
      %xor3A_46 = arith.xori %or3A, %add3A_43 : i32
      %add3A_47 = arith.addi %add3A_43, %xor3A_46 : i32
      %shift_left3A_48 = arith.constant 15 : i32
      %shift_left3A_49 = arith.shli %xor3A_46, %shift_left3A_48 : i32
      %shift_right_logical3A_50 = arith.constant 17 : i32
      %shift_right_logical3A_51 = arith.shrui %xor3A_46, %shift_right_logical3A_50 : i32
      %or3A_52 = arith.ori %shift_left3A_49, %shift_right_logical3A_51 : i32
      %xor3A_53 = arith.xori %or3A_52, %add3A_47 : i32
      %add3A_54 = arith.addi %add3A_47, %xor3A_53 : i32
      %shift_left3A_55 = arith.constant 26 : i32
      %shift_left3A_56 = arith.shli %xor3A_53, %shift_left3A_55 : i32
      %shift_right_logical3A_57 = arith.constant 6 : i32
      %shift_right_logical3A_58 = arith.shrui %xor3A_53, %shift_right_logical3A_57 : i32
      %or3A_59 = arith.ori %shift_left3A_56, %shift_right_logical3A_58 : i32
      %xor3A_60 = arith.xori %or3A_59, %add3A_54 : i32
      %add3A_61 = arith.addi %add3A_54, %xor3A_60 : i32
      %shift_left3A_62 = arith.constant 6 : i32
      %shift_left3A_63 = arith.shli %xor3A_60, %shift_left3A_62 : i32
      %shift_right_logical3A_64 = arith.constant 26 : i32
      %shift_right_logical3A_65 = arith.shrui %xor3A_60, %shift_right_logical3A_64 : i32
      %or3A_66 = arith.ori %shift_left3A_63, %shift_right_logical3A_65 : i32
      %xor3A_67 = arith.xori %or3A_66, %add3A_61 : i32
      %add3A_68 = arith.constant 0 : i32
      %add3A_69 = arith.addi %add3A_61, %add3A_68 : i32
      %add3A_70 = arith.addi %xor3A_67, %xor3A_38 : i32
      %add3A_71 = arith.constant 1 : i32
      %add3A_72 = arith.addi %add3A_70, %add3A_71 : i32
      %add3A_73 = arith.addi %add3A_69, %add3A_72 : i32
      %shift_left3A_74 = arith.constant 17 : i32
      %shift_left3A_75 = arith.shli %add3A_72, %shift_left3A_74 : i32
      %shift_right_logical3A_76 = arith.constant 15 : i32
      %shift_right_logical3A_77 = arith.shrui %add3A_72, %shift_right_logical3A_76 : i32
      %or3A_78 = arith.ori %shift_left3A_75, %shift_right_logical3A_77 : i32
      %xor3A_79 = arith.xori %or3A_78, %add3A_73 : i32
      %add3A_80 = arith.addi %add3A_73, %xor3A_79 : i32
      %shift_left3A_81 = arith.constant 29 : i32
      %shift_left3A_82 = arith.shli %xor3A_79, %shift_left3A_81 : i32
      %shift_right_logical3A_83 = arith.constant 3 : i32
      %shift_right_logical3A_84 = arith.shrui %xor3A_79, %shift_right_logical3A_83 : i32
      %or3A_85 = arith.ori %shift_left3A_82, %shift_right_logical3A_84 : i32
      %xor3A_86 = arith.xori %or3A_85, %add3A_80 : i32
      %add3A_87 = arith.addi %add3A_80, %xor3A_86 : i32
      %shift_left3A_88 = arith.constant 16 : i32
      %shift_left3A_89 = arith.shli %xor3A_86, %shift_left3A_88 : i32
      %shift_right_logical3A_90 = arith.constant 16 : i32
      %shift_right_logical3A_91 = arith.shrui %xor3A_86, %shift_right_logical3A_90 : i32
      %or3A_92 = arith.ori %shift_left3A_89, %shift_right_logical3A_91 : i32
      %xor3A_93 = arith.xori %or3A_92, %add3A_87 : i32
      %add3A_94 = arith.addi %add3A_87, %xor3A_93 : i32
      %shift_left3A_95 = arith.constant 24 : i32
      %shift_left3A_96 = arith.shli %xor3A_93, %shift_left3A_95 : i32
      %shift_right_logical3A_97 = arith.constant 8 : i32
      %shift_right_logical3A_98 = arith.shrui %xor3A_93, %shift_right_logical3A_97 : i32
      %or3A_99 = arith.ori %shift_left3A_96, %shift_right_logical3A_98 : i32
      %xor3A_100 = arith.xori %or3A_99, %add3A_94 : i32
      %add3A_101 = arith.addi %add3A_94, %xor3A_38 : i32
      %add3A_102 = arith.constant 0 : i32
      %add3A_103 = arith.addi %xor3A_100, %add3A_102 : i32
      %add3A_104 = arith.constant 2 : i32
      %add3A_105 = arith.addi %add3A_103, %add3A_104 : i32
      %add3A_106 = arith.addi %add3A_101, %add3A_105 : i32
      %shift_left3A_107 = arith.constant 13 : i32
      %shift_left3A_108 = arith.shli %add3A_105, %shift_left3A_107 : i32
      %shift_right_logical3A_109 = arith.constant 19 : i32
      %shift_right_logical3A_110 = arith.shrui %add3A_105, %shift_right_logical3A_109 : i32
      %or3A_111 = arith.ori %shift_left3A_108, %shift_right_logical3A_110 : i32
      %xor3A_112 = arith.xori %or3A_111, %add3A_106 : i32
      %add3A_113 = arith.addi %add3A_106, %xor3A_112 : i32
      %shift_left3A_114 = arith.constant 15 : i32
      %shift_left3A_115 = arith.shli %xor3A_112, %shift_left3A_114 : i32
      %shift_right_logical3A_116 = arith.constant 17 : i32
      %shift_right_logical3A_117 = arith.shrui %xor3A_112, %shift_right_logical3A_116 : i32
      %or3A_118 = arith.ori %shift_left3A_115, %shift_right_logical3A_117 : i32
      %xor3A_119 = arith.xori %or3A_118, %add3A_113 : i32
      %add3A_120 = arith.addi %add3A_113, %xor3A_119 : i32
      %shift_left3A_121 = arith.constant 26 : i32
      %shift_left3A_122 = arith.shli %xor3A_119, %shift_left3A_121 : i32
      %shift_right_logical3A_123 = arith.constant 6 : i32
      %shift_right_logical3A_124 = arith.shrui %xor3A_119, %shift_right_logical3A_123 : i32
      %or3A_125 = arith.ori %shift_left3A_122, %shift_right_logical3A_124 : i32
      %xor3A_126 = arith.xori %or3A_125, %add3A_120 : i32
      %add3A_127 = arith.addi %add3A_120, %xor3A_126 : i32
      %shift_left3A_128 = arith.constant 6 : i32
      %shift_left3A_129 = arith.shli %xor3A_126, %shift_left3A_128 : i32
      %shift_right_logical3A_130 = arith.constant 26 : i32
      %shift_right_logical3A_131 = arith.shrui %xor3A_126, %shift_right_logical3A_130 : i32
      %or3A_132 = arith.ori %shift_left3A_129, %shift_right_logical3A_131 : i32
      %xor3A_133 = arith.xori %or3A_132, %add3A_127 : i32
      %add3A_134 = arith.constant 0 : i32
      %add3A_135 = arith.addi %add3A_127, %add3A_134 : i32
      %add3A_136 = arith.constant 0 : i32
      %add3A_137 = arith.addi %xor3A_133, %add3A_136 : i32
      %add3A_138 = arith.constant 3 : i32
      %add3A_139 = arith.addi %add3A_137, %add3A_138 : i32
      %add3A_140 = arith.addi %add3A_135, %add3A_139 : i32
      %shift_left3A_141 = arith.constant 17 : i32
      %shift_left3A_142 = arith.shli %add3A_139, %shift_left3A_141 : i32
      %shift_right_logical3A_143 = arith.constant 15 : i32
      %shift_right_logical3A_144 = arith.shrui %add3A_139, %shift_right_logical3A_143 : i32
      %or3A_145 = arith.ori %shift_left3A_142, %shift_right_logical3A_144 : i32
      %xor3A_146 = arith.xori %or3A_145, %add3A_140 : i32
      %add3A_147 = arith.addi %add3A_140, %xor3A_146 : i32
      %shift_left3A_148 = arith.constant 29 : i32
      %shift_left3A_149 = arith.shli %xor3A_146, %shift_left3A_148 : i32
      %shift_right_logical3A_150 = arith.constant 3 : i32
      %shift_right_logical3A_151 = arith.shrui %xor3A_146, %shift_right_logical3A_150 : i32
      %or3A_152 = arith.ori %shift_left3A_149, %shift_right_logical3A_151 : i32
      %xor3A_153 = arith.xori %or3A_152, %add3A_147 : i32
      %add3A_154 = arith.addi %add3A_147, %xor3A_153 : i32
      %shift_left3A_155 = arith.constant 16 : i32
      %shift_left3A_156 = arith.shli %xor3A_153, %shift_left3A_155 : i32
      %shift_right_logical3A_157 = arith.constant 16 : i32
      %shift_right_logical3A_158 = arith.shrui %xor3A_153, %shift_right_logical3A_157 : i32
      %or3A_159 = arith.ori %shift_left3A_156, %shift_right_logical3A_158 : i32
      %xor3A_160 = arith.xori %or3A_159, %add3A_154 : i32
      %add3A_161 = arith.addi %add3A_154, %xor3A_160 : i32
      %shift_left3A_162 = arith.constant 24 : i32
      %shift_left3A_163 = arith.shli %xor3A_160, %shift_left3A_162 : i32
      %shift_right_logical3A_164 = arith.constant 8 : i32
      %shift_right_logical3A_165 = arith.shrui %xor3A_160, %shift_right_logical3A_164 : i32
      %or3A_166 = arith.ori %shift_left3A_163, %shift_right_logical3A_165 : i32
      %xor3A_167 = arith.xori %or3A_166, %add3A_161 : i32
      %add3A_168 = arith.constant 0 : i32
      %add3A_169 = arith.addi %add3A_161, %add3A_168 : i32
      %add3A_170 = arith.addi %xor3A_167, %xor3A_38 : i32
      %add3A_171 = arith.constant 4 : i32
      %add3A_172 = arith.addi %add3A_170, %add3A_171 : i32
      %add3A_173 = arith.addi %add3A_169, %add3A_172 : i32
      %shift_left3A_174 = arith.constant 13 : i32
      %shift_left3A_175 = arith.shli %add3A_172, %shift_left3A_174 : i32
      %shift_right_logical3A_176 = arith.constant 19 : i32
      %shift_right_logical3A_177 = arith.shrui %add3A_172, %shift_right_logical3A_176 : i32
      %or3A_178 = arith.ori %shift_left3A_175, %shift_right_logical3A_177 : i32
      %xor3A_179 = arith.xori %or3A_178, %add3A_173 : i32
      %add3A_180 = arith.addi %add3A_173, %xor3A_179 : i32
      %shift_left3A_181 = arith.constant 15 : i32
      %shift_left3A_182 = arith.shli %xor3A_179, %shift_left3A_181 : i32
      %shift_right_logical3A_183 = arith.constant 17 : i32
      %shift_right_logical3A_184 = arith.shrui %xor3A_179, %shift_right_logical3A_183 : i32
      %or3A_185 = arith.ori %shift_left3A_182, %shift_right_logical3A_184 : i32
      %xor3A_186 = arith.xori %or3A_185, %add3A_180 : i32
      %add3A_187 = arith.addi %add3A_180, %xor3A_186 : i32
      %shift_left3A_188 = arith.constant 26 : i32
      %shift_left3A_189 = arith.shli %xor3A_186, %shift_left3A_188 : i32
      %shift_right_logical3A_190 = arith.constant 6 : i32
      %shift_right_logical3A_191 = arith.shrui %xor3A_186, %shift_right_logical3A_190 : i32
      %or3A_192 = arith.ori %shift_left3A_189, %shift_right_logical3A_191 : i32
      %xor3A_193 = arith.xori %or3A_192, %add3A_187 : i32
      %add3A_194 = arith.addi %add3A_187, %xor3A_193 : i32
      %shift_left3A_195 = arith.constant 6 : i32
      %shift_left3A_196 = arith.shli %xor3A_193, %shift_left3A_195 : i32
      %shift_right_logical3A_197 = arith.constant 26 : i32
      %shift_right_logical3A_198 = arith.shrui %xor3A_193, %shift_right_logical3A_197 : i32
      %or3A_199 = arith.ori %shift_left3A_196, %shift_right_logical3A_198 : i32
      %xor3A_200 = arith.xori %or3A_199, %add3A_194 : i32
      %add3A_201 = arith.addi %add3A_194, %xor3A_38 : i32
      %add3A_202 = arith.constant 0 : i32
      %add3A_203 = arith.addi %xor3A_200, %add3A_202 : i32
      %add3A_204 = arith.constant 5 : i32
      %add3A_205 = arith.addi %add3A_203, %add3A_204 : i32
      %iota3A = tpu.iota {dimensions = array<i32: 0>} : vector<32x128xi32>
      %mul3A = arith.constant 128 : i32
      %mul3A_206 = vector.broadcast %mul3A : i32 to vector<32x128xi32>
      %mul3A_207 = arith.muli %iota3A, %mul3A_206 : vector<32x128xi32>
      %iota3A_208 = tpu.iota {dimensions = array<i32: 1>} : vector<32x128xi32>
      %add3A_209 = arith.addi %mul3A_207, %iota3A_208 : vector<32x128xi32>
      %broadcast_in_dim3A = arith.constant 0 : i32
      %broadcast_in_dim3A_210 = vector.broadcast %broadcast_in_dim3A : i32 to vector<32x128xi32>
      %xor3A_211 = arith.xori %add3A_201, %add3A_205 : i32
      %xor3A_212 = arith.constant 466688986 : i32
      %xor3A_213 = arith.xori %xor3A_211, %xor3A_212 : i32
      %add3A_214 = vector.broadcast %add3A_201 : i32 to vector<32x128xi32>
      %add3A_215 = arith.addi %broadcast_in_dim3A_210, %add3A_214 : vector<32x128xi32>
      %add3A_216 = vector.broadcast %add3A_205 : i32 to vector<32x128xi32>
      %add3A_217 = arith.addi %add3A_209, %add3A_216 : vector<32x128xi32>
      %add3A_218 = arith.addi %add3A_215, %add3A_217 : vector<32x128xi32>
      %shift_left3A_219 = arith.constant 13 : i32
      %shift_left3A_220 = vector.broadcast %shift_left3A_219 : i32 to vector<32x128xi32>
      %shift_left3A_221 = arith.shli %add3A_217, %shift_left3A_220 : vector<32x128xi32>
      %shift_right_logical3A_222 = arith.constant 19 : i32
      %shift_right_logical3A_223 = vector.broadcast %shift_right_logical3A_222 : i32 to vector<32x128xi32>
      %shift_right_logical3A_224 = arith.shrui %add3A_217, %shift_right_logical3A_223 : vector<32x128xi32>
      %or3A_225 = arith.ori %shift_left3A_221, %shift_right_logical3A_224 : vector<32x128xi32>
      %xor3A_226 = arith.xori %or3A_225, %add3A_218 : vector<32x128xi32>
      %add3A_227 = arith.addi %add3A_218, %xor3A_226 : vector<32x128xi32>
      %shift_left3A_228 = arith.constant 15 : i32
      %shift_left3A_229 = vector.broadcast %shift_left3A_228 : i32 to vector<32x128xi32>
      %shift_left3A_230 = arith.shli %xor3A_226, %shift_left3A_229 : vector<32x128xi32>
      %shift_right_logical3A_231 = arith.constant 17 : i32
      %shift_right_logical3A_232 = vector.broadcast %shift_right_logical3A_231 : i32 to vector<32x128xi32>
      %shift_right_logical3A_233 = arith.shrui %xor3A_226, %shift_right_logical3A_232 : vector<32x128xi32>
      %or3A_234 = arith.ori %shift_left3A_230, %shift_right_logical3A_233 : vector<32x128xi32>
      %xor3A_235 = arith.xori %or3A_234, %add3A_227 : vector<32x128xi32>
      %add3A_236 = arith.addi %add3A_227, %xor3A_235 : vector<32x128xi32>
      %shift_left3A_237 = arith.constant 26 : i32
      %shift_left3A_238 = vector.broadcast %shift_left3A_237 : i32 to vector<32x128xi32>
      %shift_left3A_239 = arith.shli %xor3A_235, %shift_left3A_238 : vector<32x128xi32>
      %shift_right_logical3A_240 = arith.constant 6 : i32
      %shift_right_logical3A_241 = vector.broadcast %shift_right_logical3A_240 : i32 to vector<32x128xi32>
      %shift_right_logical3A_242 = arith.shrui %xor3A_235, %shift_right_logical3A_241 : vector<32x128xi32>
      %or3A_243 = arith.ori %shift_left3A_239, %shift_right_logical3A_242 : vector<32x128xi32>
      %xor3A_244 = arith.xori %or3A_243, %add3A_236 : vector<32x128xi32>
      %add3A_245 = arith.addi %add3A_236, %xor3A_244 : vector<32x128xi32>
      %shift_left3A_246 = arith.constant 6 : i32
      %shift_left3A_247 = vector.broadcast %shift_left3A_246 : i32 to vector<32x128xi32>
      %shift_left3A_248 = arith.shli %xor3A_244, %shift_left3A_247 : vector<32x128xi32>
      %shift_right_logical3A_249 = arith.constant 26 : i32
      %shift_right_logical3A_250 = vector.broadcast %shift_right_logical3A_249 : i32 to vector<32x128xi32>
      %shift_right_logical3A_251 = arith.shrui %xor3A_244, %shift_right_logical3A_250 : vector<32x128xi32>
      %or3A_252 = arith.ori %shift_left3A_248, %shift_right_logical3A_251 : vector<32x128xi32>
      %xor3A_253 = arith.xori %or3A_252, %add3A_245 : vector<32x128xi32>
      %add3A_254 = vector.broadcast %add3A_205 : i32 to vector<32x128xi32>
      %add3A_255 = arith.addi %add3A_245, %add3A_254 : vector<32x128xi32>
      %add3A_256 = vector.broadcast %xor3A_213 : i32 to vector<32x128xi32>
      %add3A_257 = arith.addi %xor3A_253, %add3A_256 : vector<32x128xi32>
      %add3A_258 = arith.constant 1 : i32
      %add3A_259 = vector.broadcast %add3A_258 : i32 to vector<32x128xi32>
      %add3A_260 = arith.addi %add3A_257, %add3A_259 : vector<32x128xi32>
      %add3A_261 = arith.addi %add3A_255, %add3A_260 : vector<32x128xi32>
      %shift_left3A_262 = arith.constant 17 : i32
      %shift_left3A_263 = vector.broadcast %shift_left3A_262 : i32 to vector<32x128xi32>
      %shift_left3A_264 = arith.shli %add3A_260, %shift_left3A_263 : vector<32x128xi32>
      %shift_right_logical3A_265 = arith.constant 15 : i32
      %shift_right_logical3A_266 = vector.broadcast %shift_right_logical3A_265 : i32 to vector<32x128xi32>
      %shift_right_logical3A_267 = arith.shrui %add3A_260, %shift_right_logical3A_266 : vector<32x128xi32>
      %or3A_268 = arith.ori %shift_left3A_264, %shift_right_logical3A_267 : vector<32x128xi32>
      %xor3A_269 = arith.xori %or3A_268, %add3A_261 : vector<32x128xi32>
      %add3A_270 = arith.addi %add3A_261, %xor3A_269 : vector<32x128xi32>
      %shift_left3A_271 = arith.constant 29 : i32
      %shift_left3A_272 = vector.broadcast %shift_left3A_271 : i32 to vector<32x128xi32>
      %shift_left3A_273 = arith.shli %xor3A_269, %shift_left3A_272 : vector<32x128xi32>
      %shift_right_logical3A_274 = arith.constant 3 : i32
      %shift_right_logical3A_275 = vector.broadcast %shift_right_logical3A_274 : i32 to vector<32x128xi32>
      %shift_right_logical3A_276 = arith.shrui %xor3A_269, %shift_right_logical3A_275 : vector<32x128xi32>
      %or3A_277 = arith.ori %shift_left3A_273, %shift_right_logical3A_276 : vector<32x128xi32>
      %xor3A_278 = arith.xori %or3A_277, %add3A_270 : vector<32x128xi32>
      %add3A_279 = arith.addi %add3A_270, %xor3A_278 : vector<32x128xi32>
      %shift_left3A_280 = arith.constant 16 : i32
      %shift_left3A_281 = vector.broadcast %shift_left3A_280 : i32 to vector<32x128xi32>
      %shift_left3A_282 = arith.shli %xor3A_278, %shift_left3A_281 : vector<32x128xi32>
      %shift_right_logical3A_283 = arith.constant 16 : i32
      %shift_right_logical3A_284 = vector.broadcast %shift_right_logical3A_283 : i32 to vector<32x128xi32>
      %shift_right_logical3A_285 = arith.shrui %xor3A_278, %shift_right_logical3A_284 : vector<32x128xi32>
      %or3A_286 = arith.ori %shift_left3A_282, %shift_right_logical3A_285 : vector<32x128xi32>
      %xor3A_287 = arith.xori %or3A_286, %add3A_279 : vector<32x128xi32>
      %add3A_288 = arith.addi %add3A_279, %xor3A_287 : vector<32x128xi32>
      %shift_left3A_289 = arith.constant 24 : i32
      %shift_left3A_290 = vector.broadcast %shift_left3A_289 : i32 to vector<32x128xi32>
      %shift_left3A_291 = arith.shli %xor3A_287, %shift_left3A_290 : vector<32x128xi32>
      %shift_right_logical3A_292 = arith.constant 8 : i32
      %shift_right_logical3A_293 = vector.broadcast %shift_right_logical3A_292 : i32 to vector<32x128xi32>
      %shift_right_logical3A_294 = arith.shrui %xor3A_287, %shift_right_logical3A_293 : vector<32x128xi32>
      %or3A_295 = arith.ori %shift_left3A_291, %shift_right_logical3A_294 : vector<32x128xi32>
      %xor3A_296 = arith.xori %or3A_295, %add3A_288 : vector<32x128xi32>
      %add3A_297 = vector.broadcast %xor3A_213 : i32 to vector<32x128xi32>
      %add3A_298 = arith.addi %add3A_288, %add3A_297 : vector<32x128xi32>
      %add3A_299 = vector.broadcast %add3A_201 : i32 to vector<32x128xi32>
      %add3A_300 = arith.addi %xor3A_296, %add3A_299 : vector<32x128xi32>
      %add3A_301 = arith.constant 2 : i32
      %add3A_302 = vector.broadcast %add3A_301 : i32 to vector<32x128xi32>
      %add3A_303 = arith.addi %add3A_300, %add3A_302 : vector<32x128xi32>
      %add3A_304 = arith.addi %add3A_298, %add3A_303 : vector<32x128xi32>
      %shift_left3A_305 = arith.constant 13 : i32
      %shift_left3A_306 = vector.broadcast %shift_left3A_305 : i32 to vector<32x128xi32>
      %shift_left3A_307 = arith.shli %add3A_303, %shift_left3A_306 : vector<32x128xi32>
      %shift_right_logical3A_308 = arith.constant 19 : i32
      %shift_right_logical3A_309 = vector.broadcast %shift_right_logical3A_308 : i32 to vector<32x128xi32>
      %shift_right_logical3A_310 = arith.shrui %add3A_303, %shift_right_logical3A_309 : vector<32x128xi32>
      %or3A_311 = arith.ori %shift_left3A_307, %shift_right_logical3A_310 : vector<32x128xi32>
      %xor3A_312 = arith.xori %or3A_311, %add3A_304 : vector<32x128xi32>
      %add3A_313 = arith.addi %add3A_304, %xor3A_312 : vector<32x128xi32>
      %shift_left3A_314 = arith.constant 15 : i32
      %shift_left3A_315 = vector.broadcast %shift_left3A_314 : i32 to vector<32x128xi32>
      %shift_left3A_316 = arith.shli %xor3A_312, %shift_left3A_315 : vector<32x128xi32>
      %shift_right_logical3A_317 = arith.constant 17 : i32
      %shift_right_logical3A_318 = vector.broadcast %shift_right_logical3A_317 : i32 to vector<32x128xi32>
      %shift_right_logical3A_319 = arith.shrui %xor3A_312, %shift_right_logical3A_318 : vector<32x128xi32>
      %or3A_320 = arith.ori %shift_left3A_316, %shift_right_logical3A_319 : vector<32x128xi32>
      %xor3A_321 = arith.xori %or3A_320, %add3A_313 : vector<32x128xi32>
      %add3A_322 = arith.addi %add3A_313, %xor3A_321 : vector<32x128xi32>
      %shift_left3A_323 = arith.constant 26 : i32
      %shift_left3A_324 = vector.broadcast %shift_left3A_323 : i32 to vector<32x128xi32>
      %shift_left3A_325 = arith.shli %xor3A_321, %shift_left3A_324 : vector<32x128xi32>
      %shift_right_logical3A_326 = arith.constant 6 : i32
      %shift_right_logical3A_327 = vector.broadcast %shift_right_logical3A_326 : i32 to vector<32x128xi32>
      %shift_right_logical3A_328 = arith.shrui %xor3A_321, %shift_right_logical3A_327 : vector<32x128xi32>
      %or3A_329 = arith.ori %shift_left3A_325, %shift_right_logical3A_328 : vector<32x128xi32>
      %xor3A_330 = arith.xori %or3A_329, %add3A_322 : vector<32x128xi32>
      %add3A_331 = arith.addi %add3A_322, %xor3A_330 : vector<32x128xi32>
      %shift_left3A_332 = arith.constant 6 : i32
      %shift_left3A_333 = vector.broadcast %shift_left3A_332 : i32 to vector<32x128xi32>
      %shift_left3A_334 = arith.shli %xor3A_330, %shift_left3A_333 : vector<32x128xi32>
      %shift_right_logical3A_335 = arith.constant 26 : i32
      %shift_right_logical3A_336 = vector.broadcast %shift_right_logical3A_335 : i32 to vector<32x128xi32>
      %shift_right_logical3A_337 = arith.shrui %xor3A_330, %shift_right_logical3A_336 : vector<32x128xi32>
      %or3A_338 = arith.ori %shift_left3A_334, %shift_right_logical3A_337 : vector<32x128xi32>
      %xor3A_339 = arith.xori %or3A_338, %add3A_331 : vector<32x128xi32>
      %add3A_340 = vector.broadcast %add3A_201 : i32 to vector<32x128xi32>
      %add3A_341 = arith.addi %add3A_331, %add3A_340 : vector<32x128xi32>
      %add3A_342 = vector.broadcast %add3A_205 : i32 to vector<32x128xi32>
      %add3A_343 = arith.addi %xor3A_339, %add3A_342 : vector<32x128xi32>
      %add3A_344 = arith.constant 3 : i32
      %add3A_345 = vector.broadcast %add3A_344 : i32 to vector<32x128xi32>
      %add3A_346 = arith.addi %add3A_343, %add3A_345 : vector<32x128xi32>
      %add3A_347 = arith.addi %add3A_341, %add3A_346 : vector<32x128xi32>
      %shift_left3A_348 = arith.constant 17 : i32
      %shift_left3A_349 = vector.broadcast %shift_left3A_348 : i32 to vector<32x128xi32>
      %shift_left3A_350 = arith.shli %add3A_346, %shift_left3A_349 : vector<32x128xi32>
      %shift_right_logical3A_351 = arith.constant 15 : i32
      %shift_right_logical3A_352 = vector.broadcast %shift_right_logical3A_351 : i32 to vector<32x128xi32>
      %shift_right_logical3A_353 = arith.shrui %add3A_346, %shift_right_logical3A_352 : vector<32x128xi32>
      %or3A_354 = arith.ori %shift_left3A_350, %shift_right_logical3A_353 : vector<32x128xi32>
      %xor3A_355 = arith.xori %or3A_354, %add3A_347 : vector<32x128xi32>
      %add3A_356 = arith.addi %add3A_347, %xor3A_355 : vector<32x128xi32>
      %shift_left3A_357 = arith.constant 29 : i32
      %shift_left3A_358 = vector.broadcast %shift_left3A_357 : i32 to vector<32x128xi32>
      %shift_left3A_359 = arith.shli %xor3A_355, %shift_left3A_358 : vector<32x128xi32>
      %shift_right_logical3A_360 = arith.constant 3 : i32
      %shift_right_logical3A_361 = vector.broadcast %shift_right_logical3A_360 : i32 to vector<32x128xi32>
      %shift_right_logical3A_362 = arith.shrui %xor3A_355, %shift_right_logical3A_361 : vector<32x128xi32>
      %or3A_363 = arith.ori %shift_left3A_359, %shift_right_logical3A_362 : vector<32x128xi32>
      %xor3A_364 = arith.xori %or3A_363, %add3A_356 : vector<32x128xi32>
      %add3A_365 = arith.addi %add3A_356, %xor3A_364 : vector<32x128xi32>
      %shift_left3A_366 = arith.constant 16 : i32
      %shift_left3A_367 = vector.broadcast %shift_left3A_366 : i32 to vector<32x128xi32>
      %shift_left3A_368 = arith.shli %xor3A_364, %shift_left3A_367 : vector<32x128xi32>
      %shift_right_logical3A_369 = arith.constant 16 : i32
      %shift_right_logical3A_370 = vector.broadcast %shift_right_logical3A_369 : i32 to vector<32x128xi32>
      %shift_right_logical3A_371 = arith.shrui %xor3A_364, %shift_right_logical3A_370 : vector<32x128xi32>
      %or3A_372 = arith.ori %shift_left3A_368, %shift_right_logical3A_371 : vector<32x128xi32>
      %xor3A_373 = arith.xori %or3A_372, %add3A_365 : vector<32x128xi32>
      %add3A_374 = arith.addi %add3A_365, %xor3A_373 : vector<32x128xi32>
      %shift_left3A_375 = arith.constant 24 : i32
      %shift_left3A_376 = vector.broadcast %shift_left3A_375 : i32 to vector<32x128xi32>
      %shift_left3A_377 = arith.shli %xor3A_373, %shift_left3A_376 : vector<32x128xi32>
      %shift_right_logical3A_378 = arith.constant 8 : i32
      %shift_right_logical3A_379 = vector.broadcast %shift_right_logical3A_378 : i32 to vector<32x128xi32>
      %shift_right_logical3A_380 = arith.shrui %xor3A_373, %shift_right_logical3A_379 : vector<32x128xi32>
      %or3A_381 = arith.ori %shift_left3A_377, %shift_right_logical3A_380 : vector<32x128xi32>
      %xor3A_382 = arith.xori %or3A_381, %add3A_374 : vector<32x128xi32>
      %add3A_383 = vector.broadcast %add3A_205 : i32 to vector<32x128xi32>
      %add3A_384 = arith.addi %add3A_374, %add3A_383 : vector<32x128xi32>
      %add3A_385 = vector.broadcast %xor3A_213 : i32 to vector<32x128xi32>
      %add3A_386 = arith.addi %xor3A_382, %add3A_385 : vector<32x128xi32>
      %add3A_387 = arith.constant 4 : i32
      %add3A_388 = vector.broadcast %add3A_387 : i32 to vector<32x128xi32>
      %add3A_389 = arith.addi %add3A_386, %add3A_388 : vector<32x128xi32>
      %add3A_390 = arith.addi %add3A_384, %add3A_389 : vector<32x128xi32>
      %shift_left3A_391 = arith.constant 13 : i32
      %shift_left3A_392 = vector.broadcast %shift_left3A_391 : i32 to vector<32x128xi32>
      %shift_left3A_393 = arith.shli %add3A_389, %shift_left3A_392 : vector<32x128xi32>
      %shift_right_logical3A_394 = arith.constant 19 : i32
      %shift_right_logical3A_395 = vector.broadcast %shift_right_logical3A_394 : i32 to vector<32x128xi32>
      %shift_right_logical3A_396 = arith.shrui %add3A_389, %shift_right_logical3A_395 : vector<32x128xi32>
      %or3A_397 = arith.ori %shift_left3A_393, %shift_right_logical3A_396 : vector<32x128xi32>
      %xor3A_398 = arith.xori %or3A_397, %add3A_390 : vector<32x128xi32>
      %add3A_399 = arith.addi %add3A_390, %xor3A_398 : vector<32x128xi32>
      %shift_left3A_400 = arith.constant 15 : i32
      %shift_left3A_401 = vector.broadcast %shift_left3A_400 : i32 to vector<32x128xi32>
      %shift_left3A_402 = arith.shli %xor3A_398, %shift_left3A_401 : vector<32x128xi32>
      %shift_right_logical3A_403 = arith.constant 17 : i32
      %shift_right_logical3A_404 = vector.broadcast %shift_right_logical3A_403 : i32 to vector<32x128xi32>
      %shift_right_logical3A_405 = arith.shrui %xor3A_398, %shift_right_logical3A_404 : vector<32x128xi32>
      %or3A_406 = arith.ori %shift_left3A_402, %shift_right_logical3A_405 : vector<32x128xi32>
      %xor3A_407 = arith.xori %or3A_406, %add3A_399 : vector<32x128xi32>
      %add3A_408 = arith.addi %add3A_399, %xor3A_407 : vector<32x128xi32>
      %shift_left3A_409 = arith.constant 26 : i32
      %shift_left3A_410 = vector.broadcast %shift_left3A_409 : i32 to vector<32x128xi32>
      %shift_left3A_411 = arith.shli %xor3A_407, %shift_left3A_410 : vector<32x128xi32>
      %shift_right_logical3A_412 = arith.constant 6 : i32
      %shift_right_logical3A_413 = vector.broadcast %shift_right_logical3A_412 : i32 to vector<32x128xi32>
      %shift_right_logical3A_414 = arith.shrui %xor3A_407, %shift_right_logical3A_413 : vector<32x128xi32>
      %or3A_415 = arith.ori %shift_left3A_411, %shift_right_logical3A_414 : vector<32x128xi32>
      %xor3A_416 = arith.xori %or3A_415, %add3A_408 : vector<32x128xi32>
      %add3A_417 = arith.addi %add3A_408, %xor3A_416 : vector<32x128xi32>
      %shift_left3A_418 = arith.constant 6 : i32
      %shift_left3A_419 = vector.broadcast %shift_left3A_418 : i32 to vector<32x128xi32>
      %shift_left3A_420 = arith.shli %xor3A_416, %shift_left3A_419 : vector<32x128xi32>
      %shift_right_logical3A_421 = arith.constant 26 : i32
      %shift_right_logical3A_422 = vector.broadcast %shift_right_logical3A_421 : i32 to vector<32x128xi32>
      %shift_right_logical3A_423 = arith.shrui %xor3A_416, %shift_right_logical3A_422 : vector<32x128xi32>
      %or3A_424 = arith.ori %shift_left3A_420, %shift_right_logical3A_423 : vector<32x128xi32>
      %xor3A_425 = arith.xori %or3A_424, %add3A_417 : vector<32x128xi32>
      %add3A_426 = vector.broadcast %xor3A_213 : i32 to vector<32x128xi32>
      %add3A_427 = arith.addi %add3A_417, %add3A_426 : vector<32x128xi32>
      %add3A_428 = vector.broadcast %add3A_201 : i32 to vector<32x128xi32>
      %add3A_429 = arith.addi %xor3A_425, %add3A_428 : vector<32x128xi32>
      %add3A_430 = arith.constant 5 : i32
      %add3A_431 = vector.broadcast %add3A_430 : i32 to vector<32x128xi32>
      %add3A_432 = arith.addi %add3A_429, %add3A_431 : vector<32x128xi32>
      %xor3A_433 = arith.xori %add3A_427, %add3A_432 : vector<32x128xi32>
      %shift_right_logical3A_434 = arith.constant 9 : i32
      %shift_right_logical3A_435 = vector.broadcast %shift_right_logical3A_434 : i32 to vector<32x128xi32>
      %shift_right_logical3A_436 = arith.shrui %xor3A_433, %shift_right_logical3A_435 : vector<32x128xi32>
      %or3A_437 = arith.constant 1065353216 : i32
      %or3A_438 = vector.broadcast %or3A_437 : i32 to vector<32x128xi32>
      %or3A_439 = arith.ori %shift_right_logical3A_436, %or3A_438 : vector<32x128xi32>
      %bitcast_convert_type3A = tpu.bitcast %or3A_439 : vector<32x128xi32> -> vector<32x128xf32>
      %sub3A = arith.constant 1.000000e+00 : f32
      %sub3A_440 = vector.broadcast %sub3A : f32 to vector<32x128xf32>
      %sub3A_441 = arith.subf %bitcast_convert_type3A, %sub3A_440 : vector<32x128xf32>
      %eq3A_442 = arith.constant 0 : i32
      %eq3A_443 = vector.broadcast %eq3A_442 : i32 to vector<32x128xi32>
      %eq3A_444 = arith.cmpi eq, %reshape3A_26, %eq3A_443 : vector<32x128xi32>
      %jit3A = arith.constant 0xFF800000 : f32
      %broadcast_in_dim3A_445 = vector.broadcast %jit3A : f32 to vector<32x128xf32>
      %select_n3A = arith.select %eq3A_444, %broadcast_in_dim3A_445, %sub3A_441 : vector<32x128xi1>, vector<32x128xf32>
      %eq3A_446 = arith.constant 0 : i32
      %eq3A_447 = vector.broadcast %eq3A_446 : i32 to vector<32x128xi32>
      %eq3A_448 = arith.cmpi eq, %add3A_209, %eq3A_447 : vector<32x128xi32>
      %jit3A_449 = arith.constant 0x7F800000 : f32
      %broadcast_in_dim3A_450 = vector.broadcast %jit3A_449 : f32 to vector<32x128xf32>
      %select_n3A_451 = arith.select %eq3A_448, %broadcast_in_dim3A_450, %select_n3A : vector<32x128xi1>, vector<32x128xf32>
      %scan3A = arith.constant 0 : i32
      %scan3A_452 = arith.constant 1065353216 : i32
      %scan3A_453 = arith.constant 0 : i32
      %scan3A_454 = arith.constant 30 : i32
      %scan3A_455 = arith.addi %scan3A_453, %scan3A_454 : i32
      %scan3A_456 = arith.constant 1 : i32
      %scan3A_457:2 = scf.for %scan3A_533 = %scan3A_453 to %scan3A_455 step %scan3A_456 iter_args(%scan3A_534 = %scan3A, %scan3A_535 = %scan3A_452) -> (i32, i32)  : i32 {
        %add3A_536 = arith.addi %scan3A_534, %scan3A_535 : i32
        %jit3A_537 = arith.constant 2 : i32
        %div3A = arith.divsi %add3A_536, %jit3A_537 : i32
        %sign3A = arith.constant 0 : i32
        %sign3A_538 = arith.cmpi sgt, %add3A_536, %sign3A : i32
        %sign3A_539 = arith.extui %sign3A_538 : i1 to i32
        %sign3A_540 = arith.constant 0 : i32
        %sign3A_541 = arith.cmpi slt, %add3A_536, %sign3A_540 : i32
        %sign3A_542 = arith.extui %sign3A_541 : i1 to i32
        %sign3A_543 = arith.subi %sign3A_539, %sign3A_542 : i32
        %sign3A_544 = arith.constant 0 : i32
        %sign3A_545 = arith.cmpi sgt, %jit3A_537, %sign3A_544 : i32
        %sign3A_546 = arith.extui %sign3A_545 : i1 to i32
        %sign3A_547 = arith.constant 0 : i32
        %sign3A_548 = arith.cmpi slt, %jit3A_537, %sign3A_547 : i32
        %sign3A_549 = arith.extui %sign3A_548 : i1 to i32
        %sign3A_550 = arith.subi %sign3A_546, %sign3A_549 : i32
        %ne3A_551 = arith.cmpi ne, %sign3A_543, %sign3A_550 : i32
        %rem3A = arith.remsi %add3A_536, %jit3A_537 : i32
        %ne3A_552 = arith.constant 0 : i32
        %ne3A_553 = arith.cmpi ne, %rem3A, %ne3A_552 : i32
        %and3A_554 = arith.andi %ne3A_551, %ne3A_553 : i1
        %sub3A_555 = arith.constant 1 : i32
        %sub3A_556 = arith.subi %div3A, %sub3A_555 : i32
        %select_n3A_557 = arith.select %and3A_554, %sub3A_556, %div3A : i32
        %broadcast_in_dim3A_558 = vector.broadcast %select_n3A_557 : i32 to vector<32x128xi32>
        %bitcast_convert_type3A_559 = tpu.bitcast %broadcast_in_dim3A_558 : vector<32x128xi32> -> vector<32x128xf32>
        %gt3A_560 = arith.cmpf ogt, %select_n3A_451, %bitcast_convert_type3A_559 : vector<32x128xf32>
        %convert_element_type3A_561 = arith.extui %gt3A_560 : vector<32x128xi1> to vector<32x128xi32>
        %reduce_sum3A_562 = vector.shape_cast %convert_element_type3A_561 : vector<32x128xi32> to vector<1x32x128xi32>
        %reduce_sum3A_563 = arith.constant dense<0> : vector<1xi32>
        %reduce_sum3A_564 = vector.multi_reduction <add>, %reduce_sum3A_562, %reduce_sum3A_563 [1, 2] : vector<1x32x128xi32> to vector<1xi32>
        %reduce_sum3A_565 = vector.shape_cast %reduce_sum3A_564 : vector<1xi32> to vector<1x1x1xi32>
        %reduce_sum3A_566 = vector.extract %reduce_sum3A_565[0, 0, 0] : i32 from vector<1x1x1xi32>
        %lt3A_567 = arith.constant 1024 : i32
        %lt3A_568 = arith.cmpi slt, %reduce_sum3A_566, %lt3A_567 : i32
        %add3A_569 = arith.constant 1 : i32
        %add3A_570 = arith.addi %select_n3A_557, %add3A_569 : i32
        %select_n3A_571 = arith.select %lt3A_568, %scan3A_534, %add3A_570 : i32
        %select_n3A_572 = arith.select %lt3A_568, %select_n3A_557, %scan3A_535 : i32
        scf.yield %select_n3A_571, %select_n3A_572 : i32, i32
      }
      %broadcast_in_dim3A_458 = vector.broadcast %scan3A_457#0 : i32 to vector<32x128xi32>
      %bitcast_convert_type3A_459 = tpu.bitcast %broadcast_in_dim3A_458 : vector<32x128xi32> -> vector<32x128xf32>
      %gt3A_460 = arith.cmpf ogt, %select_n3A_451, %bitcast_convert_type3A_459 : vector<32x128xf32>
      %eq3A_461 = arith.cmpf oeq, %select_n3A_451, %bitcast_convert_type3A_459 : vector<32x128xf32>
      %convert_element_type3A_462 = arith.extui %gt3A_460 : vector<32x128xi1> to vector<32x128xi32>
      %reduce_sum3A_463 = vector.shape_cast %convert_element_type3A_462 : vector<32x128xi32> to vector<1x32x128xi32>
      %reduce_sum3A_464 = arith.constant dense<0> : vector<1xi32>
      %reduce_sum3A_465 = vector.multi_reduction <add>, %reduce_sum3A_463, %reduce_sum3A_464 [1, 2] : vector<1x32x128xi32> to vector<1xi32>
      %reduce_sum3A_466 = vector.shape_cast %reduce_sum3A_465 : vector<1xi32> to vector<1x1x1xi32>
      %reduce_sum3A_467 = vector.extract %reduce_sum3A_466[0, 0, 0] : i32 from vector<1x1x1xi32>
      %sub3A_468 = arith.constant 1024 : i32
      %sub3A_469 = arith.subi %sub3A_468, %reduce_sum3A_467 : i32
      %convert_element_type3A_470 = arith.sitofp %sub3A_469 : i32 to f32
      %iota3A_471 = tpu.iota {dimensions = array<i32: 0>} : vector<128x128xi32>
      %iota3A_472 = tpu.iota {dimensions = array<i32: 1>} : vector<128x128xi32>
      %lt3A = arith.cmpi slt, %iota3A_471, %iota3A_472 : vector<128x128xi32>
      %convert_element_type3A_473 = arith.extui %lt3A : vector<128x128xi1> to vector<128x128xi32>
      %convert_element_type3A_474 = arith.sitofp %convert_element_type3A_473 : vector<128x128xi32> to vector<128x128xf32>
      %iota3A_475 = tpu.iota {dimensions = array<i32: 1>} : vector<32x32xi32>
      %iota3A_476 = tpu.iota {dimensions = array<i32: 0>} : vector<32x32xi32>
      %lt3A_477 = arith.cmpi slt, %iota3A_475, %iota3A_476 : vector<32x32xi32>
      %convert_element_type3A_478 = arith.extui %lt3A_477 : vector<32x32xi1> to vector<32x32xi32>
      %convert_element_type3A_479 = arith.sitofp %convert_element_type3A_478 : vector<32x32xi32> to vector<32x32xf32>
      %convert_element_type3A_480 = arith.extui %eq3A_461 : vector<32x128xi1> to vector<32x128xi32>
      %convert_element_type3A_481 = arith.sitofp %convert_element_type3A_480 : vector<32x128xi32> to vector<32x128xf32>
      %dot_general3A = arith.constant dense<0.000000e+00> : vector<32x128xf32>
      %dot_general3A_482 = tpu.matmul %convert_element_type3A_481, %convert_element_type3A_474, %dot_general3A {dimension_numbers = #tpu.dot_dimension_numbers<[1], [0], [0], [1], [0, 0, 1, 1], [], []>, transpose_lhs_hint = false} : vector<32x128xf32>, vector<128x128xf32>, vector<32x128xf32> -> vector<32x128xf32>
      %reduce_sum3A_483 = arith.constant dense<0.000000e+00> : vector<32xf32>
      %reduce_sum3A_484 = vector.multi_reduction <add>, %convert_element_type3A_481, %reduce_sum3A_483 [1] : vector<32x128xf32> to vector<32xf32>
      %broadcast_in_dim3A_485 = vector.shape_cast %reduce_sum3A_484 : vector<32xf32> to vector<32x1xf32>
      %dot_general3A_486 = arith.constant dense<0.000000e+00> : vector<32x1xf32>
      %dot_general3A_487 = tpu.matmul %convert_element_type3A_479, %broadcast_in_dim3A_485, %dot_general3A_486 {dimension_numbers = #tpu.dot_dimension_numbers<[1], [0], [0], [1], [0, 0, 1, 1], [], []>, transpose_lhs_hint = false} : vector<32x32xf32>, vector<32x1xf32>, vector<32x1xf32> -> vector<32x1xf32>
      %add3A_488 = vector.broadcast %dot_general3A_487 : vector<32x1xf32> to vector<32x128xf32>
      %add3A_489 = arith.addf %dot_general3A_482, %add3A_488 : vector<32x128xf32>
      %lt3A_490 = vector.broadcast %convert_element_type3A_470 : f32 to vector<32x128xf32>
      %lt3A_491 = arith.cmpf olt, %add3A_489, %lt3A_490 : vector<32x128xf32>
      %and3A = arith.andi %eq3A_461, %lt3A_491 : vector<32x128xi1>
      %or3A_492 = arith.ori %gt3A_460, %and3A : vector<32x128xi1>
      %eq3A_493 = arith.constant 1 : i32
      %eq3A_494 = arith.cmpi eq, %convert_element_type3A_32, %eq3A_493 : i32
      %convert_element_type3A_495 = arith.extui %or3A_492 : vector<32x128xi1> to vector<32x128xi32>
      %lt3A_496 = arith.constant 1024 : i32
      %lt3A_497 = vector.broadcast %lt3A_496 : i32 to vector<32x128xi32>
      %lt3A_498 = arith.cmpi slt, %add3A_209, %lt3A_497 : vector<32x128xi32>
      %convert_element_type3A_499 = arith.extui %lt3A_498 : vector<32x128xi1> to vector<32x128xi32>
      %select_n3A_500 = arith.select %eq3A_494, %convert_element_type3A_495, %convert_element_type3A_499 : vector<32x128xi32>
      %convert_element_type3A_501 = arith.sitofp %select_n3A_500 : vector<32x128xi32> to vector<32x128xf32>
      %dot_general3A_502 = arith.constant dense<0.000000e+00> : vector<32x128xf32>
      %dot_general3A_503 = tpu.matmul %convert_element_type3A_501, %convert_element_type3A_474, %dot_general3A_502 {dimension_numbers = #tpu.dot_dimension_numbers<[1], [0], [0], [1], [0, 0, 1, 1], [], []>, transpose_lhs_hint = false} : vector<32x128xf32>, vector<128x128xf32>, vector<32x128xf32> -> vector<32x128xf32>
      %reduce_sum3A_504 = arith.constant dense<0.000000e+00> : vector<32xf32>
      %reduce_sum3A_505 = vector.multi_reduction <add>, %convert_element_type3A_501, %reduce_sum3A_504 [1] : vector<32x128xf32> to vector<32xf32>
      %broadcast_in_dim3A_506 = vector.shape_cast %reduce_sum3A_505 : vector<32xf32> to vector<32x1xf32>
      %dot_general3A_507 = arith.constant dense<0.000000e+00> : vector<32x1xf32>
      %dot_general3A_508 = tpu.matmul %convert_element_type3A_479, %broadcast_in_dim3A_506, %dot_general3A_507 {dimension_numbers = #tpu.dot_dimension_numbers<[1], [0], [0], [1], [0, 0, 1, 1], [], []>, transpose_lhs_hint = false} : vector<32x32xf32>, vector<32x1xf32>, vector<32x1xf32> -> vector<32x1xf32>
      %add3A_509 = vector.broadcast %dot_general3A_508 : vector<32x1xf32> to vector<32x128xf32>
      %add3A_510 = arith.addf %dot_general3A_503, %add3A_509 : vector<32x128xf32>
      %eq3A_511 = arith.constant 1 : i32
      %eq3A_512 = arith.cmpi eq, %convert_element_type3A_32, %eq3A_511 : i32
      %convert_element_type3A_513 = arith.fptosi %add3A_510 : vector<32x128xf32> to vector<32x128xi32>
      %select_n3A_514 = arith.select %eq3A_512, %convert_element_type3A_513, %add3A_209 : vector<32x128xi32>
      %swap3A_515 = arith.constant 0 : index
      %swap3A_516 = arith.constant 0 : index
      %swap3A_517 = vector.load %arg3[%swap3A_515, %swap3A_516] : memref<32x128xi32, #tpu.memory_space<vmem>>, vector<32x128xi32>
      tpu.vector_store %arg3[%swap3A_515, %swap3A_516], %select_n3A_500 {strides = array<i32>} : memref<32x128xi32, #tpu.memory_space<vmem>>, vector<32x128xi32>,
      %swap3A_518 = arith.constant 0 : index
      %swap3A_519 = arith.constant 0 : index
      %swap3A_520 = vector.load %arg4[%swap3A_518, %swap3A_519] : memref<32x128xi32, #tpu.memory_space<vmem>>, vector<32x128xi32>
      tpu.vector_store %arg4[%swap3A_518, %swap3A_519], %select_n3A_514 {strides = array<i32>} : memref<32x128xi32, #tpu.memory_space<vmem>>, vector<32x128xi32>,
      %eq3A_521 = arith.constant 1 : i32
      %eq3A_522 = arith.cmpi eq, %convert_element_type3A_32, %eq3A_521 : i32
      %jit3A_523 = arith.constant 1024 : i32
      %select_n3A_524 = arith.select %eq3A_522, %jit3A_523, %reduce_sum3A_30 : i32
      %broadcast_in_dim3A_525 = vector.broadcast %convert_element_type3A_32 : i32 to vector<1x128xi32>
      %broadcast_in_dim3A_526 = vector.broadcast %select_n3A_524 : i32 to vector<1x128xi32>
      %broadcast_in_dim3A_527 = vector.broadcast %reduce_sum3A_30 : i32 to vector<1x128xi32>
      %broadcast_in_dim3A_528 = arith.constant 0 : i32
      %broadcast_in_dim3A_529 = vector.broadcast %broadcast_in_dim3A_528 : i32 to vector<5x128xi32>
      %concatenate3A = tpu.concatenate %broadcast_in_dim3A_525, %broadcast_in_dim3A_526, %broadcast_in_dim3A_527, %broadcast_in_dim3A_529 in 0 : vector<1x128xi32>, vector<1x128xi32>, vector<1x128xi32>, vector<5x128xi32> -> vector<8x128xi32>
      %swap3A_530 = arith.constant 0 : index
      %swap3A_531 = arith.constant 0 : index
      %swap3A_532 = vector.load %arg5[%swap3A_530, %swap3A_531] : memref<8x128xi32, #tpu.memory_space<vmem>>, vector<8x128xi32>
      tpu.vector_store %arg5[%swap3A_530, %swap3A_531], %concatenate3A {strides = array<i32>} : memref<8x128xi32, #tpu.memory_space<vmem>>, vector<8x128xi32>,
    } else {
    }
    return
  }
  func.func @transform_0(%arg0: i32) -> i32 {
    %c0_i32 = arith.constant 0 : i32
    %c0_i32_0 = arith.constant 0 : i32
    return %c0_i32 : i32
  }
  func.func @transform_1(%arg0: i32) -> (i32, i32, i32) {
    %c0_i32 = arith.constant 0 : i32
    %c0_i32_0 = arith.constant 0 : i32
    %c0_i32_1 = arith.constant 0 : i32
    return %arg0, %c0_i32, %c0_i32_0 : i32, i32, i32
  }
  func.func @transform_2(%arg0: i32) -> (i32, i32) {
    %c0_i32 = arith.constant 0 : i32
    %c0_i32_0 = arith.constant 0 : i32
    %c0_i32_1 = arith.constant 0 : i32
    return %c0_i32, %c0_i32_0 : i32, i32
  }
  func.func @transform_3(%arg0: i32) -> (i32, i32) {
    %c0_i32 = arith.constant 0 : i32
    %c0_i32_0 = arith.constant 0 : i32
    %c0_i32_1 = arith.constant 0 : i32
    return %c0_i32, %c0_i32_0 : i32, i32
  }
  func.func @transform_4(%arg0: i32) -> (i32, i32) {
    %c0_i32 = arith.constant 0 : i32
    %c0_i32_0 = arith.constant 0 : i32
    %c0_i32_1 = arith.constant 0 : i32
    return %c0_i32, %c0_i32_0 : i32, i32
  }
}

</mosaic_0001>

<sc_bundles>
// kernel: kernel.4.cloned.1.call-start
scs
__scs_entry_jumppad:
0x0: {  	(pc) =	sbr.rel $0x88, $3  }
0x1: {  	(tag) =	ssettag $0x0;
	lr =	simm.s32 $0x1  }
0x2: {  	[smem:$0x3F9F] =	sst lr;
	_ =	strace $0xD0000000  }
0x3: {  	_ = 	snop  }
0x4: {  	_ = 	snop  }
0x5: {  	_ = 	snop  }
0x6: {  	_ = 	snop  }
0x7: {  	_ = 	snop  }
__scs_overlays_trampoline_lowered:
0x8: {  	[smem:$0x3FAE] =	sst s0  }
0x9: {  	[smem:$0x3FAF] =	sst s1  }
0xa: {  	[smem:$0x3FB0] =	sst s2  }
0xb: {  	[smem:$0x3FB1] =	sst s3  }
0xc: {  	[smem:$0x3FB2] =	sst s4  }
0xd: {  	[smem:$0x3FB3] =	sst s5  }
0xe: {  	[smem:$0x3FB4] =	sst s6  }
0xf: {  	[smem:$0x3FB5] =	sst s7  }
0x10: {  	[smem:$0x3FB6] =	sst s8  }
0x11: {  	[smem:$0x3FB7] =	sst s9;
	s0 =	simm.s32 @!p0 $0x0  }
0x12: {  	s1 =	sld [smem:$0x3F9D];
	s0 =	simm.s32 @p0 $0x1  }
0x13: {  	[smem:$0x3FB8] =	sst s0;
	s0 =	simm.s32 @!p1 $0x0  }
0x14: {  	s2 =	sld [smem:$0x3F9C];
	s0 =	simm.s32 @p1 $0x1  }
0x15: {  	[smem:$0x3FB9] =	sst s0;
	s0 =	simm.s32 @!p2 $0x0  }
0x16: {  	s3 =	sld [smem:$0x3FDB];
	s0 =	simm.s32 @p2 $0x1  }
0x17: {  	s4 =	simm.s32 $0x1BF5;
	[smem:$0x3FBB] =	sst s0  }
0x18: {  	s0 =	sld [smem:$0x3F9E];
	_ =	swait.ge [sflag:s4], $0x0  }
0x19: {  	s7 =	sld [smem:$0x3F9F]  }
0x1a: {  	s8 =	sadd.s32 $0xFFFFE003, lr  }
0x1b: {  	s9 =	sadd.s32 $0xFFFFFEF7, lr;
	s5 =	simm.s32 $0xFFFFFFFF;
	p2 =	slt.u32 s8, $0xFFFFF086  }
0x1c: {  	p1 =	slt.u32 s9, $0xF7A;
	s5 =	simm.s32 @!p2 $0x0  }
0x1d: {  	s5 =	simm.s32 @p1 $0x1;
	p0 =	seq.s32 s7, s2  }
0x1e: {  	s7 =	smul.u32 @!p0 $0xF7A, s2;
	p2 =	seq.s32 @!p0 s5, $0x0  }
0x1f: {  	s9 =	smul.u32 $0xF7A, s1;
	s8 =	simm.s32 @!p0 $0x1BF5;
	p2 =	por !p2, p0  }
0x20: {  	[sflag:s8] =	ssyncset.s32 @!p0 $0xFFFFF086;
	s6 =	sadd.s32 @!p0 s3, s7;
	s7 =	simm.s32 @!p0 $0x108  }
0x21: {  	s3 =	sadd.s32 s3, s9;
	s6 =	sadd.s32 @!p0 $0x88, s6;
	s7 =	simm.s32 @p2 $0x1082  }
0x22: {  	[simem:s7], [sflag:s8] =	dma.local @!p0 [hbm:s6], $0xF7A  }
0x23: {  	s9 =	sor.u32 $0xD0000000, s2;
	s6 =	simm.s32 $0x108;
	_ =	swait.ge @!p0 [sflag:s8], $0x0  }
0x24: {  	s3 =	sadd.s32 $0x88, s3;
	s6 =	simm.s32 @!p1 $0x1082;
	[sflag:s4] =	ssyncset.s32 $0xFFFFF086  }
0x25: {  	[simem:s6], [sflag:s4] =	dma.local [hbm:s3], $0xF7A  }
0x26: {  	[smem:$0x3F9F] =	sst s1;
	(tag) =	ssettag s2;
	_ =	strace s9  }
0x27: {  	s1 =	sld [smem:$0x3FAF]  }
0x28: {  	s2 =	sld [smem:$0x3FB0]  }
0x29: {  	s4 =	sld [smem:$0x3FB2]  }
0x2a: {  	p0 =	seq.s32 s5, $0x0;
	s5 =	sld [smem:$0x3FB3]  }
0x2b: {  	s6 =	sld [smem:$0x3FB4]  }
0x2c: {  	s7 =	sld [smem:$0x3FB5]  }
0x2d: {  	s3 =	simm.s32 $0x108;
	s8 =	sld [smem:$0x3FB6]  }
0x2e: {  	s3 =	simm.s32 @!p0 $0x1082;
	s9 =	sld [smem:$0x3FB7]  }
0x2f: {  	lr =	sadd.s32 s0, s3;
	s0 =	sld [smem:$0x3FAE]  }
0x30: {  	s3 =	sld [smem:$0x3FB1]  }
0x31: {  	[smem:$0x3FBA] =	sst s10  }
0x32: {  	s10 =	sld [smem:$0x3FB8];
	_ =	sdelay $0x3  }
0x33: {  	p0 =	seq.s32 s10, $0x1;
	s10 =	sld [smem:$0x3FBA];
	_ =	sdelay $0x3  }
0x34: {  	[smem:$0x3FBA] =	sst s10  }
0x35: {  	s10 =	sld [smem:$0x3FB9];
	_ =	sdelay $0x3  }
0x36: {  	p1 =	seq.s32 s10, $0x1;
	s10 =	sld [smem:$0x3FBA];
	_ =	sdelay $0x3  }
0x37: {  	[smem:$0x3FBA] =	sst s10  }
0x38: {  	s10 =	sld [smem:$0x3FBB]  }
0x39: {  	_ = 	snop;
	(pc) =	sbr.ind lr, $3  }
0x3a: {  	_ = 	snop  }
0x3b: {  	_ = 	snop  }
0x3c: {  	p2 =	seq.s32 s10, $0x1;
	s10 =	sld [smem:$0x3FBA]  }
0x3d: {  	_ =	shalt  }
0x3e: {  	_ =	shalt  }
0x3f: {  	_ =	shalt  }
0x40: {  	_ =	shalt  }
0x41: {  	_ =	shalt  }
0x42: {  	_ =	shalt  }
0x43: {  	_ =	shalt  }
0x44: {  	_ =	shalt  }
0x45: {  	_ =	shalt  }
0x46: {  	_ =	shalt  }
0x47: {  	_ =	shalt  }
0x48: {  	_ =	shalt  }
0x49: {  	_ =	shalt  }
0x4a: {  	_ =	shalt  }
0x4b: {  	_ =	shalt  }
0x4c: {  	_ =	shalt  }
0x4d: {  	_ =	shalt  }
0x4e: {  	_ =	shalt  }
0x4f: {  	_ =	shalt  }
0x50: {  	_ =	shalt  }
0x51: {  	_ =	shalt  }
0x52: {  	_ =	shalt  }
0x53: {  	_ =	shalt  }
0x54: {  	_ =	shalt  }
0x55: {  	_ =	shalt  }
0x56: {  	_ =	shalt  }
0x57: {  	_ =	shalt  }
0x58: {  	_ =	shalt  }
0x59: {  	_ =	shalt  }
0x5a: {  	_ =	shalt  }
0x5b: {  	_ =	shalt  }
0x5c: {  	_ =	shalt  }
0x5d: {  	_ =	shalt  }
0x5e: {  	_ =	shalt  }
0x5f: {  	_ =	shalt  }
0x60: {  	_ =	shalt  }
0x61: {  	_ =	shalt  }
0x62: {  	_ =	shalt  }
0x63: {  	_ =	shalt  }
0x64: {  	_ =	shalt  }
0x65: {  	_ =	shalt  }
0x66: {  	_ =	shalt  }
0x67: {  	_ =	shalt  }
0x68: {  	_ =	shalt  }
0x69: {  	_ =	shalt  }
0x6a: {  	_ =	shalt  }
0x6b: {  	_ =	shalt  }
0x6c: {  	_ =	shalt  }
0x6d: {  	_ =	shalt  }
0x6e: {  	_ =	shalt  }
0x6f: {  	_ =	shalt  }
0x70: {  	_ =	shalt  }
0x71: {  	_ =	shalt  }
0x72: {  	_ =	shalt  }
0x73: {  	_ =	shalt  }
0x74: {  	_ =	shalt  }
0x75: {  	_ =	shalt  }
0x76: {  	_ =	shalt  }
0x77: {  	_ =	shalt  }
0x78: {  	_ =	shalt  }
0x79: {  	_ =	shalt  }
0x7a: {  	_ =	shalt  }
0x7b: {  	_ =	shalt  }
0x7c: {  	_ =	shalt  }
0x7d: {  	_ =	shalt  }
0x7e: {  	_ =	shalt  }
0x7f: {  	_ =	shalt  }
0x80: {  	_ =	shalt  }
0x81: {  	_ =	shalt  }
0x82: {  	_ =	shalt  }
0x83: {  	_ =	shalt  }
0x84: {  	_ =	shalt  }
0x85: {  	_ =	shalt  }
0x86: {  	_ =	shalt  }
0x87: {  	_ =	shalt  }
.Lfunc_end0:
.L_simem_size_0:
called_computation_lowered:
.L_overlay_start_0:
0x88: {  	s2 =	sld [smem:$0x3FD9]  }
0x89: {  	s3 =	sld [smem:$0x3FFE];
	_ =	sdelay $0x1  }
0x8a: {  	s1 =	srdreg.scid  }
0x8b: {  	s0 =	sand.u32 $0x1, s1  }
0x8c: {  	s14 =	sshll.u32 s0, $0xA;
	s2 =	sadd.s32 s3, s2  }
0x8d: {  	s2 =	sadd.s32 s2, s14  }
0x8e: {  	[smem:$0x3FC6] =	sst s2  }
0x8f: {  	_ = 	snop  }
0x90: {  	s2 =	sld [smem:$0x3FD0];
	_ =	sdelay $0x1  }
0x91: {  	s15 =	sld [smem:$0x3FC9]  }
0x92: {  	s5 =	simm.s32 $0xA;
	s6 =	simm.s32 $0x10;
	s4 =	sld [smem:$0x3FC8]  }
0x93: {  	[smem:s6], [sflag:s5] =	dma.local [hbm:s2], $0x1  }
0x94: {  	_ =	swait.eq [sflag:s5], $0x1  }
0x95: {  	[sflag:s5] =	ssyncset.done $0x0  }
0x96: {  	s16 =	sld [smem:$0x10];
	[sflag:s5] =	ssyncadd.s32 $0xFFFFFFFF  }
0x97: {  	s17 =	sld [smem:$0x11];
	(tm) =	ssettm $0x1  }
0x98: {  	s18 =	sld [smem:$0x3FFB];
	_ =	sdelay $0x3  }
0x99: {  	_ =	strace s18  }
0x9a: {  	s6 =	sld [smem:$0x3FFC];
	_ =	sdelay $0x3  }
0x9b: {  	_ =	strace s6  }
0x9c: {  	s6 =	sld [smem:$0x3FFD];
	_ =	sdelay $0x3  }
0x9d: {  	_ =	strace s6  }
0x9e: {  	_ =	strace $0x8FFFFFFF  }
0x9f: {  	s19 =	sld [smem:$0x3FDB];
	_ =	sdelay $0x1  }
0xa0: {  	s7 =	simm.s32 $_scs_section_size  }
0xa1: {  	s8 =	simm.s32 $_size__tile_overlayer_lowered;
	s9 =	simm.s32 $_tile_overlayer_lowered  }
0xa2: {  	s22 =	simm.s32 $0x1BFF;
	s21 =	sshll.u32 s9, $0x1;
	s6 =	sadd.s32 s7, s19  }
0xa3: {  	s10 =	simm.s32 $0x0;
	s20 =	sshll.u32 s8, $0x1;
	s8 =	sadd.s32 s21, s6  }
0xa4: {  	[timem:s10], [sflag:s22] =	dma.local [hbm:s8], s20  }
0xa5: {  	_ =	swait.ge [sflag:s22], s20  }
0xa6: {  	s7 =	ssub.s32 $0x0, s20;
	[sflag:s22] =	ssyncset.done $0x0  }
0xa7: {  	[sflag:s22] =	ssyncadd.s32 s7;
	_ =	sdelay $0x1  }
0xa8: {  	s23 =	simm.s32 $0x1B8B  }
0xa9: {  	_ =	swait.ge [sflag:s23], $0x1  }
0xaa: {  	[sflag:s23] =	ssyncset.done $0x0  }
0xab: {  	s25 =	simm.s32 $0x1B8E;
	s24 =	sld [smem:$0x3FFE];
	[sflag:s23] =	ssyncadd.s32 $0xFFFFFFFF  }
0xac: {  	s26 =	simm.s32 $execute0_lowered;
	[smem:$0x3FD2] =	sst s25  }
0xad: {  	s8 =	sshll.u32 s26, $0x1;
	_ =	strace $0x80000046;
	[dreg:$0x1] =	wrdreg $0xFFFFFFFF  }
0xae: {  	s28 =	simm.s32 $_size_execute0_lowered;
	s6 =	sadd.s32 s6, s8;
	[dreg:$0x0] =	wrdreg $0x0  }
0xaf: {  	s8 =	sshll.u32 s28, $0x1;
	[dreg:$0x2] =	wrdreg s6  }
0xb0: {  	[dreg:$0x3] =	wrdreg s8  }
0xb1: {  	[dreg:$0x4] =	wrdreg $0xC0  }
0xb2: {  	_ =	task [dreg:s10], $0x5FFFF  }
0xb3: {  	[dreg:$0x1] =	wrdreg $0xFFFFFFFF  }
0xb4: {  	[dreg:$0x0] =	wrdreg $0x60  }
0xb5: {  	[dreg:$0x2] =	wrdreg s15  }
0xb6: {  	[dreg:$0x3] =	wrdreg s4  }
0xb7: {  	[dreg:$0x4] =	wrdreg s24  }
0xb8: {  	[dreg:$0x5] =	wrdreg s16  }
0xb9: {  	[dreg:$0x6] =	wrdreg s17  }
0xba: {  	[dreg:$0x7] =	wrdreg $0x9  }
0xbb: {  	_ =	task.clear_ibuf [dreg:s10], $0x8FFFF;
	_ =	strace $0x90000046  }
0xbc: {  	s29 =	simm.s32 $0x9;
	_ =	strace $0x80000048  }
0xbd: {  	_ =	swait.ge [sflag:s29], $0x1  }
0xbe: {  	[sflag:s29] =	ssyncadd.s32 $0xFFFFFFFF  }
0xbf: {  	_ =	strace $0x90000048  }
0xc0: {  	_ =	sfence  }
0xc1: {  	s30 =	sld [smem:$0x0];
	_ =	sdelay $0x2  }
0xc2: {  	s31 =	sshll.u32 s1, $0xD;
	s1 =	sshrl.u32 s1, $0x2  }
0xc3: {  	s3 =	sand.u32 $0x4000, s31;
	s1 =	sadd.s32 s1, s30  }
0xc4: {  	s0 =	sor.u32 s3, s0;
	s1 =	sshll.u32 s1, $0x11  }
0xc5: {  	s0 =	sor.u32 s1, s0  }
0xc6: {  	s0 =	sadd.s32 $0x8F2B, s0  }
0xc7: {  	[sflag:s0] =	ssyncadd.remote.s32 $0x1  }
0xc8: {  	_ =	sfence.sel $0xFFFF  }
0xc9: {  	[dreg:$0x0] =	wrdreg $0xFFFFFFFF;
	(pc) =	sbr.abs _section_cstart, $3  }
0xca: {  	[dreg:$0x1] =	wrdreg $0xFFFFFFFF  }
0xcb: {  	_ =	task.clear_ibuf [dreg:s10], $0x2FFFF;
	_ =	strace $0x9FFFFFFF  }
0xcc: {  	(tm) =	ssettm $0x7FFFFFFF  }
0xcd: {  	_ =	shalt  }
tec
execute0_lowered:
.L_overlay_start_1:
0x0: {  	(tag) =	ssettag $0x1  }
0x1: {  	s1 =	rddreg [dreg:$0x0]  }
0x2: {  	s2 =	rddreg [dreg:$0x1]  }
0x3: {  	s0 =	rddreg [dreg:$0x2]  }
0x4: {  	s23 =	rddreg [dreg:$0x3]  }
0x5: {  	s3 =	rddreg [dreg:$0x4];
	s5 =	srdreg.scid  }
0x6: {  	s6 =	stileid.u32;
	s4 =	simm.s32 $0x0;
	s5 =	sand.u32 $0x1, s5  }
0x7: {  	s6 =	sshll.u32 s6, $0x1;
	[smem:$0x7FF] =	sst s4;
	s7 =	sadd.s32 $0xC00, s0  }
0x8: {  	s8 =	sadd.s32 $0xE00, s0;
	_ =	strace $0x80000047;
	[smem:$0x7D7] =	sst s7  }
0x9: {  	s0 =	sadd.s32 $0x1000, s0;
	s9 =	sor.u32 s5, s6;
	[smem:$0x7D4] =	sst s8  }
0xa: {  	s5 =	ssub.s32 $0x2, s5;
	[smem:$0x7D0] =	sst s0;
	s24 =	smul.u32 $0x60000, s9  }
0xb: {  	s6 =	smul.u32 $0xC000, s9;
	[smem:$0x7C2] =	sst s9;
	s25 =	sshrl.u32 s5, $0x1  }
0xc: {  	s28 =	sshll.u32 s9, $0xE;
	s0 =	ssub.s32 s5, s25;
	s26 =	sshrl.u32 s24, $0x3  }
0xd: {  	[smem:$0x7FD] =	sst s0;
	s25 =	sadd.s32 $0x80000, s6;
	s24 =	sadd.s32 $0x80800, s26  }
0xe: {  	s22 =	sadd.s32 $0x81000, s26;
	s21 =	sadd.s32 $0x81800, s26;
	s20 =	sadd.s32 $0x82000, s26  }
0xf: {  	s19 =	sadd.s32 $0x82800, s26;
	s18 =	sadd.s32 $0x83000, s26;
	s9 =	sadd.s32 $0x8A800, s26  }
0x10: {  	s17 =	sadd.s32 $0x83800, s26;
	s16 =	sadd.s32 $0x84000, s26;
	[smem:$0x7A3] =	sst s9  }
0x11: {  	s15 =	sadd.s32 $0x84800, s26;
	s14 =	sadd.s32 $0x85000, s26;
	[smem:$0x7C7] =	sst s22  }
0x12: {  	s13 =	sadd.s32 $0x85800, s26;
	s12 =	sadd.s32 $0x86000, s26;
	[smem:$0x7CA] =	sst s21  }
0x13: {  	s11 =	sadd.s32 $0x86800, s26;
	s10 =	sadd.s32 $0x87000, s26;
	[smem:$0x7CD] =	sst s20  }
0x14: {  	s8 =	sadd.s32 $0x87800, s26;
	s7 =	sadd.s32 $0x88000, s26;
	[smem:$0x7D1] =	sst s19  }
0x15: {  	s6 =	sadd.s32 $0x88800, s26;
	s5 =	sadd.s32 $0x89000, s26;
	[smem:$0x7D8] =	sst s17  }
0x16: {  	s0 =	sadd.s32 $0x89800, s26;
	s30 =	sadd.s32 $0x8A000, s26;
	[smem:$0x7DB] =	sst s16  }
0x17: {  	s9 =	sadd.s32 $0x8B000, s26;
	s26 =	sadd.s32 $0x8B800, s26;
	[smem:$0x7DE] =	sst s15  }
0x18: {  	s29 =	sor.u32 $0x800, s28;
	[smem:$0x7A6] =	sst s26  }
0x19: {  	s26 =	sadd.s32 s23, s29;
	s31 =	sld [smem:$0x7A3]  }
0x1a: {  	s29 =	sadd.s32 s3, s29;
	[dreg:$0x6] =	wrdreg s26;
	s26 =	sor.u32 $0x1000, s28  }
0x1b: {  	[dreg:$0x7] =	wrdreg s29;
	s29 =	sadd.s32 s23, s26  }
0x1c: {  	s26 =	sadd.s32 s3, s26;
	[dreg:$0x8] =	wrdreg s29;
	s29 =	sor.u32 $0x1800, s28  }
0x1d: {  	[dreg:$0x9] =	wrdreg s26;
	s26 =	sadd.s32 s23, s29  }
0x1e: {  	s29 =	sadd.s32 s3, s29;
	[dreg:$0xa] =	wrdreg s26;
	s26 =	sor.u32 $0x2000, s28  }
0x1f: {  	[dreg:$0xb] =	wrdreg s29;
	s29 =	sadd.s32 s23, s26  }
0x20: {  	s26 =	sadd.s32 s3, s26;
	[dreg:$0xc] =	wrdreg s29;
	s29 =	sor.u32 $0x2800, s28  }
0x21: {  	[dreg:$0xd] =	wrdreg s26;
	s26 =	sadd.s32 s23, s29  }
0x22: {  	s29 =	sadd.s32 s3, s29;
	[dreg:$0xe] =	wrdreg s26;
	s26 =	sor.u32 $0x3000, s28  }
0x23: {  	[dreg:$0xf] =	wrdreg s29;
	s29 =	sadd.s32 s23, s26  }
0x24: {  	s26 =	sadd.s32 s3, s26;
	[dreg:$0x10] =	wrdreg s29  }
0x25: {  	[dreg:$0x11] =	wrdreg s26  }
0x26: {  	s26 =	sadd.s32 s23, s28;
	s29 =	sld [smem:$0x7A6]  }
0x27: {  	[dreg:$0x12] =	wrdreg s26;
	s26 =	sadd.s32 s3, s28  }
0x28: {  	[dreg:$0x13] =	wrdreg s26;
	s26 =	sor.u32 $0x3800, s28;
	s28 =	sadd.s32 s23, s25  }
0x29: {  	[dreg:$0x14] =	wrdreg s28;
	s28 =	sadd.s32 s23, s24  }
0x2a: {  	[dreg:$0x15] =	wrdreg s28;
	s28 =	sadd.s32 s23, s22  }
0x2b: {  	s22 =	sadd.s32 s3, s22;
	[dreg:$0x16] =	wrdreg s28  }
0x2c: {  	s28 =	sadd.s32 s23, s21;
	[smem:$0x7AC] =	sst s22  }
0x2d: {  	s22 =	sadd.s32 s3, s19;
	[dreg:$0x17] =	wrdreg s28  }
0x2e: {  	s28 =	sadd.s32 s23, s20;
	[smem:$0x7AF] =	sst s22  }
0x2f: {  	s22 =	sadd.s32 s3, s14;
	[dreg:$0x18] =	wrdreg s28  }
0x30: {  	s28 =	sadd.s32 s23, s19;
	[smem:$0x7B4] =	sst s22  }
0x31: {  	s19 =	sadd.s32 s3, s16;
	[dreg:$0x19] =	wrdreg s28  }
0x32: {  	s22 =	sadd.s32 s3, s8;
	[smem:$0x7B2] =	sst s19  }
0x33: {  	s28 =	sadd.s32 s23, s18;
	[smem:$0x7B9] =	sst s22  }
0x34: {  	s22 =	sadd.s32 s3, s30;
	[dreg:$0x1a] =	wrdreg s28  }
0x35: {  	s28 =	sadd.s32 s23, s17;
	[smem:$0x7BE] =	sst s22  }
0x36: {  	[dreg:$0x1b] =	wrdreg s28;
	s28 =	sadd.s32 s23, s16  }
0x37: {  	[dreg:$0x1c] =	wrdreg s28;
	s28 =	sadd.s32 s23, s15  }
0x38: {  	[dreg:$0x1d] =	wrdreg s28;
	s28 =	sadd.s32 s23, s14  }
0x39: {  	[dreg:$0x1e] =	wrdreg s28;
	s28 =	sadd.s32 s23, s13  }
0x3a: {  	[dreg:$0x1f] =	wrdreg s28;
	s28 =	sadd.s32 s23, s12  }
0x3b: {  	[smem:$0x79A] =	sst s28;
	s28 =	sadd.s32 s23, s11  }
0x3c: {  	[smem:$0x79B] =	sst s28;
	s28 =	sadd.s32 s23, s10  }
0x3d: {  	[smem:$0x79C] =	sst s28;
	s28 =	sadd.s32 s23, s8  }
0x3e: {  	[smem:$0x79D] =	sst s28;
	s28 =	sadd.s32 s23, s7  }
0x3f: {  	[smem:$0x79E] =	sst s28;
	s28 =	sadd.s32 s23, s6  }
0x40: {  	[smem:$0x79F] =	sst s28;
	s28 =	sadd.s32 s23, s5  }
0x41: {  	[smem:$0x7A0] =	sst s28;
	s28 =	sadd.s32 s23, s0  }
0x42: {  	[smem:$0x7A1] =	sst s28;
	s28 =	sadd.s32 s23, s30  }
0x43: {  	[smem:$0x7A2] =	sst s28;
	s28 =	sadd.s32 s23, s31  }
0x44: {  	[smem:$0x7A4] =	sst s28;
	s28 =	sadd.s32 s23, s9  }
0x45: {  	[smem:$0x7A5] =	sst s28;
	s28 =	sadd.s32 s23, s29  }
0x46: {  	s23 =	sadd.s32 s23, s26;
	[smem:$0x7A7] =	sst s28  }
0x47: {  	s26 =	sadd.s32 s3, s26;
	[smem:$0x7A8] =	sst s23  }
0x48: {  	[smem:$0x7A9] =	sst s26;
	s26 =	sadd.s32 s3, s25  }
0x49: {  	[smem:$0x7AA] =	sst s26;
	s26 =	sadd.s32 s3, s24  }
0x4a: {  	[smem:$0x7AB] =	sst s26;
	s26 =	sadd.s32 s3, s21  }
0x4b: {  	s21 =	sadd.s32 s3, s20;
	[smem:$0x7AD] =	sst s26  }
0x4c: {  	s20 =	sadd.s32 s3, s15;
	[smem:$0x7AE] =	sst s21  }
0x4d: {  	s15 =	sadd.s32 s3, s10;
	[smem:$0x7B3] =	sst s20  }
0x4e: {  	s16 =	smov.u32 s10;
	s10 =	sadd.s32 s3, s0;
	[smem:$0x7B8] =	sst s15  }
0x4f: {  	s26 =	sadd.s32 s3, s18;
	s21 =	smov.u32 s18;
	[smem:$0x7BD] =	sst s10  }
0x50: {  	s18 =	sadd.s32 s3, s17;
	s20 =	smov.u32 s14;
	[smem:$0x7B0] =	sst s26  }
0x51: {  	s14 =	sadd.s32 s3, s11;
	s17 =	smov.u32 s11;
	[smem:$0x7B1] =	sst s18  }
0x52: {  	s15 =	smov.u32 s8;
	s8 =	sadd.s32 s3, s5;
	[smem:$0x7B7] =	sst s14  }
0x53: {  	s11 =	smov.u32 s0;
	s0 =	sadd.s32 s3, s9;
	[smem:$0x7BC] =	sst s8  }
0x54: {  	s19 =	smov.u32 s13;
	s26 =	sadd.s32 s3, s13;
	[smem:$0x7C0] =	sst s0  }
0x55: {  	s13 =	sadd.s32 s3, s12;
	s18 =	smov.u32 s12;
	[smem:$0x7B5] =	sst s26  }
0x56: {  	s12 =	smov.u32 s5;
	s5 =	sadd.s32 s1, s25;
	[smem:$0x7B6] =	sst s13  }
0x57: {  	s25 =	sadd.s32 s2, s25;
	[smem:$0x7C3] =	sst s5  }
0x58: {  	s8 =	smov.u32 s9;
	s9 =	sadd.s32 s2, s24;
	[smem:$0x7C4] =	sst s25  }
0x59: {  	[smem:$0x7C6] =	sst s9  }
0x5a: {  	s26 =	sadd.s32 s3, s7;
	s5 =	sadd.s32 s1, s24;
	s24 =	sld [smem:$0x7C7]  }
0x5b: {  	s14 =	smov.u32 s7;
	s7 =	sadd.s32 s3, s6;
	[smem:$0x7BA] =	sst s26  }
0x5c: {  	[smem:$0x7BB] =	sst s7  }
0x5d: {  	s26 =	sadd.s32 s3, s31;
	[smem:$0x7C5] =	sst s5  }
0x5e: {  	[smem:$0x7BF] =	sst s26  }
0x5f: {  	s25 =	sadd.s32 s1, s24;
	s9 =	sadd.s32 s2, s24;
	s24 =	sld [smem:$0x7CA]  }
0x60: {  	[smem:$0x7C8] =	sst s25  }
0x61: {  	[smem:$0x7C9] =	sst s9  }
0x62: {  	s25 =	sadd.s32 s1, s24;
	s9 =	sadd.s32 s2, s24;
	s24 =	sld [smem:$0x7CD]  }
0x63: {  	[smem:$0x7CC] =	sst s9  }
0x64: {  	s3 =	sadd.s32 s3, s29;
	s9 =	sld [smem:$0x7D1]  }
0x65: {  	[smem:$0x7C1] =	sst s3  }
0x66: {  	s3 =	sld [smem:$0x7C2];
	s5 =	sadd.s32 s2, s24  }
0x67: {  	[smem:$0x7CF] =	sst s5;
	s5 =	sadd.s32 s2, s9  }
0x68: {  	[smem:$0x7D3] =	sst s5;
	s5 =	sadd.s32 s2, s21  }
0x69: {  	[smem:$0x7D6] =	sst s5  }
0x6a: {  	s5 =	sld [smem:$0x7D8]  }
0x6b: {  	[smem:$0x7CB] =	sst s25;
	s25 =	sadd.s32 s1, s24  }
0x6c: {  	[smem:$0x7CE] =	sst s25;
	s24 =	sadd.s32 s1, s9;
	s9 =	sadd.s32 s1, s21  }
0x6d: {  	[smem:$0x7D5] =	sst s9;
	s9 =	sadd.s32 s1, s5;
	s5 =	sadd.s32 s2, s5  }
0x6e: {  	[smem:$0x7DA] =	sst s5  }
0x6f: {  	s5 =	sld [smem:$0x7DB]  }
0x70: {  	s25 =	sld [smem:$0x7D0]  }
0x71: {  	[smem:$0x7D2] =	sst s24  }
0x72: {  	[smem:$0x7D9] =	sst s9;
	s9 =	sadd.s32 s1, s5;
	s5 =	sadd.s32 s2, s5  }
0x73: {  	[smem:$0x7DD] =	sst s5  }
0x74: {  	s5 =	sld [smem:$0x7DE]  }
0x75: {  	s24 =	sld [smem:$0x7D4]  }
0x76: {  	s21 =	sld [smem:$0x7D7]  }
0x77: {  	[smem:$0x7DC] =	sst s9;
	s9 =	sadd.s32 s1, s5  }
0x78: {  	s5 =	sadd.s32 s2, s5;
	[smem:$0x7DF] =	sst s9  }
0x79: {  	[smem:$0x7E0] =	sst s5;
	s9 =	sadd.s32 s1, s20  }
0x7a: {  	s5 =	sadd.s32 s2, s20;
	[smem:$0x7E1] =	sst s9  }
0x7b: {  	s20 =	sadd.s32 s2, s19;
	[smem:$0x7E2] =	sst s5  }
0x7c: {  	s9 =	sadd.s32 s1, s19;
	[smem:$0x7E4] =	sst s20  }
0x7d: {  	s5 =	sadd.s32 s1, s18;
	[smem:$0x7E3] =	sst s9  }
0x7e: {  	s19 =	sadd.s32 s2, s17;
	[smem:$0x7E5] =	sst s5  }
0x7f: {  	s20 =	sadd.s32 s1, s16;
	[smem:$0x7E8] =	sst s19  }
0x80: {  	s9 =	sadd.s32 s2, s18;
	[smem:$0x7E9] =	sst s20  }
0x81: {  	s18 =	sadd.s32 s1, s17;
	[smem:$0x7E6] =	sst s9  }
0x82: {  	s5 =	sadd.s32 s2, s16;
	[smem:$0x7E7] =	sst s18  }
0x83: {  	s10 =	smov.u32 s31;
	s16 =	sadd.s32 s1, s14;
	[smem:$0x7EA] =	sst s5  }
0x84: {  	s13 =	smov.u32 s6;
	s17 =	sadd.s32 s2, s14;
	[smem:$0x7ED] =	sst s16  }
0x85: {  	s6 =	smov.u32 s30;
	s19 =	sadd.s32 s2, s13;
	[smem:$0x7EE] =	sst s17  }
0x86: {  	s7 =	smov.u32 s29;
	s20 =	sadd.s32 s1, s12;
	[smem:$0x7F0] =	sst s19  }
0x87: {  	s31 =	sshll.u32 s3, $0xA;
	s14 =	sadd.s32 s1, s10;
	[smem:$0x7F1] =	sst s20  }
0x88: {  	s3 =	sadd.s32 $0x2000, s31;
	s22 =	sadd.s32 $0x2080, s31;
	[smem:$0x7F7] =	sst s14  }
0x89: {  	s23 =	sadd.s32 $0x2100, s31;
	s9 =	sadd.s32 s1, s15;
	s20 =	sld [smem:$0x7FD]  }
0x8a: {  	s26 =	sadd.s32 $0x2180, s31;
	s15 =	sadd.s32 s2, s15;
	[smem:$0x7EB] =	sst s9  }
0x8b: {  	s28 =	sadd.s32 $0x2200, s31;
	s18 =	sadd.s32 s1, s13;
	[smem:$0x7EC] =	sst s15  }
0x8c: {  	s29 =	sadd.s32 $0x2280, s31;
	s5 =	sadd.s32 s2, s12;
	[smem:$0x7EF] =	sst s18  }
0x8d: {  	s30 =	sadd.s32 $0x2300, s31;
	s12 =	sadd.s32 s1, s6;
	[smem:$0x7F2] =	sst s5  }
0x8e: {  	s31 =	sadd.s32 $0x2380, s31;
	s13 =	sadd.s32 s2, s6;
	[smem:$0x7F5] =	sst s12  }
0x8f: {  	s16 =	sadd.s32 s1, s8;
	s17 =	sadd.s32 s2, s8;
	[smem:$0x7F6] =	sst s13  }
0x90: {  	s19 =	sadd.s32 s2, s7;
	s6 =	simm.s32 $0x1A080;
	[smem:$0x7F9] =	sst s16  }
0x91: {  	s8 =	simm.s32 $0xA080;
	s14 =	simm.s32 $0x0;
	[smem:$0x7FA] =	sst s17  }
0x92: {  	s9 =	sadd.s32 s1, s11;
	s11 =	sadd.s32 s2, s11;
	[smem:$0x7FC] =	sst s19  }
.Ltmp0:
0x93: {  	s15 =	sadd.s32 s2, s10;
	[smem:$0x7F3] =	sst s9;
	(pc) =	sbr.rel .LBB2_1-.Ltmp0, $4  }
0x94: {  	s18 =	sadd.s32 s1, s7;
	s5 =	simm.s32 $0x4;
	[smem:$0x7F4] =	sst s11  }
0x95: {  	s7 =	simm.s32 $0x2000;
	s10 =	simm.s32 $0xE080;
	[smem:$0x7F8] =	sst s15  }
0x96: {  	s12 =	simm.s32 $0x1;
	s13 =	simm.s32 $0x2;
	[smem:$0x7FB] =	sst s18  }
0x97: {  	v0 =	vimm.f32 $0.0e+00;
	v1 =	vlaneseq.u32;
	v2 =	vimm.s32 $0x0;
	s9 =	simm.s32 $0x12080;
	s11 =	simm.s32 $0x16080;
	s0 =	smax.u32 s20, $0x1  }
.LBB2_8:
0x98: {  	s15 =	simm.s32 $0x3  }
0x99: {  	_ =	swait.ge [sflag:s15], $0x4000  }
0x9a: {  	[sflag:s15] =	ssyncset.done $0x0  }
0x9b: {  	[sflag:s15] =	ssyncadd.s32 $0xFFFFC000  }
0x9c: {  	_ =	swait.ge [sflag:s15], $0x4000  }
0x9d: {  	[sflag:s15] =	ssyncset.done $0x0  }
0x9e: {  	[sflag:s15] =	ssyncadd.s32 $0xFFFFC000  }
0x9f: {  	_ =	swait.ge [sflag:s15], $0x4000  }
0xa0: {  	[sflag:s15] =	ssyncset.done $0x0  }
0xa1: {  	[sflag:s15] =	ssyncadd.s32 $0xFFFFC000  }
0xa2: {  	_ =	swait.ge [sflag:s15], $0x4000  }
0xa3: {  	[sflag:s15] =	ssyncset.done $0x0  }
0xa4: {  	[sflag:s15] =	ssyncadd.s32 $0xFFFFC000  }
0xa5: {  	_ =	swait.ge [sflag:s15], $0x4000  }
0xa6: {  	[sflag:s15] =	ssyncset.done $0x0  }
0xa7: {  	[sflag:s15] =	ssyncadd.s32 $0xFFFFC000  }
0xa8: {  	_ =	swait.ge [sflag:s15], $0x4000  }
0xa9: {  	[sflag:s15] =	ssyncset.done $0x0  }
0xaa: {  	[sflag:s15] =	ssyncadd.s32 $0xFFFFC000  }
0xab: {  	_ =	swait.ge [sflag:s15], $0x4000  }
0xac: {  	[sflag:s15] =	ssyncset.done $0x0  }
0xad: {  	[sflag:s15] =	ssyncadd.s32 $0xFFFFC000  }
0xae: {  	_ =	swait.ge [sflag:s15], $0x4000  }
0xaf: {  	[sflag:s15] =	ssyncset.done $0x0  }
0xb0: {  	[sflag:s15] =	ssyncadd.s32 $0xFFFFC000  }
0xb1: {  	_ =	swait.ge [sflag:s15], $0x4000  }
0xb2: {  	[sflag:s15] =	ssyncset.done $0x0  }
0xb3: {  	[sflag:s15] =	ssyncadd.s32 $0xFFFFC000  }
0xb4: {  	_ =	swait.ge [sflag:s15], $0x4000  }
0xb5: {  	[sflag:s15] =	ssyncset.done $0x0  }
0xb6: {  	[sflag:s15] =	ssyncadd.s32 $0xFFFFC000  }
0xb7: {  	_ =	swait.ge [sflag:s15], $0x4000  }
0xb8: {  	[sflag:s15] =	ssyncset.done $0x0  }
0xb9: {  	[sflag:s15] =	ssyncadd.s32 $0xFFFFC000  }
0xba: {  	_ =	swait.ge [sflag:s15], $0x4000  }
0xbb: {  	[sflag:s15] =	ssyncset.done $0x0  }
0xbc: {  	[sflag:s15] =	ssyncadd.s32 $0xFFFFC000  }
0xbd: {  	_ =	swait.ge [sflag:s15], $0x4000  }
0xbe: {  	[sflag:s15] =	ssyncset.done $0x0  }
0xbf: {  	[sflag:s15] =	ssyncadd.s32 $0xFFFFC000  }
0xc0: {  	_ =	swait.ge [sflag:s15], $0x4000  }
0xc1: {  	[sflag:s15] =	ssyncset.done $0x0  }
0xc2: {  	[sflag:s15] =	ssyncadd.s32 $0xFFFFC000  }
0xc3: {  	_ =	swait.ge [sflag:s15], $0x4000  }
0xc4: {  	[sflag:s15] =	ssyncset.done $0x0  }
0xc5: {  	[sflag:s15] =	ssyncadd.s32 $0xFFFFC000  }
0xc6: {  	_ =	swait.ge [sflag:s15], $0x4000  }
0xc7: {  	[sflag:s15] =	ssyncset.done $0x0  }
0xc8: {  	[sflag:s15] =	ssyncadd.s32 $0xFFFFC000  }
0xc9: {  	_ =	swait.ge [sflag:s15], $0x4000  }
0xca: {  	[sflag:s15] =	ssyncset.done $0x0  }
0xcb: {  	[sflag:s15] =	ssyncadd.s32 $0xFFFFC000  }
0xcc: {  	_ =	swait.ge [sflag:s15], $0x4000  }
0xcd: {  	[sflag:s15] =	ssyncset.done $0x0  }
0xce: {  	[sflag:s15] =	ssyncadd.s32 $0xFFFFC000  }
0xcf: {  	_ =	swait.ge [sflag:s15], $0x4000  }
0xd0: {  	[sflag:s15] =	ssyncset.done $0x0  }
0xd1: {  	[sflag:s15] =	ssyncadd.s32 $0xFFFFC000  }
0xd2: {  	_ =	swait.ge [sflag:s15], $0x4000  }
0xd3: {  	[sflag:s15] =	ssyncset.done $0x0  }
0xd4: {  	[sflag:s15] =	ssyncadd.s32 $0xFFFFC000  }
0xd5: {  	_ =	swait.ge [sflag:s15], $0x4000  }
0xd6: {  	[sflag:s15] =	ssyncset.done $0x0  }
0xd7: {  	[sflag:s15] =	ssyncadd.s32 $0xFFFFC000  }
0xd8: {  	_ =	swait.ge [sflag:s15], $0x4000  }
0xd9: {  	[sflag:s15] =	ssyncset.done $0x0  }
0xda: {  	[sflag:s15] =	ssyncadd.s32 $0xFFFFC000  }
0xdb: {  	_ =	swait.ge [sflag:s15], $0x4000  }
0xdc: {  	[sflag:s15] =	ssyncset.done $0x0  }
0xdd: {  	[sflag:s15] =	ssyncadd.s32 $0xFFFFC000  }
0xde: {  	_ =	swait.ge [sflag:s15], $0x4000  }
0xdf: {  	[sflag:s15] =	ssyncset.done $0x0  }
0xe0: {  	[sflag:s15] =	ssyncadd.s32 $0xFFFFC000  }
0xe1: {  	_ =	swait.ge [sflag:s15], $0x4000  }
0xe2: {  	[sflag:s15] =	ssyncset.done $0x0  }
0xe3: {  	[sflag:s15] =	ssyncadd.s32 $0xFFFFC000  }
0xe4: {  	_ =	swait.ge [sflag:s15], $0x4000  }
0xe5: {  	[sflag:s15] =	ssyncset.done $0x0  }
0xe6: {  	[sflag:s15] =	ssyncadd.s32 $0xFFFFC000  }
0xe7: {  	_ =	swait.ge [sflag:s15], $0x4000  }
0xe8: {  	[sflag:s15] =	ssyncset.done $0x0  }
0xe9: {  	[sflag:s15] =	ssyncadd.s32 $0xFFFFC000  }
0xea: {  	_ =	swait.ge [sflag:s15], $0x4000  }
0xeb: {  	[sflag:s15] =	ssyncset.done $0x0  }
0xec: {  	[sflag:s15] =	ssyncadd.s32 $0xFFFFC000  }
0xed: {  	_ =	swait.ge [sflag:s15], $0x4000  }
0xee: {  	[sflag:s15] =	ssyncset.done $0x0  }
0xef: {  	[sflag:s15] =	ssyncadd.s32 $0xFFFFC000  }
0xf0: {  	_ =	swait.ge [sflag:s15], $0x4000  }
0xf1: {  	[sflag:s15] =	ssyncset.done $0x0  }
0xf2: {  	[sflag:s15] =	ssyncadd.s32 $0xFFFFC000  }
0xf3: {  	_ =	swait.ge [sflag:s15], $0x4000  }
0xf4: {  	[sflag:s15] =	ssyncset.done $0x0  }
0xf5: {  	[sflag:s15] =	ssyncadd.s32 $0xFFFFC000  }
0xf6: {  	_ =	swait.ge [sflag:s15], $0x4000  }
0xf7: {  	[sflag:s15] =	ssyncset.done $0x0  }
0xf8: {  	[sflag:s15] =	ssyncadd.s32 $0xFFFFC000  }
0xf9: {  	_ =	swait.ge [sflag:s15], $0x4000  }
0xfa: {  	[sflag:s15] =	ssyncset.done $0x0  }
0xfb: {  	[sflag:s15] =	ssyncadd.s32 $0xFFFFC000  }
0xfc: {  	_ =	swait.ge [sflag:s15], $0x4000  }
0xfd: {  	[sflag:s15] =	ssyncset.done $0x0  }
0xfe: {  	[sflag:s15] =	ssyncadd.s32 $0xFFFFC000  }
0xff: {  	_ =	swait.ge [sflag:s15], $0x4000  }
0x100: {  	[sflag:s15] =	ssyncset.done $0x0  }
0x101: {  	[sflag:s15] =	ssyncadd.s32 $0xFFFFC000  }
0x102: {  	_ =	swait.ge [sflag:s15], $0x4000  }
0x103: {  	[sflag:s15] =	ssyncset.done $0x0  }
0x104: {  	[sflag:s15] =	ssyncadd.s32 $0xFFFFC000  }
0x105: {  	_ =	swait.ge [sflag:s15], $0x4000  }
0x106: {  	[sflag:s15] =	ssyncset.done $0x0  }
0x107: {  	[sflag:s15] =	ssyncadd.s32 $0xFFFFC000  }
0x108: {  	_ =	swait.ge [sflag:s15], $0x4000  }
0x109: {  	[sflag:s15] =	ssyncset.done $0x0  }
0x10a: {  	[sflag:s15] =	ssyncadd.s32 $0xFFFFC000  }
0x10b: {  	_ =	swait.ge [sflag:s15], $0x4000  }
0x10c: {  	[sflag:s15] =	ssyncset.done $0x0  }
0x10d: {  	[sflag:s15] =	ssyncadd.s32 $0xFFFFC000  }
0x10e: {  	_ =	swait.ge [sflag:s15], $0x4000  }
0x10f: {  	[sflag:s15] =	ssyncset.done $0x0  }
0x110: {  	[sflag:s15] =	ssyncadd.s32 $0xFFFFC000  }
0x111: {  	_ =	swait.ge [sflag:s15], $0x4000  }
0x112: {  	[sflag:s15] =	ssyncset.done $0x0  }
0x113: {  	[sflag:s15] =	ssyncadd.s32 $0xFFFFC000  }
0x114: {  	_ =	swait.ge [sflag:s15], $0x4000  }
0x115: {  	[sflag:s15] =	ssyncset.done $0x0  }
0x116: {  	[sflag:s15] =	ssyncadd.s32 $0xFFFFC000  }
0x117: {  	_ =	swait.ge [sflag:s15], $0x4000  }
0x118: {  	[sflag:s15] =	ssyncset.done $0x0  }
0x119: {  	[sflag:s15] =	ssyncadd.s32 $0xFFFFC000  }
0x11a: {  	_ =	swait.ge [sflag:s15], $0x4000  }
0x11b: {  	[sflag:s15] =	ssyncset.done $0x0  }
0x11c: {  	[sflag:s15] =	ssyncadd.s32 $0xFFFFC000  }
0x11d: {  	_ =	swait.ge [sflag:s15], $0x4000  }
0x11e: {  	[sflag:s15] =	ssyncset.done $0x0  }
0x11f: {  	[sflag:s15] =	ssyncadd.s32 $0xFFFFC000  }
0x120: {  	_ =	swait.ge [sflag:s15], $0x4000  }
0x121: {  	[sflag:s15] =	ssyncset.done $0x0  }
0x122: {  	[sflag:s15] =	ssyncadd.s32 $0xFFFFC000  }
0x123: {  	_ =	swait.ge [sflag:s15], $0x4000  }
0x124: {  	[sflag:s15] =	ssyncset.done $0x0  }
0x125: {  	[sflag:s15] =	ssyncadd.s32 $0xFFFFC000  }
.LBB2_11:
0x126: {  	_ =	swait.ge [sflag:s15], $0x4000  }
0x127: {  	[sflag:s15] =	ssyncset.done $0x0  }
0x128: {  	[sflag:s15] =	ssyncadd.s32 $0xFFFFC000  }
.LBB2_12:
0x129: {  	s14 =	sadd.s32 $0x1, s14  }
0x12a: {  	p0 =	sne.s32 s14, s0  }
.Ltmp1:
0x12b: {  	_ = 	snop;
	(pc) =	sbr.rel @!p0 .LBB2_13-.Ltmp1, $1  }
0x12c: {  	_ =	sdelay $0x3  }
.LBB2_1:
0x12d: {  	s15 =	simm.s32 $0xA000  }
0x12e: {  	[tilespmem:s15], [sflag:$0x4] =	stream.linear.gather [hbm4b:s25+s4], $0x80, $0x38;
	[tilespmem:$0x1E080] =	vst v63  }
0x12f: {  	_ =	swait.ge [sflag:s5], $0x80  }
0x130: {  	[sflag:s5] =	ssyncset.done $0x0  }
0x131: {  	[sflag:s5] =	ssyncadd.s32 $0xFFFFFF80  }
0x132: {  	v3 =	vld [tilespmem:$0xA000];
	_ =	sdelay $0x4  }
0x133: {  	(v2sf) =	vpush v3, $0x0;
	_ =	sdelay $0xe  }
0x134: {  	s15 =	spop (v2sf)  }
0x135: {  	p0 =	slt.s32 s15, $0x1  }
.Ltmp2:
0x136: {  	_ = 	snop;
	(pc) =	sbr.rel @p0 .LBB2_5-.Ltmp2, $2  }
0x137: {  	_ =	sdelay $0x2  }
0x138: {  	s17 =	simm.s32 $0xFFFFC000  }
0x139: {  	s16 =	sshra.s32 s17, $0x2;
	s17 =	sadd.s32 $0x200, s17  }
.LBB2_3:
0x13a: {  	p1 =	sne.s32 s17, $0xFFFFFE00;
	[tilespmem:s16+$0x1E0F0] =	vst v0  }
0x13b: {  	[tilespmem:s16+$0x1B080] =	vst v0  }
0x13c: {  	[tilespmem:s16+$0x1B090] =	vst v0  }
0x13d: {  	[tilespmem:s16+$0x1B0A0] =	vst v0  }
0x13e: {  	[tilespmem:s16+$0x1B0B0] =	vst v0  }
0x13f: {  	[tilespmem:s16+$0x1B0C0] =	vst v0  }
0x140: {  	[tilespmem:s16+$0x1B0D0] =	vst v0  }
0x141: {  	[tilespmem:s16+$0x1B0E0] =	vst v0  }
0x142: {  	[tilespmem:s16+$0x1B0F0] =	vst v0  }
0x143: {  	[tilespmem:s16+$0x1C080] =	vst v0  }
0x144: {  	[tilespmem:s16+$0x1C090] =	vst v0  }
0x145: {  	[tilespmem:s16+$0x1C0A0] =	vst v0  }
0x146: {  	[tilespmem:s16+$0x1C0B0] =	vst v0  }
0x147: {  	[tilespmem:s16+$0x1C0C0] =	vst v0  }
0x148: {  	[tilespmem:s16+$0x1C0D0] =	vst v0  }
0x149: {  	[tilespmem:s16+$0x1C0E0] =	vst v0  }
0x14a: {  	[tilespmem:s16+$0x1C0F0] =	vst v0  }
0x14b: {  	[tilespmem:s16+$0x1D080] =	vst v0  }
0x14c: {  	[tilespmem:s16+$0x1D090] =	vst v0  }
0x14d: {  	[tilespmem:s16+$0x1D0A0] =	vst v0  }
0x14e: {  	[tilespmem:s16+$0x1D0B0] =	vst v0  }
0x14f: {  	[tilespmem:s16+$0x1D0C0] =	vst v0  }
0x150: {  	[tilespmem:s16+$0x1D0D0] =	vst v0  }
0x151: {  	[tilespmem:s16+$0x1D0E0] =	vst v0  }
0x152: {  	[tilespmem:s16+$0x1D0F0] =	vst v0  }
0x153: {  	[tilespmem:s16+$0x1E080] =	vst v0  }
0x154: {  	[tilespmem:s16+$0x1E090] =	vst v0  }
.Ltmp3:
0x155: {  	[tilespmem:s16+$0x1E0A0] =	vst v0;
	(pc) =	sbr.rel @p1 .LBB2_3-.Ltmp3, $4  }
0x156: {  	[tilespmem:s16+$0x1E0B0] =	vst v0  }
0x157: {  	[tilespmem:s16+$0x1E0C0] =	vst v0  }
0x158: {  	[tilespmem:s16+$0x1E0D0] =	vst v0  }
0x159: {  	[tilespmem:s16+$0x1E0E0] =	vst v0;
	s16 =	sshra.s32 s17, $0x2;
	s17 =	sadd.s32 $0x200, s17  }
0x15a: {  	[tilespmem:s16+$0x1E0F0] =	vst v0  }
0x15b: {  	[tilespmem:s16+$0x1B080] =	vst v0  }
0x15c: {  	[tilespmem:s16+$0x1B090] =	vst v0  }
0x15d: {  	[tilespmem:s16+$0x1B0A0] =	vst v0  }
0x15e: {  	[tilespmem:s16+$0x1B0B0] =	vst v0  }
0x15f: {  	[tilespmem:s16+$0x1B0C0] =	vst v0  }
0x160: {  	[tilespmem:s16+$0x1B0D0] =	vst v0  }
0x161: {  	[tilespmem:s16+$0x1B0E0] =	vst v0  }
0x162: {  	[tilespmem:s16+$0x1B0F0] =	vst v0  }
0x163: {  	[tilespmem:s16+$0x1C080] =	vst v0  }
0x164: {  	[tilespmem:s16+$0x1C090] =	vst v0  }
0x165: {  	[tilespmem:s16+$0x1C0A0] =	vst v0  }
0x166: {  	[tilespmem:s16+$0x1C0B0] =	vst v0  }
0x167: {  	[tilespmem:s16+$0x1C0C0] =	vst v0  }
0x168: {  	[tilespmem:s16+$0x1C0D0] =	vst v0  }
0x169: {  	[tilespmem:s16+$0x1C0E0] =	vst v0  }
0x16a: {  	[tilespmem:s16+$0x1C0F0] =	vst v0  }
0x16b: {  	[tilespmem:s16+$0x1D080] =	vst v0  }
0x16c: {  	[tilespmem:s16+$0x1D090] =	vst v0  }
0x16d: {  	[tilespmem:s16+$0x1D0A0] =	vst v0  }
0x16e: {  	[tilespmem:s16+$0x1D0B0] =	vst v0  }
0x16f: {  	[tilespmem:s16+$0x1D0C0] =	vst v0  }
0x170: {  	[tilespmem:s16+$0x1D0D0] =	vst v0  }
0x171: {  	[tilespmem:s16+$0x1D0E0] =	vst v0  }
0x172: {  	[tilespmem:s16+$0x1D0F0] =	vst v0  }
0x173: {  	[tilespmem:s16+$0x1E080] =	vst v0  }
0x174: {  	[tilespmem:s16+$0x1E090] =	vst v0  }
0x175: {  	[tilespmem:s16+$0x1E0A0] =	vst v0  }
0x176: {  	[tilespmem:s16+$0x1E0B0] =	vst v0  }
0x177: {  	[tilespmem:s16+$0x1E0C0] =	vst v0  }
0x178: {  	[tilespmem:s16+$0x1E0D0] =	vst v0;
	s17 =	rddreg [dreg:$0x14]  }
0x179: {  	[tilespmem:s16+$0x1E0E0] =	vst v0;
	s18 =	sld [smem:$0x7AA]  }
0x17a: {  	[hbm4b:s17+s4] =	stream.linear.scatter [tilespmem:s6], [sflag:$0x3], $0x4000, $0x38;
	[tilespmem:$0x1E080] =	vst v63  }
0x17b: {  	s19 =	rddreg [dreg:$0x15]  }
0x17c: {  	[hbm4b:s18+s4] =	stream.linear.scatter [tilespmem:s6], [sflag:$0x3], $0x4000, $0x38;
	[tilespmem:$0x1E080] =	vst v63  }
0x17d: {  	s20 =	sld [smem:$0x7AB]  }
0x17e: {  	[hbm4b:s19+s4] =	stream.linear.scatter [tilespmem:s6], [sflag:$0x3], $0x4000, $0x38;
	[tilespmem:$0x1E080] =	vst v63  }
0x17f: {  	s17 =	rddreg [dreg:$0x16]  }
0x180: {  	[hbm4b:s20+s4] =	stream.linear.scatter [tilespmem:s6], [sflag:$0x3], $0x4000, $0x38;
	[tilespmem:$0x1E080] =	vst v63  }
0x181: {  	s18 =	sld [smem:$0x7AC]  }
0x182: {  	[hbm4b:s17+s4] =	stream.linear.scatter [tilespmem:s6], [sflag:$0x3], $0x4000, $0x38;
	[tilespmem:$0x1E080] =	vst v63  }
0x183: {  	s19 =	rddreg [dreg:$0x17]  }
0x184: {  	[hbm4b:s18+s4] =	stream.linear.scatter [tilespmem:s6], [sflag:$0x3], $0x4000, $0x38;
	[tilespmem:$0x1E080] =	vst v63  }
0x185: {  	s20 =	sld [smem:$0x7AD]  }
0x186: {  	[hbm4b:s19+s4] =	stream.linear.scatter [tilespmem:s6], [sflag:$0x3], $0x4000, $0x38;
	[tilespmem:$0x1E080] =	vst v63  }
0x187: {  	s17 =	rddreg [dreg:$0x18]  }
0x188: {  	[hbm4b:s20+s4] =	stream.linear.scatter [tilespmem:s6], [sflag:$0x3], $0x4000, $0x38;
	[tilespmem:$0x1E080] =	vst v63  }
0x189: {  	s18 =	sld [smem:$0x7AE]  }
0x18a: {  	[hbm4b:s17+s4] =	stream.linear.scatter [tilespmem:s6], [sflag:$0x3], $0x4000, $0x38;
	[tilespmem:$0x1E080] =	vst v63  }
0x18b: {  	s19 =	rddreg [dreg:$0x19]  }
0x18c: {  	[hbm4b:s18+s4] =	stream.linear.scatter [tilespmem:s6], [sflag:$0x3], $0x4000, $0x38;
	[tilespmem:$0x1E080] =	vst v63  }
0x18d: {  	s20 =	sld [smem:$0x7AF]  }
0x18e: {  	[hbm4b:s19+s4] =	stream.linear.scatter [tilespmem:s6], [sflag:$0x3], $0x4000, $0x38;
	[tilespmem:$0x1E080] =	vst v63  }
0x18f: {  	s17 =	rddreg [dreg:$0x1a]  }
0x190: {  	[hbm4b:s20+s4] =	stream.linear.scatter [tilespmem:s6], [sflag:$0x3], $0x4000, $0x38;
	[tilespmem:$0x1E080] =	vst v63  }
0x191: {  	s18 =	sld [smem:$0x7B0]  }
0x192: {  	[hbm4b:s17+s4] =	stream.linear.scatter [tilespmem:s6], [sflag:$0x3], $0x4000, $0x38;
	[tilespmem:$0x1E080] =	vst v63  }
0x193: {  	s19 =	rddreg [dreg:$0x1b]  }
0x194: {  	[hbm4b:s18+s4] =	stream.linear.scatter [tilespmem:s6], [sflag:$0x3], $0x4000, $0x38;
	[tilespmem:$0x1E080] =	vst v63  }
0x195: {  	s20 =	sld [smem:$0x7B1]  }
0x196: {  	[hbm4b:s19+s4] =	stream.linear.scatter [tilespmem:s6], [sflag:$0x3], $0x4000, $0x38;
	[tilespmem:$0x1E080] =	vst v63  }
0x197: {  	s17 =	rddreg [dreg:$0x1c]  }
0x198: {  	[hbm4b:s20+s4] =	stream.linear.scatter [tilespmem:s6], [sflag:$0x3], $0x4000, $0x38;
	[tilespmem:$0x1E080] =	vst v63  }
0x199: {  	s18 =	sld [smem:$0x7B2]  }
0x19a: {  	[hbm4b:s17+s4] =	stream.linear.scatter [tilespmem:s6], [sflag:$0x3], $0x4000, $0x38;
	[tilespmem:$0x1E080] =	vst v63  }
0x19b: {  	s19 =	rddreg [dreg:$0x1d]  }
0x19c: {  	[hbm4b:s18+s4] =	stream.linear.scatter [tilespmem:s6], [sflag:$0x3], $0x4000, $0x38;
	[tilespmem:$0x1E080] =	vst v63  }
0x19d: {  	s20 =	sld [smem:$0x7B3]  }
0x19e: {  	[hbm4b:s19+s4] =	stream.linear.scatter [tilespmem:s6], [sflag:$0x3], $0x4000, $0x38;
	[tilespmem:$0x1E080] =	vst v63  }
0x19f: {  	s17 =	rddreg [dreg:$0x1e]  }
0x1a0: {  	[hbm4b:s20+s4] =	stream.linear.scatter [tilespmem:s6], [sflag:$0x3], $0x4000, $0x38;
	[tilespmem:$0x1E080] =	vst v63  }
0x1a1: {  	s18 =	sld [smem:$0x7B4]  }
0x1a2: {  	[hbm4b:s17+s4] =	stream.linear.scatter [tilespmem:s6], [sflag:$0x3], $0x4000, $0x38;
	[tilespmem:$0x1E080] =	vst v63  }
0x1a3: {  	s19 =	rddreg [dreg:$0x1f]  }
0x1a4: {  	[hbm4b:s18+s4] =	stream.linear.scatter [tilespmem:s6], [sflag:$0x3], $0x4000, $0x38;
	[tilespmem:$0x1E080] =	vst v63  }
0x1a5: {  	s20 =	sld [smem:$0x7B5]  }
0x1a6: {  	[hbm4b:s19+s4] =	stream.linear.scatter [tilespmem:s6], [sflag:$0x3], $0x4000, $0x38;
	[tilespmem:$0x1E080] =	vst v63  }
0x1a7: {  	s17 =	sld [smem:$0x79A]  }
0x1a8: {  	[hbm4b:s20+s4] =	stream.linear.scatter [tilespmem:s6], [sflag:$0x3], $0x4000, $0x38;
	[tilespmem:$0x1E080] =	vst v63  }
0x1a9: {  	s18 =	sld [smem:$0x7B6]  }
0x1aa: {  	[hbm4b:s17+s4] =	stream.linear.scatter [tilespmem:s6], [sflag:$0x3], $0x4000, $0x38;
	[tilespmem:$0x1E080] =	vst v63  }
0x1ab: {  	s19 =	sld [smem:$0x79B]  }
0x1ac: {  	[hbm4b:s18+s4] =	stream.linear.scatter [tilespmem:s6], [sflag:$0x3], $0x4000, $0x38;
	[tilespmem:$0x1E080] =	vst v63  }
0x1ad: {  	s20 =	sld [smem:$0x7B7]  }
0x1ae: {  	[hbm4b:s19+s4] =	stream.linear.scatter [tilespmem:s6], [sflag:$0x3], $0x4000, $0x38;
	[tilespmem:$0x1E080] =	vst v63  }
0x1af: {  	s17 =	sld [smem:$0x79C]  }
0x1b0: {  	[hbm4b:s20+s4] =	stream.linear.scatter [tilespmem:s6], [sflag:$0x3], $0x4000, $0x38;
	[tilespmem:$0x1E080] =	vst v63  }
0x1b1: {  	s18 =	sld [smem:$0x7B8]  }
0x1b2: {  	[hbm4b:s17+s4] =	stream.linear.scatter [tilespmem:s6], [sflag:$0x3], $0x4000, $0x38;
	[tilespmem:$0x1E080] =	vst v63  }
0x1b3: {  	s19 =	sld [smem:$0x79D]  }
0x1b4: {  	[hbm4b:s18+s4] =	stream.linear.scatter [tilespmem:s6], [sflag:$0x3], $0x4000, $0x38;
	[tilespmem:$0x1E080] =	vst v63  }
0x1b5: {  	s20 =	sld [smem:$0x7B9]  }
0x1b6: {  	[hbm4b:s19+s4] =	stream.linear.scatter [tilespmem:s6], [sflag:$0x3], $0x4000, $0x38;
	[tilespmem:$0x1E080] =	vst v63  }
0x1b7: {  	s17 =	sld [smem:$0x79E]  }
0x1b8: {  	[hbm4b:s20+s4] =	stream.linear.scatter [tilespmem:s6], [sflag:$0x3], $0x4000, $0x38;
	[tilespmem:$0x1E080] =	vst v63  }
0x1b9: {  	s18 =	sld [smem:$0x7BA]  }
0x1ba: {  	[hbm4b:s17+s4] =	stream.linear.scatter [tilespmem:s6], [sflag:$0x3], $0x4000, $0x38;
	[tilespmem:$0x1E080] =	vst v63  }
0x1bb: {  	s19 =	sld [smem:$0x79F]  }
0x1bc: {  	[hbm4b:s18+s4] =	stream.linear.scatter [tilespmem:s6], [sflag:$0x3], $0x4000, $0x38;
	[tilespmem:$0x1E080] =	vst v63  }
0x1bd: {  	s20 =	sld [smem:$0x7BB]  }
0x1be: {  	[hbm4b:s19+s4] =	stream.linear.scatter [tilespmem:s6], [sflag:$0x3], $0x4000, $0x38;
	[tilespmem:$0x1E080] =	vst v63  }
0x1bf: {  	s17 =	sld [smem:$0x7A0]  }
0x1c0: {  	[hbm4b:s20+s4] =	stream.linear.scatter [tilespmem:s6], [sflag:$0x3], $0x4000, $0x38;
	[tilespmem:$0x1E080] =	vst v63  }
0x1c1: {  	s18 =	sld [smem:$0x7BC]  }
0x1c2: {  	[hbm4b:s17+s4] =	stream.linear.scatter [tilespmem:s6], [sflag:$0x3], $0x4000, $0x38;
	[tilespmem:$0x1E080] =	vst v63  }
0x1c3: {  	s19 =	sld [smem:$0x7A1]  }
0x1c4: {  	[hbm4b:s18+s4] =	stream.linear.scatter [tilespmem:s6], [sflag:$0x3], $0x4000, $0x38;
	[tilespmem:$0x1E080] =	vst v63  }
0x1c5: {  	s20 =	sld [smem:$0x7BD]  }
0x1c6: {  	[hbm4b:s19+s4] =	stream.linear.scatter [tilespmem:s6], [sflag:$0x3], $0x4000, $0x38;
	[tilespmem:$0x1E080] =	vst v63  }
0x1c7: {  	s17 =	sld [smem:$0x7A2]  }
0x1c8: {  	[hbm4b:s20+s4] =	stream.linear.scatter [tilespmem:s6], [sflag:$0x3], $0x4000, $0x38;
	[tilespmem:$0x1E080] =	vst v63  }
0x1c9: {  	s18 =	sld [smem:$0x7BE]  }
0x1ca: {  	[hbm4b:s17+s4] =	stream.linear.scatter [tilespmem:s6], [sflag:$0x3], $0x4000, $0x38;
	[tilespmem:$0x1E080] =	vst v63  }
0x1cb: {  	s19 =	sld [smem:$0x7A4]  }
0x1cc: {  	[hbm4b:s18+s4] =	stream.linear.scatter [tilespmem:s6], [sflag:$0x3], $0x4000, $0x38;
	[tilespmem:$0x1E080] =	vst v63  }
0x1cd: {  	s20 =	sld [smem:$0x7BF]  }
0x1ce: {  	[hbm4b:s19+s4] =	stream.linear.scatter [tilespmem:s6], [sflag:$0x3], $0x4000, $0x38;
	[tilespmem:$0x1E080] =	vst v63  }
0x1cf: {  	s17 =	sld [smem:$0x7A5]  }
0x1d0: {  	[hbm4b:s20+s4] =	stream.linear.scatter [tilespmem:s6], [sflag:$0x3], $0x4000, $0x38;
	[tilespmem:$0x1E080] =	vst v63  }
0x1d1: {  	s18 =	sld [smem:$0x7C0]  }
0x1d2: {  	[hbm4b:s17+s4] =	stream.linear.scatter [tilespmem:s6], [sflag:$0x3], $0x4000, $0x38;
	[tilespmem:$0x1E080] =	vst v63  }
0x1d3: {  	s19 =	sld [smem:$0x7A7]  }
0x1d4: {  	[hbm4b:s18+s4] =	stream.linear.scatter [tilespmem:s6], [sflag:$0x3], $0x4000, $0x38;
	[tilespmem:$0x1E080] =	vst v63  }
0x1d5: {  	s20 =	sld [smem:$0x7C1]  }
0x1d6: {  	[hbm4b:s19+s4] =	stream.linear.scatter [tilespmem:s6], [sflag:$0x3], $0x4000, $0x38;
	[tilespmem:$0x1E080] =	vst v63  }
0x1d7: {  	_ = 	snop  }
0x1d8: {  	[hbm4b:s20+s4] =	stream.linear.scatter [tilespmem:s6], [sflag:$0x3], $0x4000, $0x38;
	[tilespmem:$0x1E080] =	vst v63  }
.LBB2_5:
0x1d9: {  	[tilespmem:s4], [sflag:$0x4] =	stream.linear.gather [hbm4b:s21+s4], $0x1000, $0x38;
	[tilespmem:$0x1E080] =	vst v63  }
0x1da: {  	_ =	swait.ge [sflag:s5], $0x1000  }
0x1db: {  	[sflag:s5] =	ssyncset.done $0x0  }
0x1dc: {  	s16 =	simm.s32 $0x1000;
	[sflag:s5] =	ssyncadd.s32 $0xFFFFF000  }
0x1dd: {  	[tilespmem:s16], [sflag:$0x4] =	stream.linear.gather [hbm4b:s24+s4], $0x1000, $0x38;
	[tilespmem:$0x1E080] =	vst v63  }
0x1de: {  	_ =	swait.ge [sflag:s5], $0x1000  }
0x1df: {  	s17 =	simm.s32 $0x70;
	s18 =	simm.s32 $0x40;
	[sflag:s5] =	ssyncset.done $0x0  }
0x1e0: {  	s19 =	simm.s32 $0x1040;
	s16 =	simm.s32 $0xFFFFFFF8;
	[sflag:s5] =	ssyncadd.s32 $0xFFFFF000  }
.LBB2_6:
0x1e1: {  	v3 =	vld [tilespmem:s19+$0xFFFFFFC0];
	_ =	sdelay $0x4  }
0x1e2: {  	v4 =	vshra.s32 v3, $0x1F  }
0x1e3: {  	v4 =	vshrl.u32 v4, $0x1E  }
0x1e4: {  	v4 =	vadd.s32 v4, v3  }
0x1e5: {  	v4 =	vshra.s32 v4, $0x2  }
0x1e6: {  	v5 =	vld [tilespmem:s18+$0xFFFFFFC0];
	v6 =	vshll.u32 v4, $0x2  }
0x1e7: {  	vm0 =	vlt.s32 v3, $0x1;
	vm1 =	vne.s32 v3, v6  }
0x1e8: {  	vm0 =	vmand vm0, vm1  }
0x1e9: {  	v27 =	vsel vm0, $0xFFFFFFFF, v2  }
0x1ea: {  	v4 =	vadd.s32 v27, v4  }
0x1eb: {  	vm6 =	vgt.s32 v5, $0x0;
	v3 =	vand.u32 $0x3, v3;
	v4 =	vshll.u32 v4, $0x7  }
0x1ec: {  	v3 =	vor.u32 v3, v4;
	_ =	sdelay $0x2  }
0x1ed: {  	s20 =	sadd.s32 $0xFFFFFF90, s17  }
0x1ee: {  	v28 =	vor.u32 s20, v1  }
0x1ef: {  	[tilespmem:v3+s7+$0x0] =	vst.idx.msk vm6, v28  }
0x1f0: {  	v3 =	vld [tilespmem:s19+$0xFFFFFFD0];
	_ =	sdelay $0x4  }
0x1f1: {  	v29 =	vshra.s32 v3, $0x1F  }
0x1f2: {  	v4 =	vshrl.u32 v29, $0x1E  }
0x1f3: {  	v4 =	vadd.s32 v4, v3  }
0x1f4: {  	v30 =	vld [tilespmem:s18+$0xFFFFFFD0];
	v31 =	vand.u32 $0xFFFFFFFC, v4  }
0x1f5: {  	vm7 =	vlt.s32 v3, $0x1;
	vm8 =	vne.s32 v3, v31  }
0x1f6: {  	vm0 =	vmand vm7, vm8  }
0x1f7: {  	v4 =	vshrl.u32 v4, $0x2;
	v32 =	vsel vm0, $0xFFFFFFFF, v2  }
0x1f8: {  	v4 =	vadd.s32 v32, v4  }
0x1f9: {  	vm9 =	vgt.s32 v30, $0x0;
	v3 =	vand.u32 $0x3, v3;
	v4 =	vshll.u32 v4, $0x7  }
0x1fa: {  	v3 =	vor.u32 v3, v4;
	_ =	sdelay $0x2  }
0x1fb: {  	s20 =	sadd.s32 $0xFFFFFFA0, s17  }
0x1fc: {  	v33 =	vor.u32 s20, v1  }
0x1fd: {  	[tilespmem:v3+s7+$0x0] =	vst.idx.msk vm9, v33  }
0x1fe: {  	v3 =	vld [tilespmem:s19+$0xFFFFFFE0];
	_ =	sdelay $0x4  }
0x1ff: {  	v34 =	vshra.s32 v3, $0x1F  }
0x200: {  	v4 =	vshrl.u32 v34, $0x1E  }
0x201: {  	v4 =	vadd.s32 v4, v3  }
0x202: {  	v35 =	vld [tilespmem:s18+$0xFFFFFFE0];
	v36 =	vand.u32 $0xFFFFFFFC, v4  }
0x203: {  	vm10 =	vlt.s32 v3, $0x1;
	vm11 =	vne.s32 v3, v36  }
0x204: {  	vm0 =	vmand vm10, vm11  }
0x205: {  	v4 =	vshrl.u32 v4, $0x2;
	v37 =	vsel vm0, $0xFFFFFFFF, v2  }
0x206: {  	v4 =	vadd.s32 v37, v4  }
0x207: {  	vm12 =	vgt.s32 v35, $0x0;
	v3 =	vand.u32 $0x3, v3;
	v4 =	vshll.u32 v4, $0x7  }
0x208: {  	v3 =	vor.u32 v3, v4;
	_ =	sdelay $0x2  }
0x209: {  	s20 =	sadd.s32 $0xFFFFFFB0, s17  }
0x20a: {  	v38 =	vor.u32 s20, v1  }
0x20b: {  	[tilespmem:v3+s7+$0x0] =	vst.idx.msk vm12, v38  }
0x20c: {  	v3 =	vld [tilespmem:s19+$0xFFFFFFF0];
	_ =	sdelay $0x4  }
0x20d: {  	v39 =	vshra.s32 v3, $0x1F  }
0x20e: {  	v4 =	vshrl.u32 v39, $0x1E  }
0x20f: {  	v4 =	vadd.s32 v4, v3  }
0x210: {  	v40 =	vld [tilespmem:s18+$0xFFFFFFF0];
	v41 =	vand.u32 $0xFFFFFFFC, v4  }
0x211: {  	vm13 =	vlt.s32 v3, $0x1;
	vm14 =	vne.s32 v3, v41  }
0x212: {  	vm0 =	vmand vm13, vm14  }
0x213: {  	v4 =	vshrl.u32 v4, $0x2;
	v42 =	vsel vm0, $0xFFFFFFFF, v2  }
0x214: {  	v4 =	vadd.s32 v42, v4  }
0x215: {  	vm15 =	vgt.s32 v40, $0x0;
	v3 =	vand.u32 $0x3, v3;
	v4 =	vshll.u32 v4, $0x7  }
0x216: {  	v3 =	vor.u32 v3, v4;
	_ =	sdelay $0x2  }
0x217: {  	s20 =	sadd.s32 $0xFFFFFFC0, s17  }
0x218: {  	v43 =	vor.u32 s20, v1  }
0x219: {  	[tilespmem:v3+s7+$0x0] =	vst.idx.msk vm15, v43  }
0x21a: {  	v3 =	vld [tilespmem:s19+$0x0];
	_ =	sdelay $0x4  }
0x21b: {  	v44 =	vshra.s32 v3, $0x1F  }
0x21c: {  	v4 =	vshrl.u32 v44, $0x1E  }
0x21d: {  	v4 =	vadd.s32 v4, v3  }
0x21e: {  	v45 =	vld [tilespmem:s18+$0x0];
	v46 =	vand.u32 $0xFFFFFFFC, v4  }
0x21f: {  	vm4 =	vlt.s32 v3, $0x1;
	vm5 =	vne.s32 v3, v46  }
0x220: {  	vm0 =	vmand vm4, vm5  }
0x221: {  	v4 =	vshrl.u32 v4, $0x2;
	v47 =	vsel vm0, $0xFFFFFFFF, v2  }
0x222: {  	v4 =	vadd.s32 v47, v4  }
0x223: {  	vm6 =	vgt.s32 v45, $0x0;
	v3 =	vand.u32 $0x3, v3;
	v4 =	vshll.u32 v4, $0x7  }
0x224: {  	v3 =	vor.u32 v3, v4;
	_ =	sdelay $0x2  }
0x225: {  	s20 =	sadd.s32 $0xFFFFFFD0, s17  }
0x226: {  	v48 =	vor.u32 s20, v1  }
0x227: {  	[tilespmem:v3+s7+$0x0] =	vst.idx.msk vm6, v48  }
0x228: {  	v3 =	vld [tilespmem:s19+$0x10];
	_ =	sdelay $0x4  }
0x229: {  	v49 =	vshra.s32 v3, $0x1F  }
0x22a: {  	v4 =	vshrl.u32 v49, $0x1E  }
0x22b: {  	v4 =	vadd.s32 v4, v3  }
0x22c: {  	v50 =	vld [tilespmem:s18+$0x10];
	v51 =	vand.u32 $0xFFFFFFFC, v4  }
0x22d: {  	vm7 =	vlt.s32 v3, $0x1;
	vm8 =	vne.s32 v3, v51  }
0x22e: {  	vm0 =	vmand vm7, vm8  }
0x22f: {  	v4 =	vshrl.u32 v4, $0x2;
	v52 =	vsel vm0, $0xFFFFFFFF, v2  }
0x230: {  	v4 =	vadd.s32 v52, v4  }
0x231: {  	vm9 =	vgt.s32 v50, $0x0;
	v3 =	vand.u32 $0x3, v3;
	v4 =	vshll.u32 v4, $0x7  }
0x232: {  	v3 =	vor.u32 v3, v4;
	_ =	sdelay $0x2  }
0x233: {  	s20 =	sadd.s32 $0xFFFFFFE0, s17  }
0x234: {  	v53 =	vor.u32 s20, v1  }
0x235: {  	[tilespmem:v3+s7+$0x0] =	vst.idx.msk vm9, v53  }
0x236: {  	v3 =	vld [tilespmem:s19+$0x20];
	_ =	sdelay $0x4  }
0x237: {  	v54 =	vshra.s32 v3, $0x1F  }
0x238: {  	v4 =	vshrl.u32 v54, $0x1E  }
0x239: {  	v4 =	vadd.s32 v4, v3  }
0x23a: {  	v55 =	vld [tilespmem:s18+$0x20];
	v56 =	vand.u32 $0xFFFFFFFC, v4  }
0x23b: {  	vm10 =	vlt.s32 v3, $0x1;
	vm11 =	vne.s32 v3, v56  }
0x23c: {  	vm0 =	vmand vm10, vm11  }
0x23d: {  	v4 =	vshrl.u32 v4, $0x2;
	v57 =	vsel vm0, $0xFFFFFFFF, v2  }
0x23e: {  	v4 =	vadd.s32 v57, v4  }
0x23f: {  	vm12 =	vgt.s32 v55, $0x0;
	v3 =	vand.u32 $0x3, v3;
	v4 =	vshll.u32 v4, $0x7  }
0x240: {  	v3 =	vor.u32 v3, v4;
	_ =	sdelay $0x2  }
0x241: {  	s20 =	sadd.s32 $0xFFFFFFF0, s17  }
0x242: {  	v58 =	vor.u32 s20, v1  }
0x243: {  	[tilespmem:v3+s7+$0x0] =	vst.idx.msk vm12, v58  }
0x244: {  	v3 =	vld [tilespmem:s19+$0x30];
	_ =	sdelay $0x4  }
0x245: {  	v59 =	vshra.s32 v3, $0x1F  }
0x246: {  	v4 =	vshrl.u32 v59, $0x1E  }
0x247: {  	v4 =	vadd.s32 v4, v3  }
0x248: {  	v60 =	vld [tilespmem:s18+$0x30];
	v61 =	vand.u32 $0xFFFFFFFC, v4  }
0x249: {  	vm13 =	vlt.s32 v3, $0x1;
	vm14 =	vne.s32 v3, v61  }
0x24a: {  	vm0 =	vmand vm13, vm14  }
0x24b: {  	v4 =	vshrl.u32 v4, $0x2;
	v62 =	vsel vm0, $0xFFFFFFFF, v2  }
0x24c: {  	v4 =	vadd.s32 v62, v4  }
0x24d: {  	s16 =	sadd.s32 $0x8, s16;
	vm15 =	vgt.s32 v60, $0x0;
	v3 =	vand.u32 $0x3, v3;
	v4 =	vshll.u32 v4, $0x7  }
0x24e: {  	p1 =	slt.u32 s16, $0xF8;
	v3 =	vor.u32 v3, v4  }
.Ltmp4:
0x24f: {  	_ = 	snop;
	(pc) =	sbr.rel @p1 .LBB2_6-.Ltmp4, $3  }
0x250: {  	_ =	sdelay $0x1  }
0x251: {  	v63 =	vor.u32 s17, v1  }
0x252: {  	s17 =	sadd.s32 $0x80, s17;
	s18 =	sadd.s32 $0x80, s18;
	s19 =	sadd.s32 $0x80, s19;
	[tilespmem:v3+s7+$0x0] =	vst.idx.msk vm15, v63  }
0x253: {  	[tilespmem:s8], [sflag:$0x1] =	stream.indirect.gather [hbm4b:s1+s5], $0x1000, s3, s5, $0xb8;
	[tilespmem:$0x1E080] =	vst v63  }
0x254: {  	_ = 	snop  }
0x255: {  	[tilespmem:s9], [sflag:$0x1] =	stream.indirect.gather [hbm4b:s2+s5], $0x1000, s3, s5, $0xb8;
	[tilespmem:$0x1E080] =	vst v63  }
0x256: {  	_ = 	snop  }
0x257: {  	[tilespmem:s10], [sflag:$0x1] =	stream.indirect.gather [hbm4b:s1+s5], $0x1000, s22, s5, $0xb8;
	[tilespmem:$0x1E080] =	vst v63  }
0x258: {  	_ = 	snop  }
0x259: {  	[tilespmem:s11], [sflag:$0x1] =	stream.indirect.gather [hbm4b:s2+s5], $0x1000, s22, s5, $0xb8;
	[tilespmem:$0x1E080] =	vst v63  }
0x25a: {  	_ =	swait.ge [sflag:s12], $0x4000  }
0x25b: {  	[sflag:s12] =	ssyncset.done $0x0  }
0x25c: {  	[sflag:s12] =	ssyncadd.s32 $0xFFFFC000  }
0x25d: {  	_ =	swait.ge [sflag:s12], $0x4000  }
0x25e: {  	[sflag:s12] =	ssyncset.done $0x0  }
0x25f: {  	s16 =	rddreg [dreg:$0x12];
	[sflag:s12] =	ssyncadd.s32 $0xFFFFC000  }
0x260: {  	[hbm4b:s16+s4] =	stream.linear.scatter [tilespmem:s8], [sflag:$0x2], $0x4000, $0x38;
	[tilespmem:$0x1E080] =	vst v63  }
0x261: {  	s18 =	rddreg [dreg:$0x13]  }
0x262: {  	[hbm4b:s18+s4] =	stream.linear.scatter [tilespmem:s9], [sflag:$0x2], $0x4000, $0x38;
	[tilespmem:$0x1E080] =	vst v63  }
0x263: {  	_ =	swait.ge [sflag:s13], $0x4000  }
0x264: {  	[sflag:s13] =	ssyncset.done $0x0  }
0x265: {  	[sflag:s13] =	ssyncadd.s32 $0xFFFFC000  }
0x266: {  	_ =	swait.ge [sflag:s13], $0x4000  }
0x267: {  	[sflag:s13] =	ssyncset.done $0x0  }
0x268: {  	[sflag:s13] =	ssyncadd.s32 $0xFFFFC000  }
0x269: {  	[tilespmem:s8], [sflag:$0x1] =	stream.indirect.gather [hbm4b:s1+s5], $0x1000, s23, s5, $0xb8;
	[tilespmem:$0x1E080] =	vst v63  }
0x26a: {  	_ = 	snop  }
0x26b: {  	[tilespmem:s9], [sflag:$0x1] =	stream.indirect.gather [hbm4b:s2+s5], $0x1000, s23, s5, $0xb8;
	[tilespmem:$0x1E080] =	vst v63  }
0x26c: {  	_ =	swait.ge [sflag:s12], $0x4000  }
0x26d: {  	[sflag:s12] =	ssyncset.done $0x0  }
0x26e: {  	[sflag:s12] =	ssyncadd.s32 $0xFFFFC000  }
0x26f: {  	_ =	swait.ge [sflag:s12], $0x4000  }
0x270: {  	[sflag:s12] =	ssyncset.done $0x0  }
0x271: {  	s19 =	rddreg [dreg:$0x6];
	[sflag:s12] =	ssyncadd.s32 $0xFFFFC000  }
0x272: {  	[hbm4b:s19+s4] =	stream.linear.scatter [tilespmem:s10], [sflag:$0x2], $0x4000, $0x38;
	[tilespmem:$0x1E080] =	vst v63  }
0x273: {  	s20 =	rddreg [dreg:$0x7]  }
0x274: {  	[hbm4b:s20+s4] =	stream.linear.scatter [tilespmem:s11], [sflag:$0x2], $0x4000, $0x38;
	[tilespmem:$0x1E080] =	vst v63  }
0x275: {  	_ =	swait.ge [sflag:s13], $0x4000  }
0x276: {  	[sflag:s13] =	ssyncset.done $0x0  }
0x277: {  	[sflag:s13] =	ssyncadd.s32 $0xFFFFC000  }
0x278: {  	_ =	swait.ge [sflag:s13], $0x4000  }
0x279: {  	[sflag:s13] =	ssyncset.done $0x0  }
0x27a: {  	[sflag:s13] =	ssyncadd.s32 $0xFFFFC000  }
0x27b: {  	[tilespmem:s10], [sflag:$0x1] =	stream.indirect.gather [hbm4b:s1+s5], $0x1000, s26, s5, $0xb8;
	[tilespmem:$0x1E080] =	vst v63  }
0x27c: {  	_ = 	snop  }
0x27d: {  	[tilespmem:s11], [sflag:$0x1] =	stream.indirect.gather [hbm4b:s2+s5], $0x1000, s26, s5, $0xb8;
	[tilespmem:$0x1E080] =	vst v63  }
0x27e: {  	_ =	swait.ge [sflag:s12], $0x4000  }
0x27f: {  	[sflag:s12] =	ssyncset.done $0x0  }
0x280: {  	[sflag:s12] =	ssyncadd.s32 $0xFFFFC000  }
0x281: {  	_ =	swait.ge [sflag:s12], $0x4000  }
0x282: {  	[sflag:s12] =	ssyncset.done $0x0  }
0x283: {  	s17 =	rddreg [dreg:$0x8];
	[sflag:s12] =	ssyncadd.s32 $0xFFFFC000  }
0x284: {  	[hbm4b:s17+s4] =	stream.linear.scatter [tilespmem:s8], [sflag:$0x2], $0x4000, $0x38;
	[tilespmem:$0x1E080] =	vst v63  }
0x285: {  	s18 =	rddreg [dreg:$0x9]  }
0x286: {  	[hbm4b:s18+s4] =	stream.linear.scatter [tilespmem:s9], [sflag:$0x2], $0x4000, $0x38;
	[tilespmem:$0x1E080] =	vst v63  }
0x287: {  	_ =	swait.ge [sflag:s13], $0x4000  }
0x288: {  	[sflag:s13] =	ssyncset.done $0x0  }
0x289: {  	[sflag:s13] =	ssyncadd.s32 $0xFFFFC000  }
0x28a: {  	_ =	swait.ge [sflag:s13], $0x4000  }
0x28b: {  	[sflag:s13] =	ssyncset.done $0x0  }
0x28c: {  	[sflag:s13] =	ssyncadd.s32 $0xFFFFC000  }
0x28d: {  	[tilespmem:s8], [sflag:$0x1] =	stream.indirect.gather [hbm4b:s1+s5], $0x1000, s28, s5, $0xb8;
	[tilespmem:$0x1E080] =	vst v63  }
0x28e: {  	_ = 	snop  }
0x28f: {  	[tilespmem:s9], [sflag:$0x1] =	stream.indirect.gather [hbm4b:s2+s5], $0x1000, s28, s5, $0xb8;
	[tilespmem:$0x1E080] =	vst v63  }
0x290: {  	_ =	swait.ge [sflag:s12], $0x4000  }
0x291: {  	[sflag:s12] =	ssyncset.done $0x0  }
0x292: {  	[sflag:s12] =	ssyncadd.s32 $0xFFFFC000  }
0x293: {  	_ =	swait.ge [sflag:s12], $0x4000  }
0x294: {  	[sflag:s12] =	ssyncset.done $0x0  }
0x295: {  	s19 =	rddreg [dreg:$0xa];
	[sflag:s12] =	ssyncadd.s32 $0xFFFFC000  }
0x296: {  	[hbm4b:s19+s4] =	stream.linear.scatter [tilespmem:s10], [sflag:$0x2], $0x4000, $0x38;
	[tilespmem:$0x1E080] =	vst v63  }
0x297: {  	s20 =	rddreg [dreg:$0xb]  }
0x298: {  	[hbm4b:s20+s4] =	stream.linear.scatter [tilespmem:s11], [sflag:$0x2], $0x4000, $0x38;
	[tilespmem:$0x1E080] =	vst v63  }
0x299: {  	_ =	swait.ge [sflag:s13], $0x4000  }
0x29a: {  	[sflag:s13] =	ssyncset.done $0x0  }
0x29b: {  	[sflag:s13] =	ssyncadd.s32 $0xFFFFC000  }
0x29c: {  	_ =	swait.ge [sflag:s13], $0x4000  }
0x29d: {  	[sflag:s13] =	ssyncset.done $0x0  }
0x29e: {  	[sflag:s13] =	ssyncadd.s32 $0xFFFFC000  }
0x29f: {  	[tilespmem:s10], [sflag:$0x1] =	stream.indirect.gather [hbm4b:s1+s5], $0x1000, s29, s5, $0xb8;
	[tilespmem:$0x1E080] =	vst v63  }
0x2a0: {  	_ = 	snop  }
0x2a1: {  	[tilespmem:s11], [sflag:$0x1] =	stream.indirect.gather [hbm4b:s2+s5], $0x1000, s29, s5, $0xb8;
	[tilespmem:$0x1E080] =	vst v63  }
0x2a2: {  	_ =	swait.ge [sflag:s12], $0x4000  }
0x2a3: {  	[sflag:s12] =	ssyncset.done $0x0  }
0x2a4: {  	[sflag:s12] =	ssyncadd.s32 $0xFFFFC000  }
0x2a5: {  	_ =	swait.ge [sflag:s12], $0x4000  }
0x2a6: {  	[sflag:s12] =	ssyncset.done $0x0  }
0x2a7: {  	s17 =	rddreg [dreg:$0xc];
	[sflag:s12] =	ssyncadd.s32 $0xFFFFC000  }
0x2a8: {  	[hbm4b:s17+s4] =	stream.linear.scatter [tilespmem:s8], [sflag:$0x2], $0x4000, $0x38;
	[tilespmem:$0x1E080] =	vst v63  }
0x2a9: {  	s18 =	rddreg [dreg:$0xd]  }
0x2aa: {  	[hbm4b:s18+s4] =	stream.linear.scatter [tilespmem:s9], [sflag:$0x2], $0x4000, $0x38;
	[tilespmem:$0x1E080] =	vst v63  }
0x2ab: {  	_ =	swait.ge [sflag:s13], $0x4000  }
0x2ac: {  	[sflag:s13] =	ssyncset.done $0x0  }
0x2ad: {  	[sflag:s13] =	ssyncadd.s32 $0xFFFFC000  }
0x2ae: {  	_ =	swait.ge [sflag:s13], $0x4000  }
0x2af: {  	[sflag:s13] =	ssyncset.done $0x0  }
0x2b0: {  	[sflag:s13] =	ssyncadd.s32 $0xFFFFC000  }
0x2b1: {  	[tilespmem:s8], [sflag:$0x1] =	stream.indirect.gather [hbm4b:s1+s5], $0x1000, s30, s5, $0xb8;
	[tilespmem:$0x1E080] =	vst v63  }
0x2b2: {  	_ = 	snop  }
0x2b3: {  	[tilespmem:s9], [sflag:$0x1] =	stream.indirect.gather [hbm4b:s2+s5], $0x1000, s30, s5, $0xb8;
	[tilespmem:$0x1E080] =	vst v63  }
0x2b4: {  	_ =	swait.ge [sflag:s12], $0x4000  }
0x2b5: {  	[sflag:s12] =	ssyncset.done $0x0  }
0x2b6: {  	[sflag:s12] =	ssyncadd.s32 $0xFFFFC000  }
0x2b7: {  	_ =	swait.ge [sflag:s12], $0x4000  }
0x2b8: {  	[sflag:s12] =	ssyncset.done $0x0  }
0x2b9: {  	s19 =	rddreg [dreg:$0xe];
	[sflag:s12] =	ssyncadd.s32 $0xFFFFC000  }
0x2ba: {  	[hbm4b:s19+s4] =	stream.linear.scatter [tilespmem:s10], [sflag:$0x2], $0x4000, $0x38;
	[tilespmem:$0x1E080] =	vst v63  }
0x2bb: {  	s20 =	rddreg [dreg:$0xf]  }
0x2bc: {  	[hbm4b:s20+s4] =	stream.linear.scatter [tilespmem:s11], [sflag:$0x2], $0x4000, $0x38;
	[tilespmem:$0x1E080] =	vst v63  }
0x2bd: {  	_ =	swait.ge [sflag:s13], $0x4000  }
0x2be: {  	[sflag:s13] =	ssyncset.done $0x0  }
0x2bf: {  	[sflag:s13] =	ssyncadd.s32 $0xFFFFC000  }
0x2c0: {  	_ =	swait.ge [sflag:s13], $0x4000  }
0x2c1: {  	[sflag:s13] =	ssyncset.done $0x0  }
0x2c2: {  	[sflag:s13] =	ssyncadd.s32 $0xFFFFC000  }
0x2c3: {  	[tilespmem:s10], [sflag:$0x1] =	stream.indirect.gather [hbm4b:s1+s5], $0x1000, s31, s5, $0xb8;
	[tilespmem:$0x1E080] =	vst v63  }
0x2c4: {  	_ = 	snop  }
0x2c5: {  	[tilespmem:s11], [sflag:$0x1] =	stream.indirect.gather [hbm4b:s2+s5], $0x1000, s31, s5, $0xb8;
	[tilespmem:$0x1E080] =	vst v63  }
0x2c6: {  	_ =	swait.ge [sflag:s12], $0x4000  }
0x2c7: {  	[sflag:s12] =	ssyncset.done $0x0  }
0x2c8: {  	[sflag:s12] =	ssyncadd.s32 $0xFFFFC000  }
0x2c9: {  	_ =	swait.ge [sflag:s12], $0x4000  }
0x2ca: {  	[sflag:s12] =	ssyncset.done $0x0  }
0x2cb: {  	s17 =	rddreg [dreg:$0x10];
	[sflag:s12] =	ssyncadd.s32 $0xFFFFC000  }
0x2cc: {  	[hbm4b:s17+s4] =	stream.linear.scatter [tilespmem:s8], [sflag:$0x2], $0x4000, $0x38;
	[tilespmem:$0x1E080] =	vst v63  }
0x2cd: {  	s18 =	rddreg [dreg:$0x11]  }
0x2ce: {  	[hbm4b:s18+s4] =	stream.linear.scatter [tilespmem:s9], [sflag:$0x2], $0x4000, $0x38;
	[tilespmem:$0x1E080] =	vst v63  }
0x2cf: {  	_ =	swait.ge [sflag:s12], $0x4000  }
0x2d0: {  	[sflag:s12] =	ssyncset.done $0x0  }
0x2d1: {  	[sflag:s12] =	ssyncadd.s32 $0xFFFFC000  }
0x2d2: {  	_ =	swait.ge [sflag:s12], $0x4000  }
0x2d3: {  	s19 =	sld [smem:$0x7A8]  }
0x2d4: {  	[sflag:s12] =	ssyncset.done $0x0  }
0x2d5: {  	s20 =	sld [smem:$0x7A9];
	[sflag:s12] =	ssyncadd.s32 $0xFFFFC000  }
0x2d6: {  	[hbm4b:s19+s4] =	stream.linear.scatter [tilespmem:s10], [sflag:$0x2], $0x4000, $0x38;
	[tilespmem:$0x1E080] =	vst v63  }
0x2d7: {  	_ = 	snop  }
0x2d8: {  	[hbm4b:s20+s4] =	stream.linear.scatter [tilespmem:s11], [sflag:$0x2], $0x4000, $0x38;
	[tilespmem:$0x1E080] =	vst v63  }
0x2d9: {  	_ =	swait.ge [sflag:s13], $0x4000  }
.Ltmp5:
0x2da: {  	[sflag:s13] =	ssyncset.done $0x0;
	(pc) =	sbr.rel @!p0 .LBB2_8-.Ltmp5, $4  }
0x2db: {  	[sflag:s13] =	ssyncadd.s32 $0xFFFFC000  }
0x2dc: {  	_ =	swait.ge [sflag:s13], $0x4000  }
0x2dd: {  	[sflag:s13] =	ssyncset.done $0x0  }
0x2de: {  	[sflag:s13] =	ssyncadd.s32 $0xFFFFC000  }
0x2df: {  	p0 =	sne.s32 s15, $0x0  }
.Ltmp6:
0x2e0: {  	_ = 	snop;
	(pc) =	sbr.rel @p0 .LBB2_12-.Ltmp6, $1  }
0x2e1: {  	_ =	sdelay $0x3  }
0x2e2: {  	s15 =	sld [smem:$0x7C3];
	_ =	sdelay $0x2  }
0x2e3: {  	[tilespmem:s8], [sflag:$0x4] =	stream.linear.gather [hbm4b:s15+s4], $0x4000, $0x38;
	[tilespmem:$0x1E080] =	vst v63  }
0x2e4: {  	s15 =	simm.s32 $0x4  }
0x2e5: {  	_ =	swait.ge [sflag:s15], $0x4000  }
0x2e6: {  	[sflag:s15] =	ssyncset.done $0x0  }
0x2e7: {  	s16 =	rddreg [dreg:$0x14];
	[sflag:s15] =	ssyncadd.s32 $0xFFFFC000  }
0x2e8: {  	[hbm4b:s16+s4] =	stream.linear.scatter [tilespmem:s8], [sflag:$0x4], $0x4000, $0x38;
	[tilespmem:$0x1E080] =	vst v63  }
0x2e9: {  	_ =	swait.ge [sflag:s15], $0x4000  }
0x2ea: {  	s19 =	sld [smem:$0x7C4]  }
0x2eb: {  	[sflag:s15] =	ssyncset.done $0x0  }
0x2ec: {  	[sflag:s15] =	ssyncadd.s32 $0xFFFFC000  }
0x2ed: {  	[tilespmem:s9], [sflag:$0x4] =	stream.linear.gather [hbm4b:s19+s4], $0x4000, $0x38;
	[tilespmem:$0x1E080] =	vst v63  }
0x2ee: {  	_ =	swait.ge [sflag:s15], $0x4000  }
0x2ef: {  	s20 =	sld [smem:$0x7AA]  }
0x2f0: {  	[sflag:s15] =	ssyncset.done $0x0  }
0x2f1: {  	[sflag:s15] =	ssyncadd.s32 $0xFFFFC000  }
0x2f2: {  	[hbm4b:s20+s4] =	stream.linear.scatter [tilespmem:s9], [sflag:$0x4], $0x4000, $0x38;
	[tilespmem:$0x1E080] =	vst v63  }
0x2f3: {  	_ =	swait.ge [sflag:s15], $0x4000  }
0x2f4: {  	s17 =	sld [smem:$0x7C5]  }
0x2f5: {  	[sflag:s15] =	ssyncset.done $0x0  }
0x2f6: {  	[sflag:s15] =	ssyncadd.s32 $0xFFFFC000  }
0x2f7: {  	[tilespmem:s8], [sflag:$0x4] =	stream.linear.gather [hbm4b:s17+s4], $0x4000, $0x38;
	[tilespmem:$0x1E080] =	vst v63  }
0x2f8: {  	_ =	swait.ge [sflag:s15], $0x4000  }
0x2f9: {  	[sflag:s15] =	ssyncset.done $0x0  }
0x2fa: {  	s18 =	rddreg [dreg:$0x15];
	[sflag:s15] =	ssyncadd.s32 $0xFFFFC000  }
0x2fb: {  	[hbm4b:s18+s4] =	stream.linear.scatter [tilespmem:s8], [sflag:$0x4], $0x4000, $0x38;
	[tilespmem:$0x1E080] =	vst v63  }
0x2fc: {  	_ =	swait.ge [sflag:s15], $0x4000  }
0x2fd: {  	s19 =	sld [smem:$0x7C6]  }
0x2fe: {  	[sflag:s15] =	ssyncset.done $0x0  }
0x2ff: {  	[sflag:s15] =	ssyncadd.s32 $0xFFFFC000  }
0x300: {  	[tilespmem:s9], [sflag:$0x4] =	stream.linear.gather [hbm4b:s19+s4], $0x4000, $0x38;
	[tilespmem:$0x1E080] =	vst v63  }
0x301: {  	_ =	swait.ge [sflag:s15], $0x4000  }
0x302: {  	s20 =	sld [smem:$0x7AB]  }
0x303: {  	[sflag:s15] =	ssyncset.done $0x0  }
0x304: {  	[sflag:s15] =	ssyncadd.s32 $0xFFFFC000  }
0x305: {  	[hbm4b:s20+s4] =	stream.linear.scatter [tilespmem:s9], [sflag:$0x4], $0x4000, $0x38;
	[tilespmem:$0x1E080] =	vst v63  }
0x306: {  	_ =	swait.ge [sflag:s15], $0x4000  }
0x307: {  	s17 =	sld [smem:$0x7C8]  }
0x308: {  	[sflag:s15] =	ssyncset.done $0x0  }
0x309: {  	[sflag:s15] =	ssyncadd.s32 $0xFFFFC000  }
0x30a: {  	[tilespmem:s8], [sflag:$0x4] =	stream.linear.gather [hbm4b:s17+s4], $0x4000, $0x38;
	[tilespmem:$0x1E080] =	vst v63  }
0x30b: {  	_ =	swait.ge [sflag:s15], $0x4000  }
0x30c: {  	[sflag:s15] =	ssyncset.done $0x0  }
0x30d: {  	s18 =	rddreg [dreg:$0x16];
	[sflag:s15] =	ssyncadd.s32 $0xFFFFC000  }
0x30e: {  	[hbm4b:s18+s4] =	stream.linear.scatter [tilespmem:s8], [sflag:$0x4], $0x4000, $0x38;
	[tilespmem:$0x1E080] =	vst v63  }
0x30f: {  	_ =	swait.ge [sflag:s15], $0x4000  }
0x310: {  	s19 =	sld [smem:$0x7C9]  }
0x311: {  	[sflag:s15] =	ssyncset.done $0x0  }
0x312: {  	[sflag:s15] =	ssyncadd.s32 $0xFFFFC000  }
0x313: {  	[tilespmem:s9], [sflag:$0x4] =	stream.linear.gather [hbm4b:s19+s4], $0x4000, $0x38;
	[tilespmem:$0x1E080] =	vst v63  }
0x314: {  	_ =	swait.ge [sflag:s15], $0x4000  }
0x315: {  	s20 =	sld [smem:$0x7AC]  }
0x316: {  	[sflag:s15] =	ssyncset.done $0x0  }
0x317: {  	[sflag:s15] =	ssyncadd.s32 $0xFFFFC000  }
0x318: {  	[hbm4b:s20+s4] =	stream.linear.scatter [tilespmem:s9], [sflag:$0x4], $0x4000, $0x38;
	[tilespmem:$0x1E080] =	vst v63  }
0x319: {  	_ =	swait.ge [sflag:s15], $0x4000  }
0x31a: {  	s17 =	sld [smem:$0x7CB]  }
0x31b: {  	[sflag:s15] =	ssyncset.done $0x0  }
0x31c: {  	[sflag:s15] =	ssyncadd.s32 $0xFFFFC000  }
0x31d: {  	[tilespmem:s8], [sflag:$0x4] =	stream.linear.gather [hbm4b:s17+s4], $0x4000, $0x38;
	[tilespmem:$0x1E080] =	vst v63  }
0x31e: {  	_ =	swait.ge [sflag:s15], $0x4000  }
0x31f: {  	[sflag:s15] =	ssyncset.done $0x0  }
0x320: {  	s18 =	rddreg [dreg:$0x17];
	[sflag:s15] =	ssyncadd.s32 $0xFFFFC000  }
0x321: {  	[hbm4b:s18+s4] =	stream.linear.scatter [tilespmem:s8], [sflag:$0x4], $0x4000, $0x38;
	[tilespmem:$0x1E080] =	vst v63  }
0x322: {  	_ =	swait.ge [sflag:s15], $0x4000  }
0x323: {  	s19 =	sld [smem:$0x7CC]  }
0x324: {  	[sflag:s15] =	ssyncset.done $0x0  }
0x325: {  	[sflag:s15] =	ssyncadd.s32 $0xFFFFC000  }
0x326: {  	[tilespmem:s9], [sflag:$0x4] =	stream.linear.gather [hbm4b:s19+s4], $0x4000, $0x38;
	[tilespmem:$0x1E080] =	vst v63  }
0x327: {  	_ =	swait.ge [sflag:s15], $0x4000  }
0x328: {  	s20 =	sld [smem:$0x7AD]  }
0x329: {  	[sflag:s15] =	ssyncset.done $0x0  }
0x32a: {  	[sflag:s15] =	ssyncadd.s32 $0xFFFFC000  }
0x32b: {  	[hbm4b:s20+s4] =	stream.linear.scatter [tilespmem:s9], [sflag:$0x4], $0x4000, $0x38;
	[tilespmem:$0x1E080] =	vst v63  }
0x32c: {  	_ =	swait.ge [sflag:s15], $0x4000  }
0x32d: {  	s17 =	sld [smem:$0x7CE]  }
0x32e: {  	[sflag:s15] =	ssyncset.done $0x0  }
0x32f: {  	[sflag:s15] =	ssyncadd.s32 $0xFFFFC000  }
0x330: {  	[tilespmem:s8], [sflag:$0x4] =	stream.linear.gather [hbm4b:s17+s4], $0x4000, $0x38;
	[tilespmem:$0x1E080] =	vst v63  }
0x331: {  	_ =	swait.ge [sflag:s15], $0x4000  }
0x332: {  	[sflag:s15] =	ssyncset.done $0x0  }
0x333: {  	s18 =	rddreg [dreg:$0x18];
	[sflag:s15] =	ssyncadd.s32 $0xFFFFC000  }
0x334: {  	[hbm4b:s18+s4] =	stream.linear.scatter [tilespmem:s8], [sflag:$0x4], $0x4000, $0x38;
	[tilespmem:$0x1E080] =	vst v63  }
0x335: {  	_ =	swait.ge [sflag:s15], $0x4000  }
0x336: {  	s19 =	sld [smem:$0x7CF]  }
0x337: {  	[sflag:s15] =	ssyncset.done $0x0  }
0x338: {  	[sflag:s15] =	ssyncadd.s32 $0xFFFFC000  }
0x339: {  	[tilespmem:s9], [sflag:$0x4] =	stream.linear.gather [hbm4b:s19+s4], $0x4000, $0x38;
	[tilespmem:$0x1E080] =	vst v63  }
0x33a: {  	_ =	swait.ge [sflag:s15], $0x4000  }
0x33b: {  	s20 =	sld [smem:$0x7AE]  }
0x33c: {  	[sflag:s15] =	ssyncset.done $0x0  }
0x33d: {  	[sflag:s15] =	ssyncadd.s32 $0xFFFFC000  }
0x33e: {  	[hbm4b:s20+s4] =	stream.linear.scatter [tilespmem:s9], [sflag:$0x4], $0x4000, $0x38;
	[tilespmem:$0x1E080] =	vst v63  }
0x33f: {  	_ =	swait.ge [sflag:s15], $0x4000  }
0x340: {  	s17 =	sld [smem:$0x7D2]  }
0x341: {  	[sflag:s15] =	ssyncset.done $0x0  }
0x342: {  	[sflag:s15] =	ssyncadd.s32 $0xFFFFC000  }
0x343: {  	[tilespmem:s8], [sflag:$0x4] =	stream.linear.gather [hbm4b:s17+s4], $0x4000, $0x38;
	[tilespmem:$0x1E080] =	vst v63  }
0x344: {  	_ =	swait.ge [sflag:s15], $0x4000  }
0x345: {  	[sflag:s15] =	ssyncset.done $0x0  }
0x346: {  	s18 =	rddreg [dreg:$0x19];
	[sflag:s15] =	ssyncadd.s32 $0xFFFFC000  }
0x347: {  	[hbm4b:s18+s4] =	stream.linear.scatter [tilespmem:s8], [sflag:$0x4], $0x4000, $0x38;
	[tilespmem:$0x1E080] =	vst v63  }
0x348: {  	_ =	swait.ge [sflag:s15], $0x4000  }
0x349: {  	s19 =	sld [smem:$0x7D3]  }
0x34a: {  	[sflag:s15] =	ssyncset.done $0x0  }
0x34b: {  	[sflag:s15] =	ssyncadd.s32 $0xFFFFC000  }
0x34c: {  	[tilespmem:s9], [sflag:$0x4] =	stream.linear.gather [hbm4b:s19+s4], $0x4000, $0x38;
	[tilespmem:$0x1E080] =	vst v63  }
0x34d: {  	_ =	swait.ge [sflag:s15], $0x4000  }
0x34e: {  	s20 =	sld [smem:$0x7AF]  }
0x34f: {  	[sflag:s15] =	ssyncset.done $0x0  }
0x350: {  	[sflag:s15] =	ssyncadd.s32 $0xFFFFC000  }
0x351: {  	[hbm4b:s20+s4] =	stream.linear.scatter [tilespmem:s9], [sflag:$0x4], $0x4000, $0x38;
	[tilespmem:$0x1E080] =	vst v63  }
0x352: {  	_ =	swait.ge [sflag:s15], $0x4000  }
0x353: {  	s17 =	sld [smem:$0x7D5]  }
0x354: {  	[sflag:s15] =	ssyncset.done $0x0  }
0x355: {  	[sflag:s15] =	ssyncadd.s32 $0xFFFFC000  }
0x356: {  	[tilespmem:s8], [sflag:$0x4] =	stream.linear.gather [hbm4b:s17+s4], $0x4000, $0x38;
	[tilespmem:$0x1E080] =	vst v63  }
0x357: {  	_ =	swait.ge [sflag:s15], $0x4000  }
0x358: {  	[sflag:s15] =	ssyncset.done $0x0  }
0x359: {  	s18 =	rddreg [dreg:$0x1a];
	[sflag:s15] =	ssyncadd.s32 $0xFFFFC000  }
0x35a: {  	[hbm4b:s18+s4] =	stream.linear.scatter [tilespmem:s8], [sflag:$0x4], $0x4000, $0x38;
	[tilespmem:$0x1E080] =	vst v63  }
0x35b: {  	_ =	swait.ge [sflag:s15], $0x4000  }
0x35c: {  	s19 =	sld [smem:$0x7D6]  }
0x35d: {  	[sflag:s15] =	ssyncset.done $0x0  }
0x35e: {  	[sflag:s15] =	ssyncadd.s32 $0xFFFFC000  }
0x35f: {  	[tilespmem:s9], [sflag:$0x4] =	stream.linear.gather [hbm4b:s19+s4], $0x4000, $0x38;
	[tilespmem:$0x1E080] =	vst v63  }
0x360: {  	_ =	swait.ge [sflag:s15], $0x4000  }
0x361: {  	s20 =	sld [smem:$0x7B0]  }
0x362: {  	[sflag:s15] =	ssyncset.done $0x0  }
0x363: {  	[sflag:s15] =	ssyncadd.s32 $0xFFFFC000  }
0x364: {  	[hbm4b:s20+s4] =	stream.linear.scatter [tilespmem:s9], [sflag:$0x4], $0x4000, $0x38;
	[tilespmem:$0x1E080] =	vst v63  }
0x365: {  	_ =	swait.ge [sflag:s15], $0x4000  }
0x366: {  	s17 =	sld [smem:$0x7D9]  }
0x367: {  	[sflag:s15] =	ssyncset.done $0x0  }
0x368: {  	[sflag:s15] =	ssyncadd.s32 $0xFFFFC000  }
0x369: {  	[tilespmem:s8], [sflag:$0x4] =	stream.linear.gather [hbm4b:s17+s4], $0x4000, $0x38;
	[tilespmem:$0x1E080] =	vst v63  }
0x36a: {  	_ =	swait.ge [sflag:s15], $0x4000  }
0x36b: {  	[sflag:s15] =	ssyncset.done $0x0  }
0x36c: {  	s18 =	rddreg [dreg:$0x1b];
	[sflag:s15] =	ssyncadd.s32 $0xFFFFC000  }
0x36d: {  	[hbm4b:s18+s4] =	stream.linear.scatter [tilespmem:s8], [sflag:$0x4], $0x4000, $0x38;
	[tilespmem:$0x1E080] =	vst v63  }
0x36e: {  	_ =	swait.ge [sflag:s15], $0x4000  }
0x36f: {  	s19 =	sld [smem:$0x7DA]  }
0x370: {  	[sflag:s15] =	ssyncset.done $0x0  }
0x371: {  	[sflag:s15] =	ssyncadd.s32 $0xFFFFC000  }
0x372: {  	[tilespmem:s9], [sflag:$0x4] =	stream.linear.gather [hbm4b:s19+s4], $0x4000, $0x38;
	[tilespmem:$0x1E080] =	vst v63  }
0x373: {  	_ =	swait.ge [sflag:s15], $0x4000  }
0x374: {  	s20 =	sld [smem:$0x7B1]  }
0x375: {  	[sflag:s15] =	ssyncset.done $0x0  }
0x376: {  	[sflag:s15] =	ssyncadd.s32 $0xFFFFC000  }
0x377: {  	[hbm4b:s20+s4] =	stream.linear.scatter [tilespmem:s9], [sflag:$0x4], $0x4000, $0x38;
	[tilespmem:$0x1E080] =	vst v63  }
0x378: {  	_ =	swait.ge [sflag:s15], $0x4000  }
0x379: {  	s17 =	sld [smem:$0x7DC]  }
0x37a: {  	[sflag:s15] =	ssyncset.done $0x0  }
0x37b: {  	[sflag:s15] =	ssyncadd.s32 $0xFFFFC000  }
0x37c: {  	[tilespmem:s8], [sflag:$0x4] =	stream.linear.gather [hbm4b:s17+s4], $0x4000, $0x38;
	[tilespmem:$0x1E080] =	vst v63  }
0x37d: {  	_ =	swait.ge [sflag:s15], $0x4000  }
0x37e: {  	[sflag:s15] =	ssyncset.done $0x0  }
0x37f: {  	s18 =	rddreg [dreg:$0x1c];
	[sflag:s15] =	ssyncadd.s32 $0xFFFFC000  }
0x380: {  	[hbm4b:s18+s4] =	stream.linear.scatter [tilespmem:s8], [sflag:$0x4], $0x4000, $0x38;
	[tilespmem:$0x1E080] =	vst v63  }
0x381: {  	_ =	swait.ge [sflag:s15], $0x4000  }
0x382: {  	s19 =	sld [smem:$0x7DD]  }
0x383: {  	[sflag:s15] =	ssyncset.done $0x0  }
0x384: {  	[sflag:s15] =	ssyncadd.s32 $0xFFFFC000  }
0x385: {  	[tilespmem:s9], [sflag:$0x4] =	stream.linear.gather [hbm4b:s19+s4], $0x4000, $0x38;
	[tilespmem:$0x1E080] =	vst v63  }
0x386: {  	_ =	swait.ge [sflag:s15], $0x4000  }
0x387: {  	s20 =	sld [smem:$0x7B2]  }
0x388: {  	[sflag:s15] =	ssyncset.done $0x0  }
0x389: {  	[sflag:s15] =	ssyncadd.s32 $0xFFFFC000  }
0x38a: {  	[hbm4b:s20+s4] =	stream.linear.scatter [tilespmem:s9], [sflag:$0x4], $0x4000, $0x38;
	[tilespmem:$0x1E080] =	vst v63  }
0x38b: {  	_ =	swait.ge [sflag:s15], $0x4000  }
0x38c: {  	s17 =	sld [smem:$0x7DF]  }
0x38d: {  	[sflag:s15] =	ssyncset.done $0x0  }
0x38e: {  	[sflag:s15] =	ssyncadd.s32 $0xFFFFC000  }
0x38f: {  	[tilespmem:s8], [sflag:$0x4] =	stream.linear.gather [hbm4b:s17+s4], $0x4000, $0x38;
	[tilespmem:$0x1E080] =	vst v63  }
0x390: {  	_ =	swait.ge [sflag:s15], $0x4000  }
0x391: {  	[sflag:s15] =	ssyncset.done $0x0  }
0x392: {  	s18 =	rddreg [dreg:$0x1d];
	[sflag:s15] =	ssyncadd.s32 $0xFFFFC000  }
0x393: {  	[hbm4b:s18+s4] =	stream.linear.scatter [tilespmem:s8], [sflag:$0x4], $0x4000, $0x38;
	[tilespmem:$0x1E080] =	vst v63  }
0x394: {  	_ =	swait.ge [sflag:s15], $0x4000  }
0x395: {  	s19 =	sld [smem:$0x7E0]  }
0x396: {  	[sflag:s15] =	ssyncset.done $0x0  }
0x397: {  	[sflag:s15] =	ssyncadd.s32 $0xFFFFC000  }
0x398: {  	[tilespmem:s9], [sflag:$0x4] =	stream.linear.gather [hbm4b:s19+s4], $0x4000, $0x38;
	[tilespmem:$0x1E080] =	vst v63  }
0x399: {  	_ =	swait.ge [sflag:s15], $0x4000  }
0x39a: {  	s20 =	sld [smem:$0x7B3]  }
0x39b: {  	[sflag:s15] =	ssyncset.done $0x0  }
0x39c: {  	[sflag:s15] =	ssyncadd.s32 $0xFFFFC000  }
0x39d: {  	[hbm4b:s20+s4] =	stream.linear.scatter [tilespmem:s9], [sflag:$0x4], $0x4000, $0x38;
	[tilespmem:$0x1E080] =	vst v63  }
0x39e: {  	_ =	swait.ge [sflag:s15], $0x4000  }
0x39f: {  	s17 =	sld [smem:$0x7E1]  }
0x3a0: {  	[sflag:s15] =	ssyncset.done $0x0  }
0x3a1: {  	[sflag:s15] =	ssyncadd.s32 $0xFFFFC000  }
0x3a2: {  	[tilespmem:s8], [sflag:$0x4] =	stream.linear.gather [hbm4b:s17+s4], $0x4000, $0x38;
	[tilespmem:$0x1E080] =	vst v63  }
0x3a3: {  	_ =	swait.ge [sflag:s15], $0x4000  }
0x3a4: {  	[sflag:s15] =	ssyncset.done $0x0  }
0x3a5: {  	s18 =	rddreg [dreg:$0x1e];
	[sflag:s15] =	ssyncadd.s32 $0xFFFFC000  }
0x3a6: {  	[hbm4b:s18+s4] =	stream.linear.scatter [tilespmem:s8], [sflag:$0x4], $0x4000, $0x38;
	[tilespmem:$0x1E080] =	vst v63  }
0x3a7: {  	_ =	swait.ge [sflag:s15], $0x4000  }
0x3a8: {  	s19 =	sld [smem:$0x7E2]  }
0x3a9: {  	[sflag:s15] =	ssyncset.done $0x0  }
0x3aa: {  	[sflag:s15] =	ssyncadd.s32 $0xFFFFC000  }
0x3ab: {  	[tilespmem:s9], [sflag:$0x4] =	stream.linear.gather [hbm4b:s19+s4], $0x4000, $0x38;
	[tilespmem:$0x1E080] =	vst v63  }
0x3ac: {  	_ =	swait.ge [sflag:s15], $0x4000  }
0x3ad: {  	s20 =	sld [smem:$0x7B4]  }
0x3ae: {  	[sflag:s15] =	ssyncset.done $0x0  }
0x3af: {  	[sflag:s15] =	ssyncadd.s32 $0xFFFFC000  }
0x3b0: {  	[hbm4b:s20+s4] =	stream.linear.scatter [tilespmem:s9], [sflag:$0x4], $0x4000, $0x38;
	[tilespmem:$0x1E080] =	vst v63  }
0x3b1: {  	_ =	swait.ge [sflag:s15], $0x4000  }
0x3b2: {  	s17 =	sld [smem:$0x7E3]  }
0x3b3: {  	[sflag:s15] =	ssyncset.done $0x0  }
0x3b4: {  	[sflag:s15] =	ssyncadd.s32 $0xFFFFC000  }
0x3b5: {  	[tilespmem:s8], [sflag:$0x4] =	stream.linear.gather [hbm4b:s17+s4], $0x4000, $0x38;
	[tilespmem:$0x1E080] =	vst v63  }
0x3b6: {  	_ =	swait.ge [sflag:s15], $0x4000  }
0x3b7: {  	[sflag:s15] =	ssyncset.done $0x0  }
0x3b8: {  	s18 =	rddreg [dreg:$0x1f];
	[sflag:s15] =	ssyncadd.s32 $0xFFFFC000  }
0x3b9: {  	[hbm4b:s18+s4] =	stream.linear.scatter [tilespmem:s8], [sflag:$0x4], $0x4000, $0x38;
	[tilespmem:$0x1E080] =	vst v63  }
0x3ba: {  	_ =	swait.ge [sflag:s15], $0x4000  }
0x3bb: {  	s19 =	sld [smem:$0x7E4]  }
0x3bc: {  	[sflag:s15] =	ssyncset.done $0x0  }
0x3bd: {  	[sflag:s15] =	ssyncadd.s32 $0xFFFFC000  }
0x3be: {  	[tilespmem:s9], [sflag:$0x4] =	stream.linear.gather [hbm4b:s19+s4], $0x4000, $0x38;
	[tilespmem:$0x1E080] =	vst v63  }
0x3bf: {  	_ =	swait.ge [sflag:s15], $0x4000  }
0x3c0: {  	s20 =	sld [smem:$0x7B5]  }
0x3c1: {  	[sflag:s15] =	ssyncset.done $0x0  }
0x3c2: {  	[sflag:s15] =	ssyncadd.s32 $0xFFFFC000  }
0x3c3: {  	[hbm4b:s20+s4] =	stream.linear.scatter [tilespmem:s9], [sflag:$0x4], $0x4000, $0x38;
	[tilespmem:$0x1E080] =	vst v63  }
0x3c4: {  	_ =	swait.ge [sflag:s15], $0x4000  }
0x3c5: {  	s17 =	sld [smem:$0x7E5]  }
0x3c6: {  	[sflag:s15] =	ssyncset.done $0x0  }
0x3c7: {  	[sflag:s15] =	ssyncadd.s32 $0xFFFFC000  }
0x3c8: {  	[tilespmem:s8], [sflag:$0x4] =	stream.linear.gather [hbm4b:s17+s4], $0x4000, $0x38;
	[tilespmem:$0x1E080] =	vst v63  }
0x3c9: {  	_ =	swait.ge [sflag:s15], $0x4000  }
0x3ca: {  	s18 =	sld [smem:$0x79A]  }
0x3cb: {  	[sflag:s15] =	ssyncset.done $0x0  }
0x3cc: {  	[sflag:s15] =	ssyncadd.s32 $0xFFFFC000  }
0x3cd: {  	[hbm4b:s18+s4] =	stream.linear.scatter [tilespmem:s8], [sflag:$0x4], $0x4000, $0x38;
	[tilespmem:$0x1E080] =	vst v63  }
0x3ce: {  	_ =	swait.ge [sflag:s15], $0x4000  }
0x3cf: {  	s19 =	sld [smem:$0x7E6]  }
0x3d0: {  	[sflag:s15] =	ssyncset.done $0x0  }
0x3d1: {  	[sflag:s15] =	ssyncadd.s32 $0xFFFFC000  }
0x3d2: {  	[tilespmem:s9], [sflag:$0x4] =	stream.linear.gather [hbm4b:s19+s4], $0x4000, $0x38;
	[tilespmem:$0x1E080] =	vst v63  }
0x3d3: {  	_ =	swait.ge [sflag:s15], $0x4000  }
0x3d4: {  	s20 =	sld [smem:$0x7B6]  }
0x3d5: {  	[sflag:s15] =	ssyncset.done $0x0  }
0x3d6: {  	[sflag:s15] =	ssyncadd.s32 $0xFFFFC000  }
0x3d7: {  	[hbm4b:s20+s4] =	stream.linear.scatter [tilespmem:s9], [sflag:$0x4], $0x4000, $0x38;
	[tilespmem:$0x1E080] =	vst v63  }
0x3d8: {  	_ =	swait.ge [sflag:s15], $0x4000  }
0x3d9: {  	s17 =	sld [smem:$0x7E7]  }
0x3da: {  	[sflag:s15] =	ssyncset.done $0x0  }
0x3db: {  	[sflag:s15] =	ssyncadd.s32 $0xFFFFC000  }
0x3dc: {  	[tilespmem:s8], [sflag:$0x4] =	stream.linear.gather [hbm4b:s17+s4], $0x4000, $0x38;
	[tilespmem:$0x1E080] =	vst v63  }
0x3dd: {  	_ =	swait.ge [sflag:s15], $0x4000  }
0x3de: {  	s18 =	sld [smem:$0x79B]  }
0x3df: {  	[sflag:s15] =	ssyncset.done $0x0  }
0x3e0: {  	[sflag:s15] =	ssyncadd.s32 $0xFFFFC000  }
0x3e1: {  	[hbm4b:s18+s4] =	stream.linear.scatter [tilespmem:s8], [sflag:$0x4], $0x4000, $0x38;
	[tilespmem:$0x1E080] =	vst v63  }
0x3e2: {  	_ =	swait.ge [sflag:s15], $0x4000  }
0x3e3: {  	s19 =	sld [smem:$0x7E8]  }
0x3e4: {  	[sflag:s15] =	ssyncset.done $0x0  }
0x3e5: {  	[sflag:s15] =	ssyncadd.s32 $0xFFFFC000  }
0x3e6: {  	[tilespmem:s9], [sflag:$0x4] =	stream.linear.gather [hbm4b:s19+s4], $0x4000, $0x38;
	[tilespmem:$0x1E080] =	vst v63  }
0x3e7: {  	_ =	swait.ge [sflag:s15], $0x4000  }
0x3e8: {  	s20 =	sld [smem:$0x7B7]  }
0x3e9: {  	[sflag:s15] =	ssyncset.done $0x0  }
0x3ea: {  	[sflag:s15] =	ssyncadd.s32 $0xFFFFC000  }
0x3eb: {  	[hbm4b:s20+s4] =	stream.linear.scatter [tilespmem:s9], [sflag:$0x4], $0x4000, $0x38;
	[tilespmem:$0x1E080] =	vst v63  }
0x3ec: {  	_ =	swait.ge [sflag:s15], $0x4000  }
0x3ed: {  	s17 =	sld [smem:$0x7E9]  }
0x3ee: {  	[sflag:s15] =	ssyncset.done $0x0  }
0x3ef: {  	[sflag:s15] =	ssyncadd.s32 $0xFFFFC000  }
0x3f0: {  	[tilespmem:s8], [sflag:$0x4] =	stream.linear.gather [hbm4b:s17+s4], $0x4000, $0x38;
	[tilespmem:$0x1E080] =	vst v63  }
0x3f1: {  	_ =	swait.ge [sflag:s15], $0x4000  }
0x3f2: {  	s18 =	sld [smem:$0x79C]  }
0x3f3: {  	[sflag:s15] =	ssyncset.done $0x0  }
0x3f4: {  	[sflag:s15] =	ssyncadd.s32 $0xFFFFC000  }
0x3f5: {  	[hbm4b:s18+s4] =	stream.linear.scatter [tilespmem:s8], [sflag:$0x4], $0x4000, $0x38;
	[tilespmem:$0x1E080] =	vst v63  }
0x3f6: {  	_ =	swait.ge [sflag:s15], $0x4000  }
0x3f7: {  	s19 =	sld [smem:$0x7EA]  }
0x3f8: {  	[sflag:s15] =	ssyncset.done $0x0  }
0x3f9: {  	[sflag:s15] =	ssyncadd.s32 $0xFFFFC000  }
0x3fa: {  	[tilespmem:s9], [sflag:$0x4] =	stream.linear.gather [hbm4b:s19+s4], $0x4000, $0x38;
	[tilespmem:$0x1E080] =	vst v63  }
0x3fb: {  	_ =	swait.ge [sflag:s15], $0x4000  }
0x3fc: {  	s20 =	sld [smem:$0x7B8]  }
0x3fd: {  	[sflag:s15] =	ssyncset.done $0x0  }
0x3fe: {  	[sflag:s15] =	ssyncadd.s32 $0xFFFFC000  }
0x3ff: {  	[hbm4b:s20+s4] =	stream.linear.scatter [tilespmem:s9], [sflag:$0x4], $0x4000, $0x38;
	[tilespmem:$0x1E080] =	vst v63  }
0x400: {  	_ =	swait.ge [sflag:s15], $0x4000  }
0x401: {  	s17 =	sld [smem:$0x7EB]  }
0x402: {  	[sflag:s15] =	ssyncset.done $0x0  }
0x403: {  	[sflag:s15] =	ssyncadd.s32 $0xFFFFC000  }
0x404: {  	[tilespmem:s8], [sflag:$0x4] =	stream.linear.gather [hbm4b:s17+s4], $0x4000, $0x38;
	[tilespmem:$0x1E080] =	vst v63  }
0x405: {  	_ =	swait.ge [sflag:s15], $0x4000  }
0x406: {  	s18 =	sld [smem:$0x79D]  }
0x407: {  	[sflag:s15] =	ssyncset.done $0x0  }
0x408: {  	[sflag:s15] =	ssyncadd.s32 $0xFFFFC000  }
0x409: {  	[hbm4b:s18+s4] =	stream.linear.scatter [tilespmem:s8], [sflag:$0x4], $0x4000, $0x38;
	[tilespmem:$0x1E080] =	vst v63  }
0x40a: {  	_ =	swait.ge [sflag:s15], $0x4000  }
0x40b: {  	s19 =	sld [smem:$0x7EC]  }
0x40c: {  	[sflag:s15] =	ssyncset.done $0x0  }
0x40d: {  	[sflag:s15] =	ssyncadd.s32 $0xFFFFC000  }
0x40e: {  	[tilespmem:s9], [sflag:$0x4] =	stream.linear.gather [hbm4b:s19+s4], $0x4000, $0x38;
	[tilespmem:$0x1E080] =	vst v63  }
0x40f: {  	_ =	swait.ge [sflag:s15], $0x4000  }
0x410: {  	s20 =	sld [smem:$0x7B9]  }
0x411: {  	[sflag:s15] =	ssyncset.done $0x0  }
0x412: {  	[sflag:s15] =	ssyncadd.s32 $0xFFFFC000  }
0x413: {  	[hbm4b:s20+s4] =	stream.linear.scatter [tilespmem:s9], [sflag:$0x4], $0x4000, $0x38;
	[tilespmem:$0x1E080] =	vst v63  }
0x414: {  	_ =	swait.ge [sflag:s15], $0x4000  }
0x415: {  	s17 =	sld [smem:$0x7ED]  }
0x416: {  	[sflag:s15] =	ssyncset.done $0x0  }
0x417: {  	[sflag:s15] =	ssyncadd.s32 $0xFFFFC000  }
0x418: {  	[tilespmem:s8], [sflag:$0x4] =	stream.linear.gather [hbm4b:s17+s4], $0x4000, $0x38;
	[tilespmem:$0x1E080] =	vst v63  }
0x419: {  	_ =	swait.ge [sflag:s15], $0x4000  }
0x41a: {  	s18 =	sld [smem:$0x79E]  }
0x41b: {  	[sflag:s15] =	ssyncset.done $0x0  }
0x41c: {  	[sflag:s15] =	ssyncadd.s32 $0xFFFFC000  }
0x41d: {  	[hbm4b:s18+s4] =	stream.linear.scatter [tilespmem:s8], [sflag:$0x4], $0x4000, $0x38;
	[tilespmem:$0x1E080] =	vst v63  }
0x41e: {  	_ =	swait.ge [sflag:s15], $0x4000  }
0x41f: {  	s19 =	sld [smem:$0x7EE]  }
0x420: {  	[sflag:s15] =	ssyncset.done $0x0  }
0x421: {  	[sflag:s15] =	ssyncadd.s32 $0xFFFFC000  }
0x422: {  	[tilespmem:s9], [sflag:$0x4] =	stream.linear.gather [hbm4b:s19+s4], $0x4000, $0x38;
	[tilespmem:$0x1E080] =	vst v63  }
0x423: {  	_ =	swait.ge [sflag:s15], $0x4000  }
0x424: {  	s20 =	sld [smem:$0x7BA]  }
0x425: {  	[sflag:s15] =	ssyncset.done $0x0  }
0x426: {  	[sflag:s15] =	ssyncadd.s32 $0xFFFFC000  }
0x427: {  	[hbm4b:s20+s4] =	stream.linear.scatter [tilespmem:s9], [sflag:$0x4], $0x4000, $0x38;
	[tilespmem:$0x1E080] =	vst v63  }
0x428: {  	_ =	swait.ge [sflag:s15], $0x4000  }
0x429: {  	s17 =	sld [smem:$0x7EF]  }
0x42a: {  	[sflag:s15] =	ssyncset.done $0x0  }
0x42b: {  	[sflag:s15] =	ssyncadd.s32 $0xFFFFC000  }
0x42c: {  	[tilespmem:s8], [sflag:$0x4] =	stream.linear.gather [hbm4b:s17+s4], $0x4000, $0x38;
	[tilespmem:$0x1E080] =	vst v63  }
0x42d: {  	_ =	swait.ge [sflag:s15], $0x4000  }
0x42e: {  	s18 =	sld [smem:$0x79F]  }
0x42f: {  	[sflag:s15] =	ssyncset.done $0x0  }
0x430: {  	[sflag:s15] =	ssyncadd.s32 $0xFFFFC000  }
0x431: {  	[hbm4b:s18+s4] =	stream.linear.scatter [tilespmem:s8], [sflag:$0x4], $0x4000, $0x38;
	[tilespmem:$0x1E080] =	vst v63  }
0x432: {  	_ =	swait.ge [sflag:s15], $0x4000  }
0x433: {  	s19 =	sld [smem:$0x7F0]  }
0x434: {  	[sflag:s15] =	ssyncset.done $0x0  }
0x435: {  	[sflag:s15] =	ssyncadd.s32 $0xFFFFC000  }
0x436: {  	[tilespmem:s9], [sflag:$0x4] =	stream.linear.gather [hbm4b:s19+s4], $0x4000, $0x38;
	[tilespmem:$0x1E080] =	vst v63  }
0x437: {  	_ =	swait.ge [sflag:s15], $0x4000  }
0x438: {  	s20 =	sld [smem:$0x7BB]  }
0x439: {  	[sflag:s15] =	ssyncset.done $0x0  }
0x43a: {  	[sflag:s15] =	ssyncadd.s32 $0xFFFFC000  }
0x43b: {  	[hbm4b:s20+s4] =	stream.linear.scatter [tilespmem:s9], [sflag:$0x4], $0x4000, $0x38;
	[tilespmem:$0x1E080] =	vst v63  }
0x43c: {  	_ =	swait.ge [sflag:s15], $0x4000  }
0x43d: {  	s17 =	sld [smem:$0x7F1]  }
0x43e: {  	[sflag:s15] =	ssyncset.done $0x0  }
0x43f: {  	[sflag:s15] =	ssyncadd.s32 $0xFFFFC000  }
0x440: {  	[tilespmem:s8], [sflag:$0x4] =	stream.linear.gather [hbm4b:s17+s4], $0x4000, $0x38;
	[tilespmem:$0x1E080] =	vst v63  }
0x441: {  	_ =	swait.ge [sflag:s15], $0x4000  }
0x442: {  	s18 =	sld [smem:$0x7A0]  }
0x443: {  	[sflag:s15] =	ssyncset.done $0x0  }
0x444: {  	[sflag:s15] =	ssyncadd.s32 $0xFFFFC000  }
0x445: {  	[hbm4b:s18+s4] =	stream.linear.scatter [tilespmem:s8], [sflag:$0x4], $0x4000, $0x38;
	[tilespmem:$0x1E080] =	vst v63  }
0x446: {  	_ =	swait.ge [sflag:s15], $0x4000  }
0x447: {  	s19 =	sld [smem:$0x7F2]  }
0x448: {  	[sflag:s15] =	ssyncset.done $0x0  }
0x449: {  	[sflag:s15] =	ssyncadd.s32 $0xFFFFC000  }
0x44a: {  	[tilespmem:s9], [sflag:$0x4] =	stream.linear.gather [hbm4b:s19+s4], $0x4000, $0x38;
	[tilespmem:$0x1E080] =	vst v63  }
0x44b: {  	_ =	swait.ge [sflag:s15], $0x4000  }
0x44c: {  	s20 =	sld [smem:$0x7BC]  }
0x44d: {  	[sflag:s15] =	ssyncset.done $0x0  }
0x44e: {  	[sflag:s15] =	ssyncadd.s32 $0xFFFFC000  }
0x44f: {  	[hbm4b:s20+s4] =	stream.linear.scatter [tilespmem:s9], [sflag:$0x4], $0x4000, $0x38;
	[tilespmem:$0x1E080] =	vst v63  }
0x450: {  	_ =	swait.ge [sflag:s15], $0x4000  }
0x451: {  	s17 =	sld [smem:$0x7F3]  }
0x452: {  	[sflag:s15] =	ssyncset.done $0x0  }
0x453: {  	[sflag:s15] =	ssyncadd.s32 $0xFFFFC000  }
0x454: {  	[tilespmem:s8], [sflag:$0x4] =	stream.linear.gather [hbm4b:s17+s4], $0x4000, $0x38;
	[tilespmem:$0x1E080] =	vst v63  }
0x455: {  	_ =	swait.ge [sflag:s15], $0x4000  }
0x456: {  	s18 =	sld [smem:$0x7A1]  }
0x457: {  	[sflag:s15] =	ssyncset.done $0x0  }
0x458: {  	[sflag:s15] =	ssyncadd.s32 $0xFFFFC000  }
0x459: {  	[hbm4b:s18+s4] =	stream.linear.scatter [tilespmem:s8], [sflag:$0x4], $0x4000, $0x38;
	[tilespmem:$0x1E080] =	vst v63  }
0x45a: {  	_ =	swait.ge [sflag:s15], $0x4000  }
0x45b: {  	s19 =	sld [smem:$0x7F4]  }
0x45c: {  	[sflag:s15] =	ssyncset.done $0x0  }
0x45d: {  	[sflag:s15] =	ssyncadd.s32 $0xFFFFC000  }
0x45e: {  	[tilespmem:s9], [sflag:$0x4] =	stream.linear.gather [hbm4b:s19+s4], $0x4000, $0x38;
	[tilespmem:$0x1E080] =	vst v63  }
0x45f: {  	_ =	swait.ge [sflag:s15], $0x4000  }
0x460: {  	s20 =	sld [smem:$0x7BD]  }
0x461: {  	[sflag:s15] =	ssyncset.done $0x0  }
0x462: {  	[sflag:s15] =	ssyncadd.s32 $0xFFFFC000  }
0x463: {  	[hbm4b:s20+s4] =	stream.linear.scatter [tilespmem:s9], [sflag:$0x4], $0x4000, $0x38;
	[tilespmem:$0x1E080] =	vst v63  }
0x464: {  	_ =	swait.ge [sflag:s15], $0x4000  }
0x465: {  	s17 =	sld [smem:$0x7F5]  }
0x466: {  	[sflag:s15] =	ssyncset.done $0x0  }
0x467: {  	[sflag:s15] =	ssyncadd.s32 $0xFFFFC000  }
0x468: {  	[tilespmem:s8], [sflag:$0x4] =	stream.linear.gather [hbm4b:s17+s4], $0x4000, $0x38;
	[tilespmem:$0x1E080] =	vst v63  }
0x469: {  	_ =	swait.ge [sflag:s15], $0x4000  }
0x46a: {  	s18 =	sld [smem:$0x7A2]  }
0x46b: {  	[sflag:s15] =	ssyncset.done $0x0  }
0x46c: {  	[sflag:s15] =	ssyncadd.s32 $0xFFFFC000  }
0x46d: {  	[hbm4b:s18+s4] =	stream.linear.scatter [tilespmem:s8], [sflag:$0x4], $0x4000, $0x38;
	[tilespmem:$0x1E080] =	vst v63  }
0x46e: {  	_ =	swait.ge [sflag:s15], $0x4000  }
0x46f: {  	s19 =	sld [smem:$0x7F6]  }
0x470: {  	[sflag:s15] =	ssyncset.done $0x0  }
0x471: {  	[sflag:s15] =	ssyncadd.s32 $0xFFFFC000  }
0x472: {  	[tilespmem:s9], [sflag:$0x4] =	stream.linear.gather [hbm4b:s19+s4], $0x4000, $0x38;
	[tilespmem:$0x1E080] =	vst v63  }
0x473: {  	_ =	swait.ge [sflag:s15], $0x4000  }
0x474: {  	s20 =	sld [smem:$0x7BE]  }
0x475: {  	[sflag:s15] =	ssyncset.done $0x0  }
0x476: {  	[sflag:s15] =	ssyncadd.s32 $0xFFFFC000  }
0x477: {  	[hbm4b:s20+s4] =	stream.linear.scatter [tilespmem:s9], [sflag:$0x4], $0x4000, $0x38;
	[tilespmem:$0x1E080] =	vst v63  }
0x478: {  	_ =	swait.ge [sflag:s15], $0x4000  }
0x479: {  	s17 =	sld [smem:$0x7F7]  }
0x47a: {  	[sflag:s15] =	ssyncset.done $0x0  }
0x47b: {  	[sflag:s15] =	ssyncadd.s32 $0xFFFFC000  }
0x47c: {  	[tilespmem:s8], [sflag:$0x4] =	stream.linear.gather [hbm4b:s17+s4], $0x4000, $0x38;
	[tilespmem:$0x1E080] =	vst v63  }
0x47d: {  	_ =	swait.ge [sflag:s15], $0x4000  }
0x47e: {  	s18 =	sld [smem:$0x7A4]  }
0x47f: {  	[sflag:s15] =	ssyncset.done $0x0  }
0x480: {  	[sflag:s15] =	ssyncadd.s32 $0xFFFFC000  }
0x481: {  	[hbm4b:s18+s4] =	stream.linear.scatter [tilespmem:s8], [sflag:$0x4], $0x4000, $0x38;
	[tilespmem:$0x1E080] =	vst v63  }
0x482: {  	_ =	swait.ge [sflag:s15], $0x4000  }
0x483: {  	s19 =	sld [smem:$0x7F8]  }
0x484: {  	[sflag:s15] =	ssyncset.done $0x0  }
0x485: {  	[sflag:s15] =	ssyncadd.s32 $0xFFFFC000  }
0x486: {  	[tilespmem:s9], [sflag:$0x4] =	stream.linear.gather [hbm4b:s19+s4], $0x4000, $0x38;
	[tilespmem:$0x1E080] =	vst v63  }
0x487: {  	_ =	swait.ge [sflag:s15], $0x4000  }
0x488: {  	s20 =	sld [smem:$0x7BF]  }
0x489: {  	[sflag:s15] =	ssyncset.done $0x0  }
0x48a: {  	[sflag:s15] =	ssyncadd.s32 $0xFFFFC000  }
0x48b: {  	[hbm4b:s20+s4] =	stream.linear.scatter [tilespmem:s9], [sflag:$0x4], $0x4000, $0x38;
	[tilespmem:$0x1E080] =	vst v63  }
0x48c: {  	_ =	swait.ge [sflag:s15], $0x4000  }
0x48d: {  	s17 =	sld [smem:$0x7F9]  }
0x48e: {  	[sflag:s15] =	ssyncset.done $0x0  }
0x48f: {  	[sflag:s15] =	ssyncadd.s32 $0xFFFFC000  }
0x490: {  	[tilespmem:s8], [sflag:$0x4] =	stream.linear.gather [hbm4b:s17+s4], $0x4000, $0x38;
	[tilespmem:$0x1E080] =	vst v63  }
0x491: {  	_ =	swait.ge [sflag:s15], $0x4000  }
0x492: {  	s18 =	sld [smem:$0x7A5]  }
0x493: {  	[sflag:s15] =	ssyncset.done $0x0  }
0x494: {  	[sflag:s15] =	ssyncadd.s32 $0xFFFFC000  }
0x495: {  	[hbm4b:s18+s4] =	stream.linear.scatter [tilespmem:s8], [sflag:$0x4], $0x4000, $0x38;
	[tilespmem:$0x1E080] =	vst v63  }
0x496: {  	_ =	swait.ge [sflag:s15], $0x4000  }
0x497: {  	s19 =	sld [smem:$0x7FA]  }
0x498: {  	[sflag:s15] =	ssyncset.done $0x0  }
0x499: {  	[sflag:s15] =	ssyncadd.s32 $0xFFFFC000  }
0x49a: {  	[tilespmem:s9], [sflag:$0x4] =	stream.linear.gather [hbm4b:s19+s4], $0x4000, $0x38;
	[tilespmem:$0x1E080] =	vst v63  }
0x49b: {  	_ =	swait.ge [sflag:s15], $0x4000  }
0x49c: {  	s20 =	sld [smem:$0x7C0]  }
0x49d: {  	[sflag:s15] =	ssyncset.done $0x0  }
0x49e: {  	[sflag:s15] =	ssyncadd.s32 $0xFFFFC000  }
0x49f: {  	[hbm4b:s20+s4] =	stream.linear.scatter [tilespmem:s9], [sflag:$0x4], $0x4000, $0x38;
	[tilespmem:$0x1E080] =	vst v63  }
0x4a0: {  	_ =	swait.ge [sflag:s15], $0x4000  }
0x4a1: {  	s17 =	sld [smem:$0x7FB]  }
0x4a2: {  	[sflag:s15] =	ssyncset.done $0x0  }
0x4a3: {  	[sflag:s15] =	ssyncadd.s32 $0xFFFFC000  }
0x4a4: {  	[tilespmem:s8], [sflag:$0x4] =	stream.linear.gather [hbm4b:s17+s4], $0x4000, $0x38;
	[tilespmem:$0x1E080] =	vst v63  }
0x4a5: {  	_ =	swait.ge [sflag:s15], $0x4000  }
0x4a6: {  	s18 =	sld [smem:$0x7A7]  }
0x4a7: {  	[sflag:s15] =	ssyncset.done $0x0  }
0x4a8: {  	[sflag:s15] =	ssyncadd.s32 $0xFFFFC000  }
0x4a9: {  	[hbm4b:s18+s4] =	stream.linear.scatter [tilespmem:s8], [sflag:$0x4], $0x4000, $0x38;
	[tilespmem:$0x1E080] =	vst v63  }
0x4aa: {  	_ =	swait.ge [sflag:s15], $0x4000  }
0x4ab: {  	s19 =	sld [smem:$0x7FC]  }
0x4ac: {  	[sflag:s15] =	ssyncset.done $0x0  }
0x4ad: {  	[sflag:s15] =	ssyncadd.s32 $0xFFFFC000  }
0x4ae: {  	[tilespmem:s9], [sflag:$0x4] =	stream.linear.gather [hbm4b:s19+s4], $0x4000, $0x38;
	[tilespmem:$0x1E080] =	vst v63  }
.Ltmp7:
0x4af: {  	_ =	swait.ge [sflag:s15], $0x4000;
	(pc) =	sbr.rel .LBB2_11-.Ltmp7, $4  }
0x4b0: {  	s20 =	sld [smem:$0x7C1]  }
0x4b1: {  	[sflag:s15] =	ssyncset.done $0x0  }
0x4b2: {  	[sflag:s15] =	ssyncadd.s32 $0xFFFFC000  }
0x4b3: {  	[hbm4b:s20+s4] =	stream.linear.scatter [tilespmem:s9], [sflag:$0x4], $0x4000, $0x38;
	[tilespmem:$0x1E080] =	vst v63  }
.LBB2_13:
0x4b4: {  	_ =	sfence.sel $0x180000  }
0x4b5: {  	[bflag:$0x0] =	sbarrier.arrive $0xFFFF  }
0x4b6: {  	_ =	strace $0x90000047  }
0x4b7: {  	s0 =	stileid.u32;
	[bflag:$0x2] =	sbarrier.arrive $0xFFFF  }
0x4b8: {  	p0 =	sne.s32 s0, $0x0;
	s0 =	rddreg [dreg:$0x5]  }
0x4b9: {  	s0 =	sadd.s32 @!p0 $0x100000, s0  }
0x4ba: {  	[sflag:s0] =	ssyncadd.tile.s32 @!p0 $0x1;
	_ =	shalt  }
.Lfunc_end2:
_tile_overlayer_lowered:
.L_overlay_start_2:
0x4bb: {  	(tag) =	ssettag $0x2  }
0x4bc: {  	s0 =	rddreg [dreg:$0x0];
	s2 =	stileid.u32  }
0x4bd: {  	s1 =	rddreg [dreg:$0x1];
	p0 =	sne.s32 s2, $0x0  }
0x4be: {  	s3 =	rddreg [dreg:$0x2];
	[bflag:$0x3] =	sbarrier.arrive $0xFFFF;
	s2 =	simm.s32 @!p0 $0x1C04  }
0x4bf: {  	[timem:s3], [sflag:s2] =	dma.local @!p0 [hbm:s0], s1  }
0x4c0: {  	s0 =	simm.s32 @!p0 $0x4  }
0x4c1: {  	_ =	swait.ge @!p0 [sflag:s0], s1  }
0x4c2: {  	s1 =	ssub.s32 @!p0 $0x0, s1;
	[sflag:s0] =	ssyncset.done @!p0 $0x0  }
0x4c3: {  	[sflag:s0] =	ssyncadd.s32 @!p0 s1  }
0x4c4: {  	[bflag:$0x3] =	sbarrier.arrive $0xFFFF  }
0x4c5: {  	_ =	shalt  }

</sc_bundles>
